<compile_context>
chip_gen: v7x
topology: tpu7x:2x2x1
jax: 0.10.2.dev20260603
libtpu: 0.0.44.dev20260713+nightly
codegen_flags: <defaults>
</compile_context>

<pallas_src>
import jax
import jax.numpy as jnp
from jax import lax
from jax.experimental import pallas as pl
from jax.experimental.pallas import tpu as pltpu
from jax.experimental.pallas import tpu_sc as plsc

N = 10000
E = 320000
D = 128
K = 8
NC = 2
NS = 16
L = 16
DH = D // NC

NP = 10240
RPT = NP // NS
RCH = 128
NRCH = RPT // RCH
CH = 128
NCHUNK = 162
EPT = NCHUNK * CH
EPAD = NS * EPT
FAKE = NP - 1
NRING = 6
NBUF = 3
JJ = NCHUNK // NRING


def _rsqrt_newton(x):
    i = plsc.bitcast(x, jnp.int32)
    i = jnp.int32(0x5F3759DF) - (i >> 1)
    y = plsc.bitcast(i, jnp.float32)
    for _ in range(3):
        y = y * (1.5 - 0.5 * x * y * y)
    return y


def _sc_body(feat_hbm, srci_hbm, dsti_hbm, zs_hbm, dis_hbm,
             buf0, buf1, buf2, isrc_v, idst_v, deg_v, tmp_v, dis_v, disq_v,
             gsem0, gsem1, gsem2, ssem0, ssem1, ssem2,
             isem0, isem1, isem2, isem3, isem4, isem5,
             ytab_s, z_s, degp_s):
    c = lax.axis_index("c")
    s = lax.axis_index("s")
    bufs = [buf0, buf1, buf2]
    gsems = [gsem0, gsem1, gsem2]
    ssems = [ssem0, ssem1, ssem2]
    isems = [isem0, isem1, isem2, isem3, isem4, isem5]
    zero16 = jnp.zeros((L,), jnp.float32)
    one16 = jnp.ones((L,), jnp.float32)

    def _idx_copy(j, slot, dst_only=False):
        if not dst_only:
            pltpu.async_copy(srci_hbm.at[s, j], isrc_v.at[slot], isems[slot])
        pltpu.async_copy(dsti_hbm.at[s, j], idst_v.at[slot], isems[slot])

    def _idx_wait(slot, dst_only=False):
        if not dst_only:
            pltpu.make_async_copy(
                srci_hbm.at[s, 0], isrc_v.at[slot], isems[slot]).wait()
        pltpu.make_async_copy(
            dsti_hbm.at[s, 0], idst_v.at[slot], isems[slot]).wait()

    def _zero_deg(i, _):
        deg_v[pl.ds(i * L, L)] = zero16
        return 0
    lax.fori_loop(0, NP // L, _zero_deg, 0)

    for m in range(4):
        _idx_copy(m, m, dst_only=True)

    def _deg_outer(jj, _):
        for u in range(NRING):
            j = jj * NRING + u
            _idx_wait(u, dst_only=True)

            def _count(i, _):
                idx = idst_v[u, pl.ds(i * L, L)]
                plsc.addupdate_scatter(deg_v, [idx], one16)
                return 0
            lax.fori_loop(0, CH // L, _count, 0)

            if u < 2:
                _idx_copy(j + 4, (u + 4) % NRING, dst_only=True)
            else:
                @pl.when(jj < JJ - 1)
                def _():
                    _idx_copy(j + 4, (u + 4) % NRING, dst_only=True)
        return 0
    lax.fori_loop(0, JJ, _deg_outer, 0)

    pltpu.sync_copy(deg_v, degp_s.at[s])
    plsc.subcore_barrier()

    def _zero_dis(i, _):
        dis_v[pl.ds(i * L, L)] = zero16
        return 0
    lax.fori_loop(0, RPT // L, _zero_dis, 0)
    for r in range(NS):
        pltpu.sync_copy(degp_s.at[r, pl.ds(s * RPT, RPT)], tmp_v)

        def _acc(i, _):
            dis_v[pl.ds(i * L, L)] = (dis_v[pl.ds(i * L, L)]
                                      + tmp_v[pl.ds(i * L, L)])
            return 0
        lax.fori_loop(0, RPT // L, _acc, 0)

    def _dis_chunk(i, _):
        dv = _rsqrt_newton(dis_v[pl.ds(i * L, L)] + 1.0)
        dis_v[pl.ds(i * L, L)] = dv
        disq_v[pl.ds(i * L, L)] = dv * dv
        return 0
    lax.fori_loop(0, RPT // L, _dis_chunk, 0)

    @pl.when(c == 0)
    def _():
        pltpu.sync_copy(dis_v, dis_hbm.at[pl.ds(s * RPT, RPT)])

    def _scale_rows(buf, q, sc_v):
        def _grp(g, _):
            dv = sc_v[pl.ds(q * RCH + g * L, L)]
            for rr in range(L):
                sv = jnp.full((L,), dv[rr], jnp.float32)
                r = g * L + rr
                for jj in range(DH // L):
                    buf[r, pl.ds(jj * L, L)] = buf[r, pl.ds(jj * L, L)] * sv
            return 0
        lax.fori_loop(0, RCH // L, _grp, 0)

    def _init_chunk(q, _):
        row0 = s * RPT + q * RCH
        pltpu.sync_copy(
            feat_hbm.at[pl.ds(row0, RCH), pl.ds(c * DH, DH)], buf0)
        _scale_rows(buf0, q, dis_v)
        pltpu.sync_copy(buf0, ytab_s.at[pl.ds(row0, RCH)])
        pltpu.sync_copy(buf0, z_s.at[pl.ds(row0, RCH)])
        return 0
    lax.fori_loop(0, NRCH, _init_chunk, 0)

    def _hop(k, _):
        plsc.subcore_barrier()

        for m in range(4):
            _idx_copy(m, m)
        _idx_wait(0)
        pltpu.async_copy(ytab_s.at[isrc_v.at[0]], bufs[0], gsems[0])

        def _pipe(jj, _):
            for u in range(NRING):
                j = jj * NRING + u
                m = u % NBUF
                m1 = (u + 1) % NBUF
                slot1 = (u + 1) % NRING
                pltpu.make_async_copy(
                    ytab_s.at[isrc_v.at[u]], bufs[m], gsems[m]).wait()
                pltpu.async_copy(
                    bufs[m], z_s.at[idst_v.at[u]], ssems[m], add=True)
                if u >= 2:
                    pltpu.make_async_copy(
                        bufs[m1], z_s.at[idst_v.at[(u + 4) % NRING]],
                        ssems[m1]).wait()
                else:
                    @pl.when(jj > 0)
                    def _():
                        pltpu.make_async_copy(
                            bufs[m1], z_s.at[idst_v.at[(u + 4) % NRING]],
                            ssems[m1]).wait()
                if u < 2:
                    _idx_copy(j + 4, (u + 4) % NRING)
                else:
                    @pl.when(jj < JJ - 1)
                    def _():
                        _idx_copy(j + 4, (u + 4) % NRING)
                if u < NRING - 1:
                    _idx_wait(slot1)
                    pltpu.async_copy(
                        ytab_s.at[isrc_v.at[slot1]], bufs[m1], gsems[m1])
                else:
                    @pl.when(jj < JJ - 1)
                    def _():
                        _idx_wait(slot1)
                        pltpu.async_copy(
                            ytab_s.at[isrc_v.at[slot1]], bufs[m1], gsems[m1])
            return 0
        lax.fori_loop(0, JJ, _pipe, 0)

        pltpu.make_async_copy(
            bufs[(NCHUNK - 2) % NBUF],
            z_s.at[idst_v.at[(NCHUNK - 2) % NRING]],
            ssems[(NCHUNK - 2) % NBUF]).wait()
        pltpu.make_async_copy(
            bufs[(NCHUNK - 1) % NBUF],
            z_s.at[idst_v.at[(NCHUNK - 1) % NRING]],
            ssems[(NCHUNK - 1) % NBUF]).wait()

        plsc.subcore_barrier()

        def _rescale_chunk(q, _):
            row0 = s * RPT + q * RCH
            pltpu.sync_copy(z_s.at[pl.ds(row0, RCH)], buf0)
            pltpu.sync_copy(buf0, zs_hbm.at[k, c, pl.ds(row0, RCH)])

            @pl.when(k + 1 < K)
            def _():
                _scale_rows(buf0, q, disq_v)
                pltpu.sync_copy(buf0, ytab_s.at[pl.ds(row0, RCH)])
                pltpu.sync_copy(buf0, z_s.at[pl.ds(row0, RCH)])
            return 0
        lax.fori_loop(0, NRCH, _rescale_chunk, 0)
        return 0
    lax.fori_loop(0, K, _hop, 0)


@jax.jit
def _sc_propagate(feat_pad, src3, dst3):
    mesh = plsc.VectorSubcoreMesh(core_axis_name="c", subcore_axis_name="s")
    f = pl.kernel(
        _sc_body,
        out_type=(
            jax.ShapeDtypeStruct((K, NC, NP, DH), jnp.float32),
            jax.ShapeDtypeStruct((NP,), jnp.float32),
        ),
        mesh=mesh,
        scratch_types=[
            pltpu.VMEM((RCH, DH), jnp.float32),
            pltpu.VMEM((RCH, DH), jnp.float32),
            pltpu.VMEM((RCH, DH), jnp.float32),
            pltpu.VMEM((NRING, CH), jnp.int32),
            pltpu.VMEM((NRING, CH), jnp.int32),
            pltpu.VMEM((NP,), jnp.float32),
            pltpu.VMEM((RPT,), jnp.float32),
            pltpu.VMEM((RPT,), jnp.float32),
            pltpu.VMEM((RPT,), jnp.float32),
            pltpu.SemaphoreType.DMA,
            pltpu.SemaphoreType.DMA,
            pltpu.SemaphoreType.DMA,
            pltpu.SemaphoreType.DMA,
            pltpu.SemaphoreType.DMA,
            pltpu.SemaphoreType.DMA,
            pltpu.SemaphoreType.DMA,
            pltpu.SemaphoreType.DMA,
            pltpu.SemaphoreType.DMA,
            pltpu.SemaphoreType.DMA,
            pltpu.SemaphoreType.DMA,
            pltpu.SemaphoreType.DMA,
            pltpu.VMEM_SHARED((NP, DH), jnp.float32),
            pltpu.VMEM_SHARED((NP, DH), jnp.float32),
            pltpu.VMEM_SHARED((NS, NP), jnp.float32),
        ],
        compiler_params=pltpu.CompilerParams(
            use_tc_tiling_on_sc=False, needs_layout_passes=False),
    )
    return f(feat_pad, src3, dst3)


def _mm_body(zs_ref, feat_ref, w_ref, dis_ref, b_ref, o_ref):
    tt = pl.program_id(1)
    nz = K * NC

    @pl.when(tt == 0)
    def _():
        o_ref[...] = jnp.dot(zs_ref[0, 0], w_ref[0, 0],
                             preferred_element_type=jnp.float32)

    @pl.when(jnp.logical_and(tt > 0, tt < nz))
    def _():
        o_ref[...] += jnp.dot(zs_ref[0, 0], w_ref[0, 0],
                              preferred_element_type=jnp.float32)

    @pl.when(tt == nz)
    def _():
        o_ref[...] = (o_ref[...] * dis_ref[...] + b_ref[...]
                      + jnp.dot(feat_ref[:, :DH], w_ref[0, 0],
                                preferred_element_type=jnp.float32))

    @pl.when(tt == nz + 1)
    def _():
        o_ref[...] += jnp.dot(feat_ref[:, DH:], w_ref[0, 0],
                              preferred_element_type=jnp.float32)


@jax.jit
def _tc_linear(zs, feat_pad, W4, dis2, b2):
    BM = 1024
    nz = K * NC
    return pl.pallas_call(
        _mm_body,
        grid=(NP // BM, nz + 2),
        in_specs=[
            pl.BlockSpec(
                (1, 1, BM, DH),
                lambda r, t: (jnp.minimum(t // NC, K - 1), t % NC, r, 0)),
            pl.BlockSpec((BM, D), lambda r, t: (r, 0)),
            pl.BlockSpec(
                (1, 1, DH, D),
                lambda r, t: (jnp.where(t < nz, t // NC + 1, 0),
                              jnp.where(t < nz, t % NC, t - nz), 0, 0)),
            pl.BlockSpec((BM, 1), lambda r, t: (r, 0)),
            pl.BlockSpec((1, D), lambda r, t: (0, 0)),
        ],
        out_specs=pl.BlockSpec((BM, D), lambda r, t: (r, 0)),
        out_shape=jax.ShapeDtypeStruct((NP, D), jnp.float32),
        compiler_params=pltpu.CompilerParams(
            dimension_semantics=("parallel", "arbitrary")),
    )(zs, feat_pad, W4, dis2, b2)


def kernel(feature, edge_index, W, b):
    src = edge_index[0].astype(jnp.int32)
    dst = edge_index[1].astype(jnp.int32)
    pad = EPAD - E
    fake = jnp.full((pad,), FAKE, jnp.int32)
    src3 = jnp.concatenate([src, fake]).reshape(NS, NCHUNK, CH)
    dst3 = jnp.concatenate([dst, fake]).reshape(NS, NCHUNK, CH)
    feat_pad = jnp.pad(feature, ((0, NP - N), (0, 0)))

    zs, dis = _sc_propagate(feat_pad, src3, dst3)
    out = _tc_linear(zs, feat_pad, W.reshape(K + 1, NC, DH, D),
                     dis.reshape(NP, 1), b.reshape(1, D))
    return out[:N]

# --- scband reference (transcript-rebuilt; emitter-appended) ---
"""Pipeline reference for scband-lgcn-9156870275400 (READ-ONLY COPY).

The authoritative reference and input builder live on the scoring server;
editing this copy changes nothing except your own understanding.
"""

import jax, jax.numpy as jnp
import numpy as np

N_NODES = 10000
N_EDGES = 320000
D_IN = 128
D_OUT = 128
K = 8


def setup_inputs(seed: int = 0) -> dict:
    key = jax.random.key(seed)
    k1, k2, k3, k4 = jax.random.split(key, 4)
    feature = jax.random.normal(k1, (N_NODES, D_IN), dtype=jnp.float32)
    edge_index = jax.random.randint(k2, (2, N_EDGES), 0, N_NODES, dtype=jnp.int64)
    # Linear(input_size * (K + 1), output_size): weight stored as [in, out] for x @ W + b
    fan_in = D_IN * (K + 1)
    bound = 1.0 / np.sqrt(fan_in)
    W = jax.random.uniform(k3, (fan_in, D_OUT), dtype=jnp.float32, minval=-bound, maxval=bound)
    b = jax.random.uniform(k4, (D_OUT,), dtype=jnp.float32, minval=-bound, maxval=bound)
    return {"feature": feature, "edge_index": edge_index, "W": W, "b": b}


def reference(feature, edge_index, W, b):
    N = feature.shape[0]
    # GCN normalization with added self-loops (symmetric D^-1/2 A D^-1/2)
    loop = jnp.arange(N, dtype=edge_index.dtype)
    src = jnp.concatenate([edge_index[0], loop])
    dst = jnp.concatenate([edge_index[1], loop])
    deg = jnp.zeros((N,), dtype=feature.dtype).at[dst].add(1.0)
    deg_inv_sqrt = jnp.where(deg > 0, deg ** -0.5, 0.0)
    norm = deg_inv_sqrt[src] * deg_inv_sqrt[dst]
    xs = [feature]
    x = feature
    for _ in range(K):
        msg = x[src] * norm[:, None]
        x = jnp.zeros_like(x).at[dst].add(msg)
        xs.append(x)
    h = jnp.concatenate(xs, axis=1)
    return h @ W + b

if __name__ == "__main__":
    import jax
    _d = setup_inputs()
    print(jax.jit(kernel)(*tuple(_d.values())))

</pallas_src>

<mosaic_0001>
#map = affine_map<(d0, d1) -> (0, 0)>
#map1 = affine_map<(d0, d1) -> (0, 0, 0)>
#map2 = affine_map<(d0, d1) -> (0, 0, 0, 0)>
#map3 = affine_map<(d0, d1) -> (0)>
module attributes {stable_mosaic.version = 14 : i64} {
  func.func @_sc_body(%arg0: i32, %arg1: i32, %arg2: memref<10240x128xf32, #tpu.memory_space<hbm>>, %arg3: memref<16x162x128xi32, #tpu.memory_space<hbm>>, %arg4: memref<16x162x128xi32, #tpu.memory_space<hbm>>, %arg5: memref<8x2x10240x64xf32, #tpu.memory_space<hbm>>, %arg6: memref<10240xf32, #tpu.memory_space<hbm>>, %arg7: memref<128x64xf32, #tpu.memory_space<vmem>>, %arg8: memref<128x64xf32, #tpu.memory_space<vmem>>, %arg9: memref<128x64xf32, #tpu.memory_space<vmem>>, %arg10: memref<6x128xi32, #tpu.memory_space<vmem>>, %arg11: memref<6x128xi32, #tpu.memory_space<vmem>>, %arg12: memref<10240xf32, #tpu.memory_space<vmem>>, %arg13: memref<640xf32, #tpu.memory_space<vmem>>, %arg14: memref<640xf32, #tpu.memory_space<vmem>>, %arg15: memref<640xf32, #tpu.memory_space<vmem>>, %arg16: memref<!tpu.dma_semaphore, #tpu.memory_space<semaphore_mem>>, %arg17: memref<!tpu.dma_semaphore, #tpu.memory_space<semaphore_mem>>, %arg18: memref<!tpu.dma_semaphore, #tpu.memory_space<semaphore_mem>>, %arg19: memref<!tpu.dma_semaphore, #tpu.memory_space<semaphore_mem>>, %arg20: memref<!tpu.dma_semaphore, #tpu.memory_space<semaphore_mem>>, %arg21: memref<!tpu.dma_semaphore, #tpu.memory_space<semaphore_mem>>, %arg22: memref<!tpu.dma_semaphore, #tpu.memory_space<semaphore_mem>>, %arg23: memref<!tpu.dma_semaphore, #tpu.memory_space<semaphore_mem>>, %arg24: memref<!tpu.dma_semaphore, #tpu.memory_space<semaphore_mem>>, %arg25: memref<!tpu.dma_semaphore, #tpu.memory_space<semaphore_mem>>, %arg26: memref<!tpu.dma_semaphore, #tpu.memory_space<semaphore_mem>>, %arg27: memref<!tpu.dma_semaphore, #tpu.memory_space<semaphore_mem>>, %arg28: memref<10240x64xf32, #tpu.memory_space<vmem_shared>>, %arg29: memref<10240x64xf32, #tpu.memory_space<vmem_shared>>, %arg30: memref<16x10240xf32, #tpu.memory_space<vmem_shared>>) attributes {dimension_semantics = [#tpu.dimension_semantics<core_parallel>, #tpu.dimension_semantics<subcore_parallel>], iteration_bounds = array<i64: 2, 16>, scalar_prefetch = 0 : i64, scratch_operands = 24 : i64, tpu.core_type = #tpu.core_type<sc_vector_subcore>, window_params = [{transform_indices = #map}, {transform_indices = #map1}, {transform_indices = #map1}, {transform_indices = #map2}, {transform_indices = #map3}]} {
    %broadcast_in_dim3A = arith.constant 0.000000e+00 : f32
    %broadcast_in_dim3A_0 = vector.broadcast %broadcast_in_dim3A : f32 to vector<16xf32>
    %broadcast_in_dim3A_1 = arith.constant 1.000000e+00 : f32
    %broadcast_in_dim3A_2 = vector.broadcast %broadcast_in_dim3A_1 : f32 to vector<16xf32>
    %scan3A = arith.constant 0 : i32
    %scan3A_3 = arith.constant 0 : i32
    %scan3A_4 = arith.constant 640 : i32
    %scan3A_5 = arith.addi %scan3A_3, %scan3A_4 : i32
    %scan3A_6 = arith.constant 1 : i32
    %scan3A_7 = scf.for %scan3A_259 = %scan3A_3 to %scan3A_5 step %scan3A_6 iter_args(%scan3A_260 = %scan3A) -> (i32)  : i32 {
      %mul3A_261 = arith.constant 16 : i32
      %mul3A_262 = arith.muli %scan3A_259, %mul3A_261 : i32
      %swap3A = arith.index_cast %mul3A_262 : i32 to index
      %swap3A_263 = tpu.vector_load %arg12[%swap3A] {strides = array<i32>} : memref<10240xf32, #tpu.memory_space<vmem>>, vector<16xf32>,
      tpu.vector_store %arg12[%swap3A], %broadcast_in_dim3A_0 {strides = array<i32>} : memref<10240xf32, #tpu.memory_space<vmem>>, vector<16xf32>,
      %scan3A_264 = arith.constant 0 : i32
      scf.yield %scan3A_264 : i32
    }
    %scan3A_8 = arith.constant 640 : i32
    %dma_start3A = arith.constant 0 : i32
    %dma_start3A_9 = arith.constant 0 : i32
    %dma_start3A_10 = arith.constant 0 : i32
    %dma_start3A_11 = tpu.memref_slice %arg11[%dma_start3A_9, %dma_start3A_10] : memref<6x128xi32, #tpu.memory_space<vmem>> -> memref<1x128xi32, #tpu.memory_space<vmem>>
    %dma_start3A_12 = tpu.memref_squeeze %dma_start3A_11 : memref<1x128xi32, #tpu.memory_space<vmem>> -> memref<128xi32, #tpu.memory_space<vmem>>
    %dma_start3A_13 = arith.constant 0 : i32
    %dma_start3A_14 = tpu.memref_slice %arg4[%arg1, %dma_start3A, %dma_start3A_13] : memref<16x162x128xi32, #tpu.memory_space<hbm>> -> memref<1x1x128xi32, #tpu.memory_space<hbm>>
    %dma_start3A_15 = tpu.memref_squeeze %dma_start3A_14 : memref<1x1x128xi32, #tpu.memory_space<hbm>> -> memref<128xi32, #tpu.memory_space<hbm>>
    %dma_start3A_16 = arith.constant 0 : i32
    %dma_start3A_17 = tpu.memref_slice %arg11[%dma_start3A_9, %dma_start3A_16] : memref<6x128xi32, #tpu.memory_space<vmem>> -> memref<1x128xi32, #tpu.memory_space<vmem>>
    %dma_start3A_18 = tpu.memref_squeeze %dma_start3A_17 : memref<1x128xi32, #tpu.memory_space<vmem>> -> memref<128xi32, #tpu.memory_space<vmem>>
    %dma_start3A_19 = arith.constant 0 : i32
    %dma_start3A_20 = tpu.memref_slice %arg4[%arg1, %dma_start3A, %dma_start3A_19] : memref<16x162x128xi32, #tpu.memory_space<hbm>> -> memref<1x1x128xi32, #tpu.memory_space<hbm>>
    %dma_start3A_21 = tpu.memref_squeeze %dma_start3A_20 : memref<1x1x128xi32, #tpu.memory_space<hbm>> -> memref<128xi32, #tpu.memory_space<hbm>>
    tpu.enqueue_dma source(%dma_start3A_21 : memref<128xi32, #tpu.memory_space<hbm>>) target(%dma_start3A_18 : memref<128xi32, #tpu.memory_space<vmem>>) target_semaphore(%arg22 : memref<!tpu.dma_semaphore, #tpu.memory_space<semaphore_mem>>)
    %dma_start3A_22 = arith.constant 1 : i32
    %dma_start3A_23 = arith.constant 1 : i32
    %dma_start3A_24 = arith.constant 0 : i32
    %dma_start3A_25 = tpu.memref_slice %arg11[%dma_start3A_23, %dma_start3A_24] : memref<6x128xi32, #tpu.memory_space<vmem>> -> memref<1x128xi32, #tpu.memory_space<vmem>>
    %dma_start3A_26 = tpu.memref_squeeze %dma_start3A_25 : memref<1x128xi32, #tpu.memory_space<vmem>> -> memref<128xi32, #tpu.memory_space<vmem>>
    %dma_start3A_27 = arith.constant 0 : i32
    %dma_start3A_28 = tpu.memref_slice %arg4[%arg1, %dma_start3A_22, %dma_start3A_27] : memref<16x162x128xi32, #tpu.memory_space<hbm>> -> memref<1x1x128xi32, #tpu.memory_space<hbm>>
    %dma_start3A_29 = tpu.memref_squeeze %dma_start3A_28 : memref<1x1x128xi32, #tpu.memory_space<hbm>> -> memref<128xi32, #tpu.memory_space<hbm>>
    %dma_start3A_30 = arith.constant 0 : i32
    %dma_start3A_31 = tpu.memref_slice %arg11[%dma_start3A_23, %dma_start3A_30] : memref<6x128xi32, #tpu.memory_space<vmem>> -> memref<1x128xi32, #tpu.memory_space<vmem>>
    %dma_start3A_32 = tpu.memref_squeeze %dma_start3A_31 : memref<1x128xi32, #tpu.memory_space<vmem>> -> memref<128xi32, #tpu.memory_space<vmem>>
    %dma_start3A_33 = arith.constant 0 : i32
    %dma_start3A_34 = tpu.memref_slice %arg4[%arg1, %dma_start3A_22, %dma_start3A_33] : memref<16x162x128xi32, #tpu.memory_space<hbm>> -> memref<1x1x128xi32, #tpu.memory_space<hbm>>
    %dma_start3A_35 = tpu.memref_squeeze %dma_start3A_34 : memref<1x1x128xi32, #tpu.memory_space<hbm>> -> memref<128xi32, #tpu.memory_space<hbm>>
    tpu.enqueue_dma source(%dma_start3A_35 : memref<128xi32, #tpu.memory_space<hbm>>) target(%dma_start3A_32 : memref<128xi32, #tpu.memory_space<vmem>>) target_semaphore(%arg23 : memref<!tpu.dma_semaphore, #tpu.memory_space<semaphore_mem>>)
    %dma_start3A_36 = arith.constant 2 : i32
    %dma_start3A_37 = arith.constant 2 : i32
    %dma_start3A_38 = arith.constant 0 : i32
    %dma_start3A_39 = tpu.memref_slice %arg11[%dma_start3A_37, %dma_start3A_38] : memref<6x128xi32, #tpu.memory_space<vmem>> -> memref<1x128xi32, #tpu.memory_space<vmem>>
    %dma_start3A_40 = tpu.memref_squeeze %dma_start3A_39 : memref<1x128xi32, #tpu.memory_space<vmem>> -> memref<128xi32, #tpu.memory_space<vmem>>
    %dma_start3A_41 = arith.constant 0 : i32
    %dma_start3A_42 = tpu.memref_slice %arg4[%arg1, %dma_start3A_36, %dma_start3A_41] : memref<16x162x128xi32, #tpu.memory_space<hbm>> -> memref<1x1x128xi32, #tpu.memory_space<hbm>>
    %dma_start3A_43 = tpu.memref_squeeze %dma_start3A_42 : memref<1x1x128xi32, #tpu.memory_space<hbm>> -> memref<128xi32, #tpu.memory_space<hbm>>
    %dma_start3A_44 = arith.constant 0 : i32
    %dma_start3A_45 = tpu.memref_slice %arg11[%dma_start3A_37, %dma_start3A_44] : memref<6x128xi32, #tpu.memory_space<vmem>> -> memref<1x128xi32, #tpu.memory_space<vmem>>
    %dma_start3A_46 = tpu.memref_squeeze %dma_start3A_45 : memref<1x128xi32, #tpu.memory_space<vmem>> -> memref<128xi32, #tpu.memory_space<vmem>>
    %dma_start3A_47 = arith.constant 0 : i32
    %dma_start3A_48 = tpu.memref_slice %arg4[%arg1, %dma_start3A_36, %dma_start3A_47] : memref<16x162x128xi32, #tpu.memory_space<hbm>> -> memref<1x1x128xi32, #tpu.memory_space<hbm>>
    %dma_start3A_49 = tpu.memref_squeeze %dma_start3A_48 : memref<1x1x128xi32, #tpu.memory_space<hbm>> -> memref<128xi32, #tpu.memory_space<hbm>>
    tpu.enqueue_dma source(%dma_start3A_49 : memref<128xi32, #tpu.memory_space<hbm>>) target(%dma_start3A_46 : memref<128xi32, #tpu.memory_space<vmem>>) target_semaphore(%arg24 : memref<!tpu.dma_semaphore, #tpu.memory_space<semaphore_mem>>)
    %dma_start3A_50 = arith.constant 3 : i32
    %dma_start3A_51 = arith.constant 3 : i32
    %dma_start3A_52 = arith.constant 0 : i32
    %dma_start3A_53 = tpu.memref_slice %arg11[%dma_start3A_51, %dma_start3A_52] : memref<6x128xi32, #tpu.memory_space<vmem>> -> memref<1x128xi32, #tpu.memory_space<vmem>>
    %dma_start3A_54 = tpu.memref_squeeze %dma_start3A_53 : memref<1x128xi32, #tpu.memory_space<vmem>> -> memref<128xi32, #tpu.memory_space<vmem>>
    %dma_start3A_55 = arith.constant 0 : i32
    %dma_start3A_56 = tpu.memref_slice %arg4[%arg1, %dma_start3A_50, %dma_start3A_55] : memref<16x162x128xi32, #tpu.memory_space<hbm>> -> memref<1x1x128xi32, #tpu.memory_space<hbm>>
    %dma_start3A_57 = tpu.memref_squeeze %dma_start3A_56 : memref<1x1x128xi32, #tpu.memory_space<hbm>> -> memref<128xi32, #tpu.memory_space<hbm>>
    %dma_start3A_58 = arith.constant 0 : i32
    %dma_start3A_59 = tpu.memref_slice %arg11[%dma_start3A_51, %dma_start3A_58] : memref<6x128xi32, #tpu.memory_space<vmem>> -> memref<1x128xi32, #tpu.memory_space<vmem>>
    %dma_start3A_60 = tpu.memref_squeeze %dma_start3A_59 : memref<1x128xi32, #tpu.memory_space<vmem>> -> memref<128xi32, #tpu.memory_space<vmem>>
    %dma_start3A_61 = arith.constant 0 : i32
    %dma_start3A_62 = tpu.memref_slice %arg4[%arg1, %dma_start3A_50, %dma_start3A_61] : memref<16x162x128xi32, #tpu.memory_space<hbm>> -> memref<1x1x128xi32, #tpu.memory_space<hbm>>
    %dma_start3A_63 = tpu.memref_squeeze %dma_start3A_62 : memref<1x1x128xi32, #tpu.memory_space<hbm>> -> memref<128xi32, #tpu.memory_space<hbm>>
    tpu.enqueue_dma source(%dma_start3A_63 : memref<128xi32, #tpu.memory_space<hbm>>) target(%dma_start3A_60 : memref<128xi32, #tpu.memory_space<vmem>>) target_semaphore(%arg25 : memref<!tpu.dma_semaphore, #tpu.memory_space<semaphore_mem>>)
    %scan3A_64 = arith.constant 0 : i32
    %scan3A_65 = arith.constant 0 : i32
    %scan3A_66 = arith.constant 27 : i32
    %scan3A_67 = arith.addi %scan3A_65, %scan3A_66 : i32
    %scan3A_68 = arith.constant 1 : i32
    %scan3A_69 = scf.for %scan3A_259 = %scan3A_65 to %scan3A_67 step %scan3A_68 iter_args(%scan3A_260 = %scan3A_64) -> (i32)  : i32 {
      %mul3A_261 = arith.constant 6 : i32
      %mul3A_262 = arith.muli %scan3A_259, %mul3A_261 : i32
      %add3A = arith.constant 0 : i32
      %add3A_263 = arith.addi %mul3A_262, %add3A : i32
      %dma_wait3A = arith.constant 0 : i32
      %dma_wait3A_264 = arith.constant 0 : i32
      %dma_wait3A_265 = arith.constant 0 : i32
      %dma_wait3A_266 = tpu.memref_slice %arg11[%dma_wait3A_264, %dma_wait3A_265] : memref<6x128xi32, #tpu.memory_space<vmem>> -> memref<1x128xi32, #tpu.memory_space<vmem>>
      %dma_wait3A_267 = tpu.memref_squeeze %dma_wait3A_266 : memref<1x128xi32, #tpu.memory_space<vmem>> -> memref<128xi32, #tpu.memory_space<vmem>>
      %dma_wait3A_268 = arith.constant 0 : i32
      %dma_wait3A_269 = tpu.memref_slice %arg4[%arg1, %dma_wait3A, %dma_wait3A_268] : memref<16x162x128xi32, #tpu.memory_space<hbm>> -> memref<1x1x128xi32, #tpu.memory_space<hbm>>
      %dma_wait3A_270 = tpu.memref_squeeze %dma_wait3A_269 : memref<1x1x128xi32, #tpu.memory_space<hbm>> -> memref<128xi32, #tpu.memory_space<hbm>>
      %dma_wait3A_271 = arith.constant 0 : i32
      %dma_wait3A_272 = tpu.memref_slice %arg11[%dma_wait3A_264, %dma_wait3A_271] : memref<6x128xi32, #tpu.memory_space<vmem>> -> memref<1x128xi32, #tpu.memory_space<vmem>>
      %dma_wait3A_273 = tpu.memref_squeeze %dma_wait3A_272 : memref<1x128xi32, #tpu.memory_space<vmem>> -> memref<128xi32, #tpu.memory_space<vmem>>
      %dma_wait3A_274 = arith.constant 0 : i32
      %dma_wait3A_275 = tpu.memref_slice %arg4[%arg1, %dma_wait3A, %dma_wait3A_274] : memref<16x162x128xi32, #tpu.memory_space<hbm>> -> memref<1x1x128xi32, #tpu.memory_space<hbm>>
      %dma_wait3A_276 = tpu.memref_squeeze %dma_wait3A_275 : memref<1x1x128xi32, #tpu.memory_space<hbm>> -> memref<128xi32, #tpu.memory_space<hbm>>
      tpu.wait_dma2 semaphore(%arg22 : memref<!tpu.dma_semaphore, #tpu.memory_space<semaphore_mem>>) src(%dma_wait3A_276 : memref<128xi32, #tpu.memory_space<hbm>>) dst(%dma_wait3A_273 : memref<128xi32, #tpu.memory_space<vmem>>)
      %scan3A_277 = arith.constant 0 : i32
      %scan3A_278 = arith.constant 0 : i32
      %scan3A_279 = arith.constant 8 : i32
      %scan3A_280 = arith.addi %scan3A_278, %scan3A_279 : i32
      %scan3A_281 = arith.constant 1 : i32
      %scan3A_282 = scf.for %scan3A_459 = %scan3A_278 to %scan3A_280 step %scan3A_281 iter_args(%scan3A_460 = %scan3A_277) -> (i32)  : i32 {
        %mul3A_461 = arith.constant 16 : i32
        %mul3A_462 = arith.muli %scan3A_459, %mul3A_461 : i32
        %get3A = arith.constant 0 : i32
        %get3A_463 = arith.index_cast %get3A : i32 to index
        %get3A_464 = arith.index_cast %mul3A_462 : i32 to index
        %get3A_465 = tpu.vector_load %arg11[%get3A_463, %get3A_464] {strides = array<i32>} : memref<6x128xi32, #tpu.memory_space<vmem>>, vector<16xi32>,
        tpu.vector_store_idx %arg12[%get3A_465], %broadcast_in_dim3A_2 {add = true} : memref<10240xf32, #tpu.memory_space<vmem>>[vector<16xi32>], vector<16xf32>,
        %scan3A_466 = arith.constant 0 : i32
        scf.yield %scan3A_466 : i32
      }
      %scan3A_283 = arith.constant 8 : i32
      %add3A_284 = arith.constant 4 : i32
      %add3A_285 = arith.addi %add3A_263, %add3A_284 : i32
      %dma_start3A_286 = arith.constant 4 : i32
      %dma_start3A_287 = arith.constant 0 : i32
      %dma_start3A_288 = tpu.memref_slice %arg11[%dma_start3A_286, %dma_start3A_287] : memref<6x128xi32, #tpu.memory_space<vmem>> -> memref<1x128xi32, #tpu.memory_space<vmem>>
      %dma_start3A_289 = tpu.memref_squeeze %dma_start3A_288 : memref<1x128xi32, #tpu.memory_space<vmem>> -> memref<128xi32, #tpu.memory_space<vmem>>
      %dma_start3A_290 = arith.constant 0 : i32
      %dma_start3A_291 = tpu.memref_slice %arg4[%arg1, %add3A_285, %dma_start3A_290] : memref<16x162x128xi32, #tpu.memory_space<hbm>> -> memref<1x1x128xi32, #tpu.memory_space<hbm>>
      %dma_start3A_292 = tpu.memref_squeeze %dma_start3A_291 : memref<1x1x128xi32, #tpu.memory_space<hbm>> -> memref<128xi32, #tpu.memory_space<hbm>>
      %dma_start3A_293 = arith.constant 0 : i32
      %dma_start3A_294 = tpu.memref_slice %arg11[%dma_start3A_286, %dma_start3A_293] : memref<6x128xi32, #tpu.memory_space<vmem>> -> memref<1x128xi32, #tpu.memory_space<vmem>>
      %dma_start3A_295 = tpu.memref_squeeze %dma_start3A_294 : memref<1x128xi32, #tpu.memory_space<vmem>> -> memref<128xi32, #tpu.memory_space<vmem>>
      %dma_start3A_296 = arith.constant 0 : i32
      %dma_start3A_297 = tpu.memref_slice %arg4[%arg1, %add3A_285, %dma_start3A_296] : memref<16x162x128xi32, #tpu.memory_space<hbm>> -> memref<1x1x128xi32, #tpu.memory_space<hbm>>
      %dma_start3A_298 = tpu.memref_squeeze %dma_start3A_297 : memref<1x1x128xi32, #tpu.memory_space<hbm>> -> memref<128xi32, #tpu.memory_space<hbm>>
      tpu.enqueue_dma source(%dma_start3A_298 : memref<128xi32, #tpu.memory_space<hbm>>) target(%dma_start3A_295 : memref<128xi32, #tpu.memory_space<vmem>>) target_semaphore(%arg26 : memref<!tpu.dma_semaphore, #tpu.memory_space<semaphore_mem>>)
      %mul3A_299 = arith.constant 6 : i32
      %mul3A_300 = arith.muli %scan3A_259, %mul3A_299 : i32
      %add3A_301 = arith.constant 1 : i32
      %add3A_302 = arith.addi %mul3A_300, %add3A_301 : i32
      %dma_wait3A_303 = arith.constant 0 : i32
      %dma_wait3A_304 = arith.constant 1 : i32
      %dma_wait3A_305 = arith.constant 0 : i32
      %dma_wait3A_306 = tpu.memref_slice %arg11[%dma_wait3A_304, %dma_wait3A_305] : memref<6x128xi32, #tpu.memory_space<vmem>> -> memref<1x128xi32, #tpu.memory_space<vmem>>
      %dma_wait3A_307 = tpu.memref_squeeze %dma_wait3A_306 : memref<1x128xi32, #tpu.memory_space<vmem>> -> memref<128xi32, #tpu.memory_space<vmem>>
      %dma_wait3A_308 = arith.constant 0 : i32
      %dma_wait3A_309 = tpu.memref_slice %arg4[%arg1, %dma_wait3A_303, %dma_wait3A_308] : memref<16x162x128xi32, #tpu.memory_space<hbm>> -> memref<1x1x128xi32, #tpu.memory_space<hbm>>
      %dma_wait3A_310 = tpu.memref_squeeze %dma_wait3A_309 : memref<1x1x128xi32, #tpu.memory_space<hbm>> -> memref<128xi32, #tpu.memory_space<hbm>>
      %dma_wait3A_311 = arith.constant 0 : i32
      %dma_wait3A_312 = tpu.memref_slice %arg11[%dma_wait3A_304, %dma_wait3A_311] : memref<6x128xi32, #tpu.memory_space<vmem>> -> memref<1x128xi32, #tpu.memory_space<vmem>>
      %dma_wait3A_313 = tpu.memref_squeeze %dma_wait3A_312 : memref<1x128xi32, #tpu.memory_space<vmem>> -> memref<128xi32, #tpu.memory_space<vmem>>
      %dma_wait3A_314 = arith.constant 0 : i32
      %dma_wait3A_315 = tpu.memref_slice %arg4[%arg1, %dma_wait3A_303, %dma_wait3A_314] : memref<16x162x128xi32, #tpu.memory_space<hbm>> -> memref<1x1x128xi32, #tpu.memory_space<hbm>>
      %dma_wait3A_316 = tpu.memref_squeeze %dma_wait3A_315 : memref<1x1x128xi32, #tpu.memory_space<hbm>> -> memref<128xi32, #tpu.memory_space<hbm>>
      tpu.wait_dma2 semaphore(%arg23 : memref<!tpu.dma_semaphore, #tpu.memory_space<semaphore_mem>>) src(%dma_wait3A_316 : memref<128xi32, #tpu.memory_space<hbm>>) dst(%dma_wait3A_313 : memref<128xi32, #tpu.memory_space<vmem>>)
      %scan3A_317 = arith.constant 0 : i32
      %scan3A_318 = arith.constant 0 : i32
      %scan3A_319 = arith.constant 8 : i32
      %scan3A_320 = arith.addi %scan3A_318, %scan3A_319 : i32
      %scan3A_321 = arith.constant 1 : i32
      %scan3A_322 = scf.for %scan3A_459 = %scan3A_318 to %scan3A_320 step %scan3A_321 iter_args(%scan3A_460 = %scan3A_317) -> (i32)  : i32 {
        %mul3A_461 = arith.constant 16 : i32
        %mul3A_462 = arith.muli %scan3A_459, %mul3A_461 : i32
        %get3A = arith.constant 1 : i32
        %get3A_463 = arith.index_cast %get3A : i32 to index
        %get3A_464 = arith.index_cast %mul3A_462 : i32 to index
        %get3A_465 = tpu.vector_load %arg11[%get3A_463, %get3A_464] {strides = array<i32>} : memref<6x128xi32, #tpu.memory_space<vmem>>, vector<16xi32>,
        tpu.vector_store_idx %arg12[%get3A_465], %broadcast_in_dim3A_2 {add = true} : memref<10240xf32, #tpu.memory_space<vmem>>[vector<16xi32>], vector<16xf32>,
        %scan3A_466 = arith.constant 0 : i32
        scf.yield %scan3A_466 : i32
      }
      %scan3A_323 = arith.constant 8 : i32
      %add3A_324 = arith.constant 4 : i32
      %add3A_325 = arith.addi %add3A_302, %add3A_324 : i32
      %dma_start3A_326 = arith.constant 5 : i32
      %dma_start3A_327 = arith.constant 0 : i32
      %dma_start3A_328 = tpu.memref_slice %arg11[%dma_start3A_326, %dma_start3A_327] : memref<6x128xi32, #tpu.memory_space<vmem>> -> memref<1x128xi32, #tpu.memory_space<vmem>>
      %dma_start3A_329 = tpu.memref_squeeze %dma_start3A_328 : memref<1x128xi32, #tpu.memory_space<vmem>> -> memref<128xi32, #tpu.memory_space<vmem>>
      %dma_start3A_330 = arith.constant 0 : i32
      %dma_start3A_331 = tpu.memref_slice %arg4[%arg1, %add3A_325, %dma_start3A_330] : memref<16x162x128xi32, #tpu.memory_space<hbm>> -> memref<1x1x128xi32, #tpu.memory_space<hbm>>
      %dma_start3A_332 = tpu.memref_squeeze %dma_start3A_331 : memref<1x1x128xi32, #tpu.memory_space<hbm>> -> memref<128xi32, #tpu.memory_space<hbm>>
      %dma_start3A_333 = arith.constant 0 : i32
      %dma_start3A_334 = tpu.memref_slice %arg11[%dma_start3A_326, %dma_start3A_333] : memref<6x128xi32, #tpu.memory_space<vmem>> -> memref<1x128xi32, #tpu.memory_space<vmem>>
      %dma_start3A_335 = tpu.memref_squeeze %dma_start3A_334 : memref<1x128xi32, #tpu.memory_space<vmem>> -> memref<128xi32, #tpu.memory_space<vmem>>
      %dma_start3A_336 = arith.constant 0 : i32
      %dma_start3A_337 = tpu.memref_slice %arg4[%arg1, %add3A_325, %dma_start3A_336] : memref<16x162x128xi32, #tpu.memory_space<hbm>> -> memref<1x1x128xi32, #tpu.memory_space<hbm>>
      %dma_start3A_338 = tpu.memref_squeeze %dma_start3A_337 : memref<1x1x128xi32, #tpu.memory_space<hbm>> -> memref<128xi32, #tpu.memory_space<hbm>>
      tpu.enqueue_dma source(%dma_start3A_338 : memref<128xi32, #tpu.memory_space<hbm>>) target(%dma_start3A_335 : memref<128xi32, #tpu.memory_space<vmem>>) target_semaphore(%arg27 : memref<!tpu.dma_semaphore, #tpu.memory_space<semaphore_mem>>)
      %mul3A_339 = arith.constant 6 : i32
      %mul3A_340 = arith.muli %scan3A_259, %mul3A_339 : i32
      %add3A_341 = arith.constant 2 : i32
      %add3A_342 = arith.addi %mul3A_340, %add3A_341 : i32
      %dma_wait3A_343 = arith.constant 0 : i32
      %dma_wait3A_344 = arith.constant 2 : i32
      %dma_wait3A_345 = arith.constant 0 : i32
      %dma_wait3A_346 = tpu.memref_slice %arg11[%dma_wait3A_344, %dma_wait3A_345] : memref<6x128xi32, #tpu.memory_space<vmem>> -> memref<1x128xi32, #tpu.memory_space<vmem>>
      %dma_wait3A_347 = tpu.memref_squeeze %dma_wait3A_346 : memref<1x128xi32, #tpu.memory_space<vmem>> -> memref<128xi32, #tpu.memory_space<vmem>>
      %dma_wait3A_348 = arith.constant 0 : i32
      %dma_wait3A_349 = tpu.memref_slice %arg4[%arg1, %dma_wait3A_343, %dma_wait3A_348] : memref<16x162x128xi32, #tpu.memory_space<hbm>> -> memref<1x1x128xi32, #tpu.memory_space<hbm>>
      %dma_wait3A_350 = tpu.memref_squeeze %dma_wait3A_349 : memref<1x1x128xi32, #tpu.memory_space<hbm>> -> memref<128xi32, #tpu.memory_space<hbm>>
      %dma_wait3A_351 = arith.constant 0 : i32
      %dma_wait3A_352 = tpu.memref_slice %arg11[%dma_wait3A_344, %dma_wait3A_351] : memref<6x128xi32, #tpu.memory_space<vmem>> -> memref<1x128xi32, #tpu.memory_space<vmem>>
      %dma_wait3A_353 = tpu.memref_squeeze %dma_wait3A_352 : memref<1x128xi32, #tpu.memory_space<vmem>> -> memref<128xi32, #tpu.memory_space<vmem>>
      %dma_wait3A_354 = arith.constant 0 : i32
      %dma_wait3A_355 = tpu.memref_slice %arg4[%arg1, %dma_wait3A_343, %dma_wait3A_354] : memref<16x162x128xi32, #tpu.memory_space<hbm>> -> memref<1x1x128xi32, #tpu.memory_space<hbm>>
      %dma_wait3A_356 = tpu.memref_squeeze %dma_wait3A_355 : memref<1x1x128xi32, #tpu.memory_space<hbm>> -> memref<128xi32, #tpu.memory_space<hbm>>
      tpu.wait_dma2 semaphore(%arg24 : memref<!tpu.dma_semaphore, #tpu.memory_space<semaphore_mem>>) src(%dma_wait3A_356 : memref<128xi32, #tpu.memory_space<hbm>>) dst(%dma_wait3A_353 : memref<128xi32, #tpu.memory_space<vmem>>)
      %scan3A_357 = arith.constant 0 : i32
      %scan3A_358 = arith.constant 0 : i32
      %scan3A_359 = arith.constant 8 : i32
      %scan3A_360 = arith.addi %scan3A_358, %scan3A_359 : i32
      %scan3A_361 = arith.constant 1 : i32
      %scan3A_362 = scf.for %scan3A_459 = %scan3A_358 to %scan3A_360 step %scan3A_361 iter_args(%scan3A_460 = %scan3A_357) -> (i32)  : i32 {
        %mul3A_461 = arith.constant 16 : i32
        %mul3A_462 = arith.muli %scan3A_459, %mul3A_461 : i32
        %get3A = arith.constant 2 : i32
        %get3A_463 = arith.index_cast %get3A : i32 to index
        %get3A_464 = arith.index_cast %mul3A_462 : i32 to index
        %get3A_465 = tpu.vector_load %arg11[%get3A_463, %get3A_464] {strides = array<i32>} : memref<6x128xi32, #tpu.memory_space<vmem>>, vector<16xi32>,
        tpu.vector_store_idx %arg12[%get3A_465], %broadcast_in_dim3A_2 {add = true} : memref<10240xf32, #tpu.memory_space<vmem>>[vector<16xi32>], vector<16xf32>,
        %scan3A_466 = arith.constant 0 : i32
        scf.yield %scan3A_466 : i32
      }
      %scan3A_363 = arith.constant 8 : i32
      %lt3A = arith.constant 26 : i32
      %lt3A_364 = arith.cmpi slt, %scan3A_259, %lt3A : i32
      %convert_element_type3A_365 = arith.extui %lt3A_364 : i1 to i32
      %cond3A_366 = arith.constant 0 : i32
      %cond3A_367 = arith.cmpi ne, %convert_element_type3A_365, %cond3A_366 : i32
      scf.if %cond3A_367 {
        %add3A_459 = arith.constant 4 : i32
        %add3A_460 = arith.addi %add3A_342, %add3A_459 : i32
        %dma_start3A_461 = arith.constant 0 : i32
        %dma_start3A_462 = arith.constant 0 : i32
        %dma_start3A_463 = tpu.memref_slice %arg11[%dma_start3A_461, %dma_start3A_462] : memref<6x128xi32, #tpu.memory_space<vmem>> -> memref<1x128xi32, #tpu.memory_space<vmem>>
        %dma_start3A_464 = tpu.memref_squeeze %dma_start3A_463 : memref<1x128xi32, #tpu.memory_space<vmem>> -> memref<128xi32, #tpu.memory_space<vmem>>
        %dma_start3A_465 = arith.constant 0 : i32
        %dma_start3A_466 = tpu.memref_slice %arg4[%arg1, %add3A_460, %dma_start3A_465] : memref<16x162x128xi32, #tpu.memory_space<hbm>> -> memref<1x1x128xi32, #tpu.memory_space<hbm>>
        %dma_start3A_467 = tpu.memref_squeeze %dma_start3A_466 : memref<1x1x128xi32, #tpu.memory_space<hbm>> -> memref<128xi32, #tpu.memory_space<hbm>>
        %dma_start3A_468 = arith.constant 0 : i32
        %dma_start3A_469 = tpu.memref_slice %arg11[%dma_start3A_461, %dma_start3A_468] : memref<6x128xi32, #tpu.memory_space<vmem>> -> memref<1x128xi32, #tpu.memory_space<vmem>>
        %dma_start3A_470 = tpu.memref_squeeze %dma_start3A_469 : memref<1x128xi32, #tpu.memory_space<vmem>> -> memref<128xi32, #tpu.memory_space<vmem>>
        %dma_start3A_471 = arith.constant 0 : i32
        %dma_start3A_472 = tpu.memref_slice %arg4[%arg1, %add3A_460, %dma_start3A_471] : memref<16x162x128xi32, #tpu.memory_space<hbm>> -> memref<1x1x128xi32, #tpu.memory_space<hbm>>
        %dma_start3A_473 = tpu.memref_squeeze %dma_start3A_472 : memref<1x1x128xi32, #tpu.memory_space<hbm>> -> memref<128xi32, #tpu.memory_space<hbm>>
        tpu.enqueue_dma source(%dma_start3A_473 : memref<128xi32, #tpu.memory_space<hbm>>) target(%dma_start3A_470 : memref<128xi32, #tpu.memory_space<vmem>>) target_semaphore(%arg22 : memref<!tpu.dma_semaphore, #tpu.memory_space<semaphore_mem>>)
      } else {
      }
      %mul3A_368 = arith.constant 6 : i32
      %mul3A_369 = arith.muli %scan3A_259, %mul3A_368 : i32
      %add3A_370 = arith.constant 3 : i32
      %add3A_371 = arith.addi %mul3A_369, %add3A_370 : i32
      %dma_wait3A_372 = arith.constant 0 : i32
      %dma_wait3A_373 = arith.constant 3 : i32
      %dma_wait3A_374 = arith.constant 0 : i32
      %dma_wait3A_375 = tpu.memref_slice %arg11[%dma_wait3A_373, %dma_wait3A_374] : memref<6x128xi32, #tpu.memory_space<vmem>> -> memref<1x128xi32, #tpu.memory_space<vmem>>
      %dma_wait3A_376 = tpu.memref_squeeze %dma_wait3A_375 : memref<1x128xi32, #tpu.memory_space<vmem>> -> memref<128xi32, #tpu.memory_space<vmem>>
      %dma_wait3A_377 = arith.constant 0 : i32
      %dma_wait3A_378 = tpu.memref_slice %arg4[%arg1, %dma_wait3A_372, %dma_wait3A_377] : memref<16x162x128xi32, #tpu.memory_space<hbm>> -> memref<1x1x128xi32, #tpu.memory_space<hbm>>
      %dma_wait3A_379 = tpu.memref_squeeze %dma_wait3A_378 : memref<1x1x128xi32, #tpu.memory_space<hbm>> -> memref<128xi32, #tpu.memory_space<hbm>>
      %dma_wait3A_380 = arith.constant 0 : i32
      %dma_wait3A_381 = tpu.memref_slice %arg11[%dma_wait3A_373, %dma_wait3A_380] : memref<6x128xi32, #tpu.memory_space<vmem>> -> memref<1x128xi32, #tpu.memory_space<vmem>>
      %dma_wait3A_382 = tpu.memref_squeeze %dma_wait3A_381 : memref<1x128xi32, #tpu.memory_space<vmem>> -> memref<128xi32, #tpu.memory_space<vmem>>
      %dma_wait3A_383 = arith.constant 0 : i32
      %dma_wait3A_384 = tpu.memref_slice %arg4[%arg1, %dma_wait3A_372, %dma_wait3A_383] : memref<16x162x128xi32, #tpu.memory_space<hbm>> -> memref<1x1x128xi32, #tpu.memory_space<hbm>>
      %dma_wait3A_385 = tpu.memref_squeeze %dma_wait3A_384 : memref<1x1x128xi32, #tpu.memory_space<hbm>> -> memref<128xi32, #tpu.memory_space<hbm>>
      tpu.wait_dma2 semaphore(%arg25 : memref<!tpu.dma_semaphore, #tpu.memory_space<semaphore_mem>>) src(%dma_wait3A_385 : memref<128xi32, #tpu.memory_space<hbm>>) dst(%dma_wait3A_382 : memref<128xi32, #tpu.memory_space<vmem>>)
      %scan3A_386 = arith.constant 0 : i32
      %scan3A_387 = arith.constant 0 : i32
      %scan3A_388 = arith.constant 8 : i32
      %scan3A_389 = arith.addi %scan3A_387, %scan3A_388 : i32
      %scan3A_390 = arith.constant 1 : i32
      %scan3A_391 = scf.for %scan3A_459 = %scan3A_387 to %scan3A_389 step %scan3A_390 iter_args(%scan3A_460 = %scan3A_386) -> (i32)  : i32 {
        %mul3A_461 = arith.constant 16 : i32
        %mul3A_462 = arith.muli %scan3A_459, %mul3A_461 : i32
        %get3A = arith.constant 3 : i32
        %get3A_463 = arith.index_cast %get3A : i32 to index
        %get3A_464 = arith.index_cast %mul3A_462 : i32 to index
        %get3A_465 = tpu.vector_load %arg11[%get3A_463, %get3A_464] {strides = array<i32>} : memref<6x128xi32, #tpu.memory_space<vmem>>, vector<16xi32>,
        tpu.vector_store_idx %arg12[%get3A_465], %broadcast_in_dim3A_2 {add = true} : memref<10240xf32, #tpu.memory_space<vmem>>[vector<16xi32>], vector<16xf32>,
        %scan3A_466 = arith.constant 0 : i32
        scf.yield %scan3A_466 : i32
      }
      %scan3A_392 = arith.constant 8 : i32
      %lt3A_393 = arith.constant 26 : i32
      %lt3A_394 = arith.cmpi slt, %scan3A_259, %lt3A_393 : i32
      %convert_element_type3A_395 = arith.extui %lt3A_394 : i1 to i32
      %cond3A_396 = arith.constant 0 : i32
      %cond3A_397 = arith.cmpi ne, %convert_element_type3A_395, %cond3A_396 : i32
      scf.if %cond3A_397 {
        %add3A_459 = arith.constant 4 : i32
        %add3A_460 = arith.addi %add3A_371, %add3A_459 : i32
        %dma_start3A_461 = arith.constant 1 : i32
        %dma_start3A_462 = arith.constant 0 : i32
        %dma_start3A_463 = tpu.memref_slice %arg11[%dma_start3A_461, %dma_start3A_462] : memref<6x128xi32, #tpu.memory_space<vmem>> -> memref<1x128xi32, #tpu.memory_space<vmem>>
        %dma_start3A_464 = tpu.memref_squeeze %dma_start3A_463 : memref<1x128xi32, #tpu.memory_space<vmem>> -> memref<128xi32, #tpu.memory_space<vmem>>
        %dma_start3A_465 = arith.constant 0 : i32
        %dma_start3A_466 = tpu.memref_slice %arg4[%arg1, %add3A_460, %dma_start3A_465] : memref<16x162x128xi32, #tpu.memory_space<hbm>> -> memref<1x1x128xi32, #tpu.memory_space<hbm>>
        %dma_start3A_467 = tpu.memref_squeeze %dma_start3A_466 : memref<1x1x128xi32, #tpu.memory_space<hbm>> -> memref<128xi32, #tpu.memory_space<hbm>>
        %dma_start3A_468 = arith.constant 0 : i32
        %dma_start3A_469 = tpu.memref_slice %arg11[%dma_start3A_461, %dma_start3A_468] : memref<6x128xi32, #tpu.memory_space<vmem>> -> memref<1x128xi32, #tpu.memory_space<vmem>>
        %dma_start3A_470 = tpu.memref_squeeze %dma_start3A_469 : memref<1x128xi32, #tpu.memory_space<vmem>> -> memref<128xi32, #tpu.memory_space<vmem>>
        %dma_start3A_471 = arith.constant 0 : i32
        %dma_start3A_472 = tpu.memref_slice %arg4[%arg1, %add3A_460, %dma_start3A_471] : memref<16x162x128xi32, #tpu.memory_space<hbm>> -> memref<1x1x128xi32, #tpu.memory_space<hbm>>
        %dma_start3A_473 = tpu.memref_squeeze %dma_start3A_472 : memref<1x1x128xi32, #tpu.memory_space<hbm>> -> memref<128xi32, #tpu.memory_space<hbm>>
        tpu.enqueue_dma source(%dma_start3A_473 : memref<128xi32, #tpu.memory_space<hbm>>) target(%dma_start3A_470 : memref<128xi32, #tpu.memory_space<vmem>>) target_semaphore(%arg23 : memref<!tpu.dma_semaphore, #tpu.memory_space<semaphore_mem>>)
      } else {
      }
      %mul3A_398 = arith.constant 6 : i32
      %mul3A_399 = arith.muli %scan3A_259, %mul3A_398 : i32
      %add3A_400 = arith.constant 4 : i32
      %add3A_401 = arith.addi %mul3A_399, %add3A_400 : i32
      %dma_wait3A_402 = arith.constant 0 : i32
      %dma_wait3A_403 = arith.constant 4 : i32
      %dma_wait3A_404 = arith.constant 0 : i32
      %dma_wait3A_405 = tpu.memref_slice %arg11[%dma_wait3A_403, %dma_wait3A_404] : memref<6x128xi32, #tpu.memory_space<vmem>> -> memref<1x128xi32, #tpu.memory_space<vmem>>
      %dma_wait3A_406 = tpu.memref_squeeze %dma_wait3A_405 : memref<1x128xi32, #tpu.memory_space<vmem>> -> memref<128xi32, #tpu.memory_space<vmem>>
      %dma_wait3A_407 = arith.constant 0 : i32
      %dma_wait3A_408 = tpu.memref_slice %arg4[%arg1, %dma_wait3A_402, %dma_wait3A_407] : memref<16x162x128xi32, #tpu.memory_space<hbm>> -> memref<1x1x128xi32, #tpu.memory_space<hbm>>
      %dma_wait3A_409 = tpu.memref_squeeze %dma_wait3A_408 : memref<1x1x128xi32, #tpu.memory_space<hbm>> -> memref<128xi32, #tpu.memory_space<hbm>>
      %dma_wait3A_410 = arith.constant 0 : i32
      %dma_wait3A_411 = tpu.memref_slice %arg11[%dma_wait3A_403, %dma_wait3A_410] : memref<6x128xi32, #tpu.memory_space<vmem>> -> memref<1x128xi32, #tpu.memory_space<vmem>>
      %dma_wait3A_412 = tpu.memref_squeeze %dma_wait3A_411 : memref<1x128xi32, #tpu.memory_space<vmem>> -> memref<128xi32, #tpu.memory_space<vmem>>
      %dma_wait3A_413 = arith.constant 0 : i32
      %dma_wait3A_414 = tpu.memref_slice %arg4[%arg1, %dma_wait3A_402, %dma_wait3A_413] : memref<16x162x128xi32, #tpu.memory_space<hbm>> -> memref<1x1x128xi32, #tpu.memory_space<hbm>>
      %dma_wait3A_415 = tpu.memref_squeeze %dma_wait3A_414 : memref<1x1x128xi32, #tpu.memory_space<hbm>> -> memref<128xi32, #tpu.memory_space<hbm>>
      tpu.wait_dma2 semaphore(%arg26 : memref<!tpu.dma_semaphore, #tpu.memory_space<semaphore_mem>>) src(%dma_wait3A_415 : memref<128xi32, #tpu.memory_space<hbm>>) dst(%dma_wait3A_412 : memref<128xi32, #tpu.memory_space<vmem>>)
      %scan3A_416 = arith.constant 0 : i32
      %scan3A_417 = arith.constant 0 : i32
      %scan3A_418 = arith.constant 8 : i32
      %scan3A_419 = arith.addi %scan3A_417, %scan3A_418 : i32
      %scan3A_420 = arith.constant 1 : i32
      %scan3A_421 = scf.for %scan3A_459 = %scan3A_417 to %scan3A_419 step %scan3A_420 iter_args(%scan3A_460 = %scan3A_416) -> (i32)  : i32 {
        %mul3A_461 = arith.constant 16 : i32
        %mul3A_462 = arith.muli %scan3A_459, %mul3A_461 : i32
        %get3A = arith.constant 4 : i32
        %get3A_463 = arith.index_cast %get3A : i32 to index
        %get3A_464 = arith.index_cast %mul3A_462 : i32 to index
        %get3A_465 = tpu.vector_load %arg11[%get3A_463, %get3A_464] {strides = array<i32>} : memref<6x128xi32, #tpu.memory_space<vmem>>, vector<16xi32>,
        tpu.vector_store_idx %arg12[%get3A_465], %broadcast_in_dim3A_2 {add = true} : memref<10240xf32, #tpu.memory_space<vmem>>[vector<16xi32>], vector<16xf32>,
        %scan3A_466 = arith.constant 0 : i32
        scf.yield %scan3A_466 : i32
      }
      %scan3A_422 = arith.constant 8 : i32
      %lt3A_423 = arith.constant 26 : i32
      %lt3A_424 = arith.cmpi slt, %scan3A_259, %lt3A_423 : i32
      %convert_element_type3A_425 = arith.extui %lt3A_424 : i1 to i32
      %cond3A_426 = arith.constant 0 : i32
      %cond3A_427 = arith.cmpi ne, %convert_element_type3A_425, %cond3A_426 : i32
      scf.if %cond3A_427 {
        %add3A_459 = arith.constant 4 : i32
        %add3A_460 = arith.addi %add3A_401, %add3A_459 : i32
        %dma_start3A_461 = arith.constant 2 : i32
        %dma_start3A_462 = arith.constant 0 : i32
        %dma_start3A_463 = tpu.memref_slice %arg11[%dma_start3A_461, %dma_start3A_462] : memref<6x128xi32, #tpu.memory_space<vmem>> -> memref<1x128xi32, #tpu.memory_space<vmem>>
        %dma_start3A_464 = tpu.memref_squeeze %dma_start3A_463 : memref<1x128xi32, #tpu.memory_space<vmem>> -> memref<128xi32, #tpu.memory_space<vmem>>
        %dma_start3A_465 = arith.constant 0 : i32
        %dma_start3A_466 = tpu.memref_slice %arg4[%arg1, %add3A_460, %dma_start3A_465] : memref<16x162x128xi32, #tpu.memory_space<hbm>> -> memref<1x1x128xi32, #tpu.memory_space<hbm>>
        %dma_start3A_467 = tpu.memref_squeeze %dma_start3A_466 : memref<1x1x128xi32, #tpu.memory_space<hbm>> -> memref<128xi32, #tpu.memory_space<hbm>>
        %dma_start3A_468 = arith.constant 0 : i32
        %dma_start3A_469 = tpu.memref_slice %arg11[%dma_start3A_461, %dma_start3A_468] : memref<6x128xi32, #tpu.memory_space<vmem>> -> memref<1x128xi32, #tpu.memory_space<vmem>>
        %dma_start3A_470 = tpu.memref_squeeze %dma_start3A_469 : memref<1x128xi32, #tpu.memory_space<vmem>> -> memref<128xi32, #tpu.memory_space<vmem>>
        %dma_start3A_471 = arith.constant 0 : i32
        %dma_start3A_472 = tpu.memref_slice %arg4[%arg1, %add3A_460, %dma_start3A_471] : memref<16x162x128xi32, #tpu.memory_space<hbm>> -> memref<1x1x128xi32, #tpu.memory_space<hbm>>
        %dma_start3A_473 = tpu.memref_squeeze %dma_start3A_472 : memref<1x1x128xi32, #tpu.memory_space<hbm>> -> memref<128xi32, #tpu.memory_space<hbm>>
        tpu.enqueue_dma source(%dma_start3A_473 : memref<128xi32, #tpu.memory_space<hbm>>) target(%dma_start3A_470 : memref<128xi32, #tpu.memory_space<vmem>>) target_semaphore(%arg24 : memref<!tpu.dma_semaphore, #tpu.memory_space<semaphore_mem>>)
      } else {
      }
      %mul3A_428 = arith.constant 6 : i32
      %mul3A_429 = arith.muli %scan3A_259, %mul3A_428 : i32
      %add3A_430 = arith.constant 5 : i32
      %add3A_431 = arith.addi %mul3A_429, %add3A_430 : i32
      %dma_wait3A_432 = arith.constant 0 : i32
      %dma_wait3A_433 = arith.constant 5 : i32
      %dma_wait3A_434 = arith.constant 0 : i32
      %dma_wait3A_435 = tpu.memref_slice %arg11[%dma_wait3A_433, %dma_wait3A_434] : memref<6x128xi32, #tpu.memory_space<vmem>> -> memref<1x128xi32, #tpu.memory_space<vmem>>
      %dma_wait3A_436 = tpu.memref_squeeze %dma_wait3A_435 : memref<1x128xi32, #tpu.memory_space<vmem>> -> memref<128xi32, #tpu.memory_space<vmem>>
      %dma_wait3A_437 = arith.constant 0 : i32
      %dma_wait3A_438 = tpu.memref_slice %arg4[%arg1, %dma_wait3A_432, %dma_wait3A_437] : memref<16x162x128xi32, #tpu.memory_space<hbm>> -> memref<1x1x128xi32, #tpu.memory_space<hbm>>
      %dma_wait3A_439 = tpu.memref_squeeze %dma_wait3A_438 : memref<1x1x128xi32, #tpu.memory_space<hbm>> -> memref<128xi32, #tpu.memory_space<hbm>>
      %dma_wait3A_440 = arith.constant 0 : i32
      %dma_wait3A_441 = tpu.memref_slice %arg11[%dma_wait3A_433, %dma_wait3A_440] : memref<6x128xi32, #tpu.memory_space<vmem>> -> memref<1x128xi32, #tpu.memory_space<vmem>>
      %dma_wait3A_442 = tpu.memref_squeeze %dma_wait3A_441 : memref<1x128xi32, #tpu.memory_space<vmem>> -> memref<128xi32, #tpu.memory_space<vmem>>
      %dma_wait3A_443 = arith.constant 0 : i32
      %dma_wait3A_444 = tpu.memref_slice %arg4[%arg1, %dma_wait3A_432, %dma_wait3A_443] : memref<16x162x128xi32, #tpu.memory_space<hbm>> -> memref<1x1x128xi32, #tpu.memory_space<hbm>>
      %dma_wait3A_445 = tpu.memref_squeeze %dma_wait3A_444 : memref<1x1x128xi32, #tpu.memory_space<hbm>> -> memref<128xi32, #tpu.memory_space<hbm>>
      tpu.wait_dma2 semaphore(%arg27 : memref<!tpu.dma_semaphore, #tpu.memory_space<semaphore_mem>>) src(%dma_wait3A_445 : memref<128xi32, #tpu.memory_space<hbm>>) dst(%dma_wait3A_442 : memref<128xi32, #tpu.memory_space<vmem>>)
      %scan3A_446 = arith.constant 0 : i32
      %scan3A_447 = arith.constant 0 : i32
      %scan3A_448 = arith.constant 8 : i32
      %scan3A_449 = arith.addi %scan3A_447, %scan3A_448 : i32
      %scan3A_450 = arith.constant 1 : i32
      %scan3A_451 = scf.for %scan3A_459 = %scan3A_447 to %scan3A_449 step %scan3A_450 iter_args(%scan3A_460 = %scan3A_446) -> (i32)  : i32 {
        %mul3A_461 = arith.constant 16 : i32
        %mul3A_462 = arith.muli %scan3A_459, %mul3A_461 : i32
        %get3A = arith.constant 5 : i32
        %get3A_463 = arith.index_cast %get3A : i32 to index
        %get3A_464 = arith.index_cast %mul3A_462 : i32 to index
        %get3A_465 = tpu.vector_load %arg11[%get3A_463, %get3A_464] {strides = array<i32>} : memref<6x128xi32, #tpu.memory_space<vmem>>, vector<16xi32>,
        tpu.vector_store_idx %arg12[%get3A_465], %broadcast_in_dim3A_2 {add = true} : memref<10240xf32, #tpu.memory_space<vmem>>[vector<16xi32>], vector<16xf32>,
        %scan3A_466 = arith.constant 0 : i32
        scf.yield %scan3A_466 : i32
      }
      %scan3A_452 = arith.constant 8 : i32
      %lt3A_453 = arith.constant 26 : i32
      %lt3A_454 = arith.cmpi slt, %scan3A_259, %lt3A_453 : i32
      %convert_element_type3A_455 = arith.extui %lt3A_454 : i1 to i32
      %cond3A_456 = arith.constant 0 : i32
      %cond3A_457 = arith.cmpi ne, %convert_element_type3A_455, %cond3A_456 : i32
      scf.if %cond3A_457 {
        %add3A_459 = arith.constant 4 : i32
        %add3A_460 = arith.addi %add3A_431, %add3A_459 : i32
        %dma_start3A_461 = arith.constant 3 : i32
        %dma_start3A_462 = arith.constant 0 : i32
        %dma_start3A_463 = tpu.memref_slice %arg11[%dma_start3A_461, %dma_start3A_462] : memref<6x128xi32, #tpu.memory_space<vmem>> -> memref<1x128xi32, #tpu.memory_space<vmem>>
        %dma_start3A_464 = tpu.memref_squeeze %dma_start3A_463 : memref<1x128xi32, #tpu.memory_space<vmem>> -> memref<128xi32, #tpu.memory_space<vmem>>
        %dma_start3A_465 = arith.constant 0 : i32
        %dma_start3A_466 = tpu.memref_slice %arg4[%arg1, %add3A_460, %dma_start3A_465] : memref<16x162x128xi32, #tpu.memory_space<hbm>> -> memref<1x1x128xi32, #tpu.memory_space<hbm>>
        %dma_start3A_467 = tpu.memref_squeeze %dma_start3A_466 : memref<1x1x128xi32, #tpu.memory_space<hbm>> -> memref<128xi32, #tpu.memory_space<hbm>>
        %dma_start3A_468 = arith.constant 0 : i32
        %dma_start3A_469 = tpu.memref_slice %arg11[%dma_start3A_461, %dma_start3A_468] : memref<6x128xi32, #tpu.memory_space<vmem>> -> memref<1x128xi32, #tpu.memory_space<vmem>>
        %dma_start3A_470 = tpu.memref_squeeze %dma_start3A_469 : memref<1x128xi32, #tpu.memory_space<vmem>> -> memref<128xi32, #tpu.memory_space<vmem>>
        %dma_start3A_471 = arith.constant 0 : i32
        %dma_start3A_472 = tpu.memref_slice %arg4[%arg1, %add3A_460, %dma_start3A_471] : memref<16x162x128xi32, #tpu.memory_space<hbm>> -> memref<1x1x128xi32, #tpu.memory_space<hbm>>
        %dma_start3A_473 = tpu.memref_squeeze %dma_start3A_472 : memref<1x1x128xi32, #tpu.memory_space<hbm>> -> memref<128xi32, #tpu.memory_space<hbm>>
        tpu.enqueue_dma source(%dma_start3A_473 : memref<128xi32, #tpu.memory_space<hbm>>) target(%dma_start3A_470 : memref<128xi32, #tpu.memory_space<vmem>>) target_semaphore(%arg25 : memref<!tpu.dma_semaphore, #tpu.memory_space<semaphore_mem>>)
      } else {
      }
      %scan3A_458 = arith.constant 0 : i32
      scf.yield %scan3A_458 : i32
    }
    %scan3A_70 = arith.constant 27 : i32
    "tpu.region"() ({
      %run_scoped3A_259 = tpu.sem_alloc : memref<!tpu.dma_semaphore, #tpu.memory_space<semaphore_mem>>
      %dma_start3A_260 = arith.constant 0 : i32
      %dma_start3A_261 = tpu.memref_slice %arg30[%arg1, %dma_start3A_260] : memref<16x10240xf32, #tpu.memory_space<vmem_shared>> -> memref<1x10240xf32, #tpu.memory_space<vmem_shared>>
      %dma_start3A_262 = tpu.memref_squeeze %dma_start3A_261 : memref<1x10240xf32, #tpu.memory_space<vmem_shared>> -> memref<10240xf32, #tpu.memory_space<vmem_shared>>
      %dma_start3A_263 = arith.constant 0 : i32
      %dma_start3A_264 = tpu.memref_slice %arg30[%arg1, %dma_start3A_263] : memref<16x10240xf32, #tpu.memory_space<vmem_shared>> -> memref<1x10240xf32, #tpu.memory_space<vmem_shared>>
      %dma_start3A_265 = tpu.memref_squeeze %dma_start3A_264 : memref<1x10240xf32, #tpu.memory_space<vmem_shared>> -> memref<10240xf32, #tpu.memory_space<vmem_shared>>
      tpu.enqueue_dma source(%arg12 : memref<10240xf32, #tpu.memory_space<vmem>>) target(%dma_start3A_265 : memref<10240xf32, #tpu.memory_space<vmem_shared>>) target_semaphore(%run_scoped3A_259 : memref<!tpu.dma_semaphore, #tpu.memory_space<semaphore_mem>>)
      %dma_wait3A = arith.constant 0 : i32
      %dma_wait3A_266 = tpu.memref_slice %arg30[%arg1, %dma_wait3A] : memref<16x10240xf32, #tpu.memory_space<vmem_shared>> -> memref<1x10240xf32, #tpu.memory_space<vmem_shared>>
      %dma_wait3A_267 = tpu.memref_squeeze %dma_wait3A_266 : memref<1x10240xf32, #tpu.memory_space<vmem_shared>> -> memref<10240xf32, #tpu.memory_space<vmem_shared>>
      %dma_wait3A_268 = arith.constant 0 : i32
      %dma_wait3A_269 = tpu.memref_slice %arg30[%arg1, %dma_wait3A_268] : memref<16x10240xf32, #tpu.memory_space<vmem_shared>> -> memref<1x10240xf32, #tpu.memory_space<vmem_shared>>
      %dma_wait3A_270 = tpu.memref_squeeze %dma_wait3A_269 : memref<1x10240xf32, #tpu.memory_space<vmem_shared>> -> memref<10240xf32, #tpu.memory_space<vmem_shared>>
      tpu.wait_dma2 semaphore(%run_scoped3A_259 : memref<!tpu.dma_semaphore, #tpu.memory_space<semaphore_mem>>) src(%arg12 : memref<10240xf32, #tpu.memory_space<vmem>>) dst(%dma_wait3A_270 : memref<10240xf32, #tpu.memory_space<vmem_shared>>)
      tpu.yield
    }) : () -> ()
    %barrier3A = arith.constant 0 : index
    tpu.barrier barrier_id(%barrier3A)
    %scan3A_71 = arith.constant 0 : i32
    %scan3A_72 = arith.constant 0 : i32
    %scan3A_73 = arith.constant 40 : i32
    %scan3A_74 = arith.addi %scan3A_72, %scan3A_73 : i32
    %scan3A_75 = arith.constant 1 : i32
    %scan3A_76 = scf.for %scan3A_259 = %scan3A_72 to %scan3A_74 step %scan3A_75 iter_args(%scan3A_260 = %scan3A_71) -> (i32)  : i32 {
      %mul3A_261 = arith.constant 16 : i32
      %mul3A_262 = arith.muli %scan3A_259, %mul3A_261 : i32
      %swap3A = arith.index_cast %mul3A_262 : i32 to index
      %swap3A_263 = tpu.vector_load %arg14[%swap3A] {strides = array<i32>} : memref<640xf32, #tpu.memory_space<vmem>>, vector<16xf32>,
      tpu.vector_store %arg14[%swap3A], %broadcast_in_dim3A_0 {strides = array<i32>} : memref<640xf32, #tpu.memory_space<vmem>>, vector<16xf32>,
      %scan3A_264 = arith.constant 0 : i32
      scf.yield %scan3A_264 : i32
    }
    %scan3A_77 = arith.constant 40 : i32
    %mul3A = arith.constant 640 : i32
    %mul3A_78 = arith.muli %arg1, %mul3A : i32
    %run_scoped3A = arith.constant 0 : i32
    "tpu.region"() ({
      %run_scoped3A_259 = tpu.sem_alloc : memref<!tpu.dma_semaphore, #tpu.memory_space<semaphore_mem>>
      %dma_start3A_260 = tpu.memref_slice %arg30[%run_scoped3A, %mul3A_78] : memref<16x10240xf32, #tpu.memory_space<vmem_shared>> -> memref<1x640xf32, #tpu.memory_space<vmem_shared>>
      %dma_start3A_261 = tpu.memref_squeeze %dma_start3A_260 : memref<1x640xf32, #tpu.memory_space<vmem_shared>> -> memref<640xf32, #tpu.memory_space<vmem_shared>>
      %dma_start3A_262 = tpu.memref_slice %arg30[%run_scoped3A, %mul3A_78] : memref<16x10240xf32, #tpu.memory_space<vmem_shared>> -> memref<1x640xf32, #tpu.memory_space<vmem_shared>>
      %dma_start3A_263 = tpu.memref_squeeze %dma_start3A_262 : memref<1x640xf32, #tpu.memory_space<vmem_shared>> -> memref<640xf32, #tpu.memory_space<vmem_shared>>
      tpu.enqueue_dma source(%dma_start3A_263 : memref<640xf32, #tpu.memory_space<vmem_shared>>) target(%arg13 : memref<640xf32, #tpu.memory_space<vmem>>) target_semaphore(%run_scoped3A_259 : memref<!tpu.dma_semaphore, #tpu.memory_space<semaphore_mem>>)
      %dma_wait3A = tpu.memref_slice %arg30[%run_scoped3A, %mul3A_78] : memref<16x10240xf32, #tpu.memory_space<vmem_shared>> -> memref<1x640xf32, #tpu.memory_space<vmem_shared>>
      %dma_wait3A_264 = tpu.memref_squeeze %dma_wait3A : memref<1x640xf32, #tpu.memory_space<vmem_shared>> -> memref<640xf32, #tpu.memory_space<vmem_shared>>
      %dma_wait3A_265 = tpu.memref_slice %arg30[%run_scoped3A, %mul3A_78] : memref<16x10240xf32, #tpu.memory_space<vmem_shared>> -> memref<1x640xf32, #tpu.memory_space<vmem_shared>>
      %dma_wait3A_266 = tpu.memref_squeeze %dma_wait3A_265 : memref<1x640xf32, #tpu.memory_space<vmem_shared>> -> memref<640xf32, #tpu.memory_space<vmem_shared>>
      tpu.wait_dma2 semaphore(%run_scoped3A_259 : memref<!tpu.dma_semaphore, #tpu.memory_space<semaphore_mem>>) src(%dma_wait3A_266 : memref<640xf32, #tpu.memory_space<vmem_shared>>) dst(%arg13 : memref<640xf32, #tpu.memory_space<vmem>>)
      tpu.yield
    }) : () -> ()
    %scan3A_79 = arith.constant 0 : i32
    %scan3A_80 = arith.constant 0 : i32
    %scan3A_81 = arith.constant 40 : i32
    %scan3A_82 = arith.addi %scan3A_80, %scan3A_81 : i32
    %scan3A_83 = arith.constant 1 : i32
    %scan3A_84 = scf.for %scan3A_259 = %scan3A_80 to %scan3A_82 step %scan3A_83 iter_args(%scan3A_260 = %scan3A_79) -> (i32)  : i32 {
      %mul3A_261 = arith.constant 16 : i32
      %mul3A_262 = arith.muli %scan3A_259, %mul3A_261 : i32
      %get3A = arith.index_cast %mul3A_262 : i32 to index
      %get3A_263 = tpu.vector_load %arg14[%get3A] {strides = array<i32>} : memref<640xf32, #tpu.memory_space<vmem>>, vector<16xf32>,
      %mul3A_264 = arith.constant 16 : i32
      %mul3A_265 = arith.muli %scan3A_259, %mul3A_264 : i32
      %get3A_266 = arith.index_cast %mul3A_265 : i32 to index
      %get3A_267 = tpu.vector_load %arg13[%get3A_266] {strides = array<i32>} : memref<640xf32, #tpu.memory_space<vmem>>, vector<16xf32>,
      %add3A = arith.addf %get3A_263, %get3A_267 : vector<16xf32>
      %mul3A_268 = arith.constant 16 : i32
      %mul3A_269 = arith.muli %scan3A_259, %mul3A_268 : i32
      %swap3A = arith.index_cast %mul3A_269 : i32 to index
      %swap3A_270 = tpu.vector_load %arg14[%swap3A] {strides = array<i32>} : memref<640xf32, #tpu.memory_space<vmem>>, vector<16xf32>,
      tpu.vector_store %arg14[%swap3A], %add3A {strides = array<i32>} : memref<640xf32, #tpu.memory_space<vmem>>, vector<16xf32>,
      %scan3A_271 = arith.constant 0 : i32
      scf.yield %scan3A_271 : i32
    }
    %scan3A_85 = arith.constant 40 : i32
    %mul3A_86 = arith.constant 640 : i32
    %mul3A_87 = arith.muli %arg1, %mul3A_86 : i32
    %run_scoped3A_88 = arith.constant 1 : i32
    "tpu.region"() ({
      %run_scoped3A_259 = tpu.sem_alloc : memref<!tpu.dma_semaphore, #tpu.memory_space<semaphore_mem>>
      %dma_start3A_260 = tpu.memref_slice %arg30[%run_scoped3A_88, %mul3A_87] : memref<16x10240xf32, #tpu.memory_space<vmem_shared>> -> memref<1x640xf32, #tpu.memory_space<vmem_shared>>
      %dma_start3A_261 = tpu.memref_squeeze %dma_start3A_260 : memref<1x640xf32, #tpu.memory_space<vmem_shared>> -> memref<640xf32, #tpu.memory_space<vmem_shared>>
      %dma_start3A_262 = tpu.memref_slice %arg30[%run_scoped3A_88, %mul3A_87] : memref<16x10240xf32, #tpu.memory_space<vmem_shared>> -> memref<1x640xf32, #tpu.memory_space<vmem_shared>>
      %dma_start3A_263 = tpu.memref_squeeze %dma_start3A_262 : memref<1x640xf32, #tpu.memory_space<vmem_shared>> -> memref<640xf32, #tpu.memory_space<vmem_shared>>
      tpu.enqueue_dma source(%dma_start3A_263 : memref<640xf32, #tpu.memory_space<vmem_shared>>) target(%arg13 : memref<640xf32, #tpu.memory_space<vmem>>) target_semaphore(%run_scoped3A_259 : memref<!tpu.dma_semaphore, #tpu.memory_space<semaphore_mem>>)
      %dma_wait3A = tpu.memref_slice %arg30[%run_scoped3A_88, %mul3A_87] : memref<16x10240xf32, #tpu.memory_space<vmem_shared>> -> memref<1x640xf32, #tpu.memory_space<vmem_shared>>
      %dma_wait3A_264 = tpu.memref_squeeze %dma_wait3A : memref<1x640xf32, #tpu.memory_space<vmem_shared>> -> memref<640xf32, #tpu.memory_space<vmem_shared>>
      %dma_wait3A_265 = tpu.memref_slice %arg30[%run_scoped3A_88, %mul3A_87] : memref<16x10240xf32, #tpu.memory_space<vmem_shared>> -> memref<1x640xf32, #tpu.memory_space<vmem_shared>>
      %dma_wait3A_266 = tpu.memref_squeeze %dma_wait3A_265 : memref<1x640xf32, #tpu.memory_space<vmem_shared>> -> memref<640xf32, #tpu.memory_space<vmem_shared>>
      tpu.wait_dma2 semaphore(%run_scoped3A_259 : memref<!tpu.dma_semaphore, #tpu.memory_space<semaphore_mem>>) src(%dma_wait3A_266 : memref<640xf32, #tpu.memory_space<vmem_shared>>) dst(%arg13 : memref<640xf32, #tpu.memory_space<vmem>>)
      tpu.yield
    }) : () -> ()
    %scan3A_89 = arith.constant 0 : i32
    %scan3A_90 = arith.constant 0 : i32
    %scan3A_91 = arith.constant 40 : i32
    %scan3A_92 = arith.addi %scan3A_90, %scan3A_91 : i32
    %scan3A_93 = arith.constant 1 : i32
    %scan3A_94 = scf.for %scan3A_259 = %scan3A_90 to %scan3A_92 step %scan3A_93 iter_args(%scan3A_260 = %scan3A_89) -> (i32)  : i32 {
      %mul3A_261 = arith.constant 16 : i32
      %mul3A_262 = arith.muli %scan3A_259, %mul3A_261 : i32
      %get3A = arith.index_cast %mul3A_262 : i32 to index
      %get3A_263 = tpu.vector_load %arg14[%get3A] {strides = array<i32>} : memref<640xf32, #tpu.memory_space<vmem>>, vector<16xf32>,
      %mul3A_264 = arith.constant 16 : i32
      %mul3A_265 = arith.muli %scan3A_259, %mul3A_264 : i32
      %get3A_266 = arith.index_cast %mul3A_265 : i32 to index
      %get3A_267 = tpu.vector_load %arg13[%get3A_266] {strides = array<i32>} : memref<640xf32, #tpu.memory_space<vmem>>, vector<16xf32>,
      %add3A = arith.addf %get3A_263, %get3A_267 : vector<16xf32>
      %mul3A_268 = arith.constant 16 : i32
      %mul3A_269 = arith.muli %scan3A_259, %mul3A_268 : i32
      %swap3A = arith.index_cast %mul3A_269 : i32 to index
      %swap3A_270 = tpu.vector_load %arg14[%swap3A] {strides = array<i32>} : memref<640xf32, #tpu.memory_space<vmem>>, vector<16xf32>,
      tpu.vector_store %arg14[%swap3A], %add3A {strides = array<i32>} : memref<640xf32, #tpu.memory_space<vmem>>, vector<16xf32>,
      %scan3A_271 = arith.constant 0 : i32
      scf.yield %scan3A_271 : i32
    }
    %scan3A_95 = arith.constant 40 : i32
    %mul3A_96 = arith.constant 640 : i32
    %mul3A_97 = arith.muli %arg1, %mul3A_96 : i32
    %run_scoped3A_98 = arith.constant 2 : i32
    "tpu.region"() ({
      %run_scoped3A_259 = tpu.sem_alloc : memref<!tpu.dma_semaphore, #tpu.memory_space<semaphore_mem>>
      %dma_start3A_260 = tpu.memref_slice %arg30[%run_scoped3A_98, %mul3A_97] : memref<16x10240xf32, #tpu.memory_space<vmem_shared>> -> memref<1x640xf32, #tpu.memory_space<vmem_shared>>
      %dma_start3A_261 = tpu.memref_squeeze %dma_start3A_260 : memref<1x640xf32, #tpu.memory_space<vmem_shared>> -> memref<640xf32, #tpu.memory_space<vmem_shared>>
      %dma_start3A_262 = tpu.memref_slice %arg30[%run_scoped3A_98, %mul3A_97] : memref<16x10240xf32, #tpu.memory_space<vmem_shared>> -> memref<1x640xf32, #tpu.memory_space<vmem_shared>>
      %dma_start3A_263 = tpu.memref_squeeze %dma_start3A_262 : memref<1x640xf32, #tpu.memory_space<vmem_shared>> -> memref<640xf32, #tpu.memory_space<vmem_shared>>
      tpu.enqueue_dma source(%dma_start3A_263 : memref<640xf32, #tpu.memory_space<vmem_shared>>) target(%arg13 : memref<640xf32, #tpu.memory_space<vmem>>) target_semaphore(%run_scoped3A_259 : memref<!tpu.dma_semaphore, #tpu.memory_space<semaphore_mem>>)
      %dma_wait3A = tpu.memref_slice %arg30[%run_scoped3A_98, %mul3A_97] : memref<16x10240xf32, #tpu.memory_space<vmem_shared>> -> memref<1x640xf32, #tpu.memory_space<vmem_shared>>
      %dma_wait3A_264 = tpu.memref_squeeze %dma_wait3A : memref<1x640xf32, #tpu.memory_space<vmem_shared>> -> memref<640xf32, #tpu.memory_space<vmem_shared>>
      %dma_wait3A_265 = tpu.memref_slice %arg30[%run_scoped3A_98, %mul3A_97] : memref<16x10240xf32, #tpu.memory_space<vmem_shared>> -> memref<1x640xf32, #tpu.memory_space<vmem_shared>>
      %dma_wait3A_266 = tpu.memref_squeeze %dma_wait3A_265 : memref<1x640xf32, #tpu.memory_space<vmem_shared>> -> memref<640xf32, #tpu.memory_space<vmem_shared>>
      tpu.wait_dma2 semaphore(%run_scoped3A_259 : memref<!tpu.dma_semaphore, #tpu.memory_space<semaphore_mem>>) src(%dma_wait3A_266 : memref<640xf32, #tpu.memory_space<vmem_shared>>) dst(%arg13 : memref<640xf32, #tpu.memory_space<vmem>>)
      tpu.yield
    }) : () -> ()
    %scan3A_99 = arith.constant 0 : i32
    %scan3A_100 = arith.constant 0 : i32
    %scan3A_101 = arith.constant 40 : i32
    %scan3A_102 = arith.addi %scan3A_100, %scan3A_101 : i32
    %scan3A_103 = arith.constant 1 : i32
    %scan3A_104 = scf.for %scan3A_259 = %scan3A_100 to %scan3A_102 step %scan3A_103 iter_args(%scan3A_260 = %scan3A_99) -> (i32)  : i32 {
      %mul3A_261 = arith.constant 16 : i32
      %mul3A_262 = arith.muli %scan3A_259, %mul3A_261 : i32
      %get3A = arith.index_cast %mul3A_262 : i32 to index
      %get3A_263 = tpu.vector_load %arg14[%get3A] {strides = array<i32>} : memref<640xf32, #tpu.memory_space<vmem>>, vector<16xf32>,
      %mul3A_264 = arith.constant 16 : i32
      %mul3A_265 = arith.muli %scan3A_259, %mul3A_264 : i32
      %get3A_266 = arith.index_cast %mul3A_265 : i32 to index
      %get3A_267 = tpu.vector_load %arg13[%get3A_266] {strides = array<i32>} : memref<640xf32, #tpu.memory_space<vmem>>, vector<16xf32>,
      %add3A = arith.addf %get3A_263, %get3A_267 : vector<16xf32>
      %mul3A_268 = arith.constant 16 : i32
      %mul3A_269 = arith.muli %scan3A_259, %mul3A_268 : i32
      %swap3A = arith.index_cast %mul3A_269 : i32 to index
      %swap3A_270 = tpu.vector_load %arg14[%swap3A] {strides = array<i32>} : memref<640xf32, #tpu.memory_space<vmem>>, vector<16xf32>,
      tpu.vector_store %arg14[%swap3A], %add3A {strides = array<i32>} : memref<640xf32, #tpu.memory_space<vmem>>, vector<16xf32>,
      %scan3A_271 = arith.constant 0 : i32
      scf.yield %scan3A_271 : i32
    }
    %scan3A_105 = arith.constant 40 : i32
    %mul3A_106 = arith.constant 640 : i32
    %mul3A_107 = arith.muli %arg1, %mul3A_106 : i32
    %run_scoped3A_108 = arith.constant 3 : i32
    "tpu.region"() ({
      %run_scoped3A_259 = tpu.sem_alloc : memref<!tpu.dma_semaphore, #tpu.memory_space<semaphore_mem>>
      %dma_start3A_260 = tpu.memref_slice %arg30[%run_scoped3A_108, %mul3A_107] : memref<16x10240xf32, #tpu.memory_space<vmem_shared>> -> memref<1x640xf32, #tpu.memory_space<vmem_shared>>
      %dma_start3A_261 = tpu.memref_squeeze %dma_start3A_260 : memref<1x640xf32, #tpu.memory_space<vmem_shared>> -> memref<640xf32, #tpu.memory_space<vmem_shared>>
      %dma_start3A_262 = tpu.memref_slice %arg30[%run_scoped3A_108, %mul3A_107] : memref<16x10240xf32, #tpu.memory_space<vmem_shared>> -> memref<1x640xf32, #tpu.memory_space<vmem_shared>>
      %dma_start3A_263 = tpu.memref_squeeze %dma_start3A_262 : memref<1x640xf32, #tpu.memory_space<vmem_shared>> -> memref<640xf32, #tpu.memory_space<vmem_shared>>
      tpu.enqueue_dma source(%dma_start3A_263 : memref<640xf32, #tpu.memory_space<vmem_shared>>) target(%arg13 : memref<640xf32, #tpu.memory_space<vmem>>) target_semaphore(%run_scoped3A_259 : memref<!tpu.dma_semaphore, #tpu.memory_space<semaphore_mem>>)
      %dma_wait3A = tpu.memref_slice %arg30[%run_scoped3A_108, %mul3A_107] : memref<16x10240xf32, #tpu.memory_space<vmem_shared>> -> memref<1x640xf32, #tpu.memory_space<vmem_shared>>
      %dma_wait3A_264 = tpu.memref_squeeze %dma_wait3A : memref<1x640xf32, #tpu.memory_space<vmem_shared>> -> memref<640xf32, #tpu.memory_space<vmem_shared>>
      %dma_wait3A_265 = tpu.memref_slice %arg30[%run_scoped3A_108, %mul3A_107] : memref<16x10240xf32, #tpu.memory_space<vmem_shared>> -> memref<1x640xf32, #tpu.memory_space<vmem_shared>>
      %dma_wait3A_266 = tpu.memref_squeeze %dma_wait3A_265 : memref<1x640xf32, #tpu.memory_space<vmem_shared>> -> memref<640xf32, #tpu.memory_space<vmem_shared>>
      tpu.wait_dma2 semaphore(%run_scoped3A_259 : memref<!tpu.dma_semaphore, #tpu.memory_space<semaphore_mem>>) src(%dma_wait3A_266 : memref<640xf32, #tpu.memory_space<vmem_shared>>) dst(%arg13 : memref<640xf32, #tpu.memory_space<vmem>>)
      tpu.yield
    }) : () -> ()
    %scan3A_109 = arith.constant 0 : i32
    %scan3A_110 = arith.constant 0 : i32
    %scan3A_111 = arith.constant 40 : i32
    %scan3A_112 = arith.addi %scan3A_110, %scan3A_111 : i32
    %scan3A_113 = arith.constant 1 : i32
    %scan3A_114 = scf.for %scan3A_259 = %scan3A_110 to %scan3A_112 step %scan3A_113 iter_args(%scan3A_260 = %scan3A_109) -> (i32)  : i32 {
      %mul3A_261 = arith.constant 16 : i32
      %mul3A_262 = arith.muli %scan3A_259, %mul3A_261 : i32
      %get3A = arith.index_cast %mul3A_262 : i32 to index
      %get3A_263 = tpu.vector_load %arg14[%get3A] {strides = array<i32>} : memref<640xf32, #tpu.memory_space<vmem>>, vector<16xf32>,
      %mul3A_264 = arith.constant 16 : i32
      %mul3A_265 = arith.muli %scan3A_259, %mul3A_264 : i32
      %get3A_266 = arith.index_cast %mul3A_265 : i32 to index
      %get3A_267 = tpu.vector_load %arg13[%get3A_266] {strides = array<i32>} : memref<640xf32, #tpu.memory_space<vmem>>, vector<16xf32>,
      %add3A = arith.addf %get3A_263, %get3A_267 : vector<16xf32>
      %mul3A_268 = arith.constant 16 : i32
      %mul3A_269 = arith.muli %scan3A_259, %mul3A_268 : i32
      %swap3A = arith.index_cast %mul3A_269 : i32 to index
      %swap3A_270 = tpu.vector_load %arg14[%swap3A] {strides = array<i32>} : memref<640xf32, #tpu.memory_space<vmem>>, vector<16xf32>,
      tpu.vector_store %arg14[%swap3A], %add3A {strides = array<i32>} : memref<640xf32, #tpu.memory_space<vmem>>, vector<16xf32>,
      %scan3A_271 = arith.constant 0 : i32
      scf.yield %scan3A_271 : i32
    }
    %scan3A_115 = arith.constant 40 : i32
    %mul3A_116 = arith.constant 640 : i32
    %mul3A_117 = arith.muli %arg1, %mul3A_116 : i32
    %run_scoped3A_118 = arith.constant 4 : i32
    "tpu.region"() ({
      %run_scoped3A_259 = tpu.sem_alloc : memref<!tpu.dma_semaphore, #tpu.memory_space<semaphore_mem>>
      %dma_start3A_260 = tpu.memref_slice %arg30[%run_scoped3A_118, %mul3A_117] : memref<16x10240xf32, #tpu.memory_space<vmem_shared>> -> memref<1x640xf32, #tpu.memory_space<vmem_shared>>
      %dma_start3A_261 = tpu.memref_squeeze %dma_start3A_260 : memref<1x640xf32, #tpu.memory_space<vmem_shared>> -> memref<640xf32, #tpu.memory_space<vmem_shared>>
      %dma_start3A_262 = tpu.memref_slice %arg30[%run_scoped3A_118, %mul3A_117] : memref<16x10240xf32, #tpu.memory_space<vmem_shared>> -> memref<1x640xf32, #tpu.memory_space<vmem_shared>>
      %dma_start3A_263 = tpu.memref_squeeze %dma_start3A_262 : memref<1x640xf32, #tpu.memory_space<vmem_shared>> -> memref<640xf32, #tpu.memory_space<vmem_shared>>
      tpu.enqueue_dma source(%dma_start3A_263 : memref<640xf32, #tpu.memory_space<vmem_shared>>) target(%arg13 : memref<640xf32, #tpu.memory_space<vmem>>) target_semaphore(%run_scoped3A_259 : memref<!tpu.dma_semaphore, #tpu.memory_space<semaphore_mem>>)
      %dma_wait3A = tpu.memref_slice %arg30[%run_scoped3A_118, %mul3A_117] : memref<16x10240xf32, #tpu.memory_space<vmem_shared>> -> memref<1x640xf32, #tpu.memory_space<vmem_shared>>
      %dma_wait3A_264 = tpu.memref_squeeze %dma_wait3A : memref<1x640xf32, #tpu.memory_space<vmem_shared>> -> memref<640xf32, #tpu.memory_space<vmem_shared>>
      %dma_wait3A_265 = tpu.memref_slice %arg30[%run_scoped3A_118, %mul3A_117] : memref<16x10240xf32, #tpu.memory_space<vmem_shared>> -> memref<1x640xf32, #tpu.memory_space<vmem_shared>>
      %dma_wait3A_266 = tpu.memref_squeeze %dma_wait3A_265 : memref<1x640xf32, #tpu.memory_space<vmem_shared>> -> memref<640xf32, #tpu.memory_space<vmem_shared>>
      tpu.wait_dma2 semaphore(%run_scoped3A_259 : memref<!tpu.dma_semaphore, #tpu.memory_space<semaphore_mem>>) src(%dma_wait3A_266 : memref<640xf32, #tpu.memory_space<vmem_shared>>) dst(%arg13 : memref<640xf32, #tpu.memory_space<vmem>>)
      tpu.yield
    }) : () -> ()
    %scan3A_119 = arith.constant 0 : i32
    %scan3A_120 = arith.constant 0 : i32
    %scan3A_121 = arith.constant 40 : i32
    %scan3A_122 = arith.addi %scan3A_120, %scan3A_121 : i32
    %scan3A_123 = arith.constant 1 : i32
    %scan3A_124 = scf.for %scan3A_259 = %scan3A_120 to %scan3A_122 step %scan3A_123 iter_args(%scan3A_260 = %scan3A_119) -> (i32)  : i32 {
      %mul3A_261 = arith.constant 16 : i32
      %mul3A_262 = arith.muli %scan3A_259, %mul3A_261 : i32
      %get3A = arith.index_cast %mul3A_262 : i32 to index
      %get3A_263 = tpu.vector_load %arg14[%get3A] {strides = array<i32>} : memref<640xf32, #tpu.memory_space<vmem>>, vector<16xf32>,
      %mul3A_264 = arith.constant 16 : i32
      %mul3A_265 = arith.muli %scan3A_259, %mul3A_264 : i32
      %get3A_266 = arith.index_cast %mul3A_265 : i32 to index
      %get3A_267 = tpu.vector_load %arg13[%get3A_266] {strides = array<i32>} : memref<640xf32, #tpu.memory_space<vmem>>, vector<16xf32>,
      %add3A = arith.addf %get3A_263, %get3A_267 : vector<16xf32>
      %mul3A_268 = arith.constant 16 : i32
      %mul3A_269 = arith.muli %scan3A_259, %mul3A_268 : i32
      %swap3A = arith.index_cast %mul3A_269 : i32 to index
      %swap3A_270 = tpu.vector_load %arg14[%swap3A] {strides = array<i32>} : memref<640xf32, #tpu.memory_space<vmem>>, vector<16xf32>,
      tpu.vector_store %arg14[%swap3A], %add3A {strides = array<i32>} : memref<640xf32, #tpu.memory_space<vmem>>, vector<16xf32>,
      %scan3A_271 = arith.constant 0 : i32
      scf.yield %scan3A_271 : i32
    }
    %scan3A_125 = arith.constant 40 : i32
    %mul3A_126 = arith.constant 640 : i32
    %mul3A_127 = arith.muli %arg1, %mul3A_126 : i32
    %run_scoped3A_128 = arith.constant 5 : i32
    "tpu.region"() ({
      %run_scoped3A_259 = tpu.sem_alloc : memref<!tpu.dma_semaphore, #tpu.memory_space<semaphore_mem>>
      %dma_start3A_260 = tpu.memref_slice %arg30[%run_scoped3A_128, %mul3A_127] : memref<16x10240xf32, #tpu.memory_space<vmem_shared>> -> memref<1x640xf32, #tpu.memory_space<vmem_shared>>
      %dma_start3A_261 = tpu.memref_squeeze %dma_start3A_260 : memref<1x640xf32, #tpu.memory_space<vmem_shared>> -> memref<640xf32, #tpu.memory_space<vmem_shared>>
      %dma_start3A_262 = tpu.memref_slice %arg30[%run_scoped3A_128, %mul3A_127] : memref<16x10240xf32, #tpu.memory_space<vmem_shared>> -> memref<1x640xf32, #tpu.memory_space<vmem_shared>>
      %dma_start3A_263 = tpu.memref_squeeze %dma_start3A_262 : memref<1x640xf32, #tpu.memory_space<vmem_shared>> -> memref<640xf32, #tpu.memory_space<vmem_shared>>
      tpu.enqueue_dma source(%dma_start3A_263 : memref<640xf32, #tpu.memory_space<vmem_shared>>) target(%arg13 : memref<640xf32, #tpu.memory_space<vmem>>) target_semaphore(%run_scoped3A_259 : memref<!tpu.dma_semaphore, #tpu.memory_space<semaphore_mem>>)
      %dma_wait3A = tpu.memref_slice %arg30[%run_scoped3A_128, %mul3A_127] : memref<16x10240xf32, #tpu.memory_space<vmem_shared>> -> memref<1x640xf32, #tpu.memory_space<vmem_shared>>
      %dma_wait3A_264 = tpu.memref_squeeze %dma_wait3A : memref<1x640xf32, #tpu.memory_space<vmem_shared>> -> memref<640xf32, #tpu.memory_space<vmem_shared>>
      %dma_wait3A_265 = tpu.memref_slice %arg30[%run_scoped3A_128, %mul3A_127] : memref<16x10240xf32, #tpu.memory_space<vmem_shared>> -> memref<1x640xf32, #tpu.memory_space<vmem_shared>>
      %dma_wait3A_266 = tpu.memref_squeeze %dma_wait3A_265 : memref<1x640xf32, #tpu.memory_space<vmem_shared>> -> memref<640xf32, #tpu.memory_space<vmem_shared>>
      tpu.wait_dma2 semaphore(%run_scoped3A_259 : memref<!tpu.dma_semaphore, #tpu.memory_space<semaphore_mem>>) src(%dma_wait3A_266 : memref<640xf32, #tpu.memory_space<vmem_shared>>) dst(%arg13 : memref<640xf32, #tpu.memory_space<vmem>>)
      tpu.yield
    }) : () -> ()
    %scan3A_129 = arith.constant 0 : i32
    %scan3A_130 = arith.constant 0 : i32
    %scan3A_131 = arith.constant 40 : i32
    %scan3A_132 = arith.addi %scan3A_130, %scan3A_131 : i32
    %scan3A_133 = arith.constant 1 : i32
    %scan3A_134 = scf.for %scan3A_259 = %scan3A_130 to %scan3A_132 step %scan3A_133 iter_args(%scan3A_260 = %scan3A_129) -> (i32)  : i32 {
      %mul3A_261 = arith.constant 16 : i32
      %mul3A_262 = arith.muli %scan3A_259, %mul3A_261 : i32
      %get3A = arith.index_cast %mul3A_262 : i32 to index
      %get3A_263 = tpu.vector_load %arg14[%get3A] {strides = array<i32>} : memref<640xf32, #tpu.memory_space<vmem>>, vector<16xf32>,
      %mul3A_264 = arith.constant 16 : i32
      %mul3A_265 = arith.muli %scan3A_259, %mul3A_264 : i32
      %get3A_266 = arith.index_cast %mul3A_265 : i32 to index
      %get3A_267 = tpu.vector_load %arg13[%get3A_266] {strides = array<i32>} : memref<640xf32, #tpu.memory_space<vmem>>, vector<16xf32>,
      %add3A = arith.addf %get3A_263, %get3A_267 : vector<16xf32>
      %mul3A_268 = arith.constant 16 : i32
      %mul3A_269 = arith.muli %scan3A_259, %mul3A_268 : i32
      %swap3A = arith.index_cast %mul3A_269 : i32 to index
      %swap3A_270 = tpu.vector_load %arg14[%swap3A] {strides = array<i32>} : memref<640xf32, #tpu.memory_space<vmem>>, vector<16xf32>,
      tpu.vector_store %arg14[%swap3A], %add3A {strides = array<i32>} : memref<640xf32, #tpu.memory_space<vmem>>, vector<16xf32>,
      %scan3A_271 = arith.constant 0 : i32
      scf.yield %scan3A_271 : i32
    }
    %scan3A_135 = arith.constant 40 : i32
    %mul3A_136 = arith.constant 640 : i32
    %mul3A_137 = arith.muli %arg1, %mul3A_136 : i32
    %run_scoped3A_138 = arith.constant 6 : i32
    "tpu.region"() ({
      %run_scoped3A_259 = tpu.sem_alloc : memref<!tpu.dma_semaphore, #tpu.memory_space<semaphore_mem>>
      %dma_start3A_260 = tpu.memref_slice %arg30[%run_scoped3A_138, %mul3A_137] : memref<16x10240xf32, #tpu.memory_space<vmem_shared>> -> memref<1x640xf32, #tpu.memory_space<vmem_shared>>
      %dma_start3A_261 = tpu.memref_squeeze %dma_start3A_260 : memref<1x640xf32, #tpu.memory_space<vmem_shared>> -> memref<640xf32, #tpu.memory_space<vmem_shared>>
      %dma_start3A_262 = tpu.memref_slice %arg30[%run_scoped3A_138, %mul3A_137] : memref<16x10240xf32, #tpu.memory_space<vmem_shared>> -> memref<1x640xf32, #tpu.memory_space<vmem_shared>>
      %dma_start3A_263 = tpu.memref_squeeze %dma_start3A_262 : memref<1x640xf32, #tpu.memory_space<vmem_shared>> -> memref<640xf32, #tpu.memory_space<vmem_shared>>
      tpu.enqueue_dma source(%dma_start3A_263 : memref<640xf32, #tpu.memory_space<vmem_shared>>) target(%arg13 : memref<640xf32, #tpu.memory_space<vmem>>) target_semaphore(%run_scoped3A_259 : memref<!tpu.dma_semaphore, #tpu.memory_space<semaphore_mem>>)
      %dma_wait3A = tpu.memref_slice %arg30[%run_scoped3A_138, %mul3A_137] : memref<16x10240xf32, #tpu.memory_space<vmem_shared>> -> memref<1x640xf32, #tpu.memory_space<vmem_shared>>
      %dma_wait3A_264 = tpu.memref_squeeze %dma_wait3A : memref<1x640xf32, #tpu.memory_space<vmem_shared>> -> memref<640xf32, #tpu.memory_space<vmem_shared>>
      %dma_wait3A_265 = tpu.memref_slice %arg30[%run_scoped3A_138, %mul3A_137] : memref<16x10240xf32, #tpu.memory_space<vmem_shared>> -> memref<1x640xf32, #tpu.memory_space<vmem_shared>>
      %dma_wait3A_266 = tpu.memref_squeeze %dma_wait3A_265 : memref<1x640xf32, #tpu.memory_space<vmem_shared>> -> memref<640xf32, #tpu.memory_space<vmem_shared>>
      tpu.wait_dma2 semaphore(%run_scoped3A_259 : memref<!tpu.dma_semaphore, #tpu.memory_space<semaphore_mem>>) src(%dma_wait3A_266 : memref<640xf32, #tpu.memory_space<vmem_shared>>) dst(%arg13 : memref<640xf32, #tpu.memory_space<vmem>>)
      tpu.yield
    }) : () -> ()
    %scan3A_139 = arith.constant 0 : i32
    %scan3A_140 = arith.constant 0 : i32
    %scan3A_141 = arith.constant 40 : i32
    %scan3A_142 = arith.addi %scan3A_140, %scan3A_141 : i32
    %scan3A_143 = arith.constant 1 : i32
    %scan3A_144 = scf.for %scan3A_259 = %scan3A_140 to %scan3A_142 step %scan3A_143 iter_args(%scan3A_260 = %scan3A_139) -> (i32)  : i32 {
      %mul3A_261 = arith.constant 16 : i32
      %mul3A_262 = arith.muli %scan3A_259, %mul3A_261 : i32
      %get3A = arith.index_cast %mul3A_262 : i32 to index
      %get3A_263 = tpu.vector_load %arg14[%get3A] {strides = array<i32>} : memref<640xf32, #tpu.memory_space<vmem>>, vector<16xf32>,
      %mul3A_264 = arith.constant 16 : i32
      %mul3A_265 = arith.muli %scan3A_259, %mul3A_264 : i32
      %get3A_266 = arith.index_cast %mul3A_265 : i32 to index
      %get3A_267 = tpu.vector_load %arg13[%get3A_266] {strides = array<i32>} : memref<640xf32, #tpu.memory_space<vmem>>, vector<16xf32>,
      %add3A = arith.addf %get3A_263, %get3A_267 : vector<16xf32>
      %mul3A_268 = arith.constant 16 : i32
      %mul3A_269 = arith.muli %scan3A_259, %mul3A_268 : i32
      %swap3A = arith.index_cast %mul3A_269 : i32 to index
      %swap3A_270 = tpu.vector_load %arg14[%swap3A] {strides = array<i32>} : memref<640xf32, #tpu.memory_space<vmem>>, vector<16xf32>,
      tpu.vector_store %arg14[%swap3A], %add3A {strides = array<i32>} : memref<640xf32, #tpu.memory_space<vmem>>, vector<16xf32>,
      %scan3A_271 = arith.constant 0 : i32
      scf.yield %scan3A_271 : i32
    }
    %scan3A_145 = arith.constant 40 : i32
    %mul3A_146 = arith.constant 640 : i32
    %mul3A_147 = arith.muli %arg1, %mul3A_146 : i32
    %run_scoped3A_148 = arith.constant 7 : i32
    "tpu.region"() ({
      %run_scoped3A_259 = tpu.sem_alloc : memref<!tpu.dma_semaphore, #tpu.memory_space<semaphore_mem>>
      %dma_start3A_260 = tpu.memref_slice %arg30[%run_scoped3A_148, %mul3A_147] : memref<16x10240xf32, #tpu.memory_space<vmem_shared>> -> memref<1x640xf32, #tpu.memory_space<vmem_shared>>
      %dma_start3A_261 = tpu.memref_squeeze %dma_start3A_260 : memref<1x640xf32, #tpu.memory_space<vmem_shared>> -> memref<640xf32, #tpu.memory_space<vmem_shared>>
      %dma_start3A_262 = tpu.memref_slice %arg30[%run_scoped3A_148, %mul3A_147] : memref<16x10240xf32, #tpu.memory_space<vmem_shared>> -> memref<1x640xf32, #tpu.memory_space<vmem_shared>>
      %dma_start3A_263 = tpu.memref_squeeze %dma_start3A_262 : memref<1x640xf32, #tpu.memory_space<vmem_shared>> -> memref<640xf32, #tpu.memory_space<vmem_shared>>
      tpu.enqueue_dma source(%dma_start3A_263 : memref<640xf32, #tpu.memory_space<vmem_shared>>) target(%arg13 : memref<640xf32, #tpu.memory_space<vmem>>) target_semaphore(%run_scoped3A_259 : memref<!tpu.dma_semaphore, #tpu.memory_space<semaphore_mem>>)
      %dma_wait3A = tpu.memref_slice %arg30[%run_scoped3A_148, %mul3A_147] : memref<16x10240xf32, #tpu.memory_space<vmem_shared>> -> memref<1x640xf32, #tpu.memory_space<vmem_shared>>
      %dma_wait3A_264 = tpu.memref_squeeze %dma_wait3A : memref<1x640xf32, #tpu.memory_space<vmem_shared>> -> memref<640xf32, #tpu.memory_space<vmem_shared>>
      %dma_wait3A_265 = tpu.memref_slice %arg30[%run_scoped3A_148, %mul3A_147] : memref<16x10240xf32, #tpu.memory_space<vmem_shared>> -> memref<1x640xf32, #tpu.memory_space<vmem_shared>>
      %dma_wait3A_266 = tpu.memref_squeeze %dma_wait3A_265 : memref<1x640xf32, #tpu.memory_space<vmem_shared>> -> memref<640xf32, #tpu.memory_space<vmem_shared>>
      tpu.wait_dma2 semaphore(%run_scoped3A_259 : memref<!tpu.dma_semaphore, #tpu.memory_space<semaphore_mem>>) src(%dma_wait3A_266 : memref<640xf32, #tpu.memory_space<vmem_shared>>) dst(%arg13 : memref<640xf32, #tpu.memory_space<vmem>>)
      tpu.yield
    }) : () -> ()
    %scan3A_149 = arith.constant 0 : i32
    %scan3A_150 = arith.constant 0 : i32
    %scan3A_151 = arith.constant 40 : i32
    %scan3A_152 = arith.addi %scan3A_150, %scan3A_151 : i32
    %scan3A_153 = arith.constant 1 : i32
    %scan3A_154 = scf.for %scan3A_259 = %scan3A_150 to %scan3A_152 step %scan3A_153 iter_args(%scan3A_260 = %scan3A_149) -> (i32)  : i32 {
      %mul3A_261 = arith.constant 16 : i32
      %mul3A_262 = arith.muli %scan3A_259, %mul3A_261 : i32
      %get3A = arith.index_cast %mul3A_262 : i32 to index
      %get3A_263 = tpu.vector_load %arg14[%get3A] {strides = array<i32>} : memref<640xf32, #tpu.memory_space<vmem>>, vector<16xf32>,
      %mul3A_264 = arith.constant 16 : i32
      %mul3A_265 = arith.muli %scan3A_259, %mul3A_264 : i32
      %get3A_266 = arith.index_cast %mul3A_265 : i32 to index
      %get3A_267 = tpu.vector_load %arg13[%get3A_266] {strides = array<i32>} : memref<640xf32, #tpu.memory_space<vmem>>, vector<16xf32>,
      %add3A = arith.addf %get3A_263, %get3A_267 : vector<16xf32>
      %mul3A_268 = arith.constant 16 : i32
      %mul3A_269 = arith.muli %scan3A_259, %mul3A_268 : i32
      %swap3A = arith.index_cast %mul3A_269 : i32 to index
      %swap3A_270 = tpu.vector_load %arg14[%swap3A] {strides = array<i32>} : memref<640xf32, #tpu.memory_space<vmem>>, vector<16xf32>,
      tpu.vector_store %arg14[%swap3A], %add3A {strides = array<i32>} : memref<640xf32, #tpu.memory_space<vmem>>, vector<16xf32>,
      %scan3A_271 = arith.constant 0 : i32
      scf.yield %scan3A_271 : i32
    }
    %scan3A_155 = arith.constant 40 : i32
    %mul3A_156 = arith.constant 640 : i32
    %mul3A_157 = arith.muli %arg1, %mul3A_156 : i32
    %run_scoped3A_158 = arith.constant 8 : i32
    "tpu.region"() ({
      %run_scoped3A_259 = tpu.sem_alloc : memref<!tpu.dma_semaphore, #tpu.memory_space<semaphore_mem>>
      %dma_start3A_260 = tpu.memref_slice %arg30[%run_scoped3A_158, %mul3A_157] : memref<16x10240xf32, #tpu.memory_space<vmem_shared>> -> memref<1x640xf32, #tpu.memory_space<vmem_shared>>
      %dma_start3A_261 = tpu.memref_squeeze %dma_start3A_260 : memref<1x640xf32, #tpu.memory_space<vmem_shared>> -> memref<640xf32, #tpu.memory_space<vmem_shared>>
      %dma_start3A_262 = tpu.memref_slice %arg30[%run_scoped3A_158, %mul3A_157] : memref<16x10240xf32, #tpu.memory_space<vmem_shared>> -> memref<1x640xf32, #tpu.memory_space<vmem_shared>>
      %dma_start3A_263 = tpu.memref_squeeze %dma_start3A_262 : memref<1x640xf32, #tpu.memory_space<vmem_shared>> -> memref<640xf32, #tpu.memory_space<vmem_shared>>
      tpu.enqueue_dma source(%dma_start3A_263 : memref<640xf32, #tpu.memory_space<vmem_shared>>) target(%arg13 : memref<640xf32, #tpu.memory_space<vmem>>) target_semaphore(%run_scoped3A_259 : memref<!tpu.dma_semaphore, #tpu.memory_space<semaphore_mem>>)
      %dma_wait3A = tpu.memref_slice %arg30[%run_scoped3A_158, %mul3A_157] : memref<16x10240xf32, #tpu.memory_space<vmem_shared>> -> memref<1x640xf32, #tpu.memory_space<vmem_shared>>
      %dma_wait3A_264 = tpu.memref_squeeze %dma_wait3A : memref<1x640xf32, #tpu.memory_space<vmem_shared>> -> memref<640xf32, #tpu.memory_space<vmem_shared>>
      %dma_wait3A_265 = tpu.memref_slice %arg30[%run_scoped3A_158, %mul3A_157] : memref<16x10240xf32, #tpu.memory_space<vmem_shared>> -> memref<1x640xf32, #tpu.memory_space<vmem_shared>>
      %dma_wait3A_266 = tpu.memref_squeeze %dma_wait3A_265 : memref<1x640xf32, #tpu.memory_space<vmem_shared>> -> memref<640xf32, #tpu.memory_space<vmem_shared>>
      tpu.wait_dma2 semaphore(%run_scoped3A_259 : memref<!tpu.dma_semaphore, #tpu.memory_space<semaphore_mem>>) src(%dma_wait3A_266 : memref<640xf32, #tpu.memory_space<vmem_shared>>) dst(%arg13 : memref<640xf32, #tpu.memory_space<vmem>>)
      tpu.yield
    }) : () -> ()
    %scan3A_159 = arith.constant 0 : i32
    %scan3A_160 = arith.constant 0 : i32
    %scan3A_161 = arith.constant 40 : i32
    %scan3A_162 = arith.addi %scan3A_160, %scan3A_161 : i32
    %scan3A_163 = arith.constant 1 : i32
    %scan3A_164 = scf.for %scan3A_259 = %scan3A_160 to %scan3A_162 step %scan3A_163 iter_args(%scan3A_260 = %scan3A_159) -> (i32)  : i32 {
      %mul3A_261 = arith.constant 16 : i32
      %mul3A_262 = arith.muli %scan3A_259, %mul3A_261 : i32
      %get3A = arith.index_cast %mul3A_262 : i32 to index
      %get3A_263 = tpu.vector_load %arg14[%get3A] {strides = array<i32>} : memref<640xf32, #tpu.memory_space<vmem>>, vector<16xf32>,
      %mul3A_264 = arith.constant 16 : i32
      %mul3A_265 = arith.muli %scan3A_259, %mul3A_264 : i32
      %get3A_266 = arith.index_cast %mul3A_265 : i32 to index
      %get3A_267 = tpu.vector_load %arg13[%get3A_266] {strides = array<i32>} : memref<640xf32, #tpu.memory_space<vmem>>, vector<16xf32>,
      %add3A = arith.addf %get3A_263, %get3A_267 : vector<16xf32>
      %mul3A_268 = arith.constant 16 : i32
      %mul3A_269 = arith.muli %scan3A_259, %mul3A_268 : i32
      %swap3A = arith.index_cast %mul3A_269 : i32 to index
      %swap3A_270 = tpu.vector_load %arg14[%swap3A] {strides = array<i32>} : memref<640xf32, #tpu.memory_space<vmem>>, vector<16xf32>,
      tpu.vector_store %arg14[%swap3A], %add3A {strides = array<i32>} : memref<640xf32, #tpu.memory_space<vmem>>, vector<16xf32>,
      %scan3A_271 = arith.constant 0 : i32
      scf.yield %scan3A_271 : i32
    }
    %scan3A_165 = arith.constant 40 : i32
    %mul3A_166 = arith.constant 640 : i32
    %mul3A_167 = arith.muli %arg1, %mul3A_166 : i32
    %run_scoped3A_168 = arith.constant 9 : i32
    "tpu.region"() ({
      %run_scoped3A_259 = tpu.sem_alloc : memref<!tpu.dma_semaphore, #tpu.memory_space<semaphore_mem>>
      %dma_start3A_260 = tpu.memref_slice %arg30[%run_scoped3A_168, %mul3A_167] : memref<16x10240xf32, #tpu.memory_space<vmem_shared>> -> memref<1x640xf32, #tpu.memory_space<vmem_shared>>
      %dma_start3A_261 = tpu.memref_squeeze %dma_start3A_260 : memref<1x640xf32, #tpu.memory_space<vmem_shared>> -> memref<640xf32, #tpu.memory_space<vmem_shared>>
      %dma_start3A_262 = tpu.memref_slice %arg30[%run_scoped3A_168, %mul3A_167] : memref<16x10240xf32, #tpu.memory_space<vmem_shared>> -> memref<1x640xf32, #tpu.memory_space<vmem_shared>>
      %dma_start3A_263 = tpu.memref_squeeze %dma_start3A_262 : memref<1x640xf32, #tpu.memory_space<vmem_shared>> -> memref<640xf32, #tpu.memory_space<vmem_shared>>
      tpu.enqueue_dma source(%dma_start3A_263 : memref<640xf32, #tpu.memory_space<vmem_shared>>) target(%arg13 : memref<640xf32, #tpu.memory_space<vmem>>) target_semaphore(%run_scoped3A_259 : memref<!tpu.dma_semaphore, #tpu.memory_space<semaphore_mem>>)
      %dma_wait3A = tpu.memref_slice %arg30[%run_scoped3A_168, %mul3A_167] : memref<16x10240xf32, #tpu.memory_space<vmem_shared>> -> memref<1x640xf32, #tpu.memory_space<vmem_shared>>
      %dma_wait3A_264 = tpu.memref_squeeze %dma_wait3A : memref<1x640xf32, #tpu.memory_space<vmem_shared>> -> memref<640xf32, #tpu.memory_space<vmem_shared>>
      %dma_wait3A_265 = tpu.memref_slice %arg30[%run_scoped3A_168, %mul3A_167] : memref<16x10240xf32, #tpu.memory_space<vmem_shared>> -> memref<1x640xf32, #tpu.memory_space<vmem_shared>>
      %dma_wait3A_266 = tpu.memref_squeeze %dma_wait3A_265 : memref<1x640xf32, #tpu.memory_space<vmem_shared>> -> memref<640xf32, #tpu.memory_space<vmem_shared>>
      tpu.wait_dma2 semaphore(%run_scoped3A_259 : memref<!tpu.dma_semaphore, #tpu.memory_space<semaphore_mem>>) src(%dma_wait3A_266 : memref<640xf32, #tpu.memory_space<vmem_shared>>) dst(%arg13 : memref<640xf32, #tpu.memory_space<vmem>>)
      tpu.yield
    }) : () -> ()
    %scan3A_169 = arith.constant 0 : i32
    %scan3A_170 = arith.constant 0 : i32
    %scan3A_171 = arith.constant 40 : i32
    %scan3A_172 = arith.addi %scan3A_170, %scan3A_171 : i32
    %scan3A_173 = arith.constant 1 : i32
    %scan3A_174 = scf.for %scan3A_259 = %scan3A_170 to %scan3A_172 step %scan3A_173 iter_args(%scan3A_260 = %scan3A_169) -> (i32)  : i32 {
      %mul3A_261 = arith.constant 16 : i32
      %mul3A_262 = arith.muli %scan3A_259, %mul3A_261 : i32
      %get3A = arith.index_cast %mul3A_262 : i32 to index
      %get3A_263 = tpu.vector_load %arg14[%get3A] {strides = array<i32>} : memref<640xf32, #tpu.memory_space<vmem>>, vector<16xf32>,
      %mul3A_264 = arith.constant 16 : i32
      %mul3A_265 = arith.muli %scan3A_259, %mul3A_264 : i32
      %get3A_266 = arith.index_cast %mul3A_265 : i32 to index
      %get3A_267 = tpu.vector_load %arg13[%get3A_266] {strides = array<i32>} : memref<640xf32, #tpu.memory_space<vmem>>, vector<16xf32>,
      %add3A = arith.addf %get3A_263, %get3A_267 : vector<16xf32>
      %mul3A_268 = arith.constant 16 : i32
      %mul3A_269 = arith.muli %scan3A_259, %mul3A_268 : i32
      %swap3A = arith.index_cast %mul3A_269 : i32 to index
      %swap3A_270 = tpu.vector_load %arg14[%swap3A] {strides = array<i32>} : memref<640xf32, #tpu.memory_space<vmem>>, vector<16xf32>,
      tpu.vector_store %arg14[%swap3A], %add3A {strides = array<i32>} : memref<640xf32, #tpu.memory_space<vmem>>, vector<16xf32>,
      %scan3A_271 = arith.constant 0 : i32
      scf.yield %scan3A_271 : i32
    }
    %scan3A_175 = arith.constant 40 : i32
    %mul3A_176 = arith.constant 640 : i32
    %mul3A_177 = arith.muli %arg1, %mul3A_176 : i32
    %run_scoped3A_178 = arith.constant 10 : i32
    "tpu.region"() ({
      %run_scoped3A_259 = tpu.sem_alloc : memref<!tpu.dma_semaphore, #tpu.memory_space<semaphore_mem>>
      %dma_start3A_260 = tpu.memref_slice %arg30[%run_scoped3A_178, %mul3A_177] : memref<16x10240xf32, #tpu.memory_space<vmem_shared>> -> memref<1x640xf32, #tpu.memory_space<vmem_shared>>
      %dma_start3A_261 = tpu.memref_squeeze %dma_start3A_260 : memref<1x640xf32, #tpu.memory_space<vmem_shared>> -> memref<640xf32, #tpu.memory_space<vmem_shared>>
      %dma_start3A_262 = tpu.memref_slice %arg30[%run_scoped3A_178, %mul3A_177] : memref<16x10240xf32, #tpu.memory_space<vmem_shared>> -> memref<1x640xf32, #tpu.memory_space<vmem_shared>>
      %dma_start3A_263 = tpu.memref_squeeze %dma_start3A_262 : memref<1x640xf32, #tpu.memory_space<vmem_shared>> -> memref<640xf32, #tpu.memory_space<vmem_shared>>
      tpu.enqueue_dma source(%dma_start3A_263 : memref<640xf32, #tpu.memory_space<vmem_shared>>) target(%arg13 : memref<640xf32, #tpu.memory_space<vmem>>) target_semaphore(%run_scoped3A_259 : memref<!tpu.dma_semaphore, #tpu.memory_space<semaphore_mem>>)
      %dma_wait3A = tpu.memref_slice %arg30[%run_scoped3A_178, %mul3A_177] : memref<16x10240xf32, #tpu.memory_space<vmem_shared>> -> memref<1x640xf32, #tpu.memory_space<vmem_shared>>
      %dma_wait3A_264 = tpu.memref_squeeze %dma_wait3A : memref<1x640xf32, #tpu.memory_space<vmem_shared>> -> memref<640xf32, #tpu.memory_space<vmem_shared>>
      %dma_wait3A_265 = tpu.memref_slice %arg30[%run_scoped3A_178, %mul3A_177] : memref<16x10240xf32, #tpu.memory_space<vmem_shared>> -> memref<1x640xf32, #tpu.memory_space<vmem_shared>>
      %dma_wait3A_266 = tpu.memref_squeeze %dma_wait3A_265 : memref<1x640xf32, #tpu.memory_space<vmem_shared>> -> memref<640xf32, #tpu.memory_space<vmem_shared>>
      tpu.wait_dma2 semaphore(%run_scoped3A_259 : memref<!tpu.dma_semaphore, #tpu.memory_space<semaphore_mem>>) src(%dma_wait3A_266 : memref<640xf32, #tpu.memory_space<vmem_shared>>) dst(%arg13 : memref<640xf32, #tpu.memory_space<vmem>>)
      tpu.yield
    }) : () -> ()
    %scan3A_179 = arith.constant 0 : i32
    %scan3A_180 = arith.constant 0 : i32
    %scan3A_181 = arith.constant 40 : i32
    %scan3A_182 = arith.addi %scan3A_180, %scan3A_181 : i32
    %scan3A_183 = arith.constant 1 : i32
    %scan3A_184 = scf.for %scan3A_259 = %scan3A_180 to %scan3A_182 step %scan3A_183 iter_args(%scan3A_260 = %scan3A_179) -> (i32)  : i32 {
      %mul3A_261 = arith.constant 16 : i32
      %mul3A_262 = arith.muli %scan3A_259, %mul3A_261 : i32
      %get3A = arith.index_cast %mul3A_262 : i32 to index
      %get3A_263 = tpu.vector_load %arg14[%get3A] {strides = array<i32>} : memref<640xf32, #tpu.memory_space<vmem>>, vector<16xf32>,
      %mul3A_264 = arith.constant 16 : i32
      %mul3A_265 = arith.muli %scan3A_259, %mul3A_264 : i32
      %get3A_266 = arith.index_cast %mul3A_265 : i32 to index
      %get3A_267 = tpu.vector_load %arg13[%get3A_266] {strides = array<i32>} : memref<640xf32, #tpu.memory_space<vmem>>, vector<16xf32>,
      %add3A = arith.addf %get3A_263, %get3A_267 : vector<16xf32>
      %mul3A_268 = arith.constant 16 : i32
      %mul3A_269 = arith.muli %scan3A_259, %mul3A_268 : i32
      %swap3A = arith.index_cast %mul3A_269 : i32 to index
      %swap3A_270 = tpu.vector_load %arg14[%swap3A] {strides = array<i32>} : memref<640xf32, #tpu.memory_space<vmem>>, vector<16xf32>,
      tpu.vector_store %arg14[%swap3A], %add3A {strides = array<i32>} : memref<640xf32, #tpu.memory_space<vmem>>, vector<16xf32>,
      %scan3A_271 = arith.constant 0 : i32
      scf.yield %scan3A_271 : i32
    }
    %scan3A_185 = arith.constant 40 : i32
    %mul3A_186 = arith.constant 640 : i32
    %mul3A_187 = arith.muli %arg1, %mul3A_186 : i32
    %run_scoped3A_188 = arith.constant 11 : i32
    "tpu.region"() ({
      %run_scoped3A_259 = tpu.sem_alloc : memref<!tpu.dma_semaphore, #tpu.memory_space<semaphore_mem>>
      %dma_start3A_260 = tpu.memref_slice %arg30[%run_scoped3A_188, %mul3A_187] : memref<16x10240xf32, #tpu.memory_space<vmem_shared>> -> memref<1x640xf32, #tpu.memory_space<vmem_shared>>
      %dma_start3A_261 = tpu.memref_squeeze %dma_start3A_260 : memref<1x640xf32, #tpu.memory_space<vmem_shared>> -> memref<640xf32, #tpu.memory_space<vmem_shared>>
      %dma_start3A_262 = tpu.memref_slice %arg30[%run_scoped3A_188, %mul3A_187] : memref<16x10240xf32, #tpu.memory_space<vmem_shared>> -> memref<1x640xf32, #tpu.memory_space<vmem_shared>>
      %dma_start3A_263 = tpu.memref_squeeze %dma_start3A_262 : memref<1x640xf32, #tpu.memory_space<vmem_shared>> -> memref<640xf32, #tpu.memory_space<vmem_shared>>
      tpu.enqueue_dma source(%dma_start3A_263 : memref<640xf32, #tpu.memory_space<vmem_shared>>) target(%arg13 : memref<640xf32, #tpu.memory_space<vmem>>) target_semaphore(%run_scoped3A_259 : memref<!tpu.dma_semaphore, #tpu.memory_space<semaphore_mem>>)
      %dma_wait3A = tpu.memref_slice %arg30[%run_scoped3A_188, %mul3A_187] : memref<16x10240xf32, #tpu.memory_space<vmem_shared>> -> memref<1x640xf32, #tpu.memory_space<vmem_shared>>
      %dma_wait3A_264 = tpu.memref_squeeze %dma_wait3A : memref<1x640xf32, #tpu.memory_space<vmem_shared>> -> memref<640xf32, #tpu.memory_space<vmem_shared>>
      %dma_wait3A_265 = tpu.memref_slice %arg30[%run_scoped3A_188, %mul3A_187] : memref<16x10240xf32, #tpu.memory_space<vmem_shared>> -> memref<1x640xf32, #tpu.memory_space<vmem_shared>>
      %dma_wait3A_266 = tpu.memref_squeeze %dma_wait3A_265 : memref<1x640xf32, #tpu.memory_space<vmem_shared>> -> memref<640xf32, #tpu.memory_space<vmem_shared>>
      tpu.wait_dma2 semaphore(%run_scoped3A_259 : memref<!tpu.dma_semaphore, #tpu.memory_space<semaphore_mem>>) src(%dma_wait3A_266 : memref<640xf32, #tpu.memory_space<vmem_shared>>) dst(%arg13 : memref<640xf32, #tpu.memory_space<vmem>>)
      tpu.yield
    }) : () -> ()
    %scan3A_189 = arith.constant 0 : i32
    %scan3A_190 = arith.constant 0 : i32
    %scan3A_191 = arith.constant 40 : i32
    %scan3A_192 = arith.addi %scan3A_190, %scan3A_191 : i32
    %scan3A_193 = arith.constant 1 : i32
    %scan3A_194 = scf.for %scan3A_259 = %scan3A_190 to %scan3A_192 step %scan3A_193 iter_args(%scan3A_260 = %scan3A_189) -> (i32)  : i32 {
      %mul3A_261 = arith.constant 16 : i32
      %mul3A_262 = arith.muli %scan3A_259, %mul3A_261 : i32
      %get3A = arith.index_cast %mul3A_262 : i32 to index
      %get3A_263 = tpu.vector_load %arg14[%get3A] {strides = array<i32>} : memref<640xf32, #tpu.memory_space<vmem>>, vector<16xf32>,
      %mul3A_264 = arith.constant 16 : i32
      %mul3A_265 = arith.muli %scan3A_259, %mul3A_264 : i32
      %get3A_266 = arith.index_cast %mul3A_265 : i32 to index
      %get3A_267 = tpu.vector_load %arg13[%get3A_266] {strides = array<i32>} : memref<640xf32, #tpu.memory_space<vmem>>, vector<16xf32>,
      %add3A = arith.addf %get3A_263, %get3A_267 : vector<16xf32>
      %mul3A_268 = arith.constant 16 : i32
      %mul3A_269 = arith.muli %scan3A_259, %mul3A_268 : i32
      %swap3A = arith.index_cast %mul3A_269 : i32 to index
      %swap3A_270 = tpu.vector_load %arg14[%swap3A] {strides = array<i32>} : memref<640xf32, #tpu.memory_space<vmem>>, vector<16xf32>,
      tpu.vector_store %arg14[%swap3A], %add3A {strides = array<i32>} : memref<640xf32, #tpu.memory_space<vmem>>, vector<16xf32>,
      %scan3A_271 = arith.constant 0 : i32
      scf.yield %scan3A_271 : i32
    }
    %scan3A_195 = arith.constant 40 : i32
    %mul3A_196 = arith.constant 640 : i32
    %mul3A_197 = arith.muli %arg1, %mul3A_196 : i32
    %run_scoped3A_198 = arith.constant 12 : i32
    "tpu.region"() ({
      %run_scoped3A_259 = tpu.sem_alloc : memref<!tpu.dma_semaphore, #tpu.memory_space<semaphore_mem>>
      %dma_start3A_260 = tpu.memref_slice %arg30[%run_scoped3A_198, %mul3A_197] : memref<16x10240xf32, #tpu.memory_space<vmem_shared>> -> memref<1x640xf32, #tpu.memory_space<vmem_shared>>
      %dma_start3A_261 = tpu.memref_squeeze %dma_start3A_260 : memref<1x640xf32, #tpu.memory_space<vmem_shared>> -> memref<640xf32, #tpu.memory_space<vmem_shared>>
      %dma_start3A_262 = tpu.memref_slice %arg30[%run_scoped3A_198, %mul3A_197] : memref<16x10240xf32, #tpu.memory_space<vmem_shared>> -> memref<1x640xf32, #tpu.memory_space<vmem_shared>>
      %dma_start3A_263 = tpu.memref_squeeze %dma_start3A_262 : memref<1x640xf32, #tpu.memory_space<vmem_shared>> -> memref<640xf32, #tpu.memory_space<vmem_shared>>
      tpu.enqueue_dma source(%dma_start3A_263 : memref<640xf32, #tpu.memory_space<vmem_shared>>) target(%arg13 : memref<640xf32, #tpu.memory_space<vmem>>) target_semaphore(%run_scoped3A_259 : memref<!tpu.dma_semaphore, #tpu.memory_space<semaphore_mem>>)
      %dma_wait3A = tpu.memref_slice %arg30[%run_scoped3A_198, %mul3A_197] : memref<16x10240xf32, #tpu.memory_space<vmem_shared>> -> memref<1x640xf32, #tpu.memory_space<vmem_shared>>
      %dma_wait3A_264 = tpu.memref_squeeze %dma_wait3A : memref<1x640xf32, #tpu.memory_space<vmem_shared>> -> memref<640xf32, #tpu.memory_space<vmem_shared>>
      %dma_wait3A_265 = tpu.memref_slice %arg30[%run_scoped3A_198, %mul3A_197] : memref<16x10240xf32, #tpu.memory_space<vmem_shared>> -> memref<1x640xf32, #tpu.memory_space<vmem_shared>>
      %dma_wait3A_266 = tpu.memref_squeeze %dma_wait3A_265 : memref<1x640xf32, #tpu.memory_space<vmem_shared>> -> memref<640xf32, #tpu.memory_space<vmem_shared>>
      tpu.wait_dma2 semaphore(%run_scoped3A_259 : memref<!tpu.dma_semaphore, #tpu.memory_space<semaphore_mem>>) src(%dma_wait3A_266 : memref<640xf32, #tpu.memory_space<vmem_shared>>) dst(%arg13 : memref<640xf32, #tpu.memory_space<vmem>>)
      tpu.yield
    }) : () -> ()
    %scan3A_199 = arith.constant 0 : i32
    %scan3A_200 = arith.constant 0 : i32
    %scan3A_201 = arith.constant 40 : i32
    %scan3A_202 = arith.addi %scan3A_200, %scan3A_201 : i32
    %scan3A_203 = arith.constant 1 : i32
    %scan3A_204 = scf.for %scan3A_259 = %scan3A_200 to %scan3A_202 step %scan3A_203 iter_args(%scan3A_260 = %scan3A_199) -> (i32)  : i32 {
      %mul3A_261 = arith.constant 16 : i32
      %mul3A_262 = arith.muli %scan3A_259, %mul3A_261 : i32
      %get3A = arith.index_cast %mul3A_262 : i32 to index
      %get3A_263 = tpu.vector_load %arg14[%get3A] {strides = array<i32>} : memref<640xf32, #tpu.memory_space<vmem>>, vector<16xf32>,
      %mul3A_264 = arith.constant 16 : i32
      %mul3A_265 = arith.muli %scan3A_259, %mul3A_264 : i32
      %get3A_266 = arith.index_cast %mul3A_265 : i32 to index
      %get3A_267 = tpu.vector_load %arg13[%get3A_266] {strides = array<i32>} : memref<640xf32, #tpu.memory_space<vmem>>, vector<16xf32>,
      %add3A = arith.addf %get3A_263, %get3A_267 : vector<16xf32>
      %mul3A_268 = arith.constant 16 : i32
      %mul3A_269 = arith.muli %scan3A_259, %mul3A_268 : i32
      %swap3A = arith.index_cast %mul3A_269 : i32 to index
      %swap3A_270 = tpu.vector_load %arg14[%swap3A] {strides = array<i32>} : memref<640xf32, #tpu.memory_space<vmem>>, vector<16xf32>,
      tpu.vector_store %arg14[%swap3A], %add3A {strides = array<i32>} : memref<640xf32, #tpu.memory_space<vmem>>, vector<16xf32>,
      %scan3A_271 = arith.constant 0 : i32
      scf.yield %scan3A_271 : i32
    }
    %scan3A_205 = arith.constant 40 : i32
    %mul3A_206 = arith.constant 640 : i32
    %mul3A_207 = arith.muli %arg1, %mul3A_206 : i32
    %run_scoped3A_208 = arith.constant 13 : i32
    "tpu.region"() ({
      %run_scoped3A_259 = tpu.sem_alloc : memref<!tpu.dma_semaphore, #tpu.memory_space<semaphore_mem>>
      %dma_start3A_260 = tpu.memref_slice %arg30[%run_scoped3A_208, %mul3A_207] : memref<16x10240xf32, #tpu.memory_space<vmem_shared>> -> memref<1x640xf32, #tpu.memory_space<vmem_shared>>
      %dma_start3A_261 = tpu.memref_squeeze %dma_start3A_260 : memref<1x640xf32, #tpu.memory_space<vmem_shared>> -> memref<640xf32, #tpu.memory_space<vmem_shared>>
      %dma_start3A_262 = tpu.memref_slice %arg30[%run_scoped3A_208, %mul3A_207] : memref<16x10240xf32, #tpu.memory_space<vmem_shared>> -> memref<1x640xf32, #tpu.memory_space<vmem_shared>>
      %dma_start3A_263 = tpu.memref_squeeze %dma_start3A_262 : memref<1x640xf32, #tpu.memory_space<vmem_shared>> -> memref<640xf32, #tpu.memory_space<vmem_shared>>
      tpu.enqueue_dma source(%dma_start3A_263 : memref<640xf32, #tpu.memory_space<vmem_shared>>) target(%arg13 : memref<640xf32, #tpu.memory_space<vmem>>) target_semaphore(%run_scoped3A_259 : memref<!tpu.dma_semaphore, #tpu.memory_space<semaphore_mem>>)
      %dma_wait3A = tpu.memref_slice %arg30[%run_scoped3A_208, %mul3A_207] : memref<16x10240xf32, #tpu.memory_space<vmem_shared>> -> memref<1x640xf32, #tpu.memory_space<vmem_shared>>
      %dma_wait3A_264 = tpu.memref_squeeze %dma_wait3A : memref<1x640xf32, #tpu.memory_space<vmem_shared>> -> memref<640xf32, #tpu.memory_space<vmem_shared>>
      %dma_wait3A_265 = tpu.memref_slice %arg30[%run_scoped3A_208, %mul3A_207] : memref<16x10240xf32, #tpu.memory_space<vmem_shared>> -> memref<1x640xf32, #tpu.memory_space<vmem_shared>>
      %dma_wait3A_266 = tpu.memref_squeeze %dma_wait3A_265 : memref<1x640xf32, #tpu.memory_space<vmem_shared>> -> memref<640xf32, #tpu.memory_space<vmem_shared>>
      tpu.wait_dma2 semaphore(%run_scoped3A_259 : memref<!tpu.dma_semaphore, #tpu.memory_space<semaphore_mem>>) src(%dma_wait3A_266 : memref<640xf32, #tpu.memory_space<vmem_shared>>) dst(%arg13 : memref<640xf32, #tpu.memory_space<vmem>>)
      tpu.yield
    }) : () -> ()
    %scan3A_209 = arith.constant 0 : i32
    %scan3A_210 = arith.constant 0 : i32
    %scan3A_211 = arith.constant 40 : i32
    %scan3A_212 = arith.addi %scan3A_210, %scan3A_211 : i32
    %scan3A_213 = arith.constant 1 : i32
    %scan3A_214 = scf.for %scan3A_259 = %scan3A_210 to %scan3A_212 step %scan3A_213 iter_args(%scan3A_260 = %scan3A_209) -> (i32)  : i32 {
      %mul3A_261 = arith.constant 16 : i32
      %mul3A_262 = arith.muli %scan3A_259, %mul3A_261 : i32
      %get3A = arith.index_cast %mul3A_262 : i32 to index
      %get3A_263 = tpu.vector_load %arg14[%get3A] {strides = array<i32>} : memref<640xf32, #tpu.memory_space<vmem>>, vector<16xf32>,
      %mul3A_264 = arith.constant 16 : i32
      %mul3A_265 = arith.muli %scan3A_259, %mul3A_264 : i32
      %get3A_266 = arith.index_cast %mul3A_265 : i32 to index
      %get3A_267 = tpu.vector_load %arg13[%get3A_266] {strides = array<i32>} : memref<640xf32, #tpu.memory_space<vmem>>, vector<16xf32>,
      %add3A = arith.addf %get3A_263, %get3A_267 : vector<16xf32>
      %mul3A_268 = arith.constant 16 : i32
      %mul3A_269 = arith.muli %scan3A_259, %mul3A_268 : i32
      %swap3A = arith.index_cast %mul3A_269 : i32 to index
      %swap3A_270 = tpu.vector_load %arg14[%swap3A] {strides = array<i32>} : memref<640xf32, #tpu.memory_space<vmem>>, vector<16xf32>,
      tpu.vector_store %arg14[%swap3A], %add3A {strides = array<i32>} : memref<640xf32, #tpu.memory_space<vmem>>, vector<16xf32>,
      %scan3A_271 = arith.constant 0 : i32
      scf.yield %scan3A_271 : i32
    }
    %scan3A_215 = arith.constant 40 : i32
    %mul3A_216 = arith.constant 640 : i32
    %mul3A_217 = arith.muli %arg1, %mul3A_216 : i32
    %run_scoped3A_218 = arith.constant 14 : i32
    "tpu.region"() ({
      %run_scoped3A_259 = tpu.sem_alloc : memref<!tpu.dma_semaphore, #tpu.memory_space<semaphore_mem>>
      %dma_start3A_260 = tpu.memref_slice %arg30[%run_scoped3A_218, %mul3A_217] : memref<16x10240xf32, #tpu.memory_space<vmem_shared>> -> memref<1x640xf32, #tpu.memory_space<vmem_shared>>
      %dma_start3A_261 = tpu.memref_squeeze %dma_start3A_260 : memref<1x640xf32, #tpu.memory_space<vmem_shared>> -> memref<640xf32, #tpu.memory_space<vmem_shared>>
      %dma_start3A_262 = tpu.memref_slice %arg30[%run_scoped3A_218, %mul3A_217] : memref<16x10240xf32, #tpu.memory_space<vmem_shared>> -> memref<1x640xf32, #tpu.memory_space<vmem_shared>>
      %dma_start3A_263 = tpu.memref_squeeze %dma_start3A_262 : memref<1x640xf32, #tpu.memory_space<vmem_shared>> -> memref<640xf32, #tpu.memory_space<vmem_shared>>
      tpu.enqueue_dma source(%dma_start3A_263 : memref<640xf32, #tpu.memory_space<vmem_shared>>) target(%arg13 : memref<640xf32, #tpu.memory_space<vmem>>) target_semaphore(%run_scoped3A_259 : memref<!tpu.dma_semaphore, #tpu.memory_space<semaphore_mem>>)
      %dma_wait3A = tpu.memref_slice %arg30[%run_scoped3A_218, %mul3A_217] : memref<16x10240xf32, #tpu.memory_space<vmem_shared>> -> memref<1x640xf32, #tpu.memory_space<vmem_shared>>
      %dma_wait3A_264 = tpu.memref_squeeze %dma_wait3A : memref<1x640xf32, #tpu.memory_space<vmem_shared>> -> memref<640xf32, #tpu.memory_space<vmem_shared>>
      %dma_wait3A_265 = tpu.memref_slice %arg30[%run_scoped3A_218, %mul3A_217] : memref<16x10240xf32, #tpu.memory_space<vmem_shared>> -> memref<1x640xf32, #tpu.memory_space<vmem_shared>>
      %dma_wait3A_266 = tpu.memref_squeeze %dma_wait3A_265 : memref<1x640xf32, #tpu.memory_space<vmem_shared>> -> memref<640xf32, #tpu.memory_space<vmem_shared>>
      tpu.wait_dma2 semaphore(%run_scoped3A_259 : memref<!tpu.dma_semaphore, #tpu.memory_space<semaphore_mem>>) src(%dma_wait3A_266 : memref<640xf32, #tpu.memory_space<vmem_shared>>) dst(%arg13 : memref<640xf32, #tpu.memory_space<vmem>>)
      tpu.yield
    }) : () -> ()
    %scan3A_219 = arith.constant 0 : i32
    %scan3A_220 = arith.constant 0 : i32
    %scan3A_221 = arith.constant 40 : i32
    %scan3A_222 = arith.addi %scan3A_220, %scan3A_221 : i32
    %scan3A_223 = arith.constant 1 : i32
    %scan3A_224 = scf.for %scan3A_259 = %scan3A_220 to %scan3A_222 step %scan3A_223 iter_args(%scan3A_260 = %scan3A_219) -> (i32)  : i32 {
      %mul3A_261 = arith.constant 16 : i32
      %mul3A_262 = arith.muli %scan3A_259, %mul3A_261 : i32
      %get3A = arith.index_cast %mul3A_262 : i32 to index
      %get3A_263 = tpu.vector_load %arg14[%get3A] {strides = array<i32>} : memref<640xf32, #tpu.memory_space<vmem>>, vector<16xf32>,
      %mul3A_264 = arith.constant 16 : i32
      %mul3A_265 = arith.muli %scan3A_259, %mul3A_264 : i32
      %get3A_266 = arith.index_cast %mul3A_265 : i32 to index
      %get3A_267 = tpu.vector_load %arg13[%get3A_266] {strides = array<i32>} : memref<640xf32, #tpu.memory_space<vmem>>, vector<16xf32>,
      %add3A = arith.addf %get3A_263, %get3A_267 : vector<16xf32>
      %mul3A_268 = arith.constant 16 : i32
      %mul3A_269 = arith.muli %scan3A_259, %mul3A_268 : i32
      %swap3A = arith.index_cast %mul3A_269 : i32 to index
      %swap3A_270 = tpu.vector_load %arg14[%swap3A] {strides = array<i32>} : memref<640xf32, #tpu.memory_space<vmem>>, vector<16xf32>,
      tpu.vector_store %arg14[%swap3A], %add3A {strides = array<i32>} : memref<640xf32, #tpu.memory_space<vmem>>, vector<16xf32>,
      %scan3A_271 = arith.constant 0 : i32
      scf.yield %scan3A_271 : i32
    }
    %scan3A_225 = arith.constant 40 : i32
    %mul3A_226 = arith.constant 640 : i32
    %mul3A_227 = arith.muli %arg1, %mul3A_226 : i32
    %run_scoped3A_228 = arith.constant 15 : i32
    "tpu.region"() ({
      %run_scoped3A_259 = tpu.sem_alloc : memref<!tpu.dma_semaphore, #tpu.memory_space<semaphore_mem>>
      %dma_start3A_260 = tpu.memref_slice %arg30[%run_scoped3A_228, %mul3A_227] : memref<16x10240xf32, #tpu.memory_space<vmem_shared>> -> memref<1x640xf32, #tpu.memory_space<vmem_shared>>
      %dma_start3A_261 = tpu.memref_squeeze %dma_start3A_260 : memref<1x640xf32, #tpu.memory_space<vmem_shared>> -> memref<640xf32, #tpu.memory_space<vmem_shared>>
      %dma_start3A_262 = tpu.memref_slice %arg30[%run_scoped3A_228, %mul3A_227] : memref<16x10240xf32, #tpu.memory_space<vmem_shared>> -> memref<1x640xf32, #tpu.memory_space<vmem_shared>>
      %dma_start3A_263 = tpu.memref_squeeze %dma_start3A_262 : memref<1x640xf32, #tpu.memory_space<vmem_shared>> -> memref<640xf32, #tpu.memory_space<vmem_shared>>
      tpu.enqueue_dma source(%dma_start3A_263 : memref<640xf32, #tpu.memory_space<vmem_shared>>) target(%arg13 : memref<640xf32, #tpu.memory_space<vmem>>) target_semaphore(%run_scoped3A_259 : memref<!tpu.dma_semaphore, #tpu.memory_space<semaphore_mem>>)
      %dma_wait3A = tpu.memref_slice %arg30[%run_scoped3A_228, %mul3A_227] : memref<16x10240xf32, #tpu.memory_space<vmem_shared>> -> memref<1x640xf32, #tpu.memory_space<vmem_shared>>
      %dma_wait3A_264 = tpu.memref_squeeze %dma_wait3A : memref<1x640xf32, #tpu.memory_space<vmem_shared>> -> memref<640xf32, #tpu.memory_space<vmem_shared>>
      %dma_wait3A_265 = tpu.memref_slice %arg30[%run_scoped3A_228, %mul3A_227] : memref<16x10240xf32, #tpu.memory_space<vmem_shared>> -> memref<1x640xf32, #tpu.memory_space<vmem_shared>>
      %dma_wait3A_266 = tpu.memref_squeeze %dma_wait3A_265 : memref<1x640xf32, #tpu.memory_space<vmem_shared>> -> memref<640xf32, #tpu.memory_space<vmem_shared>>
      tpu.wait_dma2 semaphore(%run_scoped3A_259 : memref<!tpu.dma_semaphore, #tpu.memory_space<semaphore_mem>>) src(%dma_wait3A_266 : memref<640xf32, #tpu.memory_space<vmem_shared>>) dst(%arg13 : memref<640xf32, #tpu.memory_space<vmem>>)
      tpu.yield
    }) : () -> ()
    %scan3A_229 = arith.constant 0 : i32
    %scan3A_230 = arith.constant 0 : i32
    %scan3A_231 = arith.constant 40 : i32
    %scan3A_232 = arith.addi %scan3A_230, %scan3A_231 : i32
    %scan3A_233 = arith.constant 1 : i32
    %scan3A_234 = scf.for %scan3A_259 = %scan3A_230 to %scan3A_232 step %scan3A_233 iter_args(%scan3A_260 = %scan3A_229) -> (i32)  : i32 {
      %mul3A_261 = arith.constant 16 : i32
      %mul3A_262 = arith.muli %scan3A_259, %mul3A_261 : i32
      %get3A = arith.index_cast %mul3A_262 : i32 to index
      %get3A_263 = tpu.vector_load %arg14[%get3A] {strides = array<i32>} : memref<640xf32, #tpu.memory_space<vmem>>, vector<16xf32>,
      %mul3A_264 = arith.constant 16 : i32
      %mul3A_265 = arith.muli %scan3A_259, %mul3A_264 : i32
      %get3A_266 = arith.index_cast %mul3A_265 : i32 to index
      %get3A_267 = tpu.vector_load %arg13[%get3A_266] {strides = array<i32>} : memref<640xf32, #tpu.memory_space<vmem>>, vector<16xf32>,
      %add3A = arith.addf %get3A_263, %get3A_267 : vector<16xf32>
      %mul3A_268 = arith.constant 16 : i32
      %mul3A_269 = arith.muli %scan3A_259, %mul3A_268 : i32
      %swap3A = arith.index_cast %mul3A_269 : i32 to index
      %swap3A_270 = tpu.vector_load %arg14[%swap3A] {strides = array<i32>} : memref<640xf32, #tpu.memory_space<vmem>>, vector<16xf32>,
      tpu.vector_store %arg14[%swap3A], %add3A {strides = array<i32>} : memref<640xf32, #tpu.memory_space<vmem>>, vector<16xf32>,
      %scan3A_271 = arith.constant 0 : i32
      scf.yield %scan3A_271 : i32
    }
    %scan3A_235 = arith.constant 40 : i32
    %scan3A_236 = arith.constant 0 : i32
    %scan3A_237 = arith.constant 0 : i32
    %scan3A_238 = arith.constant 40 : i32
    %scan3A_239 = arith.addi %scan3A_237, %scan3A_238 : i32
    %scan3A_240 = arith.constant 1 : i32
    %scan3A_241 = scf.for %scan3A_259 = %scan3A_237 to %scan3A_239 step %scan3A_240 iter_args(%scan3A_260 = %scan3A_236) -> (i32)  : i32 {
      %mul3A_261 = arith.constant 16 : i32
      %mul3A_262 = arith.muli %scan3A_259, %mul3A_261 : i32
      %get3A = arith.index_cast %mul3A_262 : i32 to index
      %get3A_263 = tpu.vector_load %arg14[%get3A] {strides = array<i32>} : memref<640xf32, #tpu.memory_space<vmem>>, vector<16xf32>,
      %add3A = arith.constant 1.000000e+00 : f32
      %add3A_264 = vector.broadcast %add3A : f32 to vector<16xf32>
      %add3A_265 = arith.addf %get3A_263, %add3A_264 : vector<16xf32>
      %bitcast3A = vector.bitcast %add3A_265 : vector<16xf32> to vector<16xi32>
      %shift_right_arithmetic3A = arith.constant 1 : i32
      %shift_right_arithmetic3A_266 = vector.broadcast %shift_right_arithmetic3A : i32 to vector<16xi32>
      %shift_right_arithmetic3A_267 = arith.shrsi %bitcast3A, %shift_right_arithmetic3A_266 : vector<16xi32>
      %sub3A = arith.constant 1597463007 : i32
      %sub3A_268 = vector.broadcast %sub3A : i32 to vector<16xi32>
      %sub3A_269 = arith.subi %sub3A_268, %shift_right_arithmetic3A_267 : vector<16xi32>
      %bitcast3A_270 = vector.bitcast %sub3A_269 : vector<16xi32> to vector<16xf32>
      %mul3A_271 = arith.constant 5.000000e-01 : f32
      %mul3A_272 = vector.broadcast %mul3A_271 : f32 to vector<16xf32>
      %mul3A_273 = arith.mulf %mul3A_272, %add3A_265 : vector<16xf32>
      %mul3A_274 = arith.mulf %mul3A_273, %bitcast3A_270 : vector<16xf32>
      %mul3A_275 = arith.mulf %mul3A_274, %bitcast3A_270 : vector<16xf32>
      %sub3A_276 = arith.constant 1.500000e+00 : f32
      %sub3A_277 = vector.broadcast %sub3A_276 : f32 to vector<16xf32>
      %sub3A_278 = arith.subf %sub3A_277, %mul3A_275 : vector<16xf32>
      %mul3A_279 = arith.mulf %bitcast3A_270, %sub3A_278 : vector<16xf32>
      %mul3A_280 = arith.constant 5.000000e-01 : f32
      %mul3A_281 = vector.broadcast %mul3A_280 : f32 to vector<16xf32>
      %mul3A_282 = arith.mulf %mul3A_281, %add3A_265 : vector<16xf32>
      %mul3A_283 = arith.mulf %mul3A_282, %mul3A_279 : vector<16xf32>
      %mul3A_284 = arith.mulf %mul3A_283, %mul3A_279 : vector<16xf32>
      %sub3A_285 = arith.constant 1.500000e+00 : f32
      %sub3A_286 = vector.broadcast %sub3A_285 : f32 to vector<16xf32>
      %sub3A_287 = arith.subf %sub3A_286, %mul3A_284 : vector<16xf32>
      %mul3A_288 = arith.mulf %mul3A_279, %sub3A_287 : vector<16xf32>
      %mul3A_289 = arith.constant 5.000000e-01 : f32
      %mul3A_290 = vector.broadcast %mul3A_289 : f32 to vector<16xf32>
      %mul3A_291 = arith.mulf %mul3A_290, %add3A_265 : vector<16xf32>
      %mul3A_292 = arith.mulf %mul3A_291, %mul3A_288 : vector<16xf32>
      %mul3A_293 = arith.mulf %mul3A_292, %mul3A_288 : vector<16xf32>
      %sub3A_294 = arith.constant 1.500000e+00 : f32
      %sub3A_295 = vector.broadcast %sub3A_294 : f32 to vector<16xf32>
      %sub3A_296 = arith.subf %sub3A_295, %mul3A_293 : vector<16xf32>
      %mul3A_297 = arith.mulf %mul3A_288, %sub3A_296 : vector<16xf32>
      %mul3A_298 = arith.constant 16 : i32
      %mul3A_299 = arith.muli %scan3A_259, %mul3A_298 : i32
      %swap3A = arith.index_cast %mul3A_299 : i32 to index
      %swap3A_300 = tpu.vector_load %arg14[%swap3A] {strides = array<i32>} : memref<640xf32, #tpu.memory_space<vmem>>, vector<16xf32>,
      tpu.vector_store %arg14[%swap3A], %mul3A_297 {strides = array<i32>} : memref<640xf32, #tpu.memory_space<vmem>>, vector<16xf32>,
      %mul3A_301 = arith.mulf %mul3A_297, %mul3A_297 : vector<16xf32>
      %mul3A_302 = arith.constant 16 : i32
      %mul3A_303 = arith.muli %scan3A_259, %mul3A_302 : i32
      %swap3A_304 = arith.index_cast %mul3A_303 : i32 to index
      %swap3A_305 = tpu.vector_load %arg15[%swap3A_304] {strides = array<i32>} : memref<640xf32, #tpu.memory_space<vmem>>, vector<16xf32>,
      tpu.vector_store %arg15[%swap3A_304], %mul3A_301 {strides = array<i32>} : memref<640xf32, #tpu.memory_space<vmem>>, vector<16xf32>,
      %scan3A_306 = arith.constant 0 : i32
      scf.yield %scan3A_306 : i32
    }
    %scan3A_242 = arith.constant 40 : i32
    %eq3A = arith.constant 0 : i32
    %eq3A_243 = arith.cmpi eq, %arg0, %eq3A : i32
    %convert_element_type3A = arith.extui %eq3A_243 : i1 to i32
    %cond3A = arith.constant 0 : i32
    %cond3A_244 = arith.cmpi ne, %convert_element_type3A, %cond3A : i32
    scf.if %cond3A_244 {
      %mul3A_259 = arith.constant 640 : i32
      %mul3A_260 = arith.muli %arg1, %mul3A_259 : i32
      "tpu.region"() ({
        %run_scoped3A_261 = tpu.sem_alloc : memref<!tpu.dma_semaphore, #tpu.memory_space<semaphore_mem>>
        %dma_start3A_262 = tpu.memref_slice %arg6[%mul3A_260] : memref<10240xf32, #tpu.memory_space<hbm>> -> memref<640xf32, #tpu.memory_space<hbm>>
        %dma_start3A_263 = tpu.memref_slice %arg6[%mul3A_260] : memref<10240xf32, #tpu.memory_space<hbm>> -> memref<640xf32, #tpu.memory_space<hbm>>
        tpu.enqueue_dma source(%arg14 : memref<640xf32, #tpu.memory_space<vmem>>) target(%dma_start3A_263 : memref<640xf32, #tpu.memory_space<hbm>>) target_semaphore(%run_scoped3A_261 : memref<!tpu.dma_semaphore, #tpu.memory_space<semaphore_mem>>)
        %dma_wait3A = tpu.memref_slice %arg6[%mul3A_260] : memref<10240xf32, #tpu.memory_space<hbm>> -> memref<640xf32, #tpu.memory_space<hbm>>
        %dma_wait3A_264 = tpu.memref_slice %arg6[%mul3A_260] : memref<10240xf32, #tpu.memory_space<hbm>> -> memref<640xf32, #tpu.memory_space<hbm>>
        tpu.wait_dma2 semaphore(%run_scoped3A_261 : memref<!tpu.dma_semaphore, #tpu.memory_space<semaphore_mem>>) src(%arg14 : memref<640xf32, #tpu.memory_space<vmem>>) dst(%dma_wait3A_264 : memref<640xf32, #tpu.memory_space<hbm>>)
        tpu.yield
      }) : () -> ()
    } else {
    }
    %scan3A_245 = arith.constant 0 : i32
    %scan3A_246 = arith.constant 0 : i32
    %scan3A_247 = arith.constant 5 : i32
    %scan3A_248 = arith.addi %scan3A_246, %scan3A_247 : i32
    %scan3A_249 = arith.constant 1 : i32
    %scan3A_250 = scf.for %scan3A_259 = %scan3A_246 to %scan3A_248 step %scan3A_249 iter_args(%scan3A_260 = %scan3A_245) -> (i32)  : i32 {
      %mul3A_261 = arith.constant 640 : i32
      %mul3A_262 = arith.muli %arg1, %mul3A_261 : i32
      %mul3A_263 = arith.constant 128 : i32
      %mul3A_264 = arith.muli %scan3A_259, %mul3A_263 : i32
      %add3A = arith.addi %mul3A_262, %mul3A_264 : i32
      %mul3A_265 = arith.constant 64 : i32
      %mul3A_266 = arith.muli %arg0, %mul3A_265 : i32
      "tpu.region"() ({
        %run_scoped3A_275 = tpu.sem_alloc : memref<!tpu.dma_semaphore, #tpu.memory_space<semaphore_mem>>
        %dma_start3A_276 = tpu.memref_slice %arg2[%add3A, %mul3A_266] : memref<10240x128xf32, #tpu.memory_space<hbm>> -> memref<128x64xf32, #tpu.memory_space<hbm>>
        %dma_start3A_277 = tpu.memref_slice %arg2[%add3A, %mul3A_266] : memref<10240x128xf32, #tpu.memory_space<hbm>> -> memref<128x64xf32, #tpu.memory_space<hbm>>
        tpu.enqueue_dma source(%dma_start3A_277 : memref<128x64xf32, #tpu.memory_space<hbm>>) target(%arg7 : memref<128x64xf32, #tpu.memory_space<vmem>>) target_semaphore(%run_scoped3A_275 : memref<!tpu.dma_semaphore, #tpu.memory_space<semaphore_mem>>)
        %dma_wait3A = tpu.memref_slice %arg2[%add3A, %mul3A_266] : memref<10240x128xf32, #tpu.memory_space<hbm>> -> memref<128x64xf32, #tpu.memory_space<hbm>>
        %dma_wait3A_278 = tpu.memref_slice %arg2[%add3A, %mul3A_266] : memref<10240x128xf32, #tpu.memory_space<hbm>> -> memref<128x64xf32, #tpu.memory_space<hbm>>
        tpu.wait_dma2 semaphore(%run_scoped3A_275 : memref<!tpu.dma_semaphore, #tpu.memory_space<semaphore_mem>>) src(%dma_wait3A_278 : memref<128x64xf32, #tpu.memory_space<hbm>>) dst(%arg7 : memref<128x64xf32, #tpu.memory_space<vmem>>)
        tpu.yield
      }) : () -> ()
      %scan3A_267 = arith.constant 0 : i32
      %scan3A_268 = arith.constant 0 : i32
      %scan3A_269 = arith.constant 8 : i32
      %scan3A_270 = arith.addi %scan3A_268, %scan3A_269 : i32
      %scan3A_271 = arith.constant 1 : i32
      %scan3A_272 = scf.for %scan3A_275 = %scan3A_268 to %scan3A_270 step %scan3A_271 iter_args(%scan3A_276 = %scan3A_267) -> (i32)  : i32 {
        %mul3A_277 = arith.constant 128 : i32
        %mul3A_278 = arith.muli %scan3A_259, %mul3A_277 : i32
        %mul3A_279 = arith.constant 16 : i32
        %mul3A_280 = arith.muli %scan3A_275, %mul3A_279 : i32
        %add3A_281 = arith.addi %mul3A_278, %mul3A_280 : i32
        %get3A = arith.index_cast %add3A_281 : i32 to index
        %get3A_282 = tpu.vector_load %arg14[%get3A] {strides = array<i32>} : memref<640xf32, #tpu.memory_space<vmem>>, vector<16xf32>,
        %slice3A = vector.extract_strided_slice %get3A_282 {offsets = [0], sizes = [1], strides = [1]} : vector<16xf32> to vector<1xf32>
        %squeeze3A = vector.extract %slice3A[0] : f32 from vector<1xf32>
        %broadcast_in_dim3A_283 = vector.broadcast %squeeze3A : f32 to vector<16xf32>
        %mul3A_284 = arith.constant 16 : i32
        %mul3A_285 = arith.muli %scan3A_275, %mul3A_284 : i32
        %add3A_286 = arith.constant 0 : i32
        %add3A_287 = arith.addi %mul3A_285, %add3A_286 : i32
        %get3A_288 = arith.index_cast %add3A_287 : i32 to index
        %get3A_289 = arith.constant 0 : index
        %get3A_290 = tpu.vector_load %arg7[%get3A_288, %get3A_289] {strides = array<i32>} : memref<128x64xf32, #tpu.memory_space<vmem>>, vector<16xf32>,
        %mul3A_291 = arith.mulf %get3A_290, %broadcast_in_dim3A_283 : vector<16xf32>
        %swap3A = arith.index_cast %add3A_287 : i32 to index
        %swap3A_292 = arith.constant 0 : index
        %swap3A_293 = tpu.vector_load %arg7[%swap3A, %swap3A_292] {strides = array<i32>} : memref<128x64xf32, #tpu.memory_space<vmem>>, vector<16xf32>,
        tpu.vector_store %arg7[%swap3A, %swap3A_292], %mul3A_291 {strides = array<i32>} : memref<128x64xf32, #tpu.memory_space<vmem>>, vector<16xf32>,
        %get3A_294 = arith.index_cast %add3A_287 : i32 to index
        %get3A_295 = arith.constant 16 : index
        %get3A_296 = tpu.vector_load %arg7[%get3A_294, %get3A_295] {strides = array<i32>} : memref<128x64xf32, #tpu.memory_space<vmem>>, vector<16xf32>,
        %mul3A_297 = arith.mulf %get3A_296, %broadcast_in_dim3A_283 : vector<16xf32>
        %swap3A_298 = arith.index_cast %add3A_287 : i32 to index
        %swap3A_299 = arith.constant 16 : index
        %swap3A_300 = tpu.vector_load %arg7[%swap3A_298, %swap3A_299] {strides = array<i32>} : memref<128x64xf32, #tpu.memory_space<vmem>>, vector<16xf32>,
        tpu.vector_store %arg7[%swap3A_298, %swap3A_299], %mul3A_297 {strides = array<i32>} : memref<128x64xf32, #tpu.memory_space<vmem>>, vector<16xf32>,
        %get3A_301 = arith.index_cast %add3A_287 : i32 to index
        %get3A_302 = arith.constant 32 : index
        %get3A_303 = tpu.vector_load %arg7[%get3A_301, %get3A_302] {strides = array<i32>} : memref<128x64xf32, #tpu.memory_space<vmem>>, vector<16xf32>,
        %mul3A_304 = arith.mulf %get3A_303, %broadcast_in_dim3A_283 : vector<16xf32>
        %swap3A_305 = arith.index_cast %add3A_287 : i32 to index
        %swap3A_306 = arith.constant 32 : index
        %swap3A_307 = tpu.vector_load %arg7[%swap3A_305, %swap3A_306] {strides = array<i32>} : memref<128x64xf32, #tpu.memory_space<vmem>>, vector<16xf32>,
        tpu.vector_store %arg7[%swap3A_305, %swap3A_306], %mul3A_304 {strides = array<i32>} : memref<128x64xf32, #tpu.memory_space<vmem>>, vector<16xf32>,
        %get3A_308 = arith.index_cast %add3A_287 : i32 to index
        %get3A_309 = arith.constant 48 : index
        %get3A_310 = tpu.vector_load %arg7[%get3A_308, %get3A_309] {strides = array<i32>} : memref<128x64xf32, #tpu.memory_space<vmem>>, vector<16xf32>,
        %mul3A_311 = arith.mulf %get3A_310, %broadcast_in_dim3A_283 : vector<16xf32>
        %swap3A_312 = arith.index_cast %add3A_287 : i32 to index
        %swap3A_313 = arith.constant 48 : index
        %swap3A_314 = tpu.vector_load %arg7[%swap3A_312, %swap3A_313] {strides = array<i32>} : memref<128x64xf32, #tpu.memory_space<vmem>>, vector<16xf32>,
        tpu.vector_store %arg7[%swap3A_312, %swap3A_313], %mul3A_311 {strides = array<i32>} : memref<128x64xf32, #tpu.memory_space<vmem>>, vector<16xf32>,
        %slice3A_315 = vector.extract_strided_slice %get3A_282 {offsets = [1], sizes = [1], strides = [1]} : vector<16xf32> to vector<1xf32>
        %squeeze3A_316 = vector.extract %slice3A_315[0] : f32 from vector<1xf32>
        %broadcast_in_dim3A_317 = vector.broadcast %squeeze3A_316 : f32 to vector<16xf32>
        %mul3A_318 = arith.constant 16 : i32
        %mul3A_319 = arith.muli %scan3A_275, %mul3A_318 : i32
        %add3A_320 = arith.constant 1 : i32
        %add3A_321 = arith.addi %mul3A_319, %add3A_320 : i32
        %get3A_322 = arith.index_cast %add3A_321 : i32 to index
        %get3A_323 = arith.constant 0 : index
        %get3A_324 = tpu.vector_load %arg7[%get3A_322, %get3A_323] {strides = array<i32>} : memref<128x64xf32, #tpu.memory_space<vmem>>, vector<16xf32>,
        %mul3A_325 = arith.mulf %get3A_324, %broadcast_in_dim3A_317 : vector<16xf32>
        %swap3A_326 = arith.index_cast %add3A_321 : i32 to index
        %swap3A_327 = arith.constant 0 : index
        %swap3A_328 = tpu.vector_load %arg7[%swap3A_326, %swap3A_327] {strides = array<i32>} : memref<128x64xf32, #tpu.memory_space<vmem>>, vector<16xf32>,
        tpu.vector_store %arg7[%swap3A_326, %swap3A_327], %mul3A_325 {strides = array<i32>} : memref<128x64xf32, #tpu.memory_space<vmem>>, vector<16xf32>,
        %get3A_329 = arith.index_cast %add3A_321 : i32 to index
        %get3A_330 = arith.constant 16 : index
        %get3A_331 = tpu.vector_load %arg7[%get3A_329, %get3A_330] {strides = array<i32>} : memref<128x64xf32, #tpu.memory_space<vmem>>, vector<16xf32>,
        %mul3A_332 = arith.mulf %get3A_331, %broadcast_in_dim3A_317 : vector<16xf32>
        %swap3A_333 = arith.index_cast %add3A_321 : i32 to index
        %swap3A_334 = arith.constant 16 : index
        %swap3A_335 = tpu.vector_load %arg7[%swap3A_333, %swap3A_334] {strides = array<i32>} : memref<128x64xf32, #tpu.memory_space<vmem>>, vector<16xf32>,
        tpu.vector_store %arg7[%swap3A_333, %swap3A_334], %mul3A_332 {strides = array<i32>} : memref<128x64xf32, #tpu.memory_space<vmem>>, vector<16xf32>,
        %get3A_336 = arith.index_cast %add3A_321 : i32 to index
        %get3A_337 = arith.constant 32 : index
        %get3A_338 = tpu.vector_load %arg7[%get3A_336, %get3A_337] {strides = array<i32>} : memref<128x64xf32, #tpu.memory_space<vmem>>, vector<16xf32>,
        %mul3A_339 = arith.mulf %get3A_338, %broadcast_in_dim3A_317 : vector<16xf32>
        %swap3A_340 = arith.index_cast %add3A_321 : i32 to index
        %swap3A_341 = arith.constant 32 : index
        %swap3A_342 = tpu.vector_load %arg7[%swap3A_340, %swap3A_341] {strides = array<i32>} : memref<128x64xf32, #tpu.memory_space<vmem>>, vector<16xf32>,
        tpu.vector_store %arg7[%swap3A_340, %swap3A_341], %mul3A_339 {strides = array<i32>} : memref<128x64xf32, #tpu.memory_space<vmem>>, vector<16xf32>,
        %get3A_343 = arith.index_cast %add3A_321 : i32 to index
        %get3A_344 = arith.constant 48 : index
        %get3A_345 = tpu.vector_load %arg7[%get3A_343, %get3A_344] {strides = array<i32>} : memref<128x64xf32, #tpu.memory_space<vmem>>, vector<16xf32>,
        %mul3A_346 = arith.mulf %get3A_345, %broadcast_in_dim3A_317 : vector<16xf32>
        %swap3A_347 = arith.index_cast %add3A_321 : i32 to index
        %swap3A_348 = arith.constant 48 : index
        %swap3A_349 = tpu.vector_load %arg7[%swap3A_347, %swap3A_348] {strides = array<i32>} : memref<128x64xf32, #tpu.memory_space<vmem>>, vector<16xf32>,
        tpu.vector_store %arg7[%swap3A_347, %swap3A_348], %mul3A_346 {strides = array<i32>} : memref<128x64xf32, #tpu.memory_space<vmem>>, vector<16xf32>,
        %slice3A_350 = vector.extract_strided_slice %get3A_282 {offsets = [2], sizes = [1], strides = [1]} : vector<16xf32> to vector<1xf32>
        %squeeze3A_351 = vector.extract %slice3A_350[0] : f32 from vector<1xf32>
        %broadcast_in_dim3A_352 = vector.broadcast %squeeze3A_351 : f32 to vector<16xf32>
        %mul3A_353 = arith.constant 16 : i32
        %mul3A_354 = arith.muli %scan3A_275, %mul3A_353 : i32
        %add3A_355 = arith.constant 2 : i32
        %add3A_356 = arith.addi %mul3A_354, %add3A_355 : i32
        %get3A_357 = arith.index_cast %add3A_356 : i32 to index
        %get3A_358 = arith.constant 0 : index
        %get3A_359 = tpu.vector_load %arg7[%get3A_357, %get3A_358] {strides = array<i32>} : memref<128x64xf32, #tpu.memory_space<vmem>>, vector<16xf32>,
        %mul3A_360 = arith.mulf %get3A_359, %broadcast_in_dim3A_352 : vector<16xf32>
        %swap3A_361 = arith.index_cast %add3A_356 : i32 to index
        %swap3A_362 = arith.constant 0 : index
        %swap3A_363 = tpu.vector_load %arg7[%swap3A_361, %swap3A_362] {strides = array<i32>} : memref<128x64xf32, #tpu.memory_space<vmem>>, vector<16xf32>,
        tpu.vector_store %arg7[%swap3A_361, %swap3A_362], %mul3A_360 {strides = array<i32>} : memref<128x64xf32, #tpu.memory_space<vmem>>, vector<16xf32>,
        %get3A_364 = arith.index_cast %add3A_356 : i32 to index
        %get3A_365 = arith.constant 16 : index
        %get3A_366 = tpu.vector_load %arg7[%get3A_364, %get3A_365] {strides = array<i32>} : memref<128x64xf32, #tpu.memory_space<vmem>>, vector<16xf32>,
        %mul3A_367 = arith.mulf %get3A_366, %broadcast_in_dim3A_352 : vector<16xf32>
        %swap3A_368 = arith.index_cast %add3A_356 : i32 to index
        %swap3A_369 = arith.constant 16 : index
        %swap3A_370 = tpu.vector_load %arg7[%swap3A_368, %swap3A_369] {strides = array<i32>} : memref<128x64xf32, #tpu.memory_space<vmem>>, vector<16xf32>,
        tpu.vector_store %arg7[%swap3A_368, %swap3A_369], %mul3A_367 {strides = array<i32>} : memref<128x64xf32, #tpu.memory_space<vmem>>, vector<16xf32>,
        %get3A_371 = arith.index_cast %add3A_356 : i32 to index
        %get3A_372 = arith.constant 32 : index
        %get3A_373 = tpu.vector_load %arg7[%get3A_371, %get3A_372] {strides = array<i32>} : memref<128x64xf32, #tpu.memory_space<vmem>>, vector<16xf32>,
        %mul3A_374 = arith.mulf %get3A_373, %broadcast_in_dim3A_352 : vector<16xf32>
        %swap3A_375 = arith.index_cast %add3A_356 : i32 to index
        %swap3A_376 = arith.constant 32 : index
        %swap3A_377 = tpu.vector_load %arg7[%swap3A_375, %swap3A_376] {strides = array<i32>} : memref<128x64xf32, #tpu.memory_space<vmem>>, vector<16xf32>,
        tpu.vector_store %arg7[%swap3A_375, %swap3A_376], %mul3A_374 {strides = array<i32>} : memref<128x64xf32, #tpu.memory_space<vmem>>, vector<16xf32>,
        %get3A_378 = arith.index_cast %add3A_356 : i32 to index
        %get3A_379 = arith.constant 48 : index
        %get3A_380 = tpu.vector_load %arg7[%get3A_378, %get3A_379] {strides = array<i32>} : memref<128x64xf32, #tpu.memory_space<vmem>>, vector<16xf32>,
        %mul3A_381 = arith.mulf %get3A_380, %broadcast_in_dim3A_352 : vector<16xf32>
        %swap3A_382 = arith.index_cast %add3A_356 : i32 to index
        %swap3A_383 = arith.constant 48 : index
        %swap3A_384 = tpu.vector_load %arg7[%swap3A_382, %swap3A_383] {strides = array<i32>} : memref<128x64xf32, #tpu.memory_space<vmem>>, vector<16xf32>,
        tpu.vector_store %arg7[%swap3A_382, %swap3A_383], %mul3A_381 {strides = array<i32>} : memref<128x64xf32, #tpu.memory_space<vmem>>, vector<16xf32>,
        %slice3A_385 = vector.extract_strided_slice %get3A_282 {offsets = [3], sizes = [1], strides = [1]} : vector<16xf32> to vector<1xf32>
        %squeeze3A_386 = vector.extract %slice3A_385[0] : f32 from vector<1xf32>
        %broadcast_in_dim3A_387 = vector.broadcast %squeeze3A_386 : f32 to vector<16xf32>
        %mul3A_388 = arith.constant 16 : i32
        %mul3A_389 = arith.muli %scan3A_275, %mul3A_388 : i32
        %add3A_390 = arith.constant 3 : i32
        %add3A_391 = arith.addi %mul3A_389, %add3A_390 : i32
        %get3A_392 = arith.index_cast %add3A_391 : i32 to index
        %get3A_393 = arith.constant 0 : index
        %get3A_394 = tpu.vector_load %arg7[%get3A_392, %get3A_393] {strides = array<i32>} : memref<128x64xf32, #tpu.memory_space<vmem>>, vector<16xf32>,
        %mul3A_395 = arith.mulf %get3A_394, %broadcast_in_dim3A_387 : vector<16xf32>
        %swap3A_396 = arith.index_cast %add3A_391 : i32 to index
        %swap3A_397 = arith.constant 0 : index
        %swap3A_398 = tpu.vector_load %arg7[%swap3A_396, %swap3A_397] {strides = array<i32>} : memref<128x64xf32, #tpu.memory_space<vmem>>, vector<16xf32>,
        tpu.vector_store %arg7[%swap3A_396, %swap3A_397], %mul3A_395 {strides = array<i32>} : memref<128x64xf32, #tpu.memory_space<vmem>>, vector<16xf32>,
        %get3A_399 = arith.index_cast %add3A_391 : i32 to index
        %get3A_400 = arith.constant 16 : index
        %get3A_401 = tpu.vector_load %arg7[%get3A_399, %get3A_400] {strides = array<i32>} : memref<128x64xf32, #tpu.memory_space<vmem>>, vector<16xf32>,
        %mul3A_402 = arith.mulf %get3A_401, %broadcast_in_dim3A_387 : vector<16xf32>
        %swap3A_403 = arith.index_cast %add3A_391 : i32 to index
        %swap3A_404 = arith.constant 16 : index
        %swap3A_405 = tpu.vector_load %arg7[%swap3A_403, %swap3A_404] {strides = array<i32>} : memref<128x64xf32, #tpu.memory_space<vmem>>, vector<16xf32>,
        tpu.vector_store %arg7[%swap3A_403, %swap3A_404], %mul3A_402 {strides = array<i32>} : memref<128x64xf32, #tpu.memory_space<vmem>>, vector<16xf32>,
        %get3A_406 = arith.index_cast %add3A_391 : i32 to index
        %get3A_407 = arith.constant 32 : index
        %get3A_408 = tpu.vector_load %arg7[%get3A_406, %get3A_407] {strides = array<i32>} : memref<128x64xf32, #tpu.memory_space<vmem>>, vector<16xf32>,
        %mul3A_409 = arith.mulf %get3A_408, %broadcast_in_dim3A_387 : vector<16xf32>
        %swap3A_410 = arith.index_cast %add3A_391 : i32 to index
        %swap3A_411 = arith.constant 32 : index
        %swap3A_412 = tpu.vector_load %arg7[%swap3A_410, %swap3A_411] {strides = array<i32>} : memref<128x64xf32, #tpu.memory_space<vmem>>, vector<16xf32>,
        tpu.vector_store %arg7[%swap3A_410, %swap3A_411], %mul3A_409 {strides = array<i32>} : memref<128x64xf32, #tpu.memory_space<vmem>>, vector<16xf32>,
        %get3A_413 = arith.index_cast %add3A_391 : i32 to index
        %get3A_414 = arith.constant 48 : index
        %get3A_415 = tpu.vector_load %arg7[%get3A_413, %get3A_414] {strides = array<i32>} : memref<128x64xf32, #tpu.memory_space<vmem>>, vector<16xf32>,
        %mul3A_416 = arith.mulf %get3A_415, %broadcast_in_dim3A_387 : vector<16xf32>
        %swap3A_417 = arith.index_cast %add3A_391 : i32 to index
        %swap3A_418 = arith.constant 48 : index
        %swap3A_419 = tpu.vector_load %arg7[%swap3A_417, %swap3A_418] {strides = array<i32>} : memref<128x64xf32, #tpu.memory_space<vmem>>, vector<16xf32>,
        tpu.vector_store %arg7[%swap3A_417, %swap3A_418], %mul3A_416 {strides = array<i32>} : memref<128x64xf32, #tpu.memory_space<vmem>>, vector<16xf32>,
        %slice3A_420 = vector.extract_strided_slice %get3A_282 {offsets = [4], sizes = [1], strides = [1]} : vector<16xf32> to vector<1xf32>
        %squeeze3A_421 = vector.extract %slice3A_420[0] : f32 from vector<1xf32>
        %broadcast_in_dim3A_422 = vector.broadcast %squeeze3A_421 : f32 to vector<16xf32>
        %mul3A_423 = arith.constant 16 : i32
        %mul3A_424 = arith.muli %scan3A_275, %mul3A_423 : i32
        %add3A_425 = arith.constant 4 : i32
        %add3A_426 = arith.addi %mul3A_424, %add3A_425 : i32
        %get3A_427 = arith.index_cast %add3A_426 : i32 to index
        %get3A_428 = arith.constant 0 : index
        %get3A_429 = tpu.vector_load %arg7[%get3A_427, %get3A_428] {strides = array<i32>} : memref<128x64xf32, #tpu.memory_space<vmem>>, vector<16xf32>,
        %mul3A_430 = arith.mulf %get3A_429, %broadcast_in_dim3A_422 : vector<16xf32>
        %swap3A_431 = arith.index_cast %add3A_426 : i32 to index
        %swap3A_432 = arith.constant 0 : index
        %swap3A_433 = tpu.vector_load %arg7[%swap3A_431, %swap3A_432] {strides = array<i32>} : memref<128x64xf32, #tpu.memory_space<vmem>>, vector<16xf32>,
        tpu.vector_store %arg7[%swap3A_431, %swap3A_432], %mul3A_430 {strides = array<i32>} : memref<128x64xf32, #tpu.memory_space<vmem>>, vector<16xf32>,
        %get3A_434 = arith.index_cast %add3A_426 : i32 to index
        %get3A_435 = arith.constant 16 : index
        %get3A_436 = tpu.vector_load %arg7[%get3A_434, %get3A_435] {strides = array<i32>} : memref<128x64xf32, #tpu.memory_space<vmem>>, vector<16xf32>,
        %mul3A_437 = arith.mulf %get3A_436, %broadcast_in_dim3A_422 : vector<16xf32>
        %swap3A_438 = arith.index_cast %add3A_426 : i32 to index
        %swap3A_439 = arith.constant 16 : index
        %swap3A_440 = tpu.vector_load %arg7[%swap3A_438, %swap3A_439] {strides = array<i32>} : memref<128x64xf32, #tpu.memory_space<vmem>>, vector<16xf32>,
        tpu.vector_store %arg7[%swap3A_438, %swap3A_439], %mul3A_437 {strides = array<i32>} : memref<128x64xf32, #tpu.memory_space<vmem>>, vector<16xf32>,
        %get3A_441 = arith.index_cast %add3A_426 : i32 to index
        %get3A_442 = arith.constant 32 : index
        %get3A_443 = tpu.vector_load %arg7[%get3A_441, %get3A_442] {strides = array<i32>} : memref<128x64xf32, #tpu.memory_space<vmem>>, vector<16xf32>,
        %mul3A_444 = arith.mulf %get3A_443, %broadcast_in_dim3A_422 : vector<16xf32>
        %swap3A_445 = arith.index_cast %add3A_426 : i32 to index
        %swap3A_446 = arith.constant 32 : index
        %swap3A_447 = tpu.vector_load %arg7[%swap3A_445, %swap3A_446] {strides = array<i32>} : memref<128x64xf32, #tpu.memory_space<vmem>>, vector<16xf32>,
        tpu.vector_store %arg7[%swap3A_445, %swap3A_446], %mul3A_444 {strides = array<i32>} : memref<128x64xf32, #tpu.memory_space<vmem>>, vector<16xf32>,
        %get3A_448 = arith.index_cast %add3A_426 : i32 to index
        %get3A_449 = arith.constant 48 : index
        %get3A_450 = tpu.vector_load %arg7[%get3A_448, %get3A_449] {strides = array<i32>} : memref<128x64xf32, #tpu.memory_space<vmem>>, vector<16xf32>,
        %mul3A_451 = arith.mulf %get3A_450, %broadcast_in_dim3A_422 : vector<16xf32>
        %swap3A_452 = arith.index_cast %add3A_426 : i32 to index
        %swap3A_453 = arith.constant 48 : index
        %swap3A_454 = tpu.vector_load %arg7[%swap3A_452, %swap3A_453] {strides = array<i32>} : memref<128x64xf32, #tpu.memory_space<vmem>>, vector<16xf32>,
        tpu.vector_store %arg7[%swap3A_452, %swap3A_453], %mul3A_451 {strides = array<i32>} : memref<128x64xf32, #tpu.memory_space<vmem>>, vector<16xf32>,
        %slice3A_455 = vector.extract_strided_slice %get3A_282 {offsets = [5], sizes = [1], strides = [1]} : vector<16xf32> to vector<1xf32>
        %squeeze3A_456 = vector.extract %slice3A_455[0] : f32 from vector<1xf32>
        %broadcast_in_dim3A_457 = vector.broadcast %squeeze3A_456 : f32 to vector<16xf32>
        %mul3A_458 = arith.constant 16 : i32
        %mul3A_459 = arith.muli %scan3A_275, %mul3A_458 : i32
        %add3A_460 = arith.constant 5 : i32
        %add3A_461 = arith.addi %mul3A_459, %add3A_460 : i32
        %get3A_462 = arith.index_cast %add3A_461 : i32 to index
        %get3A_463 = arith.constant 0 : index
        %get3A_464 = tpu.vector_load %arg7[%get3A_462, %get3A_463] {strides = array<i32>} : memref<128x64xf32, #tpu.memory_space<vmem>>, vector<16xf32>,
        %mul3A_465 = arith.mulf %get3A_464, %broadcast_in_dim3A_457 : vector<16xf32>
        %swap3A_466 = arith.index_cast %add3A_461 : i32 to index
        %swap3A_467 = arith.constant 0 : index
        %swap3A_468 = tpu.vector_load %arg7[%swap3A_466, %swap3A_467] {strides = array<i32>} : memref<128x64xf32, #tpu.memory_space<vmem>>, vector<16xf32>,
        tpu.vector_store %arg7[%swap3A_466, %swap3A_467], %mul3A_465 {strides = array<i32>} : memref<128x64xf32, #tpu.memory_space<vmem>>, vector<16xf32>,
        %get3A_469 = arith.index_cast %add3A_461 : i32 to index
        %get3A_470 = arith.constant 16 : index
        %get3A_471 = tpu.vector_load %arg7[%get3A_469, %get3A_470] {strides = array<i32>} : memref<128x64xf32, #tpu.memory_space<vmem>>, vector<16xf32>,
        %mul3A_472 = arith.mulf %get3A_471, %broadcast_in_dim3A_457 : vector<16xf32>
        %swap3A_473 = arith.index_cast %add3A_461 : i32 to index
        %swap3A_474 = arith.constant 16 : index
        %swap3A_475 = tpu.vector_load %arg7[%swap3A_473, %swap3A_474] {strides = array<i32>} : memref<128x64xf32, #tpu.memory_space<vmem>>, vector<16xf32>,
        tpu.vector_store %arg7[%swap3A_473, %swap3A_474], %mul3A_472 {strides = array<i32>} : memref<128x64xf32, #tpu.memory_space<vmem>>, vector<16xf32>,
        %get3A_476 = arith.index_cast %add3A_461 : i32 to index
        %get3A_477 = arith.constant 32 : index
        %get3A_478 = tpu.vector_load %arg7[%get3A_476, %get3A_477] {strides = array<i32>} : memref<128x64xf32, #tpu.memory_space<vmem>>, vector<16xf32>,
        %mul3A_479 = arith.mulf %get3A_478, %broadcast_in_dim3A_457 : vector<16xf32>
        %swap3A_480 = arith.index_cast %add3A_461 : i32 to index
        %swap3A_481 = arith.constant 32 : index
        %swap3A_482 = tpu.vector_load %arg7[%swap3A_480, %swap3A_481] {strides = array<i32>} : memref<128x64xf32, #tpu.memory_space<vmem>>, vector<16xf32>,
        tpu.vector_store %arg7[%swap3A_480, %swap3A_481], %mul3A_479 {strides = array<i32>} : memref<128x64xf32, #tpu.memory_space<vmem>>, vector<16xf32>,
        %get3A_483 = arith.index_cast %add3A_461 : i32 to index
        %get3A_484 = arith.constant 48 : index
        %get3A_485 = tpu.vector_load %arg7[%get3A_483, %get3A_484] {strides = array<i32>} : memref<128x64xf32, #tpu.memory_space<vmem>>, vector<16xf32>,
        %mul3A_486 = arith.mulf %get3A_485, %broadcast_in_dim3A_457 : vector<16xf32>
        %swap3A_487 = arith.index_cast %add3A_461 : i32 to index
        %swap3A_488 = arith.constant 48 : index
        %swap3A_489 = tpu.vector_load %arg7[%swap3A_487, %swap3A_488] {strides = array<i32>} : memref<128x64xf32, #tpu.memory_space<vmem>>, vector<16xf32>,
        tpu.vector_store %arg7[%swap3A_487, %swap3A_488], %mul3A_486 {strides = array<i32>} : memref<128x64xf32, #tpu.memory_space<vmem>>, vector<16xf32>,
        %slice3A_490 = vector.extract_strided_slice %get3A_282 {offsets = [6], sizes = [1], strides = [1]} : vector<16xf32> to vector<1xf32>
        %squeeze3A_491 = vector.extract %slice3A_490[0] : f32 from vector<1xf32>
        %broadcast_in_dim3A_492 = vector.broadcast %squeeze3A_491 : f32 to vector<16xf32>
        %mul3A_493 = arith.constant 16 : i32
        %mul3A_494 = arith.muli %scan3A_275, %mul3A_493 : i32
        %add3A_495 = arith.constant 6 : i32
        %add3A_496 = arith.addi %mul3A_494, %add3A_495 : i32
        %get3A_497 = arith.index_cast %add3A_496 : i32 to index
        %get3A_498 = arith.constant 0 : index
        %get3A_499 = tpu.vector_load %arg7[%get3A_497, %get3A_498] {strides = array<i32>} : memref<128x64xf32, #tpu.memory_space<vmem>>, vector<16xf32>,
        %mul3A_500 = arith.mulf %get3A_499, %broadcast_in_dim3A_492 : vector<16xf32>
        %swap3A_501 = arith.index_cast %add3A_496 : i32 to index
        %swap3A_502 = arith.constant 0 : index
        %swap3A_503 = tpu.vector_load %arg7[%swap3A_501, %swap3A_502] {strides = array<i32>} : memref<128x64xf32, #tpu.memory_space<vmem>>, vector<16xf32>,
        tpu.vector_store %arg7[%swap3A_501, %swap3A_502], %mul3A_500 {strides = array<i32>} : memref<128x64xf32, #tpu.memory_space<vmem>>, vector<16xf32>,
        %get3A_504 = arith.index_cast %add3A_496 : i32 to index
        %get3A_505 = arith.constant 16 : index
        %get3A_506 = tpu.vector_load %arg7[%get3A_504, %get3A_505] {strides = array<i32>} : memref<128x64xf32, #tpu.memory_space<vmem>>, vector<16xf32>,
        %mul3A_507 = arith.mulf %get3A_506, %broadcast_in_dim3A_492 : vector<16xf32>
        %swap3A_508 = arith.index_cast %add3A_496 : i32 to index
        %swap3A_509 = arith.constant 16 : index
        %swap3A_510 = tpu.vector_load %arg7[%swap3A_508, %swap3A_509] {strides = array<i32>} : memref<128x64xf32, #tpu.memory_space<vmem>>, vector<16xf32>,
        tpu.vector_store %arg7[%swap3A_508, %swap3A_509], %mul3A_507 {strides = array<i32>} : memref<128x64xf32, #tpu.memory_space<vmem>>, vector<16xf32>,
        %get3A_511 = arith.index_cast %add3A_496 : i32 to index
        %get3A_512 = arith.constant 32 : index
        %get3A_513 = tpu.vector_load %arg7[%get3A_511, %get3A_512] {strides = array<i32>} : memref<128x64xf32, #tpu.memory_space<vmem>>, vector<16xf32>,
        %mul3A_514 = arith.mulf %get3A_513, %broadcast_in_dim3A_492 : vector<16xf32>
        %swap3A_515 = arith.index_cast %add3A_496 : i32 to index
        %swap3A_516 = arith.constant 32 : index
        %swap3A_517 = tpu.vector_load %arg7[%swap3A_515, %swap3A_516] {strides = array<i32>} : memref<128x64xf32, #tpu.memory_space<vmem>>, vector<16xf32>,
        tpu.vector_store %arg7[%swap3A_515, %swap3A_516], %mul3A_514 {strides = array<i32>} : memref<128x64xf32, #tpu.memory_space<vmem>>, vector<16xf32>,
        %get3A_518 = arith.index_cast %add3A_496 : i32 to index
        %get3A_519 = arith.constant 48 : index
        %get3A_520 = tpu.vector_load %arg7[%get3A_518, %get3A_519] {strides = array<i32>} : memref<128x64xf32, #tpu.memory_space<vmem>>, vector<16xf32>,
        %mul3A_521 = arith.mulf %get3A_520, %broadcast_in_dim3A_492 : vector<16xf32>
        %swap3A_522 = arith.index_cast %add3A_496 : i32 to index
        %swap3A_523 = arith.constant 48 : index
        %swap3A_524 = tpu.vector_load %arg7[%swap3A_522, %swap3A_523] {strides = array<i32>} : memref<128x64xf32, #tpu.memory_space<vmem>>, vector<16xf32>,
        tpu.vector_store %arg7[%swap3A_522, %swap3A_523], %mul3A_521 {strides = array<i32>} : memref<128x64xf32, #tpu.memory_space<vmem>>, vector<16xf32>,
        %slice3A_525 = vector.extract_strided_slice %get3A_282 {offsets = [7], sizes = [1], strides = [1]} : vector<16xf32> to vector<1xf32>
        %squeeze3A_526 = vector.extract %slice3A_525[0] : f32 from vector<1xf32>
        %broadcast_in_dim3A_527 = vector.broadcast %squeeze3A_526 : f32 to vector<16xf32>
        %mul3A_528 = arith.constant 16 : i32
        %mul3A_529 = arith.muli %scan3A_275, %mul3A_528 : i32
        %add3A_530 = arith.constant 7 : i32
        %add3A_531 = arith.addi %mul3A_529, %add3A_530 : i32
        %get3A_532 = arith.index_cast %add3A_531 : i32 to index
        %get3A_533 = arith.constant 0 : index
        %get3A_534 = tpu.vector_load %arg7[%get3A_532, %get3A_533] {strides = array<i32>} : memref<128x64xf32, #tpu.memory_space<vmem>>, vector<16xf32>,
        %mul3A_535 = arith.mulf %get3A_534, %broadcast_in_dim3A_527 : vector<16xf32>
        %swap3A_536 = arith.index_cast %add3A_531 : i32 to index
        %swap3A_537 = arith.constant 0 : index
        %swap3A_538 = tpu.vector_load %arg7[%swap3A_536, %swap3A_537] {strides = array<i32>} : memref<128x64xf32, #tpu.memory_space<vmem>>, vector<16xf32>,
        tpu.vector_store %arg7[%swap3A_536, %swap3A_537], %mul3A_535 {strides = array<i32>} : memref<128x64xf32, #tpu.memory_space<vmem>>, vector<16xf32>,
        %get3A_539 = arith.index_cast %add3A_531 : i32 to index
        %get3A_540 = arith.constant 16 : index
        %get3A_541 = tpu.vector_load %arg7[%get3A_539, %get3A_540] {strides = array<i32>} : memref<128x64xf32, #tpu.memory_space<vmem>>, vector<16xf32>,
        %mul3A_542 = arith.mulf %get3A_541, %broadcast_in_dim3A_527 : vector<16xf32>
        %swap3A_543 = arith.index_cast %add3A_531 : i32 to index
        %swap3A_544 = arith.constant 16 : index
        %swap3A_545 = tpu.vector_load %arg7[%swap3A_543, %swap3A_544] {strides = array<i32>} : memref<128x64xf32, #tpu.memory_space<vmem>>, vector<16xf32>,
        tpu.vector_store %arg7[%swap3A_543, %swap3A_544], %mul3A_542 {strides = array<i32>} : memref<128x64xf32, #tpu.memory_space<vmem>>, vector<16xf32>,
        %get3A_546 = arith.index_cast %add3A_531 : i32 to index
        %get3A_547 = arith.constant 32 : index
        %get3A_548 = tpu.vector_load %arg7[%get3A_546, %get3A_547] {strides = array<i32>} : memref<128x64xf32, #tpu.memory_space<vmem>>, vector<16xf32>,
        %mul3A_549 = arith.mulf %get3A_548, %broadcast_in_dim3A_527 : vector<16xf32>
        %swap3A_550 = arith.index_cast %add3A_531 : i32 to index
        %swap3A_551 = arith.constant 32 : index
        %swap3A_552 = tpu.vector_load %arg7[%swap3A_550, %swap3A_551] {strides = array<i32>} : memref<128x64xf32, #tpu.memory_space<vmem>>, vector<16xf32>,
        tpu.vector_store %arg7[%swap3A_550, %swap3A_551], %mul3A_549 {strides = array<i32>} : memref<128x64xf32, #tpu.memory_space<vmem>>, vector<16xf32>,
        %get3A_553 = arith.index_cast %add3A_531 : i32 to index
        %get3A_554 = arith.constant 48 : index
        %get3A_555 = tpu.vector_load %arg7[%get3A_553, %get3A_554] {strides = array<i32>} : memref<128x64xf32, #tpu.memory_space<vmem>>, vector<16xf32>,
        %mul3A_556 = arith.mulf %get3A_555, %broadcast_in_dim3A_527 : vector<16xf32>
        %swap3A_557 = arith.index_cast %add3A_531 : i32 to index
        %swap3A_558 = arith.constant 48 : index
        %swap3A_559 = tpu.vector_load %arg7[%swap3A_557, %swap3A_558] {strides = array<i32>} : memref<128x64xf32, #tpu.memory_space<vmem>>, vector<16xf32>,
        tpu.vector_store %arg7[%swap3A_557, %swap3A_558], %mul3A_556 {strides = array<i32>} : memref<128x64xf32, #tpu.memory_space<vmem>>, vector<16xf32>,
        %slice3A_560 = vector.extract_strided_slice %get3A_282 {offsets = [8], sizes = [1], strides = [1]} : vector<16xf32> to vector<1xf32>
        %squeeze3A_561 = vector.extract %slice3A_560[0] : f32 from vector<1xf32>
        %broadcast_in_dim3A_562 = vector.broadcast %squeeze3A_561 : f32 to vector<16xf32>
        %mul3A_563 = arith.constant 16 : i32
        %mul3A_564 = arith.muli %scan3A_275, %mul3A_563 : i32
        %add3A_565 = arith.constant 8 : i32
        %add3A_566 = arith.addi %mul3A_564, %add3A_565 : i32
        %get3A_567 = arith.index_cast %add3A_566 : i32 to index
        %get3A_568 = arith.constant 0 : index
        %get3A_569 = tpu.vector_load %arg7[%get3A_567, %get3A_568] {strides = array<i32>} : memref<128x64xf32, #tpu.memory_space<vmem>>, vector<16xf32>,
        %mul3A_570 = arith.mulf %get3A_569, %broadcast_in_dim3A_562 : vector<16xf32>
        %swap3A_571 = arith.index_cast %add3A_566 : i32 to index
        %swap3A_572 = arith.constant 0 : index
        %swap3A_573 = tpu.vector_load %arg7[%swap3A_571, %swap3A_572] {strides = array<i32>} : memref<128x64xf32, #tpu.memory_space<vmem>>, vector<16xf32>,
        tpu.vector_store %arg7[%swap3A_571, %swap3A_572], %mul3A_570 {strides = array<i32>} : memref<128x64xf32, #tpu.memory_space<vmem>>, vector<16xf32>,
        %get3A_574 = arith.index_cast %add3A_566 : i32 to index
        %get3A_575 = arith.constant 16 : index
        %get3A_576 = tpu.vector_load %arg7[%get3A_574, %get3A_575] {strides = array<i32>} : memref<128x64xf32, #tpu.memory_space<vmem>>, vector<16xf32>,
        %mul3A_577 = arith.mulf %get3A_576, %broadcast_in_dim3A_562 : vector<16xf32>
        %swap3A_578 = arith.index_cast %add3A_566 : i32 to index
        %swap3A_579 = arith.constant 16 : index
        %swap3A_580 = tpu.vector_load %arg7[%swap3A_578, %swap3A_579] {strides = array<i32>} : memref<128x64xf32, #tpu.memory_space<vmem>>, vector<16xf32>,
        tpu.vector_store %arg7[%swap3A_578, %swap3A_579], %mul3A_577 {strides = array<i32>} : memref<128x64xf32, #tpu.memory_space<vmem>>, vector<16xf32>,
        %get3A_581 = arith.index_cast %add3A_566 : i32 to index
        %get3A_582 = arith.constant 32 : index
        %get3A_583 = tpu.vector_load %arg7[%get3A_581, %get3A_582] {strides = array<i32>} : memref<128x64xf32, #tpu.memory_space<vmem>>, vector<16xf32>,
        %mul3A_584 = arith.mulf %get3A_583, %broadcast_in_dim3A_562 : vector<16xf32>
        %swap3A_585 = arith.index_cast %add3A_566 : i32 to index
        %swap3A_586 = arith.constant 32 : index
        %swap3A_587 = tpu.vector_load %arg7[%swap3A_585, %swap3A_586] {strides = array<i32>} : memref<128x64xf32, #tpu.memory_space<vmem>>, vector<16xf32>,
        tpu.vector_store %arg7[%swap3A_585, %swap3A_586], %mul3A_584 {strides = array<i32>} : memref<128x64xf32, #tpu.memory_space<vmem>>, vector<16xf32>,
        %get3A_588 = arith.index_cast %add3A_566 : i32 to index
        %get3A_589 = arith.constant 48 : index
        %get3A_590 = tpu.vector_load %arg7[%get3A_588, %get3A_589] {strides = array<i32>} : memref<128x64xf32, #tpu.memory_space<vmem>>, vector<16xf32>,
        %mul3A_591 = arith.mulf %get3A_590, %broadcast_in_dim3A_562 : vector<16xf32>
        %swap3A_592 = arith.index_cast %add3A_566 : i32 to index
        %swap3A_593 = arith.constant 48 : index
        %swap3A_594 = tpu.vector_load %arg7[%swap3A_592, %swap3A_593] {strides = array<i32>} : memref<128x64xf32, #tpu.memory_space<vmem>>, vector<16xf32>,
        tpu.vector_store %arg7[%swap3A_592, %swap3A_593], %mul3A_591 {strides = array<i32>} : memref<128x64xf32, #tpu.memory_space<vmem>>, vector<16xf32>,
        %slice3A_595 = vector.extract_strided_slice %get3A_282 {offsets = [9], sizes = [1], strides = [1]} : vector<16xf32> to vector<1xf32>
        %squeeze3A_596 = vector.extract %slice3A_595[0] : f32 from vector<1xf32>
        %broadcast_in_dim3A_597 = vector.broadcast %squeeze3A_596 : f32 to vector<16xf32>
        %mul3A_598 = arith.constant 16 : i32
        %mul3A_599 = arith.muli %scan3A_275, %mul3A_598 : i32
        %add3A_600 = arith.constant 9 : i32
        %add3A_601 = arith.addi %mul3A_599, %add3A_600 : i32
        %get3A_602 = arith.index_cast %add3A_601 : i32 to index
        %get3A_603 = arith.constant 0 : index
        %get3A_604 = tpu.vector_load %arg7[%get3A_602, %get3A_603] {strides = array<i32>} : memref<128x64xf32, #tpu.memory_space<vmem>>, vector<16xf32>,
        %mul3A_605 = arith.mulf %get3A_604, %broadcast_in_dim3A_597 : vector<16xf32>
        %swap3A_606 = arith.index_cast %add3A_601 : i32 to index
        %swap3A_607 = arith.constant 0 : index
        %swap3A_608 = tpu.vector_load %arg7[%swap3A_606, %swap3A_607] {strides = array<i32>} : memref<128x64xf32, #tpu.memory_space<vmem>>, vector<16xf32>,
        tpu.vector_store %arg7[%swap3A_606, %swap3A_607], %mul3A_605 {strides = array<i32>} : memref<128x64xf32, #tpu.memory_space<vmem>>, vector<16xf32>,
        %get3A_609 = arith.index_cast %add3A_601 : i32 to index
        %get3A_610 = arith.constant 16 : index
        %get3A_611 = tpu.vector_load %arg7[%get3A_609, %get3A_610] {strides = array<i32>} : memref<128x64xf32, #tpu.memory_space<vmem>>, vector<16xf32>,
        %mul3A_612 = arith.mulf %get3A_611, %broadcast_in_dim3A_597 : vector<16xf32>
        %swap3A_613 = arith.index_cast %add3A_601 : i32 to index
        %swap3A_614 = arith.constant 16 : index
        %swap3A_615 = tpu.vector_load %arg7[%swap3A_613, %swap3A_614] {strides = array<i32>} : memref<128x64xf32, #tpu.memory_space<vmem>>, vector<16xf32>,
        tpu.vector_store %arg7[%swap3A_613, %swap3A_614], %mul3A_612 {strides = array<i32>} : memref<128x64xf32, #tpu.memory_space<vmem>>, vector<16xf32>,
        %get3A_616 = arith.index_cast %add3A_601 : i32 to index
        %get3A_617 = arith.constant 32 : index
        %get3A_618 = tpu.vector_load %arg7[%get3A_616, %get3A_617] {strides = array<i32>} : memref<128x64xf32, #tpu.memory_space<vmem>>, vector<16xf32>,
        %mul3A_619 = arith.mulf %get3A_618, %broadcast_in_dim3A_597 : vector<16xf32>
        %swap3A_620 = arith.index_cast %add3A_601 : i32 to index
        %swap3A_621 = arith.constant 32 : index
        %swap3A_622 = tpu.vector_load %arg7[%swap3A_620, %swap3A_621] {strides = array<i32>} : memref<128x64xf32, #tpu.memory_space<vmem>>, vector<16xf32>,
        tpu.vector_store %arg7[%swap3A_620, %swap3A_621], %mul3A_619 {strides = array<i32>} : memref<128x64xf32, #tpu.memory_space<vmem>>, vector<16xf32>,
        %get3A_623 = arith.index_cast %add3A_601 : i32 to index
        %get3A_624 = arith.constant 48 : index
        %get3A_625 = tpu.vector_load %arg7[%get3A_623, %get3A_624] {strides = array<i32>} : memref<128x64xf32, #tpu.memory_space<vmem>>, vector<16xf32>,
        %mul3A_626 = arith.mulf %get3A_625, %broadcast_in_dim3A_597 : vector<16xf32>
        %swap3A_627 = arith.index_cast %add3A_601 : i32 to index
        %swap3A_628 = arith.constant 48 : index
        %swap3A_629 = tpu.vector_load %arg7[%swap3A_627, %swap3A_628] {strides = array<i32>} : memref<128x64xf32, #tpu.memory_space<vmem>>, vector<16xf32>,
        tpu.vector_store %arg7[%swap3A_627, %swap3A_628], %mul3A_626 {strides = array<i32>} : memref<128x64xf32, #tpu.memory_space<vmem>>, vector<16xf32>,
        %slice3A_630 = vector.extract_strided_slice %get3A_282 {offsets = [10], sizes = [1], strides = [1]} : vector<16xf32> to vector<1xf32>
        %squeeze3A_631 = vector.extract %slice3A_630[0] : f32 from vector<1xf32>
        %broadcast_in_dim3A_632 = vector.broadcast %squeeze3A_631 : f32 to vector<16xf32>
        %mul3A_633 = arith.constant 16 : i32
        %mul3A_634 = arith.muli %scan3A_275, %mul3A_633 : i32
        %add3A_635 = arith.constant 10 : i32
        %add3A_636 = arith.addi %mul3A_634, %add3A_635 : i32
        %get3A_637 = arith.index_cast %add3A_636 : i32 to index
        %get3A_638 = arith.constant 0 : index
        %get3A_639 = tpu.vector_load %arg7[%get3A_637, %get3A_638] {strides = array<i32>} : memref<128x64xf32, #tpu.memory_space<vmem>>, vector<16xf32>,
        %mul3A_640 = arith.mulf %get3A_639, %broadcast_in_dim3A_632 : vector<16xf32>
        %swap3A_641 = arith.index_cast %add3A_636 : i32 to index
        %swap3A_642 = arith.constant 0 : index
        %swap3A_643 = tpu.vector_load %arg7[%swap3A_641, %swap3A_642] {strides = array<i32>} : memref<128x64xf32, #tpu.memory_space<vmem>>, vector<16xf32>,
        tpu.vector_store %arg7[%swap3A_641, %swap3A_642], %mul3A_640 {strides = array<i32>} : memref<128x64xf32, #tpu.memory_space<vmem>>, vector<16xf32>,
        %get3A_644 = arith.index_cast %add3A_636 : i32 to index
        %get3A_645 = arith.constant 16 : index
        %get3A_646 = tpu.vector_load %arg7[%get3A_644, %get3A_645] {strides = array<i32>} : memref<128x64xf32, #tpu.memory_space<vmem>>, vector<16xf32>,
        %mul3A_647 = arith.mulf %get3A_646, %broadcast_in_dim3A_632 : vector<16xf32>
        %swap3A_648 = arith.index_cast %add3A_636 : i32 to index
        %swap3A_649 = arith.constant 16 : index
        %swap3A_650 = tpu.vector_load %arg7[%swap3A_648, %swap3A_649] {strides = array<i32>} : memref<128x64xf32, #tpu.memory_space<vmem>>, vector<16xf32>,
        tpu.vector_store %arg7[%swap3A_648, %swap3A_649], %mul3A_647 {strides = array<i32>} : memref<128x64xf32, #tpu.memory_space<vmem>>, vector<16xf32>,
        %get3A_651 = arith.index_cast %add3A_636 : i32 to index
        %get3A_652 = arith.constant 32 : index
        %get3A_653 = tpu.vector_load %arg7[%get3A_651, %get3A_652] {strides = array<i32>} : memref<128x64xf32, #tpu.memory_space<vmem>>, vector<16xf32>,
        %mul3A_654 = arith.mulf %get3A_653, %broadcast_in_dim3A_632 : vector<16xf32>
        %swap3A_655 = arith.index_cast %add3A_636 : i32 to index
        %swap3A_656 = arith.constant 32 : index
        %swap3A_657 = tpu.vector_load %arg7[%swap3A_655, %swap3A_656] {strides = array<i32>} : memref<128x64xf32, #tpu.memory_space<vmem>>, vector<16xf32>,
        tpu.vector_store %arg7[%swap3A_655, %swap3A_656], %mul3A_654 {strides = array<i32>} : memref<128x64xf32, #tpu.memory_space<vmem>>, vector<16xf32>,
        %get3A_658 = arith.index_cast %add3A_636 : i32 to index
        %get3A_659 = arith.constant 48 : index
        %get3A_660 = tpu.vector_load %arg7[%get3A_658, %get3A_659] {strides = array<i32>} : memref<128x64xf32, #tpu.memory_space<vmem>>, vector<16xf32>,
        %mul3A_661 = arith.mulf %get3A_660, %broadcast_in_dim3A_632 : vector<16xf32>
        %swap3A_662 = arith.index_cast %add3A_636 : i32 to index
        %swap3A_663 = arith.constant 48 : index
        %swap3A_664 = tpu.vector_load %arg7[%swap3A_662, %swap3A_663] {strides = array<i32>} : memref<128x64xf32, #tpu.memory_space<vmem>>, vector<16xf32>,
        tpu.vector_store %arg7[%swap3A_662, %swap3A_663], %mul3A_661 {strides = array<i32>} : memref<128x64xf32, #tpu.memory_space<vmem>>, vector<16xf32>,
        %slice3A_665 = vector.extract_strided_slice %get3A_282 {offsets = [11], sizes = [1], strides = [1]} : vector<16xf32> to vector<1xf32>
        %squeeze3A_666 = vector.extract %slice3A_665[0] : f32 from vector<1xf32>
        %broadcast_in_dim3A_667 = vector.broadcast %squeeze3A_666 : f32 to vector<16xf32>
        %mul3A_668 = arith.constant 16 : i32
        %mul3A_669 = arith.muli %scan3A_275, %mul3A_668 : i32
        %add3A_670 = arith.constant 11 : i32
        %add3A_671 = arith.addi %mul3A_669, %add3A_670 : i32
        %get3A_672 = arith.index_cast %add3A_671 : i32 to index
        %get3A_673 = arith.constant 0 : index
        %get3A_674 = tpu.vector_load %arg7[%get3A_672, %get3A_673] {strides = array<i32>} : memref<128x64xf32, #tpu.memory_space<vmem>>, vector<16xf32>,
        %mul3A_675 = arith.mulf %get3A_674, %broadcast_in_dim3A_667 : vector<16xf32>
        %swap3A_676 = arith.index_cast %add3A_671 : i32 to index
        %swap3A_677 = arith.constant 0 : index
        %swap3A_678 = tpu.vector_load %arg7[%swap3A_676, %swap3A_677] {strides = array<i32>} : memref<128x64xf32, #tpu.memory_space<vmem>>, vector<16xf32>,
        tpu.vector_store %arg7[%swap3A_676, %swap3A_677], %mul3A_675 {strides = array<i32>} : memref<128x64xf32, #tpu.memory_space<vmem>>, vector<16xf32>,
        %get3A_679 = arith.index_cast %add3A_671 : i32 to index
        %get3A_680 = arith.constant 16 : index
        %get3A_681 = tpu.vector_load %arg7[%get3A_679, %get3A_680] {strides = array<i32>} : memref<128x64xf32, #tpu.memory_space<vmem>>, vector<16xf32>,
        %mul3A_682 = arith.mulf %get3A_681, %broadcast_in_dim3A_667 : vector<16xf32>
        %swap3A_683 = arith.index_cast %add3A_671 : i32 to index
        %swap3A_684 = arith.constant 16 : index
        %swap3A_685 = tpu.vector_load %arg7[%swap3A_683, %swap3A_684] {strides = array<i32>} : memref<128x64xf32, #tpu.memory_space<vmem>>, vector<16xf32>,
        tpu.vector_store %arg7[%swap3A_683, %swap3A_684], %mul3A_682 {strides = array<i32>} : memref<128x64xf32, #tpu.memory_space<vmem>>, vector<16xf32>,
        %get3A_686 = arith.index_cast %add3A_671 : i32 to index
        %get3A_687 = arith.constant 32 : index
        %get3A_688 = tpu.vector_load %arg7[%get3A_686, %get3A_687] {strides = array<i32>} : memref<128x64xf32, #tpu.memory_space<vmem>>, vector<16xf32>,
        %mul3A_689 = arith.mulf %get3A_688, %broadcast_in_dim3A_667 : vector<16xf32>
        %swap3A_690 = arith.index_cast %add3A_671 : i32 to index
        %swap3A_691 = arith.constant 32 : index
        %swap3A_692 = tpu.vector_load %arg7[%swap3A_690, %swap3A_691] {strides = array<i32>} : memref<128x64xf32, #tpu.memory_space<vmem>>, vector<16xf32>,
        tpu.vector_store %arg7[%swap3A_690, %swap3A_691], %mul3A_689 {strides = array<i32>} : memref<128x64xf32, #tpu.memory_space<vmem>>, vector<16xf32>,
        %get3A_693 = arith.index_cast %add3A_671 : i32 to index
        %get3A_694 = arith.constant 48 : index
        %get3A_695 = tpu.vector_load %arg7[%get3A_693, %get3A_694] {strides = array<i32>} : memref<128x64xf32, #tpu.memory_space<vmem>>, vector<16xf32>,
        %mul3A_696 = arith.mulf %get3A_695, %broadcast_in_dim3A_667 : vector<16xf32>
        %swap3A_697 = arith.index_cast %add3A_671 : i32 to index
        %swap3A_698 = arith.constant 48 : index
        %swap3A_699 = tpu.vector_load %arg7[%swap3A_697, %swap3A_698] {strides = array<i32>} : memref<128x64xf32, #tpu.memory_space<vmem>>, vector<16xf32>,
        tpu.vector_store %arg7[%swap3A_697, %swap3A_698], %mul3A_696 {strides = array<i32>} : memref<128x64xf32, #tpu.memory_space<vmem>>, vector<16xf32>,
        %slice3A_700 = vector.extract_strided_slice %get3A_282 {offsets = [12], sizes = [1], strides = [1]} : vector<16xf32> to vector<1xf32>
        %squeeze3A_701 = vector.extract %slice3A_700[0] : f32 from vector<1xf32>
        %broadcast_in_dim3A_702 = vector.broadcast %squeeze3A_701 : f32 to vector<16xf32>
        %mul3A_703 = arith.constant 16 : i32
        %mul3A_704 = arith.muli %scan3A_275, %mul3A_703 : i32
        %add3A_705 = arith.constant 12 : i32
        %add3A_706 = arith.addi %mul3A_704, %add3A_705 : i32
        %get3A_707 = arith.index_cast %add3A_706 : i32 to index
        %get3A_708 = arith.constant 0 : index
        %get3A_709 = tpu.vector_load %arg7[%get3A_707, %get3A_708] {strides = array<i32>} : memref<128x64xf32, #tpu.memory_space<vmem>>, vector<16xf32>,
        %mul3A_710 = arith.mulf %get3A_709, %broadcast_in_dim3A_702 : vector<16xf32>
        %swap3A_711 = arith.index_cast %add3A_706 : i32 to index
        %swap3A_712 = arith.constant 0 : index
        %swap3A_713 = tpu.vector_load %arg7[%swap3A_711, %swap3A_712] {strides = array<i32>} : memref<128x64xf32, #tpu.memory_space<vmem>>, vector<16xf32>,
        tpu.vector_store %arg7[%swap3A_711, %swap3A_712], %mul3A_710 {strides = array<i32>} : memref<128x64xf32, #tpu.memory_space<vmem>>, vector<16xf32>,
        %get3A_714 = arith.index_cast %add3A_706 : i32 to index
        %get3A_715 = arith.constant 16 : index
        %get3A_716 = tpu.vector_load %arg7[%get3A_714, %get3A_715] {strides = array<i32>} : memref<128x64xf32, #tpu.memory_space<vmem>>, vector<16xf32>,
        %mul3A_717 = arith.mulf %get3A_716, %broadcast_in_dim3A_702 : vector<16xf32>
        %swap3A_718 = arith.index_cast %add3A_706 : i32 to index
        %swap3A_719 = arith.constant 16 : index
        %swap3A_720 = tpu.vector_load %arg7[%swap3A_718, %swap3A_719] {strides = array<i32>} : memref<128x64xf32, #tpu.memory_space<vmem>>, vector<16xf32>,
        tpu.vector_store %arg7[%swap3A_718, %swap3A_719], %mul3A_717 {strides = array<i32>} : memref<128x64xf32, #tpu.memory_space<vmem>>, vector<16xf32>,
        %get3A_721 = arith.index_cast %add3A_706 : i32 to index
        %get3A_722 = arith.constant 32 : index
        %get3A_723 = tpu.vector_load %arg7[%get3A_721, %get3A_722] {strides = array<i32>} : memref<128x64xf32, #tpu.memory_space<vmem>>, vector<16xf32>,
        %mul3A_724 = arith.mulf %get3A_723, %broadcast_in_dim3A_702 : vector<16xf32>
        %swap3A_725 = arith.index_cast %add3A_706 : i32 to index
        %swap3A_726 = arith.constant 32 : index
        %swap3A_727 = tpu.vector_load %arg7[%swap3A_725, %swap3A_726] {strides = array<i32>} : memref<128x64xf32, #tpu.memory_space<vmem>>, vector<16xf32>,
        tpu.vector_store %arg7[%swap3A_725, %swap3A_726], %mul3A_724 {strides = array<i32>} : memref<128x64xf32, #tpu.memory_space<vmem>>, vector<16xf32>,
        %get3A_728 = arith.index_cast %add3A_706 : i32 to index
        %get3A_729 = arith.constant 48 : index
        %get3A_730 = tpu.vector_load %arg7[%get3A_728, %get3A_729] {strides = array<i32>} : memref<128x64xf32, #tpu.memory_space<vmem>>, vector<16xf32>,
        %mul3A_731 = arith.mulf %get3A_730, %broadcast_in_dim3A_702 : vector<16xf32>
        %swap3A_732 = arith.index_cast %add3A_706 : i32 to index
        %swap3A_733 = arith.constant 48 : index
        %swap3A_734 = tpu.vector_load %arg7[%swap3A_732, %swap3A_733] {strides = array<i32>} : memref<128x64xf32, #tpu.memory_space<vmem>>, vector<16xf32>,
        tpu.vector_store %arg7[%swap3A_732, %swap3A_733], %mul3A_731 {strides = array<i32>} : memref<128x64xf32, #tpu.memory_space<vmem>>, vector<16xf32>,
        %slice3A_735 = vector.extract_strided_slice %get3A_282 {offsets = [13], sizes = [1], strides = [1]} : vector<16xf32> to vector<1xf32>
        %squeeze3A_736 = vector.extract %slice3A_735[0] : f32 from vector<1xf32>
        %broadcast_in_dim3A_737 = vector.broadcast %squeeze3A_736 : f32 to vector<16xf32>
        %mul3A_738 = arith.constant 16 : i32
        %mul3A_739 = arith.muli %scan3A_275, %mul3A_738 : i32
        %add3A_740 = arith.constant 13 : i32
        %add3A_741 = arith.addi %mul3A_739, %add3A_740 : i32
        %get3A_742 = arith.index_cast %add3A_741 : i32 to index
        %get3A_743 = arith.constant 0 : index
        %get3A_744 = tpu.vector_load %arg7[%get3A_742, %get3A_743] {strides = array<i32>} : memref<128x64xf32, #tpu.memory_space<vmem>>, vector<16xf32>,
        %mul3A_745 = arith.mulf %get3A_744, %broadcast_in_dim3A_737 : vector<16xf32>
        %swap3A_746 = arith.index_cast %add3A_741 : i32 to index
        %swap3A_747 = arith.constant 0 : index
        %swap3A_748 = tpu.vector_load %arg7[%swap3A_746, %swap3A_747] {strides = array<i32>} : memref<128x64xf32, #tpu.memory_space<vmem>>, vector<16xf32>,
        tpu.vector_store %arg7[%swap3A_746, %swap3A_747], %mul3A_745 {strides = array<i32>} : memref<128x64xf32, #tpu.memory_space<vmem>>, vector<16xf32>,
        %get3A_749 = arith.index_cast %add3A_741 : i32 to index
        %get3A_750 = arith.constant 16 : index
        %get3A_751 = tpu.vector_load %arg7[%get3A_749, %get3A_750] {strides = array<i32>} : memref<128x64xf32, #tpu.memory_space<vmem>>, vector<16xf32>,
        %mul3A_752 = arith.mulf %get3A_751, %broadcast_in_dim3A_737 : vector<16xf32>
        %swap3A_753 = arith.index_cast %add3A_741 : i32 to index
        %swap3A_754 = arith.constant 16 : index
        %swap3A_755 = tpu.vector_load %arg7[%swap3A_753, %swap3A_754] {strides = array<i32>} : memref<128x64xf32, #tpu.memory_space<vmem>>, vector<16xf32>,
        tpu.vector_store %arg7[%swap3A_753, %swap3A_754], %mul3A_752 {strides = array<i32>} : memref<128x64xf32, #tpu.memory_space<vmem>>, vector<16xf32>,
        %get3A_756 = arith.index_cast %add3A_741 : i32 to index
        %get3A_757 = arith.constant 32 : index
        %get3A_758 = tpu.vector_load %arg7[%get3A_756, %get3A_757] {strides = array<i32>} : memref<128x64xf32, #tpu.memory_space<vmem>>, vector<16xf32>,
        %mul3A_759 = arith.mulf %get3A_758, %broadcast_in_dim3A_737 : vector<16xf32>
        %swap3A_760 = arith.index_cast %add3A_741 : i32 to index
        %swap3A_761 = arith.constant 32 : index
        %swap3A_762 = tpu.vector_load %arg7[%swap3A_760, %swap3A_761] {strides = array<i32>} : memref<128x64xf32, #tpu.memory_space<vmem>>, vector<16xf32>,
        tpu.vector_store %arg7[%swap3A_760, %swap3A_761], %mul3A_759 {strides = array<i32>} : memref<128x64xf32, #tpu.memory_space<vmem>>, vector<16xf32>,
        %get3A_763 = arith.index_cast %add3A_741 : i32 to index
        %get3A_764 = arith.constant 48 : index
        %get3A_765 = tpu.vector_load %arg7[%get3A_763, %get3A_764] {strides = array<i32>} : memref<128x64xf32, #tpu.memory_space<vmem>>, vector<16xf32>,
        %mul3A_766 = arith.mulf %get3A_765, %broadcast_in_dim3A_737 : vector<16xf32>
        %swap3A_767 = arith.index_cast %add3A_741 : i32 to index
        %swap3A_768 = arith.constant 48 : index
        %swap3A_769 = tpu.vector_load %arg7[%swap3A_767, %swap3A_768] {strides = array<i32>} : memref<128x64xf32, #tpu.memory_space<vmem>>, vector<16xf32>,
        tpu.vector_store %arg7[%swap3A_767, %swap3A_768], %mul3A_766 {strides = array<i32>} : memref<128x64xf32, #tpu.memory_space<vmem>>, vector<16xf32>,
        %slice3A_770 = vector.extract_strided_slice %get3A_282 {offsets = [14], sizes = [1], strides = [1]} : vector<16xf32> to vector<1xf32>
        %squeeze3A_771 = vector.extract %slice3A_770[0] : f32 from vector<1xf32>
        %broadcast_in_dim3A_772 = vector.broadcast %squeeze3A_771 : f32 to vector<16xf32>
        %mul3A_773 = arith.constant 16 : i32
        %mul3A_774 = arith.muli %scan3A_275, %mul3A_773 : i32
        %add3A_775 = arith.constant 14 : i32
        %add3A_776 = arith.addi %mul3A_774, %add3A_775 : i32
        %get3A_777 = arith.index_cast %add3A_776 : i32 to index
        %get3A_778 = arith.constant 0 : index
        %get3A_779 = tpu.vector_load %arg7[%get3A_777, %get3A_778] {strides = array<i32>} : memref<128x64xf32, #tpu.memory_space<vmem>>, vector<16xf32>,
        %mul3A_780 = arith.mulf %get3A_779, %broadcast_in_dim3A_772 : vector<16xf32>
        %swap3A_781 = arith.index_cast %add3A_776 : i32 to index
        %swap3A_782 = arith.constant 0 : index
        %swap3A_783 = tpu.vector_load %arg7[%swap3A_781, %swap3A_782] {strides = array<i32>} : memref<128x64xf32, #tpu.memory_space<vmem>>, vector<16xf32>,
        tpu.vector_store %arg7[%swap3A_781, %swap3A_782], %mul3A_780 {strides = array<i32>} : memref<128x64xf32, #tpu.memory_space<vmem>>, vector<16xf32>,
        %get3A_784 = arith.index_cast %add3A_776 : i32 to index
        %get3A_785 = arith.constant 16 : index
        %get3A_786 = tpu.vector_load %arg7[%get3A_784, %get3A_785] {strides = array<i32>} : memref<128x64xf32, #tpu.memory_space<vmem>>, vector<16xf32>,
        %mul3A_787 = arith.mulf %get3A_786, %broadcast_in_dim3A_772 : vector<16xf32>
        %swap3A_788 = arith.index_cast %add3A_776 : i32 to index
        %swap3A_789 = arith.constant 16 : index
        %swap3A_790 = tpu.vector_load %arg7[%swap3A_788, %swap3A_789] {strides = array<i32>} : memref<128x64xf32, #tpu.memory_space<vmem>>, vector<16xf32>,
        tpu.vector_store %arg7[%swap3A_788, %swap3A_789], %mul3A_787 {strides = array<i32>} : memref<128x64xf32, #tpu.memory_space<vmem>>, vector<16xf32>,
        %get3A_791 = arith.index_cast %add3A_776 : i32 to index
        %get3A_792 = arith.constant 32 : index
        %get3A_793 = tpu.vector_load %arg7[%get3A_791, %get3A_792] {strides = array<i32>} : memref<128x64xf32, #tpu.memory_space<vmem>>, vector<16xf32>,
        %mul3A_794 = arith.mulf %get3A_793, %broadcast_in_dim3A_772 : vector<16xf32>
        %swap3A_795 = arith.index_cast %add3A_776 : i32 to index
        %swap3A_796 = arith.constant 32 : index
        %swap3A_797 = tpu.vector_load %arg7[%swap3A_795, %swap3A_796] {strides = array<i32>} : memref<128x64xf32, #tpu.memory_space<vmem>>, vector<16xf32>,
        tpu.vector_store %arg7[%swap3A_795, %swap3A_796], %mul3A_794 {strides = array<i32>} : memref<128x64xf32, #tpu.memory_space<vmem>>, vector<16xf32>,
        %get3A_798 = arith.index_cast %add3A_776 : i32 to index
        %get3A_799 = arith.constant 48 : index
        %get3A_800 = tpu.vector_load %arg7[%get3A_798, %get3A_799] {strides = array<i32>} : memref<128x64xf32, #tpu.memory_space<vmem>>, vector<16xf32>,
        %mul3A_801 = arith.mulf %get3A_800, %broadcast_in_dim3A_772 : vector<16xf32>
        %swap3A_802 = arith.index_cast %add3A_776 : i32 to index
        %swap3A_803 = arith.constant 48 : index
        %swap3A_804 = tpu.vector_load %arg7[%swap3A_802, %swap3A_803] {strides = array<i32>} : memref<128x64xf32, #tpu.memory_space<vmem>>, vector<16xf32>,
        tpu.vector_store %arg7[%swap3A_802, %swap3A_803], %mul3A_801 {strides = array<i32>} : memref<128x64xf32, #tpu.memory_space<vmem>>, vector<16xf32>,
        %slice3A_805 = vector.extract_strided_slice %get3A_282 {offsets = [15], sizes = [1], strides = [1]} : vector<16xf32> to vector<1xf32>
        %squeeze3A_806 = vector.extract %slice3A_805[0] : f32 from vector<1xf32>
        %broadcast_in_dim3A_807 = vector.broadcast %squeeze3A_806 : f32 to vector<16xf32>
        %mul3A_808 = arith.constant 16 : i32
        %mul3A_809 = arith.muli %scan3A_275, %mul3A_808 : i32
        %add3A_810 = arith.constant 15 : i32
        %add3A_811 = arith.addi %mul3A_809, %add3A_810 : i32
        %get3A_812 = arith.index_cast %add3A_811 : i32 to index
        %get3A_813 = arith.constant 0 : index
        %get3A_814 = tpu.vector_load %arg7[%get3A_812, %get3A_813] {strides = array<i32>} : memref<128x64xf32, #tpu.memory_space<vmem>>, vector<16xf32>,
        %mul3A_815 = arith.mulf %get3A_814, %broadcast_in_dim3A_807 : vector<16xf32>
        %swap3A_816 = arith.index_cast %add3A_811 : i32 to index
        %swap3A_817 = arith.constant 0 : index
        %swap3A_818 = tpu.vector_load %arg7[%swap3A_816, %swap3A_817] {strides = array<i32>} : memref<128x64xf32, #tpu.memory_space<vmem>>, vector<16xf32>,
        tpu.vector_store %arg7[%swap3A_816, %swap3A_817], %mul3A_815 {strides = array<i32>} : memref<128x64xf32, #tpu.memory_space<vmem>>, vector<16xf32>,
        %get3A_819 = arith.index_cast %add3A_811 : i32 to index
        %get3A_820 = arith.constant 16 : index
        %get3A_821 = tpu.vector_load %arg7[%get3A_819, %get3A_820] {strides = array<i32>} : memref<128x64xf32, #tpu.memory_space<vmem>>, vector<16xf32>,
        %mul3A_822 = arith.mulf %get3A_821, %broadcast_in_dim3A_807 : vector<16xf32>
        %swap3A_823 = arith.index_cast %add3A_811 : i32 to index
        %swap3A_824 = arith.constant 16 : index
        %swap3A_825 = tpu.vector_load %arg7[%swap3A_823, %swap3A_824] {strides = array<i32>} : memref<128x64xf32, #tpu.memory_space<vmem>>, vector<16xf32>,
        tpu.vector_store %arg7[%swap3A_823, %swap3A_824], %mul3A_822 {strides = array<i32>} : memref<128x64xf32, #tpu.memory_space<vmem>>, vector<16xf32>,
        %get3A_826 = arith.index_cast %add3A_811 : i32 to index
        %get3A_827 = arith.constant 32 : index
        %get3A_828 = tpu.vector_load %arg7[%get3A_826, %get3A_827] {strides = array<i32>} : memref<128x64xf32, #tpu.memory_space<vmem>>, vector<16xf32>,
        %mul3A_829 = arith.mulf %get3A_828, %broadcast_in_dim3A_807 : vector<16xf32>
        %swap3A_830 = arith.index_cast %add3A_811 : i32 to index
        %swap3A_831 = arith.constant 32 : index
        %swap3A_832 = tpu.vector_load %arg7[%swap3A_830, %swap3A_831] {strides = array<i32>} : memref<128x64xf32, #tpu.memory_space<vmem>>, vector<16xf32>,
        tpu.vector_store %arg7[%swap3A_830, %swap3A_831], %mul3A_829 {strides = array<i32>} : memref<128x64xf32, #tpu.memory_space<vmem>>, vector<16xf32>,
        %get3A_833 = arith.index_cast %add3A_811 : i32 to index
        %get3A_834 = arith.constant 48 : index
        %get3A_835 = tpu.vector_load %arg7[%get3A_833, %get3A_834] {strides = array<i32>} : memref<128x64xf32, #tpu.memory_space<vmem>>, vector<16xf32>,
        %mul3A_836 = arith.mulf %get3A_835, %broadcast_in_dim3A_807 : vector<16xf32>
        %swap3A_837 = arith.index_cast %add3A_811 : i32 to index
        %swap3A_838 = arith.constant 48 : index
        %swap3A_839 = tpu.vector_load %arg7[%swap3A_837, %swap3A_838] {strides = array<i32>} : memref<128x64xf32, #tpu.memory_space<vmem>>, vector<16xf32>,
        tpu.vector_store %arg7[%swap3A_837, %swap3A_838], %mul3A_836 {strides = array<i32>} : memref<128x64xf32, #tpu.memory_space<vmem>>, vector<16xf32>,
        %scan3A_840 = arith.constant 0 : i32
        scf.yield %scan3A_840 : i32
      }
      %scan3A_273 = arith.constant 8 : i32
      "tpu.region"() ({
        %run_scoped3A_275 = tpu.sem_alloc : memref<!tpu.dma_semaphore, #tpu.memory_space<semaphore_mem>>
        %dma_start3A_276 = arith.constant 0 : i32
        %dma_start3A_277 = tpu.memref_slice %arg28[%add3A, %dma_start3A_276] : memref<10240x64xf32, #tpu.memory_space<vmem_shared>> -> memref<128x64xf32, #tpu.memory_space<vmem_shared>>
        %dma_start3A_278 = arith.constant 0 : i32
        %dma_start3A_279 = tpu.memref_slice %arg28[%add3A, %dma_start3A_278] : memref<10240x64xf32, #tpu.memory_space<vmem_shared>> -> memref<128x64xf32, #tpu.memory_space<vmem_shared>>
        tpu.enqueue_dma source(%arg7 : memref<128x64xf32, #tpu.memory_space<vmem>>) target(%dma_start3A_279 : memref<128x64xf32, #tpu.memory_space<vmem_shared>>) target_semaphore(%run_scoped3A_275 : memref<!tpu.dma_semaphore, #tpu.memory_space<semaphore_mem>>)
        %dma_wait3A = arith.constant 0 : i32
        %dma_wait3A_280 = tpu.memref_slice %arg28[%add3A, %dma_wait3A] : memref<10240x64xf32, #tpu.memory_space<vmem_shared>> -> memref<128x64xf32, #tpu.memory_space<vmem_shared>>
        %dma_wait3A_281 = arith.constant 0 : i32
        %dma_wait3A_282 = tpu.memref_slice %arg28[%add3A, %dma_wait3A_281] : memref<10240x64xf32, #tpu.memory_space<vmem_shared>> -> memref<128x64xf32, #tpu.memory_space<vmem_shared>>
        tpu.wait_dma2 semaphore(%run_scoped3A_275 : memref<!tpu.dma_semaphore, #tpu.memory_space<semaphore_mem>>) src(%arg7 : memref<128x64xf32, #tpu.memory_space<vmem>>) dst(%dma_wait3A_282 : memref<128x64xf32, #tpu.memory_space<vmem_shared>>)
        tpu.yield
      }) : () -> ()
      "tpu.region"() ({
        %run_scoped3A_275 = tpu.sem_alloc : memref<!tpu.dma_semaphore, #tpu.memory_space<semaphore_mem>>
        %dma_start3A_276 = arith.constant 0 : i32
        %dma_start3A_277 = tpu.memref_slice %arg29[%add3A, %dma_start3A_276] : memref<10240x64xf32, #tpu.memory_space<vmem_shared>> -> memref<128x64xf32, #tpu.memory_space<vmem_shared>>
        %dma_start3A_278 = arith.constant 0 : i32
        %dma_start3A_279 = tpu.memref_slice %arg29[%add3A, %dma_start3A_278] : memref<10240x64xf32, #tpu.memory_space<vmem_shared>> -> memref<128x64xf32, #tpu.memory_space<vmem_shared>>
        tpu.enqueue_dma source(%arg7 : memref<128x64xf32, #tpu.memory_space<vmem>>) target(%dma_start3A_279 : memref<128x64xf32, #tpu.memory_space<vmem_shared>>) target_semaphore(%run_scoped3A_275 : memref<!tpu.dma_semaphore, #tpu.memory_space<semaphore_mem>>)
        %dma_wait3A = arith.constant 0 : i32
        %dma_wait3A_280 = tpu.memref_slice %arg29[%add3A, %dma_wait3A] : memref<10240x64xf32, #tpu.memory_space<vmem_shared>> -> memref<128x64xf32, #tpu.memory_space<vmem_shared>>
        %dma_wait3A_281 = arith.constant 0 : i32
        %dma_wait3A_282 = tpu.memref_slice %arg29[%add3A, %dma_wait3A_281] : memref<10240x64xf32, #tpu.memory_space<vmem_shared>> -> memref<128x64xf32, #tpu.memory_space<vmem_shared>>
        tpu.wait_dma2 semaphore(%run_scoped3A_275 : memref<!tpu.dma_semaphore, #tpu.memory_space<semaphore_mem>>) src(%arg7 : memref<128x64xf32, #tpu.memory_space<vmem>>) dst(%dma_wait3A_282 : memref<128x64xf32, #tpu.memory_space<vmem_shared>>)
        tpu.yield
      }) : () -> ()
      %scan3A_274 = arith.constant 0 : i32
      scf.yield %scan3A_274 : i32
    }
    %scan3A_251 = arith.constant 5 : i32
    %scan3A_252 = arith.constant 0 : i32
    %scan3A_253 = arith.constant 0 : i32
    %scan3A_254 = arith.constant 8 : i32
    %scan3A_255 = arith.addi %scan3A_253, %scan3A_254 : i32
    %scan3A_256 = arith.constant 1 : i32
    %scan3A_257 = scf.for %scan3A_259 = %scan3A_253 to %scan3A_255 step %scan3A_256 iter_args(%scan3A_260 = %scan3A_252) -> (i32)  : i32 {
      %barrier3A_261 = arith.constant 0 : index
      tpu.barrier barrier_id(%barrier3A_261)
      %dma_start3A_262 = arith.constant 0 : i32
      %dma_start3A_263 = arith.constant 0 : i32
      %dma_start3A_264 = arith.constant 0 : i32
      %dma_start3A_265 = tpu.memref_slice %arg10[%dma_start3A_263, %dma_start3A_264] : memref<6x128xi32, #tpu.memory_space<vmem>> -> memref<1x128xi32, #tpu.memory_space<vmem>>
      %dma_start3A_266 = tpu.memref_squeeze %dma_start3A_265 : memref<1x128xi32, #tpu.memory_space<vmem>> -> memref<128xi32, #tpu.memory_space<vmem>>
      %dma_start3A_267 = arith.constant 0 : i32
      %dma_start3A_268 = tpu.memref_slice %arg3[%arg1, %dma_start3A_262, %dma_start3A_267] : memref<16x162x128xi32, #tpu.memory_space<hbm>> -> memref<1x1x128xi32, #tpu.memory_space<hbm>>
      %dma_start3A_269 = tpu.memref_squeeze %dma_start3A_268 : memref<1x1x128xi32, #tpu.memory_space<hbm>> -> memref<128xi32, #tpu.memory_space<hbm>>
      %dma_start3A_270 = arith.constant 0 : i32
      %dma_start3A_271 = tpu.memref_slice %arg10[%dma_start3A_263, %dma_start3A_270] : memref<6x128xi32, #tpu.memory_space<vmem>> -> memref<1x128xi32, #tpu.memory_space<vmem>>
      %dma_start3A_272 = tpu.memref_squeeze %dma_start3A_271 : memref<1x128xi32, #tpu.memory_space<vmem>> -> memref<128xi32, #tpu.memory_space<vmem>>
      %dma_start3A_273 = arith.constant 0 : i32
      %dma_start3A_274 = tpu.memref_slice %arg3[%arg1, %dma_start3A_262, %dma_start3A_273] : memref<16x162x128xi32, #tpu.memory_space<hbm>> -> memref<1x1x128xi32, #tpu.memory_space<hbm>>
      %dma_start3A_275 = tpu.memref_squeeze %dma_start3A_274 : memref<1x1x128xi32, #tpu.memory_space<hbm>> -> memref<128xi32, #tpu.memory_space<hbm>>
      tpu.enqueue_dma source(%dma_start3A_275 : memref<128xi32, #tpu.memory_space<hbm>>) target(%dma_start3A_272 : memref<128xi32, #tpu.memory_space<vmem>>) target_semaphore(%arg22 : memref<!tpu.dma_semaphore, #tpu.memory_space<semaphore_mem>>)
      %dma_start3A_276 = arith.constant 0 : i32
      %dma_start3A_277 = arith.constant 0 : i32
      %dma_start3A_278 = arith.constant 0 : i32
      %dma_start3A_279 = tpu.memref_slice %arg11[%dma_start3A_277, %dma_start3A_278] : memref<6x128xi32, #tpu.memory_space<vmem>> -> memref<1x128xi32, #tpu.memory_space<vmem>>
      %dma_start3A_280 = tpu.memref_squeeze %dma_start3A_279 : memref<1x128xi32, #tpu.memory_space<vmem>> -> memref<128xi32, #tpu.memory_space<vmem>>
      %dma_start3A_281 = arith.constant 0 : i32
      %dma_start3A_282 = tpu.memref_slice %arg4[%arg1, %dma_start3A_276, %dma_start3A_281] : memref<16x162x128xi32, #tpu.memory_space<hbm>> -> memref<1x1x128xi32, #tpu.memory_space<hbm>>
      %dma_start3A_283 = tpu.memref_squeeze %dma_start3A_282 : memref<1x1x128xi32, #tpu.memory_space<hbm>> -> memref<128xi32, #tpu.memory_space<hbm>>
      %dma_start3A_284 = arith.constant 0 : i32
      %dma_start3A_285 = tpu.memref_slice %arg11[%dma_start3A_277, %dma_start3A_284] : memref<6x128xi32, #tpu.memory_space<vmem>> -> memref<1x128xi32, #tpu.memory_space<vmem>>
      %dma_start3A_286 = tpu.memref_squeeze %dma_start3A_285 : memref<1x128xi32, #tpu.memory_space<vmem>> -> memref<128xi32, #tpu.memory_space<vmem>>
      %dma_start3A_287 = arith.constant 0 : i32
      %dma_start3A_288 = tpu.memref_slice %arg4[%arg1, %dma_start3A_276, %dma_start3A_287] : memref<16x162x128xi32, #tpu.memory_space<hbm>> -> memref<1x1x128xi32, #tpu.memory_space<hbm>>
      %dma_start3A_289 = tpu.memref_squeeze %dma_start3A_288 : memref<1x1x128xi32, #tpu.memory_space<hbm>> -> memref<128xi32, #tpu.memory_space<hbm>>
      tpu.enqueue_dma source(%dma_start3A_289 : memref<128xi32, #tpu.memory_space<hbm>>) target(%dma_start3A_286 : memref<128xi32, #tpu.memory_space<vmem>>) target_semaphore(%arg22 : memref<!tpu.dma_semaphore, #tpu.memory_space<semaphore_mem>>)
      %dma_start3A_290 = arith.constant 1 : i32
      %dma_start3A_291 = arith.constant 1 : i32
      %dma_start3A_292 = arith.constant 0 : i32
      %dma_start3A_293 = tpu.memref_slice %arg10[%dma_start3A_291, %dma_start3A_292] : memref<6x128xi32, #tpu.memory_space<vmem>> -> memref<1x128xi32, #tpu.memory_space<vmem>>
      %dma_start3A_294 = tpu.memref_squeeze %dma_start3A_293 : memref<1x128xi32, #tpu.memory_space<vmem>> -> memref<128xi32, #tpu.memory_space<vmem>>
      %dma_start3A_295 = arith.constant 0 : i32
      %dma_start3A_296 = tpu.memref_slice %arg3[%arg1, %dma_start3A_290, %dma_start3A_295] : memref<16x162x128xi32, #tpu.memory_space<hbm>> -> memref<1x1x128xi32, #tpu.memory_space<hbm>>
      %dma_start3A_297 = tpu.memref_squeeze %dma_start3A_296 : memref<1x1x128xi32, #tpu.memory_space<hbm>> -> memref<128xi32, #tpu.memory_space<hbm>>
      %dma_start3A_298 = arith.constant 0 : i32
      %dma_start3A_299 = tpu.memref_slice %arg10[%dma_start3A_291, %dma_start3A_298] : memref<6x128xi32, #tpu.memory_space<vmem>> -> memref<1x128xi32, #tpu.memory_space<vmem>>
      %dma_start3A_300 = tpu.memref_squeeze %dma_start3A_299 : memref<1x128xi32, #tpu.memory_space<vmem>> -> memref<128xi32, #tpu.memory_space<vmem>>
      %dma_start3A_301 = arith.constant 0 : i32
      %dma_start3A_302 = tpu.memref_slice %arg3[%arg1, %dma_start3A_290, %dma_start3A_301] : memref<16x162x128xi32, #tpu.memory_space<hbm>> -> memref<1x1x128xi32, #tpu.memory_space<hbm>>
      %dma_start3A_303 = tpu.memref_squeeze %dma_start3A_302 : memref<1x1x128xi32, #tpu.memory_space<hbm>> -> memref<128xi32, #tpu.memory_space<hbm>>
      tpu.enqueue_dma source(%dma_start3A_303 : memref<128xi32, #tpu.memory_space<hbm>>) target(%dma_start3A_300 : memref<128xi32, #tpu.memory_space<vmem>>) target_semaphore(%arg23 : memref<!tpu.dma_semaphore, #tpu.memory_space<semaphore_mem>>)
      %dma_start3A_304 = arith.constant 1 : i32
      %dma_start3A_305 = arith.constant 1 : i32
      %dma_start3A_306 = arith.constant 0 : i32
      %dma_start3A_307 = tpu.memref_slice %arg11[%dma_start3A_305, %dma_start3A_306] : memref<6x128xi32, #tpu.memory_space<vmem>> -> memref<1x128xi32, #tpu.memory_space<vmem>>
      %dma_start3A_308 = tpu.memref_squeeze %dma_start3A_307 : memref<1x128xi32, #tpu.memory_space<vmem>> -> memref<128xi32, #tpu.memory_space<vmem>>
      %dma_start3A_309 = arith.constant 0 : i32
      %dma_start3A_310 = tpu.memref_slice %arg4[%arg1, %dma_start3A_304, %dma_start3A_309] : memref<16x162x128xi32, #tpu.memory_space<hbm>> -> memref<1x1x128xi32, #tpu.memory_space<hbm>>
      %dma_start3A_311 = tpu.memref_squeeze %dma_start3A_310 : memref<1x1x128xi32, #tpu.memory_space<hbm>> -> memref<128xi32, #tpu.memory_space<hbm>>
      %dma_start3A_312 = arith.constant 0 : i32
      %dma_start3A_313 = tpu.memref_slice %arg11[%dma_start3A_305, %dma_start3A_312] : memref<6x128xi32, #tpu.memory_space<vmem>> -> memref<1x128xi32, #tpu.memory_space<vmem>>
      %dma_start3A_314 = tpu.memref_squeeze %dma_start3A_313 : memref<1x128xi32, #tpu.memory_space<vmem>> -> memref<128xi32, #tpu.memory_space<vmem>>
      %dma_start3A_315 = arith.constant 0 : i32
      %dma_start3A_316 = tpu.memref_slice %arg4[%arg1, %dma_start3A_304, %dma_start3A_315] : memref<16x162x128xi32, #tpu.memory_space<hbm>> -> memref<1x1x128xi32, #tpu.memory_space<hbm>>
      %dma_start3A_317 = tpu.memref_squeeze %dma_start3A_316 : memref<1x1x128xi32, #tpu.memory_space<hbm>> -> memref<128xi32, #tpu.memory_space<hbm>>
      tpu.enqueue_dma source(%dma_start3A_317 : memref<128xi32, #tpu.memory_space<hbm>>) target(%dma_start3A_314 : memref<128xi32, #tpu.memory_space<vmem>>) target_semaphore(%arg23 : memref<!tpu.dma_semaphore, #tpu.memory_space<semaphore_mem>>)
      %dma_start3A_318 = arith.constant 2 : i32
      %dma_start3A_319 = arith.constant 2 : i32
      %dma_start3A_320 = arith.constant 0 : i32
      %dma_start3A_321 = tpu.memref_slice %arg10[%dma_start3A_319, %dma_start3A_320] : memref<6x128xi32, #tpu.memory_space<vmem>> -> memref<1x128xi32, #tpu.memory_space<vmem>>
      %dma_start3A_322 = tpu.memref_squeeze %dma_start3A_321 : memref<1x128xi32, #tpu.memory_space<vmem>> -> memref<128xi32, #tpu.memory_space<vmem>>
      %dma_start3A_323 = arith.constant 0 : i32
      %dma_start3A_324 = tpu.memref_slice %arg3[%arg1, %dma_start3A_318, %dma_start3A_323] : memref<16x162x128xi32, #tpu.memory_space<hbm>> -> memref<1x1x128xi32, #tpu.memory_space<hbm>>
      %dma_start3A_325 = tpu.memref_squeeze %dma_start3A_324 : memref<1x1x128xi32, #tpu.memory_space<hbm>> -> memref<128xi32, #tpu.memory_space<hbm>>
      %dma_start3A_326 = arith.constant 0 : i32
      %dma_start3A_327 = tpu.memref_slice %arg10[%dma_start3A_319, %dma_start3A_326] : memref<6x128xi32, #tpu.memory_space<vmem>> -> memref<1x128xi32, #tpu.memory_space<vmem>>
      %dma_start3A_328 = tpu.memref_squeeze %dma_start3A_327 : memref<1x128xi32, #tpu.memory_space<vmem>> -> memref<128xi32, #tpu.memory_space<vmem>>
      %dma_start3A_329 = arith.constant 0 : i32
      %dma_start3A_330 = tpu.memref_slice %arg3[%arg1, %dma_start3A_318, %dma_start3A_329] : memref<16x162x128xi32, #tpu.memory_space<hbm>> -> memref<1x1x128xi32, #tpu.memory_space<hbm>>
      %dma_start3A_331 = tpu.memref_squeeze %dma_start3A_330 : memref<1x1x128xi32, #tpu.memory_space<hbm>> -> memref<128xi32, #tpu.memory_space<hbm>>
      tpu.enqueue_dma source(%dma_start3A_331 : memref<128xi32, #tpu.memory_space<hbm>>) target(%dma_start3A_328 : memref<128xi32, #tpu.memory_space<vmem>>) target_semaphore(%arg24 : memref<!tpu.dma_semaphore, #tpu.memory_space<semaphore_mem>>)
      %dma_start3A_332 = arith.constant 2 : i32
      %dma_start3A_333 = arith.constant 2 : i32
      %dma_start3A_334 = arith.constant 0 : i32
      %dma_start3A_335 = tpu.memref_slice %arg11[%dma_start3A_333, %dma_start3A_334] : memref<6x128xi32, #tpu.memory_space<vmem>> -> memref<1x128xi32, #tpu.memory_space<vmem>>
      %dma_start3A_336 = tpu.memref_squeeze %dma_start3A_335 : memref<1x128xi32, #tpu.memory_space<vmem>> -> memref<128xi32, #tpu.memory_space<vmem>>
      %dma_start3A_337 = arith.constant 0 : i32
      %dma_start3A_338 = tpu.memref_slice %arg4[%arg1, %dma_start3A_332, %dma_start3A_337] : memref<16x162x128xi32, #tpu.memory_space<hbm>> -> memref<1x1x128xi32, #tpu.memory_space<hbm>>
      %dma_start3A_339 = tpu.memref_squeeze %dma_start3A_338 : memref<1x1x128xi32, #tpu.memory_space<hbm>> -> memref<128xi32, #tpu.memory_space<hbm>>
      %dma_start3A_340 = arith.constant 0 : i32
      %dma_start3A_341 = tpu.memref_slice %arg11[%dma_start3A_333, %dma_start3A_340] : memref<6x128xi32, #tpu.memory_space<vmem>> -> memref<1x128xi32, #tpu.memory_space<vmem>>
      %dma_start3A_342 = tpu.memref_squeeze %dma_start3A_341 : memref<1x128xi32, #tpu.memory_space<vmem>> -> memref<128xi32, #tpu.memory_space<vmem>>
      %dma_start3A_343 = arith.constant 0 : i32
      %dma_start3A_344 = tpu.memref_slice %arg4[%arg1, %dma_start3A_332, %dma_start3A_343] : memref<16x162x128xi32, #tpu.memory_space<hbm>> -> memref<1x1x128xi32, #tpu.memory_space<hbm>>
      %dma_start3A_345 = tpu.memref_squeeze %dma_start3A_344 : memref<1x1x128xi32, #tpu.memory_space<hbm>> -> memref<128xi32, #tpu.memory_space<hbm>>
      tpu.enqueue_dma source(%dma_start3A_345 : memref<128xi32, #tpu.memory_space<hbm>>) target(%dma_start3A_342 : memref<128xi32, #tpu.memory_space<vmem>>) target_semaphore(%arg24 : memref<!tpu.dma_semaphore, #tpu.memory_space<semaphore_mem>>)
      %dma_start3A_346 = arith.constant 3 : i32
      %dma_start3A_347 = arith.constant 3 : i32
      %dma_start3A_348 = arith.constant 0 : i32
      %dma_start3A_349 = tpu.memref_slice %arg10[%dma_start3A_347, %dma_start3A_348] : memref<6x128xi32, #tpu.memory_space<vmem>> -> memref<1x128xi32, #tpu.memory_space<vmem>>
      %dma_start3A_350 = tpu.memref_squeeze %dma_start3A_349 : memref<1x128xi32, #tpu.memory_space<vmem>> -> memref<128xi32, #tpu.memory_space<vmem>>
      %dma_start3A_351 = arith.constant 0 : i32
      %dma_start3A_352 = tpu.memref_slice %arg3[%arg1, %dma_start3A_346, %dma_start3A_351] : memref<16x162x128xi32, #tpu.memory_space<hbm>> -> memref<1x1x128xi32, #tpu.memory_space<hbm>>
      %dma_start3A_353 = tpu.memref_squeeze %dma_start3A_352 : memref<1x1x128xi32, #tpu.memory_space<hbm>> -> memref<128xi32, #tpu.memory_space<hbm>>
      %dma_start3A_354 = arith.constant 0 : i32
      %dma_start3A_355 = tpu.memref_slice %arg10[%dma_start3A_347, %dma_start3A_354] : memref<6x128xi32, #tpu.memory_space<vmem>> -> memref<1x128xi32, #tpu.memory_space<vmem>>
      %dma_start3A_356 = tpu.memref_squeeze %dma_start3A_355 : memref<1x128xi32, #tpu.memory_space<vmem>> -> memref<128xi32, #tpu.memory_space<vmem>>
      %dma_start3A_357 = arith.constant 0 : i32
      %dma_start3A_358 = tpu.memref_slice %arg3[%arg1, %dma_start3A_346, %dma_start3A_357] : memref<16x162x128xi32, #tpu.memory_space<hbm>> -> memref<1x1x128xi32, #tpu.memory_space<hbm>>
      %dma_start3A_359 = tpu.memref_squeeze %dma_start3A_358 : memref<1x1x128xi32, #tpu.memory_space<hbm>> -> memref<128xi32, #tpu.memory_space<hbm>>
      tpu.enqueue_dma source(%dma_start3A_359 : memref<128xi32, #tpu.memory_space<hbm>>) target(%dma_start3A_356 : memref<128xi32, #tpu.memory_space<vmem>>) target_semaphore(%arg25 : memref<!tpu.dma_semaphore, #tpu.memory_space<semaphore_mem>>)
      %dma_start3A_360 = arith.constant 3 : i32
      %dma_start3A_361 = arith.constant 3 : i32
      %dma_start3A_362 = arith.constant 0 : i32
      %dma_start3A_363 = tpu.memref_slice %arg11[%dma_start3A_361, %dma_start3A_362] : memref<6x128xi32, #tpu.memory_space<vmem>> -> memref<1x128xi32, #tpu.memory_space<vmem>>
      %dma_start3A_364 = tpu.memref_squeeze %dma_start3A_363 : memref<1x128xi32, #tpu.memory_space<vmem>> -> memref<128xi32, #tpu.memory_space<vmem>>
      %dma_start3A_365 = arith.constant 0 : i32
      %dma_start3A_366 = tpu.memref_slice %arg4[%arg1, %dma_start3A_360, %dma_start3A_365] : memref<16x162x128xi32, #tpu.memory_space<hbm>> -> memref<1x1x128xi32, #tpu.memory_space<hbm>>
      %dma_start3A_367 = tpu.memref_squeeze %dma_start3A_366 : memref<1x1x128xi32, #tpu.memory_space<hbm>> -> memref<128xi32, #tpu.memory_space<hbm>>
      %dma_start3A_368 = arith.constant 0 : i32
      %dma_start3A_369 = tpu.memref_slice %arg11[%dma_start3A_361, %dma_start3A_368] : memref<6x128xi32, #tpu.memory_space<vmem>> -> memref<1x128xi32, #tpu.memory_space<vmem>>
      %dma_start3A_370 = tpu.memref_squeeze %dma_start3A_369 : memref<1x128xi32, #tpu.memory_space<vmem>> -> memref<128xi32, #tpu.memory_space<vmem>>
      %dma_start3A_371 = arith.constant 0 : i32
      %dma_start3A_372 = tpu.memref_slice %arg4[%arg1, %dma_start3A_360, %dma_start3A_371] : memref<16x162x128xi32, #tpu.memory_space<hbm>> -> memref<1x1x128xi32, #tpu.memory_space<hbm>>
      %dma_start3A_373 = tpu.memref_squeeze %dma_start3A_372 : memref<1x1x128xi32, #tpu.memory_space<hbm>> -> memref<128xi32, #tpu.memory_space<hbm>>
      tpu.enqueue_dma source(%dma_start3A_373 : memref<128xi32, #tpu.memory_space<hbm>>) target(%dma_start3A_370 : memref<128xi32, #tpu.memory_space<vmem>>) target_semaphore(%arg25 : memref<!tpu.dma_semaphore, #tpu.memory_space<semaphore_mem>>)
      %dma_wait3A = arith.constant 0 : i32
      %dma_wait3A_374 = arith.constant 0 : i32
      %dma_wait3A_375 = arith.constant 0 : i32
      %dma_wait3A_376 = tpu.memref_slice %arg10[%dma_wait3A_374, %dma_wait3A_375] : memref<6x128xi32, #tpu.memory_space<vmem>> -> memref<1x128xi32, #tpu.memory_space<vmem>>
      %dma_wait3A_377 = tpu.memref_squeeze %dma_wait3A_376 : memref<1x128xi32, #tpu.memory_space<vmem>> -> memref<128xi32, #tpu.memory_space<vmem>>
      %dma_wait3A_378 = arith.constant 0 : i32
      %dma_wait3A_379 = tpu.memref_slice %arg3[%arg1, %dma_wait3A, %dma_wait3A_378] : memref<16x162x128xi32, #tpu.memory_space<hbm>> -> memref<1x1x128xi32, #tpu.memory_space<hbm>>
      %dma_wait3A_380 = tpu.memref_squeeze %dma_wait3A_379 : memref<1x1x128xi32, #tpu.memory_space<hbm>> -> memref<128xi32, #tpu.memory_space<hbm>>
      %dma_wait3A_381 = arith.constant 0 : i32
      %dma_wait3A_382 = tpu.memref_slice %arg10[%dma_wait3A_374, %dma_wait3A_381] : memref<6x128xi32, #tpu.memory_space<vmem>> -> memref<1x128xi32, #tpu.memory_space<vmem>>
      %dma_wait3A_383 = tpu.memref_squeeze %dma_wait3A_382 : memref<1x128xi32, #tpu.memory_space<vmem>> -> memref<128xi32, #tpu.memory_space<vmem>>
      %dma_wait3A_384 = arith.constant 0 : i32
      %dma_wait3A_385 = tpu.memref_slice %arg3[%arg1, %dma_wait3A, %dma_wait3A_384] : memref<16x162x128xi32, #tpu.memory_space<hbm>> -> memref<1x1x128xi32, #tpu.memory_space<hbm>>
      %dma_wait3A_386 = tpu.memref_squeeze %dma_wait3A_385 : memref<1x1x128xi32, #tpu.memory_space<hbm>> -> memref<128xi32, #tpu.memory_space<hbm>>
      tpu.wait_dma2 semaphore(%arg22 : memref<!tpu.dma_semaphore, #tpu.memory_space<semaphore_mem>>) src(%dma_wait3A_386 : memref<128xi32, #tpu.memory_space<hbm>>) dst(%dma_wait3A_383 : memref<128xi32, #tpu.memory_space<vmem>>)
      %dma_wait3A_387 = arith.constant 0 : i32
      %dma_wait3A_388 = arith.constant 0 : i32
      %dma_wait3A_389 = arith.constant 0 : i32
      %dma_wait3A_390 = tpu.memref_slice %arg11[%dma_wait3A_388, %dma_wait3A_389] : memref<6x128xi32, #tpu.memory_space<vmem>> -> memref<1x128xi32, #tpu.memory_space<vmem>>
      %dma_wait3A_391 = tpu.memref_squeeze %dma_wait3A_390 : memref<1x128xi32, #tpu.memory_space<vmem>> -> memref<128xi32, #tpu.memory_space<vmem>>
      %dma_wait3A_392 = arith.constant 0 : i32
      %dma_wait3A_393 = tpu.memref_slice %arg4[%arg1, %dma_wait3A_387, %dma_wait3A_392] : memref<16x162x128xi32, #tpu.memory_space<hbm>> -> memref<1x1x128xi32, #tpu.memory_space<hbm>>
      %dma_wait3A_394 = tpu.memref_squeeze %dma_wait3A_393 : memref<1x1x128xi32, #tpu.memory_space<hbm>> -> memref<128xi32, #tpu.memory_space<hbm>>
      %dma_wait3A_395 = arith.constant 0 : i32
      %dma_wait3A_396 = tpu.memref_slice %arg11[%dma_wait3A_388, %dma_wait3A_395] : memref<6x128xi32, #tpu.memory_space<vmem>> -> memref<1x128xi32, #tpu.memory_space<vmem>>
      %dma_wait3A_397 = tpu.memref_squeeze %dma_wait3A_396 : memref<1x128xi32, #tpu.memory_space<vmem>> -> memref<128xi32, #tpu.memory_space<vmem>>
      %dma_wait3A_398 = arith.constant 0 : i32
      %dma_wait3A_399 = tpu.memref_slice %arg4[%arg1, %dma_wait3A_387, %dma_wait3A_398] : memref<16x162x128xi32, #tpu.memory_space<hbm>> -> memref<1x1x128xi32, #tpu.memory_space<hbm>>
      %dma_wait3A_400 = tpu.memref_squeeze %dma_wait3A_399 : memref<1x1x128xi32, #tpu.memory_space<hbm>> -> memref<128xi32, #tpu.memory_space<hbm>>
      tpu.wait_dma2 semaphore(%arg22 : memref<!tpu.dma_semaphore, #tpu.memory_space<semaphore_mem>>) src(%dma_wait3A_400 : memref<128xi32, #tpu.memory_space<hbm>>) dst(%dma_wait3A_397 : memref<128xi32, #tpu.memory_space<vmem>>)
      %dma_start3A_401 = arith.constant 0 : i32
      %dma_start3A_402 = arith.constant 0 : i32
      %dma_start3A_403 = tpu.memref_slice %arg10[%dma_start3A_401, %dma_start3A_402] : memref<6x128xi32, #tpu.memory_space<vmem>> -> memref<1x128xi32, #tpu.memory_space<vmem>>
      %dma_start3A_404 = tpu.memref_squeeze %dma_start3A_403 : memref<1x128xi32, #tpu.memory_space<vmem>> -> memref<128xi32, #tpu.memory_space<vmem>>
      %dma_start3A_405 = arith.constant 0 : i32
      %dma_start3A_406 = arith.constant 0 : i32
      %dma_start3A_407 = tpu.memref_slice %arg28[%dma_start3A_405, %dma_start3A_406] : memref<10240x64xf32, #tpu.memory_space<vmem_shared>> -> memref<10240x64xf32, #tpu.memory_space<vmem_shared>>
      tpu.enqueue_indirect_dma source(%dma_start3A_407 : memref<10240x64xf32, #tpu.memory_space<vmem_shared>>) target(%arg7 : memref<128x64xf32, #tpu.memory_space<vmem>>) offsets(%dma_start3A_404 : memref<128xi32, #tpu.memory_space<vmem>>) semaphore(%arg16 : memref<!tpu.dma_semaphore, #tpu.memory_space<semaphore_mem>>)
      %scan3A_408 = arith.constant 0 : i32
      %scan3A_409 = arith.constant 0 : i32
      %scan3A_410 = arith.constant 27 : i32
      %scan3A_411 = arith.addi %scan3A_409, %scan3A_410 : i32
      %scan3A_412 = arith.constant 1 : i32
      %scan3A_413 = scf.for %scan3A_438 = %scan3A_409 to %scan3A_411 step %scan3A_412 iter_args(%scan3A_439 = %scan3A_408) -> (i32)  : i32 {
        %mul3A_440 = arith.constant 6 : i32
        %mul3A_441 = arith.muli %scan3A_438, %mul3A_440 : i32
        %add3A = arith.constant 0 : i32
        %add3A_442 = arith.addi %mul3A_441, %add3A : i32
        %dma_wait3A_443 = arith.constant 0 : i32
        %dma_wait3A_444 = arith.constant 0 : i32
        %dma_wait3A_445 = tpu.memref_slice %arg10[%dma_wait3A_443, %dma_wait3A_444] : memref<6x128xi32, #tpu.memory_space<vmem>> -> memref<1x128xi32, #tpu.memory_space<vmem>>
        %dma_wait3A_446 = tpu.memref_squeeze %dma_wait3A_445 : memref<1x128xi32, #tpu.memory_space<vmem>> -> memref<128xi32, #tpu.memory_space<vmem>>
        %dma_wait3A_447 = arith.constant 0 : i32
        %dma_wait3A_448 = arith.constant 0 : i32
        %dma_wait3A_449 = tpu.memref_slice %arg28[%dma_wait3A_447, %dma_wait3A_448] : memref<10240x64xf32, #tpu.memory_space<vmem_shared>> -> memref<10240x64xf32, #tpu.memory_space<vmem_shared>>
        tpu.wait_indirect_dma semaphore(%arg16 : memref<!tpu.dma_semaphore, #tpu.memory_space<semaphore_mem>>) src(%dma_wait3A_449 : memref<10240x64xf32, #tpu.memory_space<vmem_shared>>) dst(%arg7 : memref<128x64xf32, #tpu.memory_space<vmem>>)
        %dma_start3A_450 = arith.constant 0 : i32
        %dma_start3A_451 = arith.constant 0 : i32
        %dma_start3A_452 = tpu.memref_slice %arg11[%dma_start3A_450, %dma_start3A_451] : memref<6x128xi32, #tpu.memory_space<vmem>> -> memref<1x128xi32, #tpu.memory_space<vmem>>
        %dma_start3A_453 = tpu.memref_squeeze %dma_start3A_452 : memref<1x128xi32, #tpu.memory_space<vmem>> -> memref<128xi32, #tpu.memory_space<vmem>>
        %dma_start3A_454 = arith.constant 0 : i32
        %dma_start3A_455 = arith.constant 0 : i32
        %dma_start3A_456 = tpu.memref_slice %arg29[%dma_start3A_454, %dma_start3A_455] : memref<10240x64xf32, #tpu.memory_space<vmem_shared>> -> memref<10240x64xf32, #tpu.memory_space<vmem_shared>>
        tpu.enqueue_indirect_dma source(%arg7 : memref<128x64xf32, #tpu.memory_space<vmem>>) target(%dma_start3A_456 : memref<10240x64xf32, #tpu.memory_space<vmem_shared>>) offsets(%dma_start3A_453 : memref<128xi32, #tpu.memory_space<vmem>>) semaphore(%arg19 : memref<!tpu.dma_semaphore, #tpu.memory_space<semaphore_mem>>) {add = true}
        %gt3A = arith.constant 0 : i32
        %gt3A_457 = arith.cmpi sgt, %scan3A_438, %gt3A : i32
        %convert_element_type3A_458 = arith.extui %gt3A_457 : i1 to i32
        %cond3A_459 = arith.constant 0 : i32
        %cond3A_460 = arith.cmpi ne, %convert_element_type3A_458, %cond3A_459 : i32
        scf.if %cond3A_460 {
          %dma_wait3A_840 = arith.constant 4 : i32
          %dma_wait3A_841 = arith.constant 0 : i32
          %dma_wait3A_842 = tpu.memref_slice %arg11[%dma_wait3A_840, %dma_wait3A_841] : memref<6x128xi32, #tpu.memory_space<vmem>> -> memref<1x128xi32, #tpu.memory_space<vmem>>
          %dma_wait3A_843 = tpu.memref_squeeze %dma_wait3A_842 : memref<1x128xi32, #tpu.memory_space<vmem>> -> memref<128xi32, #tpu.memory_space<vmem>>
          %dma_wait3A_844 = arith.constant 0 : i32
          %dma_wait3A_845 = arith.constant 0 : i32
          %dma_wait3A_846 = tpu.memref_slice %arg29[%dma_wait3A_844, %dma_wait3A_845] : memref<10240x64xf32, #tpu.memory_space<vmem_shared>> -> memref<10240x64xf32, #tpu.memory_space<vmem_shared>>
          tpu.wait_indirect_dma semaphore(%arg20 : memref<!tpu.dma_semaphore, #tpu.memory_space<semaphore_mem>>) src(%arg8 : memref<128x64xf32, #tpu.memory_space<vmem>>) dst(%dma_wait3A_846 : memref<10240x64xf32, #tpu.memory_space<vmem_shared>>)
        } else {
        }
        %add3A_461 = arith.constant 4 : i32
        %add3A_462 = arith.addi %add3A_442, %add3A_461 : i32
        %dma_start3A_463 = arith.constant 4 : i32
        %dma_start3A_464 = arith.constant 0 : i32
        %dma_start3A_465 = tpu.memref_slice %arg10[%dma_start3A_463, %dma_start3A_464] : memref<6x128xi32, #tpu.memory_space<vmem>> -> memref<1x128xi32, #tpu.memory_space<vmem>>
        %dma_start3A_466 = tpu.memref_squeeze %dma_start3A_465 : memref<1x128xi32, #tpu.memory_space<vmem>> -> memref<128xi32, #tpu.memory_space<vmem>>
        %dma_start3A_467 = arith.constant 0 : i32
        %dma_start3A_468 = tpu.memref_slice %arg3[%arg1, %add3A_462, %dma_start3A_467] : memref<16x162x128xi32, #tpu.memory_space<hbm>> -> memref<1x1x128xi32, #tpu.memory_space<hbm>>
        %dma_start3A_469 = tpu.memref_squeeze %dma_start3A_468 : memref<1x1x128xi32, #tpu.memory_space<hbm>> -> memref<128xi32, #tpu.memory_space<hbm>>
        %dma_start3A_470 = arith.constant 0 : i32
        %dma_start3A_471 = tpu.memref_slice %arg10[%dma_start3A_463, %dma_start3A_470] : memref<6x128xi32, #tpu.memory_space<vmem>> -> memref<1x128xi32, #tpu.memory_space<vmem>>
        %dma_start3A_472 = tpu.memref_squeeze %dma_start3A_471 : memref<1x128xi32, #tpu.memory_space<vmem>> -> memref<128xi32, #tpu.memory_space<vmem>>
        %dma_start3A_473 = arith.constant 0 : i32
        %dma_start3A_474 = tpu.memref_slice %arg3[%arg1, %add3A_462, %dma_start3A_473] : memref<16x162x128xi32, #tpu.memory_space<hbm>> -> memref<1x1x128xi32, #tpu.memory_space<hbm>>
        %dma_start3A_475 = tpu.memref_squeeze %dma_start3A_474 : memref<1x1x128xi32, #tpu.memory_space<hbm>> -> memref<128xi32, #tpu.memory_space<hbm>>
        tpu.enqueue_dma source(%dma_start3A_475 : memref<128xi32, #tpu.memory_space<hbm>>) target(%dma_start3A_472 : memref<128xi32, #tpu.memory_space<vmem>>) target_semaphore(%arg26 : memref<!tpu.dma_semaphore, #tpu.memory_space<semaphore_mem>>)
        %dma_start3A_476 = arith.constant 4 : i32
        %dma_start3A_477 = arith.constant 0 : i32
        %dma_start3A_478 = tpu.memref_slice %arg11[%dma_start3A_476, %dma_start3A_477] : memref<6x128xi32, #tpu.memory_space<vmem>> -> memref<1x128xi32, #tpu.memory_space<vmem>>
        %dma_start3A_479 = tpu.memref_squeeze %dma_start3A_478 : memref<1x128xi32, #tpu.memory_space<vmem>> -> memref<128xi32, #tpu.memory_space<vmem>>
        %dma_start3A_480 = arith.constant 0 : i32
        %dma_start3A_481 = tpu.memref_slice %arg4[%arg1, %add3A_462, %dma_start3A_480] : memref<16x162x128xi32, #tpu.memory_space<hbm>> -> memref<1x1x128xi32, #tpu.memory_space<hbm>>
        %dma_start3A_482 = tpu.memref_squeeze %dma_start3A_481 : memref<1x1x128xi32, #tpu.memory_space<hbm>> -> memref<128xi32, #tpu.memory_space<hbm>>
        %dma_start3A_483 = arith.constant 0 : i32
        %dma_start3A_484 = tpu.memref_slice %arg11[%dma_start3A_476, %dma_start3A_483] : memref<6x128xi32, #tpu.memory_space<vmem>> -> memref<1x128xi32, #tpu.memory_space<vmem>>
        %dma_start3A_485 = tpu.memref_squeeze %dma_start3A_484 : memref<1x128xi32, #tpu.memory_space<vmem>> -> memref<128xi32, #tpu.memory_space<vmem>>
        %dma_start3A_486 = arith.constant 0 : i32
        %dma_start3A_487 = tpu.memref_slice %arg4[%arg1, %add3A_462, %dma_start3A_486] : memref<16x162x128xi32, #tpu.memory_space<hbm>> -> memref<1x1x128xi32, #tpu.memory_space<hbm>>
        %dma_start3A_488 = tpu.memref_squeeze %dma_start3A_487 : memref<1x1x128xi32, #tpu.memory_space<hbm>> -> memref<128xi32, #tpu.memory_space<hbm>>
        tpu.enqueue_dma source(%dma_start3A_488 : memref<128xi32, #tpu.memory_space<hbm>>) target(%dma_start3A_485 : memref<128xi32, #tpu.memory_space<vmem>>) target_semaphore(%arg26 : memref<!tpu.dma_semaphore, #tpu.memory_space<semaphore_mem>>)
        %dma_wait3A_489 = arith.constant 0 : i32
        %dma_wait3A_490 = arith.constant 1 : i32
        %dma_wait3A_491 = arith.constant 0 : i32
        %dma_wait3A_492 = tpu.memref_slice %arg10[%dma_wait3A_490, %dma_wait3A_491] : memref<6x128xi32, #tpu.memory_space<vmem>> -> memref<1x128xi32, #tpu.memory_space<vmem>>
        %dma_wait3A_493 = tpu.memref_squeeze %dma_wait3A_492 : memref<1x128xi32, #tpu.memory_space<vmem>> -> memref<128xi32, #tpu.memory_space<vmem>>
        %dma_wait3A_494 = arith.constant 0 : i32
        %dma_wait3A_495 = tpu.memref_slice %arg3[%arg1, %dma_wait3A_489, %dma_wait3A_494] : memref<16x162x128xi32, #tpu.memory_space<hbm>> -> memref<1x1x128xi32, #tpu.memory_space<hbm>>
        %dma_wait3A_496 = tpu.memref_squeeze %dma_wait3A_495 : memref<1x1x128xi32, #tpu.memory_space<hbm>> -> memref<128xi32, #tpu.memory_space<hbm>>
        %dma_wait3A_497 = arith.constant 0 : i32
        %dma_wait3A_498 = tpu.memref_slice %arg10[%dma_wait3A_490, %dma_wait3A_497] : memref<6x128xi32, #tpu.memory_space<vmem>> -> memref<1x128xi32, #tpu.memory_space<vmem>>
        %dma_wait3A_499 = tpu.memref_squeeze %dma_wait3A_498 : memref<1x128xi32, #tpu.memory_space<vmem>> -> memref<128xi32, #tpu.memory_space<vmem>>
        %dma_wait3A_500 = arith.constant 0 : i32
        %dma_wait3A_501 = tpu.memref_slice %arg3[%arg1, %dma_wait3A_489, %dma_wait3A_500] : memref<16x162x128xi32, #tpu.memory_space<hbm>> -> memref<1x1x128xi32, #tpu.memory_space<hbm>>
        %dma_wait3A_502 = tpu.memref_squeeze %dma_wait3A_501 : memref<1x1x128xi32, #tpu.memory_space<hbm>> -> memref<128xi32, #tpu.memory_space<hbm>>
        tpu.wait_dma2 semaphore(%arg23 : memref<!tpu.dma_semaphore, #tpu.memory_space<semaphore_mem>>) src(%dma_wait3A_502 : memref<128xi32, #tpu.memory_space<hbm>>) dst(%dma_wait3A_499 : memref<128xi32, #tpu.memory_space<vmem>>)
        %dma_wait3A_503 = arith.constant 0 : i32
        %dma_wait3A_504 = arith.constant 1 : i32
        %dma_wait3A_505 = arith.constant 0 : i32
        %dma_wait3A_506 = tpu.memref_slice %arg11[%dma_wait3A_504, %dma_wait3A_505] : memref<6x128xi32, #tpu.memory_space<vmem>> -> memref<1x128xi32, #tpu.memory_space<vmem>>
        %dma_wait3A_507 = tpu.memref_squeeze %dma_wait3A_506 : memref<1x128xi32, #tpu.memory_space<vmem>> -> memref<128xi32, #tpu.memory_space<vmem>>
        %dma_wait3A_508 = arith.constant 0 : i32
        %dma_wait3A_509 = tpu.memref_slice %arg4[%arg1, %dma_wait3A_503, %dma_wait3A_508] : memref<16x162x128xi32, #tpu.memory_space<hbm>> -> memref<1x1x128xi32, #tpu.memory_space<hbm>>
        %dma_wait3A_510 = tpu.memref_squeeze %dma_wait3A_509 : memref<1x1x128xi32, #tpu.memory_space<hbm>> -> memref<128xi32, #tpu.memory_space<hbm>>
        %dma_wait3A_511 = arith.constant 0 : i32
        %dma_wait3A_512 = tpu.memref_slice %arg11[%dma_wait3A_504, %dma_wait3A_511] : memref<6x128xi32, #tpu.memory_space<vmem>> -> memref<1x128xi32, #tpu.memory_space<vmem>>
        %dma_wait3A_513 = tpu.memref_squeeze %dma_wait3A_512 : memref<1x128xi32, #tpu.memory_space<vmem>> -> memref<128xi32, #tpu.memory_space<vmem>>
        %dma_wait3A_514 = arith.constant 0 : i32
        %dma_wait3A_515 = tpu.memref_slice %arg4[%arg1, %dma_wait3A_503, %dma_wait3A_514] : memref<16x162x128xi32, #tpu.memory_space<hbm>> -> memref<1x1x128xi32, #tpu.memory_space<hbm>>
        %dma_wait3A_516 = tpu.memref_squeeze %dma_wait3A_515 : memref<1x1x128xi32, #tpu.memory_space<hbm>> -> memref<128xi32, #tpu.memory_space<hbm>>
        tpu.wait_dma2 semaphore(%arg23 : memref<!tpu.dma_semaphore, #tpu.memory_space<semaphore_mem>>) src(%dma_wait3A_516 : memref<128xi32, #tpu.memory_space<hbm>>) dst(%dma_wait3A_513 : memref<128xi32, #tpu.memory_space<vmem>>)
        %dma_start3A_517 = arith.constant 1 : i32
        %dma_start3A_518 = arith.constant 0 : i32
        %dma_start3A_519 = tpu.memref_slice %arg10[%dma_start3A_517, %dma_start3A_518] : memref<6x128xi32, #tpu.memory_space<vmem>> -> memref<1x128xi32, #tpu.memory_space<vmem>>
        %dma_start3A_520 = tpu.memref_squeeze %dma_start3A_519 : memref<1x128xi32, #tpu.memory_space<vmem>> -> memref<128xi32, #tpu.memory_space<vmem>>
        %dma_start3A_521 = arith.constant 0 : i32
        %dma_start3A_522 = arith.constant 0 : i32
        %dma_start3A_523 = tpu.memref_slice %arg28[%dma_start3A_521, %dma_start3A_522] : memref<10240x64xf32, #tpu.memory_space<vmem_shared>> -> memref<10240x64xf32, #tpu.memory_space<vmem_shared>>
        tpu.enqueue_indirect_dma source(%dma_start3A_523 : memref<10240x64xf32, #tpu.memory_space<vmem_shared>>) target(%arg8 : memref<128x64xf32, #tpu.memory_space<vmem>>) offsets(%dma_start3A_520 : memref<128xi32, #tpu.memory_space<vmem>>) semaphore(%arg17 : memref<!tpu.dma_semaphore, #tpu.memory_space<semaphore_mem>>)
        %mul3A_524 = arith.constant 6 : i32
        %mul3A_525 = arith.muli %scan3A_438, %mul3A_524 : i32
        %add3A_526 = arith.constant 1 : i32
        %add3A_527 = arith.addi %mul3A_525, %add3A_526 : i32
        %dma_wait3A_528 = arith.constant 1 : i32
        %dma_wait3A_529 = arith.constant 0 : i32
        %dma_wait3A_530 = tpu.memref_slice %arg10[%dma_wait3A_528, %dma_wait3A_529] : memref<6x128xi32, #tpu.memory_space<vmem>> -> memref<1x128xi32, #tpu.memory_space<vmem>>
        %dma_wait3A_531 = tpu.memref_squeeze %dma_wait3A_530 : memref<1x128xi32, #tpu.memory_space<vmem>> -> memref<128xi32, #tpu.memory_space<vmem>>
        %dma_wait3A_532 = arith.constant 0 : i32
        %dma_wait3A_533 = arith.constant 0 : i32
        %dma_wait3A_534 = tpu.memref_slice %arg28[%dma_wait3A_532, %dma_wait3A_533] : memref<10240x64xf32, #tpu.memory_space<vmem_shared>> -> memref<10240x64xf32, #tpu.memory_space<vmem_shared>>
        tpu.wait_indirect_dma semaphore(%arg17 : memref<!tpu.dma_semaphore, #tpu.memory_space<semaphore_mem>>) src(%dma_wait3A_534 : memref<10240x64xf32, #tpu.memory_space<vmem_shared>>) dst(%arg8 : memref<128x64xf32, #tpu.memory_space<vmem>>)
        %dma_start3A_535 = arith.constant 1 : i32
        %dma_start3A_536 = arith.constant 0 : i32
        %dma_start3A_537 = tpu.memref_slice %arg11[%dma_start3A_535, %dma_start3A_536] : memref<6x128xi32, #tpu.memory_space<vmem>> -> memref<1x128xi32, #tpu.memory_space<vmem>>
        %dma_start3A_538 = tpu.memref_squeeze %dma_start3A_537 : memref<1x128xi32, #tpu.memory_space<vmem>> -> memref<128xi32, #tpu.memory_space<vmem>>
        %dma_start3A_539 = arith.constant 0 : i32
        %dma_start3A_540 = arith.constant 0 : i32
        %dma_start3A_541 = tpu.memref_slice %arg29[%dma_start3A_539, %dma_start3A_540] : memref<10240x64xf32, #tpu.memory_space<vmem_shared>> -> memref<10240x64xf32, #tpu.memory_space<vmem_shared>>
        tpu.enqueue_indirect_dma source(%arg8 : memref<128x64xf32, #tpu.memory_space<vmem>>) target(%dma_start3A_541 : memref<10240x64xf32, #tpu.memory_space<vmem_shared>>) offsets(%dma_start3A_538 : memref<128xi32, #tpu.memory_space<vmem>>) semaphore(%arg20 : memref<!tpu.dma_semaphore, #tpu.memory_space<semaphore_mem>>) {add = true}
        %gt3A_542 = arith.constant 0 : i32
        %gt3A_543 = arith.cmpi sgt, %scan3A_438, %gt3A_542 : i32
        %convert_element_type3A_544 = arith.extui %gt3A_543 : i1 to i32
        %cond3A_545 = arith.constant 0 : i32
        %cond3A_546 = arith.cmpi ne, %convert_element_type3A_544, %cond3A_545 : i32
        scf.if %cond3A_546 {
          %dma_wait3A_840 = arith.constant 5 : i32
          %dma_wait3A_841 = arith.constant 0 : i32
          %dma_wait3A_842 = tpu.memref_slice %arg11[%dma_wait3A_840, %dma_wait3A_841] : memref<6x128xi32, #tpu.memory_space<vmem>> -> memref<1x128xi32, #tpu.memory_space<vmem>>
          %dma_wait3A_843 = tpu.memref_squeeze %dma_wait3A_842 : memref<1x128xi32, #tpu.memory_space<vmem>> -> memref<128xi32, #tpu.memory_space<vmem>>
          %dma_wait3A_844 = arith.constant 0 : i32
          %dma_wait3A_845 = arith.constant 0 : i32
          %dma_wait3A_846 = tpu.memref_slice %arg29[%dma_wait3A_844, %dma_wait3A_845] : memref<10240x64xf32, #tpu.memory_space<vmem_shared>> -> memref<10240x64xf32, #tpu.memory_space<vmem_shared>>
          tpu.wait_indirect_dma semaphore(%arg21 : memref<!tpu.dma_semaphore, #tpu.memory_space<semaphore_mem>>) src(%arg9 : memref<128x64xf32, #tpu.memory_space<vmem>>) dst(%dma_wait3A_846 : memref<10240x64xf32, #tpu.memory_space<vmem_shared>>)
        } else {
        }
        %add3A_547 = arith.constant 4 : i32
        %add3A_548 = arith.addi %add3A_527, %add3A_547 : i32
        %dma_start3A_549 = arith.constant 5 : i32
        %dma_start3A_550 = arith.constant 0 : i32
        %dma_start3A_551 = tpu.memref_slice %arg10[%dma_start3A_549, %dma_start3A_550] : memref<6x128xi32, #tpu.memory_space<vmem>> -> memref<1x128xi32, #tpu.memory_space<vmem>>
        %dma_start3A_552 = tpu.memref_squeeze %dma_start3A_551 : memref<1x128xi32, #tpu.memory_space<vmem>> -> memref<128xi32, #tpu.memory_space<vmem>>
        %dma_start3A_553 = arith.constant 0 : i32
        %dma_start3A_554 = tpu.memref_slice %arg3[%arg1, %add3A_548, %dma_start3A_553] : memref<16x162x128xi32, #tpu.memory_space<hbm>> -> memref<1x1x128xi32, #tpu.memory_space<hbm>>
        %dma_start3A_555 = tpu.memref_squeeze %dma_start3A_554 : memref<1x1x128xi32, #tpu.memory_space<hbm>> -> memref<128xi32, #tpu.memory_space<hbm>>
        %dma_start3A_556 = arith.constant 0 : i32
        %dma_start3A_557 = tpu.memref_slice %arg10[%dma_start3A_549, %dma_start3A_556] : memref<6x128xi32, #tpu.memory_space<vmem>> -> memref<1x128xi32, #tpu.memory_space<vmem>>
        %dma_start3A_558 = tpu.memref_squeeze %dma_start3A_557 : memref<1x128xi32, #tpu.memory_space<vmem>> -> memref<128xi32, #tpu.memory_space<vmem>>
        %dma_start3A_559 = arith.constant 0 : i32
        %dma_start3A_560 = tpu.memref_slice %arg3[%arg1, %add3A_548, %dma_start3A_559] : memref<16x162x128xi32, #tpu.memory_space<hbm>> -> memref<1x1x128xi32, #tpu.memory_space<hbm>>
        %dma_start3A_561 = tpu.memref_squeeze %dma_start3A_560 : memref<1x1x128xi32, #tpu.memory_space<hbm>> -> memref<128xi32, #tpu.memory_space<hbm>>
        tpu.enqueue_dma source(%dma_start3A_561 : memref<128xi32, #tpu.memory_space<hbm>>) target(%dma_start3A_558 : memref<128xi32, #tpu.memory_space<vmem>>) target_semaphore(%arg27 : memref<!tpu.dma_semaphore, #tpu.memory_space<semaphore_mem>>)
        %dma_start3A_562 = arith.constant 5 : i32
        %dma_start3A_563 = arith.constant 0 : i32
        %dma_start3A_564 = tpu.memref_slice %arg11[%dma_start3A_562, %dma_start3A_563] : memref<6x128xi32, #tpu.memory_space<vmem>> -> memref<1x128xi32, #tpu.memory_space<vmem>>
        %dma_start3A_565 = tpu.memref_squeeze %dma_start3A_564 : memref<1x128xi32, #tpu.memory_space<vmem>> -> memref<128xi32, #tpu.memory_space<vmem>>
        %dma_start3A_566 = arith.constant 0 : i32
        %dma_start3A_567 = tpu.memref_slice %arg4[%arg1, %add3A_548, %dma_start3A_566] : memref<16x162x128xi32, #tpu.memory_space<hbm>> -> memref<1x1x128xi32, #tpu.memory_space<hbm>>
        %dma_start3A_568 = tpu.memref_squeeze %dma_start3A_567 : memref<1x1x128xi32, #tpu.memory_space<hbm>> -> memref<128xi32, #tpu.memory_space<hbm>>
        %dma_start3A_569 = arith.constant 0 : i32
        %dma_start3A_570 = tpu.memref_slice %arg11[%dma_start3A_562, %dma_start3A_569] : memref<6x128xi32, #tpu.memory_space<vmem>> -> memref<1x128xi32, #tpu.memory_space<vmem>>
        %dma_start3A_571 = tpu.memref_squeeze %dma_start3A_570 : memref<1x128xi32, #tpu.memory_space<vmem>> -> memref<128xi32, #tpu.memory_space<vmem>>
        %dma_start3A_572 = arith.constant 0 : i32
        %dma_start3A_573 = tpu.memref_slice %arg4[%arg1, %add3A_548, %dma_start3A_572] : memref<16x162x128xi32, #tpu.memory_space<hbm>> -> memref<1x1x128xi32, #tpu.memory_space<hbm>>
        %dma_start3A_574 = tpu.memref_squeeze %dma_start3A_573 : memref<1x1x128xi32, #tpu.memory_space<hbm>> -> memref<128xi32, #tpu.memory_space<hbm>>
        tpu.enqueue_dma source(%dma_start3A_574 : memref<128xi32, #tpu.memory_space<hbm>>) target(%dma_start3A_571 : memref<128xi32, #tpu.memory_space<vmem>>) target_semaphore(%arg27 : memref<!tpu.dma_semaphore, #tpu.memory_space<semaphore_mem>>)
        %dma_wait3A_575 = arith.constant 0 : i32
        %dma_wait3A_576 = arith.constant 2 : i32
        %dma_wait3A_577 = arith.constant 0 : i32
        %dma_wait3A_578 = tpu.memref_slice %arg10[%dma_wait3A_576, %dma_wait3A_577] : memref<6x128xi32, #tpu.memory_space<vmem>> -> memref<1x128xi32, #tpu.memory_space<vmem>>
        %dma_wait3A_579 = tpu.memref_squeeze %dma_wait3A_578 : memref<1x128xi32, #tpu.memory_space<vmem>> -> memref<128xi32, #tpu.memory_space<vmem>>
        %dma_wait3A_580 = arith.constant 0 : i32
        %dma_wait3A_581 = tpu.memref_slice %arg3[%arg1, %dma_wait3A_575, %dma_wait3A_580] : memref<16x162x128xi32, #tpu.memory_space<hbm>> -> memref<1x1x128xi32, #tpu.memory_space<hbm>>
        %dma_wait3A_582 = tpu.memref_squeeze %dma_wait3A_581 : memref<1x1x128xi32, #tpu.memory_space<hbm>> -> memref<128xi32, #tpu.memory_space<hbm>>
        %dma_wait3A_583 = arith.constant 0 : i32
        %dma_wait3A_584 = tpu.memref_slice %arg10[%dma_wait3A_576, %dma_wait3A_583] : memref<6x128xi32, #tpu.memory_space<vmem>> -> memref<1x128xi32, #tpu.memory_space<vmem>>
        %dma_wait3A_585 = tpu.memref_squeeze %dma_wait3A_584 : memref<1x128xi32, #tpu.memory_space<vmem>> -> memref<128xi32, #tpu.memory_space<vmem>>
        %dma_wait3A_586 = arith.constant 0 : i32
        %dma_wait3A_587 = tpu.memref_slice %arg3[%arg1, %dma_wait3A_575, %dma_wait3A_586] : memref<16x162x128xi32, #tpu.memory_space<hbm>> -> memref<1x1x128xi32, #tpu.memory_space<hbm>>
        %dma_wait3A_588 = tpu.memref_squeeze %dma_wait3A_587 : memref<1x1x128xi32, #tpu.memory_space<hbm>> -> memref<128xi32, #tpu.memory_space<hbm>>
        tpu.wait_dma2 semaphore(%arg24 : memref<!tpu.dma_semaphore, #tpu.memory_space<semaphore_mem>>) src(%dma_wait3A_588 : memref<128xi32, #tpu.memory_space<hbm>>) dst(%dma_wait3A_585 : memref<128xi32, #tpu.memory_space<vmem>>)
        %dma_wait3A_589 = arith.constant 0 : i32
        %dma_wait3A_590 = arith.constant 2 : i32
        %dma_wait3A_591 = arith.constant 0 : i32
        %dma_wait3A_592 = tpu.memref_slice %arg11[%dma_wait3A_590, %dma_wait3A_591] : memref<6x128xi32, #tpu.memory_space<vmem>> -> memref<1x128xi32, #tpu.memory_space<vmem>>
        %dma_wait3A_593 = tpu.memref_squeeze %dma_wait3A_592 : memref<1x128xi32, #tpu.memory_space<vmem>> -> memref<128xi32, #tpu.memory_space<vmem>>
        %dma_wait3A_594 = arith.constant 0 : i32
        %dma_wait3A_595 = tpu.memref_slice %arg4[%arg1, %dma_wait3A_589, %dma_wait3A_594] : memref<16x162x128xi32, #tpu.memory_space<hbm>> -> memref<1x1x128xi32, #tpu.memory_space<hbm>>
        %dma_wait3A_596 = tpu.memref_squeeze %dma_wait3A_595 : memref<1x1x128xi32, #tpu.memory_space<hbm>> -> memref<128xi32, #tpu.memory_space<hbm>>
        %dma_wait3A_597 = arith.constant 0 : i32
        %dma_wait3A_598 = tpu.memref_slice %arg11[%dma_wait3A_590, %dma_wait3A_597] : memref<6x128xi32, #tpu.memory_space<vmem>> -> memref<1x128xi32, #tpu.memory_space<vmem>>
        %dma_wait3A_599 = tpu.memref_squeeze %dma_wait3A_598 : memref<1x128xi32, #tpu.memory_space<vmem>> -> memref<128xi32, #tpu.memory_space<vmem>>
        %dma_wait3A_600 = arith.constant 0 : i32
        %dma_wait3A_601 = tpu.memref_slice %arg4[%arg1, %dma_wait3A_589, %dma_wait3A_600] : memref<16x162x128xi32, #tpu.memory_space<hbm>> -> memref<1x1x128xi32, #tpu.memory_space<hbm>>
        %dma_wait3A_602 = tpu.memref_squeeze %dma_wait3A_601 : memref<1x1x128xi32, #tpu.memory_space<hbm>> -> memref<128xi32, #tpu.memory_space<hbm>>
        tpu.wait_dma2 semaphore(%arg24 : memref<!tpu.dma_semaphore, #tpu.memory_space<semaphore_mem>>) src(%dma_wait3A_602 : memref<128xi32, #tpu.memory_space<hbm>>) dst(%dma_wait3A_599 : memref<128xi32, #tpu.memory_space<vmem>>)
        %dma_start3A_603 = arith.constant 2 : i32
        %dma_start3A_604 = arith.constant 0 : i32
        %dma_start3A_605 = tpu.memref_slice %arg10[%dma_start3A_603, %dma_start3A_604] : memref<6x128xi32, #tpu.memory_space<vmem>> -> memref<1x128xi32, #tpu.memory_space<vmem>>
        %dma_start3A_606 = tpu.memref_squeeze %dma_start3A_605 : memref<1x128xi32, #tpu.memory_space<vmem>> -> memref<128xi32, #tpu.memory_space<vmem>>
        %dma_start3A_607 = arith.constant 0 : i32
        %dma_start3A_608 = arith.constant 0 : i32
        %dma_start3A_609 = tpu.memref_slice %arg28[%dma_start3A_607, %dma_start3A_608] : memref<10240x64xf32, #tpu.memory_space<vmem_shared>> -> memref<10240x64xf32, #tpu.memory_space<vmem_shared>>
        tpu.enqueue_indirect_dma source(%dma_start3A_609 : memref<10240x64xf32, #tpu.memory_space<vmem_shared>>) target(%arg9 : memref<128x64xf32, #tpu.memory_space<vmem>>) offsets(%dma_start3A_606 : memref<128xi32, #tpu.memory_space<vmem>>) semaphore(%arg18 : memref<!tpu.dma_semaphore, #tpu.memory_space<semaphore_mem>>)
        %mul3A_610 = arith.constant 6 : i32
        %mul3A_611 = arith.muli %scan3A_438, %mul3A_610 : i32
        %add3A_612 = arith.constant 2 : i32
        %add3A_613 = arith.addi %mul3A_611, %add3A_612 : i32
        %dma_wait3A_614 = arith.constant 2 : i32
        %dma_wait3A_615 = arith.constant 0 : i32
        %dma_wait3A_616 = tpu.memref_slice %arg10[%dma_wait3A_614, %dma_wait3A_615] : memref<6x128xi32, #tpu.memory_space<vmem>> -> memref<1x128xi32, #tpu.memory_space<vmem>>
        %dma_wait3A_617 = tpu.memref_squeeze %dma_wait3A_616 : memref<1x128xi32, #tpu.memory_space<vmem>> -> memref<128xi32, #tpu.memory_space<vmem>>
        %dma_wait3A_618 = arith.constant 0 : i32
        %dma_wait3A_619 = arith.constant 0 : i32
        %dma_wait3A_620 = tpu.memref_slice %arg28[%dma_wait3A_618, %dma_wait3A_619] : memref<10240x64xf32, #tpu.memory_space<vmem_shared>> -> memref<10240x64xf32, #tpu.memory_space<vmem_shared>>
        tpu.wait_indirect_dma semaphore(%arg18 : memref<!tpu.dma_semaphore, #tpu.memory_space<semaphore_mem>>) src(%dma_wait3A_620 : memref<10240x64xf32, #tpu.memory_space<vmem_shared>>) dst(%arg9 : memref<128x64xf32, #tpu.memory_space<vmem>>)
        %dma_start3A_621 = arith.constant 2 : i32
        %dma_start3A_622 = arith.constant 0 : i32
        %dma_start3A_623 = tpu.memref_slice %arg11[%dma_start3A_621, %dma_start3A_622] : memref<6x128xi32, #tpu.memory_space<vmem>> -> memref<1x128xi32, #tpu.memory_space<vmem>>
        %dma_start3A_624 = tpu.memref_squeeze %dma_start3A_623 : memref<1x128xi32, #tpu.memory_space<vmem>> -> memref<128xi32, #tpu.memory_space<vmem>>
        %dma_start3A_625 = arith.constant 0 : i32
        %dma_start3A_626 = arith.constant 0 : i32
        %dma_start3A_627 = tpu.memref_slice %arg29[%dma_start3A_625, %dma_start3A_626] : memref<10240x64xf32, #tpu.memory_space<vmem_shared>> -> memref<10240x64xf32, #tpu.memory_space<vmem_shared>>
        tpu.enqueue_indirect_dma source(%arg9 : memref<128x64xf32, #tpu.memory_space<vmem>>) target(%dma_start3A_627 : memref<10240x64xf32, #tpu.memory_space<vmem_shared>>) offsets(%dma_start3A_624 : memref<128xi32, #tpu.memory_space<vmem>>) semaphore(%arg21 : memref<!tpu.dma_semaphore, #tpu.memory_space<semaphore_mem>>) {add = true}
        %dma_wait3A_628 = arith.constant 0 : i32
        %dma_wait3A_629 = arith.constant 0 : i32
        %dma_wait3A_630 = tpu.memref_slice %arg11[%dma_wait3A_628, %dma_wait3A_629] : memref<6x128xi32, #tpu.memory_space<vmem>> -> memref<1x128xi32, #tpu.memory_space<vmem>>
        %dma_wait3A_631 = tpu.memref_squeeze %dma_wait3A_630 : memref<1x128xi32, #tpu.memory_space<vmem>> -> memref<128xi32, #tpu.memory_space<vmem>>
        %dma_wait3A_632 = arith.constant 0 : i32
        %dma_wait3A_633 = arith.constant 0 : i32
        %dma_wait3A_634 = tpu.memref_slice %arg29[%dma_wait3A_632, %dma_wait3A_633] : memref<10240x64xf32, #tpu.memory_space<vmem_shared>> -> memref<10240x64xf32, #tpu.memory_space<vmem_shared>>
        tpu.wait_indirect_dma semaphore(%arg19 : memref<!tpu.dma_semaphore, #tpu.memory_space<semaphore_mem>>) src(%arg7 : memref<128x64xf32, #tpu.memory_space<vmem>>) dst(%dma_wait3A_634 : memref<10240x64xf32, #tpu.memory_space<vmem_shared>>)
        %lt3A = arith.constant 26 : i32
        %lt3A_635 = arith.cmpi slt, %scan3A_438, %lt3A : i32
        %convert_element_type3A_636 = arith.extui %lt3A_635 : i1 to i32
        %cond3A_637 = arith.constant 0 : i32
        %cond3A_638 = arith.cmpi ne, %convert_element_type3A_636, %cond3A_637 : i32
        scf.if %cond3A_638 {
          %add3A_840 = arith.constant 4 : i32
          %add3A_841 = arith.addi %add3A_613, %add3A_840 : i32
          %dma_start3A_842 = arith.constant 0 : i32
          %dma_start3A_843 = arith.constant 0 : i32
          %dma_start3A_844 = tpu.memref_slice %arg10[%dma_start3A_842, %dma_start3A_843] : memref<6x128xi32, #tpu.memory_space<vmem>> -> memref<1x128xi32, #tpu.memory_space<vmem>>
          %dma_start3A_845 = tpu.memref_squeeze %dma_start3A_844 : memref<1x128xi32, #tpu.memory_space<vmem>> -> memref<128xi32, #tpu.memory_space<vmem>>
          %dma_start3A_846 = arith.constant 0 : i32
          %dma_start3A_847 = tpu.memref_slice %arg3[%arg1, %add3A_841, %dma_start3A_846] : memref<16x162x128xi32, #tpu.memory_space<hbm>> -> memref<1x1x128xi32, #tpu.memory_space<hbm>>
          %dma_start3A_848 = tpu.memref_squeeze %dma_start3A_847 : memref<1x1x128xi32, #tpu.memory_space<hbm>> -> memref<128xi32, #tpu.memory_space<hbm>>
          %dma_start3A_849 = arith.constant 0 : i32
          %dma_start3A_850 = tpu.memref_slice %arg10[%dma_start3A_842, %dma_start3A_849] : memref<6x128xi32, #tpu.memory_space<vmem>> -> memref<1x128xi32, #tpu.memory_space<vmem>>
          %dma_start3A_851 = tpu.memref_squeeze %dma_start3A_850 : memref<1x128xi32, #tpu.memory_space<vmem>> -> memref<128xi32, #tpu.memory_space<vmem>>
          %dma_start3A_852 = arith.constant 0 : i32
          %dma_start3A_853 = tpu.memref_slice %arg3[%arg1, %add3A_841, %dma_start3A_852] : memref<16x162x128xi32, #tpu.memory_space<hbm>> -> memref<1x1x128xi32, #tpu.memory_space<hbm>>
          %dma_start3A_854 = tpu.memref_squeeze %dma_start3A_853 : memref<1x1x128xi32, #tpu.memory_space<hbm>> -> memref<128xi32, #tpu.memory_space<hbm>>
          tpu.enqueue_dma source(%dma_start3A_854 : memref<128xi32, #tpu.memory_space<hbm>>) target(%dma_start3A_851 : memref<128xi32, #tpu.memory_space<vmem>>) target_semaphore(%arg22 : memref<!tpu.dma_semaphore, #tpu.memory_space<semaphore_mem>>)
          %dma_start3A_855 = arith.constant 0 : i32
          %dma_start3A_856 = arith.constant 0 : i32
          %dma_start3A_857 = tpu.memref_slice %arg11[%dma_start3A_855, %dma_start3A_856] : memref<6x128xi32, #tpu.memory_space<vmem>> -> memref<1x128xi32, #tpu.memory_space<vmem>>
          %dma_start3A_858 = tpu.memref_squeeze %dma_start3A_857 : memref<1x128xi32, #tpu.memory_space<vmem>> -> memref<128xi32, #tpu.memory_space<vmem>>
          %dma_start3A_859 = arith.constant 0 : i32
          %dma_start3A_860 = tpu.memref_slice %arg4[%arg1, %add3A_841, %dma_start3A_859] : memref<16x162x128xi32, #tpu.memory_space<hbm>> -> memref<1x1x128xi32, #tpu.memory_space<hbm>>
          %dma_start3A_861 = tpu.memref_squeeze %dma_start3A_860 : memref<1x1x128xi32, #tpu.memory_space<hbm>> -> memref<128xi32, #tpu.memory_space<hbm>>
          %dma_start3A_862 = arith.constant 0 : i32
          %dma_start3A_863 = tpu.memref_slice %arg11[%dma_start3A_855, %dma_start3A_862] : memref<6x128xi32, #tpu.memory_space<vmem>> -> memref<1x128xi32, #tpu.memory_space<vmem>>
          %dma_start3A_864 = tpu.memref_squeeze %dma_start3A_863 : memref<1x128xi32, #tpu.memory_space<vmem>> -> memref<128xi32, #tpu.memory_space<vmem>>
          %dma_start3A_865 = arith.constant 0 : i32
          %dma_start3A_866 = tpu.memref_slice %arg4[%arg1, %add3A_841, %dma_start3A_865] : memref<16x162x128xi32, #tpu.memory_space<hbm>> -> memref<1x1x128xi32, #tpu.memory_space<hbm>>
          %dma_start3A_867 = tpu.memref_squeeze %dma_start3A_866 : memref<1x1x128xi32, #tpu.memory_space<hbm>> -> memref<128xi32, #tpu.memory_space<hbm>>
          tpu.enqueue_dma source(%dma_start3A_867 : memref<128xi32, #tpu.memory_space<hbm>>) target(%dma_start3A_864 : memref<128xi32, #tpu.memory_space<vmem>>) target_semaphore(%arg22 : memref<!tpu.dma_semaphore, #tpu.memory_space<semaphore_mem>>)
        } else {
        }
        %dma_wait3A_639 = arith.constant 0 : i32
        %dma_wait3A_640 = arith.constant 3 : i32
        %dma_wait3A_641 = arith.constant 0 : i32
        %dma_wait3A_642 = tpu.memref_slice %arg10[%dma_wait3A_640, %dma_wait3A_641] : memref<6x128xi32, #tpu.memory_space<vmem>> -> memref<1x128xi32, #tpu.memory_space<vmem>>
        %dma_wait3A_643 = tpu.memref_squeeze %dma_wait3A_642 : memref<1x128xi32, #tpu.memory_space<vmem>> -> memref<128xi32, #tpu.memory_space<vmem>>
        %dma_wait3A_644 = arith.constant 0 : i32
        %dma_wait3A_645 = tpu.memref_slice %arg3[%arg1, %dma_wait3A_639, %dma_wait3A_644] : memref<16x162x128xi32, #tpu.memory_space<hbm>> -> memref<1x1x128xi32, #tpu.memory_space<hbm>>
        %dma_wait3A_646 = tpu.memref_squeeze %dma_wait3A_645 : memref<1x1x128xi32, #tpu.memory_space<hbm>> -> memref<128xi32, #tpu.memory_space<hbm>>
        %dma_wait3A_647 = arith.constant 0 : i32
        %dma_wait3A_648 = tpu.memref_slice %arg10[%dma_wait3A_640, %dma_wait3A_647] : memref<6x128xi32, #tpu.memory_space<vmem>> -> memref<1x128xi32, #tpu.memory_space<vmem>>
        %dma_wait3A_649 = tpu.memref_squeeze %dma_wait3A_648 : memref<1x128xi32, #tpu.memory_space<vmem>> -> memref<128xi32, #tpu.memory_space<vmem>>
        %dma_wait3A_650 = arith.constant 0 : i32
        %dma_wait3A_651 = tpu.memref_slice %arg3[%arg1, %dma_wait3A_639, %dma_wait3A_650] : memref<16x162x128xi32, #tpu.memory_space<hbm>> -> memref<1x1x128xi32, #tpu.memory_space<hbm>>
        %dma_wait3A_652 = tpu.memref_squeeze %dma_wait3A_651 : memref<1x1x128xi32, #tpu.memory_space<hbm>> -> memref<128xi32, #tpu.memory_space<hbm>>
        tpu.wait_dma2 semaphore(%arg25 : memref<!tpu.dma_semaphore, #tpu.memory_space<semaphore_mem>>) src(%dma_wait3A_652 : memref<128xi32, #tpu.memory_space<hbm>>) dst(%dma_wait3A_649 : memref<128xi32, #tpu.memory_space<vmem>>)
        %dma_wait3A_653 = arith.constant 0 : i32
        %dma_wait3A_654 = arith.constant 3 : i32
        %dma_wait3A_655 = arith.constant 0 : i32
        %dma_wait3A_656 = tpu.memref_slice %arg11[%dma_wait3A_654, %dma_wait3A_655] : memref<6x128xi32, #tpu.memory_space<vmem>> -> memref<1x128xi32, #tpu.memory_space<vmem>>
        %dma_wait3A_657 = tpu.memref_squeeze %dma_wait3A_656 : memref<1x128xi32, #tpu.memory_space<vmem>> -> memref<128xi32, #tpu.memory_space<vmem>>
        %dma_wait3A_658 = arith.constant 0 : i32
        %dma_wait3A_659 = tpu.memref_slice %arg4[%arg1, %dma_wait3A_653, %dma_wait3A_658] : memref<16x162x128xi32, #tpu.memory_space<hbm>> -> memref<1x1x128xi32, #tpu.memory_space<hbm>>
        %dma_wait3A_660 = tpu.memref_squeeze %dma_wait3A_659 : memref<1x1x128xi32, #tpu.memory_space<hbm>> -> memref<128xi32, #tpu.memory_space<hbm>>
        %dma_wait3A_661 = arith.constant 0 : i32
        %dma_wait3A_662 = tpu.memref_slice %arg11[%dma_wait3A_654, %dma_wait3A_661] : memref<6x128xi32, #tpu.memory_space<vmem>> -> memref<1x128xi32, #tpu.memory_space<vmem>>
        %dma_wait3A_663 = tpu.memref_squeeze %dma_wait3A_662 : memref<1x128xi32, #tpu.memory_space<vmem>> -> memref<128xi32, #tpu.memory_space<vmem>>
        %dma_wait3A_664 = arith.constant 0 : i32
        %dma_wait3A_665 = tpu.memref_slice %arg4[%arg1, %dma_wait3A_653, %dma_wait3A_664] : memref<16x162x128xi32, #tpu.memory_space<hbm>> -> memref<1x1x128xi32, #tpu.memory_space<hbm>>
        %dma_wait3A_666 = tpu.memref_squeeze %dma_wait3A_665 : memref<1x1x128xi32, #tpu.memory_space<hbm>> -> memref<128xi32, #tpu.memory_space<hbm>>
        tpu.wait_dma2 semaphore(%arg25 : memref<!tpu.dma_semaphore, #tpu.memory_space<semaphore_mem>>) src(%dma_wait3A_666 : memref<128xi32, #tpu.memory_space<hbm>>) dst(%dma_wait3A_663 : memref<128xi32, #tpu.memory_space<vmem>>)
        %dma_start3A_667 = arith.constant 3 : i32
        %dma_start3A_668 = arith.constant 0 : i32
        %dma_start3A_669 = tpu.memref_slice %arg10[%dma_start3A_667, %dma_start3A_668] : memref<6x128xi32, #tpu.memory_space<vmem>> -> memref<1x128xi32, #tpu.memory_space<vmem>>
        %dma_start3A_670 = tpu.memref_squeeze %dma_start3A_669 : memref<1x128xi32, #tpu.memory_space<vmem>> -> memref<128xi32, #tpu.memory_space<vmem>>
        %dma_start3A_671 = arith.constant 0 : i32
        %dma_start3A_672 = arith.constant 0 : i32
        %dma_start3A_673 = tpu.memref_slice %arg28[%dma_start3A_671, %dma_start3A_672] : memref<10240x64xf32, #tpu.memory_space<vmem_shared>> -> memref<10240x64xf32, #tpu.memory_space<vmem_shared>>
        tpu.enqueue_indirect_dma source(%dma_start3A_673 : memref<10240x64xf32, #tpu.memory_space<vmem_shared>>) target(%arg7 : memref<128x64xf32, #tpu.memory_space<vmem>>) offsets(%dma_start3A_670 : memref<128xi32, #tpu.memory_space<vmem>>) semaphore(%arg16 : memref<!tpu.dma_semaphore, #tpu.memory_space<semaphore_mem>>)
        %mul3A_674 = arith.constant 6 : i32
        %mul3A_675 = arith.muli %scan3A_438, %mul3A_674 : i32
        %add3A_676 = arith.constant 3 : i32
        %add3A_677 = arith.addi %mul3A_675, %add3A_676 : i32
        %dma_wait3A_678 = arith.constant 3 : i32
        %dma_wait3A_679 = arith.constant 0 : i32
        %dma_wait3A_680 = tpu.memref_slice %arg10[%dma_wait3A_678, %dma_wait3A_679] : memref<6x128xi32, #tpu.memory_space<vmem>> -> memref<1x128xi32, #tpu.memory_space<vmem>>
        %dma_wait3A_681 = tpu.memref_squeeze %dma_wait3A_680 : memref<1x128xi32, #tpu.memory_space<vmem>> -> memref<128xi32, #tpu.memory_space<vmem>>
        %dma_wait3A_682 = arith.constant 0 : i32
        %dma_wait3A_683 = arith.constant 0 : i32
        %dma_wait3A_684 = tpu.memref_slice %arg28[%dma_wait3A_682, %dma_wait3A_683] : memref<10240x64xf32, #tpu.memory_space<vmem_shared>> -> memref<10240x64xf32, #tpu.memory_space<vmem_shared>>
        tpu.wait_indirect_dma semaphore(%arg16 : memref<!tpu.dma_semaphore, #tpu.memory_space<semaphore_mem>>) src(%dma_wait3A_684 : memref<10240x64xf32, #tpu.memory_space<vmem_shared>>) dst(%arg7 : memref<128x64xf32, #tpu.memory_space<vmem>>)
        %dma_start3A_685 = arith.constant 3 : i32
        %dma_start3A_686 = arith.constant 0 : i32
        %dma_start3A_687 = tpu.memref_slice %arg11[%dma_start3A_685, %dma_start3A_686] : memref<6x128xi32, #tpu.memory_space<vmem>> -> memref<1x128xi32, #tpu.memory_space<vmem>>
        %dma_start3A_688 = tpu.memref_squeeze %dma_start3A_687 : memref<1x128xi32, #tpu.memory_space<vmem>> -> memref<128xi32, #tpu.memory_space<vmem>>
        %dma_start3A_689 = arith.constant 0 : i32
        %dma_start3A_690 = arith.constant 0 : i32
        %dma_start3A_691 = tpu.memref_slice %arg29[%dma_start3A_689, %dma_start3A_690] : memref<10240x64xf32, #tpu.memory_space<vmem_shared>> -> memref<10240x64xf32, #tpu.memory_space<vmem_shared>>
        tpu.enqueue_indirect_dma source(%arg7 : memref<128x64xf32, #tpu.memory_space<vmem>>) target(%dma_start3A_691 : memref<10240x64xf32, #tpu.memory_space<vmem_shared>>) offsets(%dma_start3A_688 : memref<128xi32, #tpu.memory_space<vmem>>) semaphore(%arg19 : memref<!tpu.dma_semaphore, #tpu.memory_space<semaphore_mem>>) {add = true}
        %dma_wait3A_692 = arith.constant 1 : i32
        %dma_wait3A_693 = arith.constant 0 : i32
        %dma_wait3A_694 = tpu.memref_slice %arg11[%dma_wait3A_692, %dma_wait3A_693] : memref<6x128xi32, #tpu.memory_space<vmem>> -> memref<1x128xi32, #tpu.memory_space<vmem>>
        %dma_wait3A_695 = tpu.memref_squeeze %dma_wait3A_694 : memref<1x128xi32, #tpu.memory_space<vmem>> -> memref<128xi32, #tpu.memory_space<vmem>>
        %dma_wait3A_696 = arith.constant 0 : i32
        %dma_wait3A_697 = arith.constant 0 : i32
        %dma_wait3A_698 = tpu.memref_slice %arg29[%dma_wait3A_696, %dma_wait3A_697] : memref<10240x64xf32, #tpu.memory_space<vmem_shared>> -> memref<10240x64xf32, #tpu.memory_space<vmem_shared>>
        tpu.wait_indirect_dma semaphore(%arg20 : memref<!tpu.dma_semaphore, #tpu.memory_space<semaphore_mem>>) src(%arg8 : memref<128x64xf32, #tpu.memory_space<vmem>>) dst(%dma_wait3A_698 : memref<10240x64xf32, #tpu.memory_space<vmem_shared>>)
        %lt3A_699 = arith.constant 26 : i32
        %lt3A_700 = arith.cmpi slt, %scan3A_438, %lt3A_699 : i32
        %convert_element_type3A_701 = arith.extui %lt3A_700 : i1 to i32
        %cond3A_702 = arith.constant 0 : i32
        %cond3A_703 = arith.cmpi ne, %convert_element_type3A_701, %cond3A_702 : i32
        scf.if %cond3A_703 {
          %add3A_840 = arith.constant 4 : i32
          %add3A_841 = arith.addi %add3A_677, %add3A_840 : i32
          %dma_start3A_842 = arith.constant 1 : i32
          %dma_start3A_843 = arith.constant 0 : i32
          %dma_start3A_844 = tpu.memref_slice %arg10[%dma_start3A_842, %dma_start3A_843] : memref<6x128xi32, #tpu.memory_space<vmem>> -> memref<1x128xi32, #tpu.memory_space<vmem>>
          %dma_start3A_845 = tpu.memref_squeeze %dma_start3A_844 : memref<1x128xi32, #tpu.memory_space<vmem>> -> memref<128xi32, #tpu.memory_space<vmem>>
          %dma_start3A_846 = arith.constant 0 : i32
          %dma_start3A_847 = tpu.memref_slice %arg3[%arg1, %add3A_841, %dma_start3A_846] : memref<16x162x128xi32, #tpu.memory_space<hbm>> -> memref<1x1x128xi32, #tpu.memory_space<hbm>>
          %dma_start3A_848 = tpu.memref_squeeze %dma_start3A_847 : memref<1x1x128xi32, #tpu.memory_space<hbm>> -> memref<128xi32, #tpu.memory_space<hbm>>
          %dma_start3A_849 = arith.constant 0 : i32
          %dma_start3A_850 = tpu.memref_slice %arg10[%dma_start3A_842, %dma_start3A_849] : memref<6x128xi32, #tpu.memory_space<vmem>> -> memref<1x128xi32, #tpu.memory_space<vmem>>
          %dma_start3A_851 = tpu.memref_squeeze %dma_start3A_850 : memref<1x128xi32, #tpu.memory_space<vmem>> -> memref<128xi32, #tpu.memory_space<vmem>>
          %dma_start3A_852 = arith.constant 0 : i32
          %dma_start3A_853 = tpu.memref_slice %arg3[%arg1, %add3A_841, %dma_start3A_852] : memref<16x162x128xi32, #tpu.memory_space<hbm>> -> memref<1x1x128xi32, #tpu.memory_space<hbm>>
          %dma_start3A_854 = tpu.memref_squeeze %dma_start3A_853 : memref<1x1x128xi32, #tpu.memory_space<hbm>> -> memref<128xi32, #tpu.memory_space<hbm>>
          tpu.enqueue_dma source(%dma_start3A_854 : memref<128xi32, #tpu.memory_space<hbm>>) target(%dma_start3A_851 : memref<128xi32, #tpu.memory_space<vmem>>) target_semaphore(%arg23 : memref<!tpu.dma_semaphore, #tpu.memory_space<semaphore_mem>>)
          %dma_start3A_855 = arith.constant 1 : i32
          %dma_start3A_856 = arith.constant 0 : i32
          %dma_start3A_857 = tpu.memref_slice %arg11[%dma_start3A_855, %dma_start3A_856] : memref<6x128xi32, #tpu.memory_space<vmem>> -> memref<1x128xi32, #tpu.memory_space<vmem>>
          %dma_start3A_858 = tpu.memref_squeeze %dma_start3A_857 : memref<1x128xi32, #tpu.memory_space<vmem>> -> memref<128xi32, #tpu.memory_space<vmem>>
          %dma_start3A_859 = arith.constant 0 : i32
          %dma_start3A_860 = tpu.memref_slice %arg4[%arg1, %add3A_841, %dma_start3A_859] : memref<16x162x128xi32, #tpu.memory_space<hbm>> -> memref<1x1x128xi32, #tpu.memory_space<hbm>>
          %dma_start3A_861 = tpu.memref_squeeze %dma_start3A_860 : memref<1x1x128xi32, #tpu.memory_space<hbm>> -> memref<128xi32, #tpu.memory_space<hbm>>
          %dma_start3A_862 = arith.constant 0 : i32
          %dma_start3A_863 = tpu.memref_slice %arg11[%dma_start3A_855, %dma_start3A_862] : memref<6x128xi32, #tpu.memory_space<vmem>> -> memref<1x128xi32, #tpu.memory_space<vmem>>
          %dma_start3A_864 = tpu.memref_squeeze %dma_start3A_863 : memref<1x128xi32, #tpu.memory_space<vmem>> -> memref<128xi32, #tpu.memory_space<vmem>>
          %dma_start3A_865 = arith.constant 0 : i32
          %dma_start3A_866 = tpu.memref_slice %arg4[%arg1, %add3A_841, %dma_start3A_865] : memref<16x162x128xi32, #tpu.memory_space<hbm>> -> memref<1x1x128xi32, #tpu.memory_space<hbm>>
          %dma_start3A_867 = tpu.memref_squeeze %dma_start3A_866 : memref<1x1x128xi32, #tpu.memory_space<hbm>> -> memref<128xi32, #tpu.memory_space<hbm>>
          tpu.enqueue_dma source(%dma_start3A_867 : memref<128xi32, #tpu.memory_space<hbm>>) target(%dma_start3A_864 : memref<128xi32, #tpu.memory_space<vmem>>) target_semaphore(%arg23 : memref<!tpu.dma_semaphore, #tpu.memory_space<semaphore_mem>>)
        } else {
        }
        %dma_wait3A_704 = arith.constant 0 : i32
        %dma_wait3A_705 = arith.constant 4 : i32
        %dma_wait3A_706 = arith.constant 0 : i32
        %dma_wait3A_707 = tpu.memref_slice %arg10[%dma_wait3A_705, %dma_wait3A_706] : memref<6x128xi32, #tpu.memory_space<vmem>> -> memref<1x128xi32, #tpu.memory_space<vmem>>
        %dma_wait3A_708 = tpu.memref_squeeze %dma_wait3A_707 : memref<1x128xi32, #tpu.memory_space<vmem>> -> memref<128xi32, #tpu.memory_space<vmem>>
        %dma_wait3A_709 = arith.constant 0 : i32
        %dma_wait3A_710 = tpu.memref_slice %arg3[%arg1, %dma_wait3A_704, %dma_wait3A_709] : memref<16x162x128xi32, #tpu.memory_space<hbm>> -> memref<1x1x128xi32, #tpu.memory_space<hbm>>
        %dma_wait3A_711 = tpu.memref_squeeze %dma_wait3A_710 : memref<1x1x128xi32, #tpu.memory_space<hbm>> -> memref<128xi32, #tpu.memory_space<hbm>>
        %dma_wait3A_712 = arith.constant 0 : i32
        %dma_wait3A_713 = tpu.memref_slice %arg10[%dma_wait3A_705, %dma_wait3A_712] : memref<6x128xi32, #tpu.memory_space<vmem>> -> memref<1x128xi32, #tpu.memory_space<vmem>>
        %dma_wait3A_714 = tpu.memref_squeeze %dma_wait3A_713 : memref<1x128xi32, #tpu.memory_space<vmem>> -> memref<128xi32, #tpu.memory_space<vmem>>
        %dma_wait3A_715 = arith.constant 0 : i32
        %dma_wait3A_716 = tpu.memref_slice %arg3[%arg1, %dma_wait3A_704, %dma_wait3A_715] : memref<16x162x128xi32, #tpu.memory_space<hbm>> -> memref<1x1x128xi32, #tpu.memory_space<hbm>>
        %dma_wait3A_717 = tpu.memref_squeeze %dma_wait3A_716 : memref<1x1x128xi32, #tpu.memory_space<hbm>> -> memref<128xi32, #tpu.memory_space<hbm>>
        tpu.wait_dma2 semaphore(%arg26 : memref<!tpu.dma_semaphore, #tpu.memory_space<semaphore_mem>>) src(%dma_wait3A_717 : memref<128xi32, #tpu.memory_space<hbm>>) dst(%dma_wait3A_714 : memref<128xi32, #tpu.memory_space<vmem>>)
        %dma_wait3A_718 = arith.constant 0 : i32
        %dma_wait3A_719 = arith.constant 4 : i32
        %dma_wait3A_720 = arith.constant 0 : i32
        %dma_wait3A_721 = tpu.memref_slice %arg11[%dma_wait3A_719, %dma_wait3A_720] : memref<6x128xi32, #tpu.memory_space<vmem>> -> memref<1x128xi32, #tpu.memory_space<vmem>>
        %dma_wait3A_722 = tpu.memref_squeeze %dma_wait3A_721 : memref<1x128xi32, #tpu.memory_space<vmem>> -> memref<128xi32, #tpu.memory_space<vmem>>
        %dma_wait3A_723 = arith.constant 0 : i32
        %dma_wait3A_724 = tpu.memref_slice %arg4[%arg1, %dma_wait3A_718, %dma_wait3A_723] : memref<16x162x128xi32, #tpu.memory_space<hbm>> -> memref<1x1x128xi32, #tpu.memory_space<hbm>>
        %dma_wait3A_725 = tpu.memref_squeeze %dma_wait3A_724 : memref<1x1x128xi32, #tpu.memory_space<hbm>> -> memref<128xi32, #tpu.memory_space<hbm>>
        %dma_wait3A_726 = arith.constant 0 : i32
        %dma_wait3A_727 = tpu.memref_slice %arg11[%dma_wait3A_719, %dma_wait3A_726] : memref<6x128xi32, #tpu.memory_space<vmem>> -> memref<1x128xi32, #tpu.memory_space<vmem>>
        %dma_wait3A_728 = tpu.memref_squeeze %dma_wait3A_727 : memref<1x128xi32, #tpu.memory_space<vmem>> -> memref<128xi32, #tpu.memory_space<vmem>>
        %dma_wait3A_729 = arith.constant 0 : i32
        %dma_wait3A_730 = tpu.memref_slice %arg4[%arg1, %dma_wait3A_718, %dma_wait3A_729] : memref<16x162x128xi32, #tpu.memory_space<hbm>> -> memref<1x1x128xi32, #tpu.memory_space<hbm>>
        %dma_wait3A_731 = tpu.memref_squeeze %dma_wait3A_730 : memref<1x1x128xi32, #tpu.memory_space<hbm>> -> memref<128xi32, #tpu.memory_space<hbm>>
        tpu.wait_dma2 semaphore(%arg26 : memref<!tpu.dma_semaphore, #tpu.memory_space<semaphore_mem>>) src(%dma_wait3A_731 : memref<128xi32, #tpu.memory_space<hbm>>) dst(%dma_wait3A_728 : memref<128xi32, #tpu.memory_space<vmem>>)
        %dma_start3A_732 = arith.constant 4 : i32
        %dma_start3A_733 = arith.constant 0 : i32
        %dma_start3A_734 = tpu.memref_slice %arg10[%dma_start3A_732, %dma_start3A_733] : memref<6x128xi32, #tpu.memory_space<vmem>> -> memref<1x128xi32, #tpu.memory_space<vmem>>
        %dma_start3A_735 = tpu.memref_squeeze %dma_start3A_734 : memref<1x128xi32, #tpu.memory_space<vmem>> -> memref<128xi32, #tpu.memory_space<vmem>>
        %dma_start3A_736 = arith.constant 0 : i32
        %dma_start3A_737 = arith.constant 0 : i32
        %dma_start3A_738 = tpu.memref_slice %arg28[%dma_start3A_736, %dma_start3A_737] : memref<10240x64xf32, #tpu.memory_space<vmem_shared>> -> memref<10240x64xf32, #tpu.memory_space<vmem_shared>>
        tpu.enqueue_indirect_dma source(%dma_start3A_738 : memref<10240x64xf32, #tpu.memory_space<vmem_shared>>) target(%arg8 : memref<128x64xf32, #tpu.memory_space<vmem>>) offsets(%dma_start3A_735 : memref<128xi32, #tpu.memory_space<vmem>>) semaphore(%arg17 : memref<!tpu.dma_semaphore, #tpu.memory_space<semaphore_mem>>)
        %mul3A_739 = arith.constant 6 : i32
        %mul3A_740 = arith.muli %scan3A_438, %mul3A_739 : i32
        %add3A_741 = arith.constant 4 : i32
        %add3A_742 = arith.addi %mul3A_740, %add3A_741 : i32
        %dma_wait3A_743 = arith.constant 4 : i32
        %dma_wait3A_744 = arith.constant 0 : i32
        %dma_wait3A_745 = tpu.memref_slice %arg10[%dma_wait3A_743, %dma_wait3A_744] : memref<6x128xi32, #tpu.memory_space<vmem>> -> memref<1x128xi32, #tpu.memory_space<vmem>>
        %dma_wait3A_746 = tpu.memref_squeeze %dma_wait3A_745 : memref<1x128xi32, #tpu.memory_space<vmem>> -> memref<128xi32, #tpu.memory_space<vmem>>
        %dma_wait3A_747 = arith.constant 0 : i32
        %dma_wait3A_748 = arith.constant 0 : i32
        %dma_wait3A_749 = tpu.memref_slice %arg28[%dma_wait3A_747, %dma_wait3A_748] : memref<10240x64xf32, #tpu.memory_space<vmem_shared>> -> memref<10240x64xf32, #tpu.memory_space<vmem_shared>>
        tpu.wait_indirect_dma semaphore(%arg17 : memref<!tpu.dma_semaphore, #tpu.memory_space<semaphore_mem>>) src(%dma_wait3A_749 : memref<10240x64xf32, #tpu.memory_space<vmem_shared>>) dst(%arg8 : memref<128x64xf32, #tpu.memory_space<vmem>>)
        %dma_start3A_750 = arith.constant 4 : i32
        %dma_start3A_751 = arith.constant 0 : i32
        %dma_start3A_752 = tpu.memref_slice %arg11[%dma_start3A_750, %dma_start3A_751] : memref<6x128xi32, #tpu.memory_space<vmem>> -> memref<1x128xi32, #tpu.memory_space<vmem>>
        %dma_start3A_753 = tpu.memref_squeeze %dma_start3A_752 : memref<1x128xi32, #tpu.memory_space<vmem>> -> memref<128xi32, #tpu.memory_space<vmem>>
        %dma_start3A_754 = arith.constant 0 : i32
        %dma_start3A_755 = arith.constant 0 : i32
        %dma_start3A_756 = tpu.memref_slice %arg29[%dma_start3A_754, %dma_start3A_755] : memref<10240x64xf32, #tpu.memory_space<vmem_shared>> -> memref<10240x64xf32, #tpu.memory_space<vmem_shared>>
        tpu.enqueue_indirect_dma source(%arg8 : memref<128x64xf32, #tpu.memory_space<vmem>>) target(%dma_start3A_756 : memref<10240x64xf32, #tpu.memory_space<vmem_shared>>) offsets(%dma_start3A_753 : memref<128xi32, #tpu.memory_space<vmem>>) semaphore(%arg20 : memref<!tpu.dma_semaphore, #tpu.memory_space<semaphore_mem>>) {add = true}
        %dma_wait3A_757 = arith.constant 2 : i32
        %dma_wait3A_758 = arith.constant 0 : i32
        %dma_wait3A_759 = tpu.memref_slice %arg11[%dma_wait3A_757, %dma_wait3A_758] : memref<6x128xi32, #tpu.memory_space<vmem>> -> memref<1x128xi32, #tpu.memory_space<vmem>>
        %dma_wait3A_760 = tpu.memref_squeeze %dma_wait3A_759 : memref<1x128xi32, #tpu.memory_space<vmem>> -> memref<128xi32, #tpu.memory_space<vmem>>
        %dma_wait3A_761 = arith.constant 0 : i32
        %dma_wait3A_762 = arith.constant 0 : i32
        %dma_wait3A_763 = tpu.memref_slice %arg29[%dma_wait3A_761, %dma_wait3A_762] : memref<10240x64xf32, #tpu.memory_space<vmem_shared>> -> memref<10240x64xf32, #tpu.memory_space<vmem_shared>>
        tpu.wait_indirect_dma semaphore(%arg21 : memref<!tpu.dma_semaphore, #tpu.memory_space<semaphore_mem>>) src(%arg9 : memref<128x64xf32, #tpu.memory_space<vmem>>) dst(%dma_wait3A_763 : memref<10240x64xf32, #tpu.memory_space<vmem_shared>>)
        %lt3A_764 = arith.constant 26 : i32
        %lt3A_765 = arith.cmpi slt, %scan3A_438, %lt3A_764 : i32
        %convert_element_type3A_766 = arith.extui %lt3A_765 : i1 to i32
        %cond3A_767 = arith.constant 0 : i32
        %cond3A_768 = arith.cmpi ne, %convert_element_type3A_766, %cond3A_767 : i32
        scf.if %cond3A_768 {
          %add3A_840 = arith.constant 4 : i32
          %add3A_841 = arith.addi %add3A_742, %add3A_840 : i32
          %dma_start3A_842 = arith.constant 2 : i32
          %dma_start3A_843 = arith.constant 0 : i32
          %dma_start3A_844 = tpu.memref_slice %arg10[%dma_start3A_842, %dma_start3A_843] : memref<6x128xi32, #tpu.memory_space<vmem>> -> memref<1x128xi32, #tpu.memory_space<vmem>>
          %dma_start3A_845 = tpu.memref_squeeze %dma_start3A_844 : memref<1x128xi32, #tpu.memory_space<vmem>> -> memref<128xi32, #tpu.memory_space<vmem>>
          %dma_start3A_846 = arith.constant 0 : i32
          %dma_start3A_847 = tpu.memref_slice %arg3[%arg1, %add3A_841, %dma_start3A_846] : memref<16x162x128xi32, #tpu.memory_space<hbm>> -> memref<1x1x128xi32, #tpu.memory_space<hbm>>
          %dma_start3A_848 = tpu.memref_squeeze %dma_start3A_847 : memref<1x1x128xi32, #tpu.memory_space<hbm>> -> memref<128xi32, #tpu.memory_space<hbm>>
          %dma_start3A_849 = arith.constant 0 : i32
          %dma_start3A_850 = tpu.memref_slice %arg10[%dma_start3A_842, %dma_start3A_849] : memref<6x128xi32, #tpu.memory_space<vmem>> -> memref<1x128xi32, #tpu.memory_space<vmem>>
          %dma_start3A_851 = tpu.memref_squeeze %dma_start3A_850 : memref<1x128xi32, #tpu.memory_space<vmem>> -> memref<128xi32, #tpu.memory_space<vmem>>
          %dma_start3A_852 = arith.constant 0 : i32
          %dma_start3A_853 = tpu.memref_slice %arg3[%arg1, %add3A_841, %dma_start3A_852] : memref<16x162x128xi32, #tpu.memory_space<hbm>> -> memref<1x1x128xi32, #tpu.memory_space<hbm>>
          %dma_start3A_854 = tpu.memref_squeeze %dma_start3A_853 : memref<1x1x128xi32, #tpu.memory_space<hbm>> -> memref<128xi32, #tpu.memory_space<hbm>>
          tpu.enqueue_dma source(%dma_start3A_854 : memref<128xi32, #tpu.memory_space<hbm>>) target(%dma_start3A_851 : memref<128xi32, #tpu.memory_space<vmem>>) target_semaphore(%arg24 : memref<!tpu.dma_semaphore, #tpu.memory_space<semaphore_mem>>)
          %dma_start3A_855 = arith.constant 2 : i32
          %dma_start3A_856 = arith.constant 0 : i32
          %dma_start3A_857 = tpu.memref_slice %arg11[%dma_start3A_855, %dma_start3A_856] : memref<6x128xi32, #tpu.memory_space<vmem>> -> memref<1x128xi32, #tpu.memory_space<vmem>>
          %dma_start3A_858 = tpu.memref_squeeze %dma_start3A_857 : memref<1x128xi32, #tpu.memory_space<vmem>> -> memref<128xi32, #tpu.memory_space<vmem>>
          %dma_start3A_859 = arith.constant 0 : i32
          %dma_start3A_860 = tpu.memref_slice %arg4[%arg1, %add3A_841, %dma_start3A_859] : memref<16x162x128xi32, #tpu.memory_space<hbm>> -> memref<1x1x128xi32, #tpu.memory_space<hbm>>
          %dma_start3A_861 = tpu.memref_squeeze %dma_start3A_860 : memref<1x1x128xi32, #tpu.memory_space<hbm>> -> memref<128xi32, #tpu.memory_space<hbm>>
          %dma_start3A_862 = arith.constant 0 : i32
          %dma_start3A_863 = tpu.memref_slice %arg11[%dma_start3A_855, %dma_start3A_862] : memref<6x128xi32, #tpu.memory_space<vmem>> -> memref<1x128xi32, #tpu.memory_space<vmem>>
          %dma_start3A_864 = tpu.memref_squeeze %dma_start3A_863 : memref<1x128xi32, #tpu.memory_space<vmem>> -> memref<128xi32, #tpu.memory_space<vmem>>
          %dma_start3A_865 = arith.constant 0 : i32
          %dma_start3A_866 = tpu.memref_slice %arg4[%arg1, %add3A_841, %dma_start3A_865] : memref<16x162x128xi32, #tpu.memory_space<hbm>> -> memref<1x1x128xi32, #tpu.memory_space<hbm>>
          %dma_start3A_867 = tpu.memref_squeeze %dma_start3A_866 : memref<1x1x128xi32, #tpu.memory_space<hbm>> -> memref<128xi32, #tpu.memory_space<hbm>>
          tpu.enqueue_dma source(%dma_start3A_867 : memref<128xi32, #tpu.memory_space<hbm>>) target(%dma_start3A_864 : memref<128xi32, #tpu.memory_space<vmem>>) target_semaphore(%arg24 : memref<!tpu.dma_semaphore, #tpu.memory_space<semaphore_mem>>)
        } else {
        }
        %dma_wait3A_769 = arith.constant 0 : i32
        %dma_wait3A_770 = arith.constant 5 : i32
        %dma_wait3A_771 = arith.constant 0 : i32
        %dma_wait3A_772 = tpu.memref_slice %arg10[%dma_wait3A_770, %dma_wait3A_771] : memref<6x128xi32, #tpu.memory_space<vmem>> -> memref<1x128xi32, #tpu.memory_space<vmem>>
        %dma_wait3A_773 = tpu.memref_squeeze %dma_wait3A_772 : memref<1x128xi32, #tpu.memory_space<vmem>> -> memref<128xi32, #tpu.memory_space<vmem>>
        %dma_wait3A_774 = arith.constant 0 : i32
        %dma_wait3A_775 = tpu.memref_slice %arg3[%arg1, %dma_wait3A_769, %dma_wait3A_774] : memref<16x162x128xi32, #tpu.memory_space<hbm>> -> memref<1x1x128xi32, #tpu.memory_space<hbm>>
        %dma_wait3A_776 = tpu.memref_squeeze %dma_wait3A_775 : memref<1x1x128xi32, #tpu.memory_space<hbm>> -> memref<128xi32, #tpu.memory_space<hbm>>
        %dma_wait3A_777 = arith.constant 0 : i32
        %dma_wait3A_778 = tpu.memref_slice %arg10[%dma_wait3A_770, %dma_wait3A_777] : memref<6x128xi32, #tpu.memory_space<vmem>> -> memref<1x128xi32, #tpu.memory_space<vmem>>
        %dma_wait3A_779 = tpu.memref_squeeze %dma_wait3A_778 : memref<1x128xi32, #tpu.memory_space<vmem>> -> memref<128xi32, #tpu.memory_space<vmem>>
        %dma_wait3A_780 = arith.constant 0 : i32
        %dma_wait3A_781 = tpu.memref_slice %arg3[%arg1, %dma_wait3A_769, %dma_wait3A_780] : memref<16x162x128xi32, #tpu.memory_space<hbm>> -> memref<1x1x128xi32, #tpu.memory_space<hbm>>
        %dma_wait3A_782 = tpu.memref_squeeze %dma_wait3A_781 : memref<1x1x128xi32, #tpu.memory_space<hbm>> -> memref<128xi32, #tpu.memory_space<hbm>>
        tpu.wait_dma2 semaphore(%arg27 : memref<!tpu.dma_semaphore, #tpu.memory_space<semaphore_mem>>) src(%dma_wait3A_782 : memref<128xi32, #tpu.memory_space<hbm>>) dst(%dma_wait3A_779 : memref<128xi32, #tpu.memory_space<vmem>>)
        %dma_wait3A_783 = arith.constant 0 : i32
        %dma_wait3A_784 = arith.constant 5 : i32
        %dma_wait3A_785 = arith.constant 0 : i32
        %dma_wait3A_786 = tpu.memref_slice %arg11[%dma_wait3A_784, %dma_wait3A_785] : memref<6x128xi32, #tpu.memory_space<vmem>> -> memref<1x128xi32, #tpu.memory_space<vmem>>
        %dma_wait3A_787 = tpu.memref_squeeze %dma_wait3A_786 : memref<1x128xi32, #tpu.memory_space<vmem>> -> memref<128xi32, #tpu.memory_space<vmem>>
        %dma_wait3A_788 = arith.constant 0 : i32
        %dma_wait3A_789 = tpu.memref_slice %arg4[%arg1, %dma_wait3A_783, %dma_wait3A_788] : memref<16x162x128xi32, #tpu.memory_space<hbm>> -> memref<1x1x128xi32, #tpu.memory_space<hbm>>
        %dma_wait3A_790 = tpu.memref_squeeze %dma_wait3A_789 : memref<1x1x128xi32, #tpu.memory_space<hbm>> -> memref<128xi32, #tpu.memory_space<hbm>>
        %dma_wait3A_791 = arith.constant 0 : i32
        %dma_wait3A_792 = tpu.memref_slice %arg11[%dma_wait3A_784, %dma_wait3A_791] : memref<6x128xi32, #tpu.memory_space<vmem>> -> memref<1x128xi32, #tpu.memory_space<vmem>>
        %dma_wait3A_793 = tpu.memref_squeeze %dma_wait3A_792 : memref<1x128xi32, #tpu.memory_space<vmem>> -> memref<128xi32, #tpu.memory_space<vmem>>
        %dma_wait3A_794 = arith.constant 0 : i32
        %dma_wait3A_795 = tpu.memref_slice %arg4[%arg1, %dma_wait3A_783, %dma_wait3A_794] : memref<16x162x128xi32, #tpu.memory_space<hbm>> -> memref<1x1x128xi32, #tpu.memory_space<hbm>>
        %dma_wait3A_796 = tpu.memref_squeeze %dma_wait3A_795 : memref<1x1x128xi32, #tpu.memory_space<hbm>> -> memref<128xi32, #tpu.memory_space<hbm>>
        tpu.wait_dma2 semaphore(%arg27 : memref<!tpu.dma_semaphore, #tpu.memory_space<semaphore_mem>>) src(%dma_wait3A_796 : memref<128xi32, #tpu.memory_space<hbm>>) dst(%dma_wait3A_793 : memref<128xi32, #tpu.memory_space<vmem>>)
        %dma_start3A_797 = arith.constant 5 : i32
        %dma_start3A_798 = arith.constant 0 : i32
        %dma_start3A_799 = tpu.memref_slice %arg10[%dma_start3A_797, %dma_start3A_798] : memref<6x128xi32, #tpu.memory_space<vmem>> -> memref<1x128xi32, #tpu.memory_space<vmem>>
        %dma_start3A_800 = tpu.memref_squeeze %dma_start3A_799 : memref<1x128xi32, #tpu.memory_space<vmem>> -> memref<128xi32, #tpu.memory_space<vmem>>
        %dma_start3A_801 = arith.constant 0 : i32
        %dma_start3A_802 = arith.constant 0 : i32
        %dma_start3A_803 = tpu.memref_slice %arg28[%dma_start3A_801, %dma_start3A_802] : memref<10240x64xf32, #tpu.memory_space<vmem_shared>> -> memref<10240x64xf32, #tpu.memory_space<vmem_shared>>
        tpu.enqueue_indirect_dma source(%dma_start3A_803 : memref<10240x64xf32, #tpu.memory_space<vmem_shared>>) target(%arg9 : memref<128x64xf32, #tpu.memory_space<vmem>>) offsets(%dma_start3A_800 : memref<128xi32, #tpu.memory_space<vmem>>) semaphore(%arg18 : memref<!tpu.dma_semaphore, #tpu.memory_space<semaphore_mem>>)
        %mul3A_804 = arith.constant 6 : i32
        %mul3A_805 = arith.muli %scan3A_438, %mul3A_804 : i32
        %add3A_806 = arith.constant 5 : i32
        %add3A_807 = arith.addi %mul3A_805, %add3A_806 : i32
        %dma_wait3A_808 = arith.constant 5 : i32
        %dma_wait3A_809 = arith.constant 0 : i32
        %dma_wait3A_810 = tpu.memref_slice %arg10[%dma_wait3A_808, %dma_wait3A_809] : memref<6x128xi32, #tpu.memory_space<vmem>> -> memref<1x128xi32, #tpu.memory_space<vmem>>
        %dma_wait3A_811 = tpu.memref_squeeze %dma_wait3A_810 : memref<1x128xi32, #tpu.memory_space<vmem>> -> memref<128xi32, #tpu.memory_space<vmem>>
        %dma_wait3A_812 = arith.constant 0 : i32
        %dma_wait3A_813 = arith.constant 0 : i32
        %dma_wait3A_814 = tpu.memref_slice %arg28[%dma_wait3A_812, %dma_wait3A_813] : memref<10240x64xf32, #tpu.memory_space<vmem_shared>> -> memref<10240x64xf32, #tpu.memory_space<vmem_shared>>
        tpu.wait_indirect_dma semaphore(%arg18 : memref<!tpu.dma_semaphore, #tpu.memory_space<semaphore_mem>>) src(%dma_wait3A_814 : memref<10240x64xf32, #tpu.memory_space<vmem_shared>>) dst(%arg9 : memref<128x64xf32, #tpu.memory_space<vmem>>)
        %dma_start3A_815 = arith.constant 5 : i32
        %dma_start3A_816 = arith.constant 0 : i32
        %dma_start3A_817 = tpu.memref_slice %arg11[%dma_start3A_815, %dma_start3A_816] : memref<6x128xi32, #tpu.memory_space<vmem>> -> memref<1x128xi32, #tpu.memory_space<vmem>>
        %dma_start3A_818 = tpu.memref_squeeze %dma_start3A_817 : memref<1x128xi32, #tpu.memory_space<vmem>> -> memref<128xi32, #tpu.memory_space<vmem>>
        %dma_start3A_819 = arith.constant 0 : i32
        %dma_start3A_820 = arith.constant 0 : i32
        %dma_start3A_821 = tpu.memref_slice %arg29[%dma_start3A_819, %dma_start3A_820] : memref<10240x64xf32, #tpu.memory_space<vmem_shared>> -> memref<10240x64xf32, #tpu.memory_space<vmem_shared>>
        tpu.enqueue_indirect_dma source(%arg9 : memref<128x64xf32, #tpu.memory_space<vmem>>) target(%dma_start3A_821 : memref<10240x64xf32, #tpu.memory_space<vmem_shared>>) offsets(%dma_start3A_818 : memref<128xi32, #tpu.memory_space<vmem>>) semaphore(%arg21 : memref<!tpu.dma_semaphore, #tpu.memory_space<semaphore_mem>>) {add = true}
        %dma_wait3A_822 = arith.constant 3 : i32
        %dma_wait3A_823 = arith.constant 0 : i32
        %dma_wait3A_824 = tpu.memref_slice %arg11[%dma_wait3A_822, %dma_wait3A_823] : memref<6x128xi32, #tpu.memory_space<vmem>> -> memref<1x128xi32, #tpu.memory_space<vmem>>
        %dma_wait3A_825 = tpu.memref_squeeze %dma_wait3A_824 : memref<1x128xi32, #tpu.memory_space<vmem>> -> memref<128xi32, #tpu.memory_space<vmem>>
        %dma_wait3A_826 = arith.constant 0 : i32
        %dma_wait3A_827 = arith.constant 0 : i32
        %dma_wait3A_828 = tpu.memref_slice %arg29[%dma_wait3A_826, %dma_wait3A_827] : memref<10240x64xf32, #tpu.memory_space<vmem_shared>> -> memref<10240x64xf32, #tpu.memory_space<vmem_shared>>
        tpu.wait_indirect_dma semaphore(%arg19 : memref<!tpu.dma_semaphore, #tpu.memory_space<semaphore_mem>>) src(%arg7 : memref<128x64xf32, #tpu.memory_space<vmem>>) dst(%dma_wait3A_828 : memref<10240x64xf32, #tpu.memory_space<vmem_shared>>)
        %lt3A_829 = arith.constant 26 : i32
        %lt3A_830 = arith.cmpi slt, %scan3A_438, %lt3A_829 : i32
        %convert_element_type3A_831 = arith.extui %lt3A_830 : i1 to i32
        %cond3A_832 = arith.constant 0 : i32
        %cond3A_833 = arith.cmpi ne, %convert_element_type3A_831, %cond3A_832 : i32
        scf.if %cond3A_833 {
          %add3A_840 = arith.constant 4 : i32
          %add3A_841 = arith.addi %add3A_807, %add3A_840 : i32
          %dma_start3A_842 = arith.constant 3 : i32
          %dma_start3A_843 = arith.constant 0 : i32
          %dma_start3A_844 = tpu.memref_slice %arg10[%dma_start3A_842, %dma_start3A_843] : memref<6x128xi32, #tpu.memory_space<vmem>> -> memref<1x128xi32, #tpu.memory_space<vmem>>
          %dma_start3A_845 = tpu.memref_squeeze %dma_start3A_844 : memref<1x128xi32, #tpu.memory_space<vmem>> -> memref<128xi32, #tpu.memory_space<vmem>>
          %dma_start3A_846 = arith.constant 0 : i32
          %dma_start3A_847 = tpu.memref_slice %arg3[%arg1, %add3A_841, %dma_start3A_846] : memref<16x162x128xi32, #tpu.memory_space<hbm>> -> memref<1x1x128xi32, #tpu.memory_space<hbm>>
          %dma_start3A_848 = tpu.memref_squeeze %dma_start3A_847 : memref<1x1x128xi32, #tpu.memory_space<hbm>> -> memref<128xi32, #tpu.memory_space<hbm>>
          %dma_start3A_849 = arith.constant 0 : i32
          %dma_start3A_850 = tpu.memref_slice %arg10[%dma_start3A_842, %dma_start3A_849] : memref<6x128xi32, #tpu.memory_space<vmem>> -> memref<1x128xi32, #tpu.memory_space<vmem>>
          %dma_start3A_851 = tpu.memref_squeeze %dma_start3A_850 : memref<1x128xi32, #tpu.memory_space<vmem>> -> memref<128xi32, #tpu.memory_space<vmem>>
          %dma_start3A_852 = arith.constant 0 : i32
          %dma_start3A_853 = tpu.memref_slice %arg3[%arg1, %add3A_841, %dma_start3A_852] : memref<16x162x128xi32, #tpu.memory_space<hbm>> -> memref<1x1x128xi32, #tpu.memory_space<hbm>>
          %dma_start3A_854 = tpu.memref_squeeze %dma_start3A_853 : memref<1x1x128xi32, #tpu.memory_space<hbm>> -> memref<128xi32, #tpu.memory_space<hbm>>
          tpu.enqueue_dma source(%dma_start3A_854 : memref<128xi32, #tpu.memory_space<hbm>>) target(%dma_start3A_851 : memref<128xi32, #tpu.memory_space<vmem>>) target_semaphore(%arg25 : memref<!tpu.dma_semaphore, #tpu.memory_space<semaphore_mem>>)
          %dma_start3A_855 = arith.constant 3 : i32
          %dma_start3A_856 = arith.constant 0 : i32
          %dma_start3A_857 = tpu.memref_slice %arg11[%dma_start3A_855, %dma_start3A_856] : memref<6x128xi32, #tpu.memory_space<vmem>> -> memref<1x128xi32, #tpu.memory_space<vmem>>
          %dma_start3A_858 = tpu.memref_squeeze %dma_start3A_857 : memref<1x128xi32, #tpu.memory_space<vmem>> -> memref<128xi32, #tpu.memory_space<vmem>>
          %dma_start3A_859 = arith.constant 0 : i32
          %dma_start3A_860 = tpu.memref_slice %arg4[%arg1, %add3A_841, %dma_start3A_859] : memref<16x162x128xi32, #tpu.memory_space<hbm>> -> memref<1x1x128xi32, #tpu.memory_space<hbm>>
          %dma_start3A_861 = tpu.memref_squeeze %dma_start3A_860 : memref<1x1x128xi32, #tpu.memory_space<hbm>> -> memref<128xi32, #tpu.memory_space<hbm>>
          %dma_start3A_862 = arith.constant 0 : i32
          %dma_start3A_863 = tpu.memref_slice %arg11[%dma_start3A_855, %dma_start3A_862] : memref<6x128xi32, #tpu.memory_space<vmem>> -> memref<1x128xi32, #tpu.memory_space<vmem>>
          %dma_start3A_864 = tpu.memref_squeeze %dma_start3A_863 : memref<1x128xi32, #tpu.memory_space<vmem>> -> memref<128xi32, #tpu.memory_space<vmem>>
          %dma_start3A_865 = arith.constant 0 : i32
          %dma_start3A_866 = tpu.memref_slice %arg4[%arg1, %add3A_841, %dma_start3A_865] : memref<16x162x128xi32, #tpu.memory_space<hbm>> -> memref<1x1x128xi32, #tpu.memory_space<hbm>>
          %dma_start3A_867 = tpu.memref_squeeze %dma_start3A_866 : memref<1x1x128xi32, #tpu.memory_space<hbm>> -> memref<128xi32, #tpu.memory_space<hbm>>
          tpu.enqueue_dma source(%dma_start3A_867 : memref<128xi32, #tpu.memory_space<hbm>>) target(%dma_start3A_864 : memref<128xi32, #tpu.memory_space<vmem>>) target_semaphore(%arg25 : memref<!tpu.dma_semaphore, #tpu.memory_space<semaphore_mem>>)
        } else {
        }
        %lt3A_834 = arith.constant 26 : i32
        %lt3A_835 = arith.cmpi slt, %scan3A_438, %lt3A_834 : i32
        %convert_element_type3A_836 = arith.extui %lt3A_835 : i1 to i32
        %cond3A_837 = arith.constant 0 : i32
        %cond3A_838 = arith.cmpi ne, %convert_element_type3A_836, %cond3A_837 : i32
        scf.if %cond3A_838 {
          %dma_wait3A_840 = arith.constant 0 : i32
          %dma_wait3A_841 = arith.constant 0 : i32
          %dma_wait3A_842 = arith.constant 0 : i32
          %dma_wait3A_843 = tpu.memref_slice %arg10[%dma_wait3A_841, %dma_wait3A_842] : memref<6x128xi32, #tpu.memory_space<vmem>> -> memref<1x128xi32, #tpu.memory_space<vmem>>
          %dma_wait3A_844 = tpu.memref_squeeze %dma_wait3A_843 : memref<1x128xi32, #tpu.memory_space<vmem>> -> memref<128xi32, #tpu.memory_space<vmem>>
          %dma_wait3A_845 = arith.constant 0 : i32
          %dma_wait3A_846 = tpu.memref_slice %arg3[%arg1, %dma_wait3A_840, %dma_wait3A_845] : memref<16x162x128xi32, #tpu.memory_space<hbm>> -> memref<1x1x128xi32, #tpu.memory_space<hbm>>
          %dma_wait3A_847 = tpu.memref_squeeze %dma_wait3A_846 : memref<1x1x128xi32, #tpu.memory_space<hbm>> -> memref<128xi32, #tpu.memory_space<hbm>>
          %dma_wait3A_848 = arith.constant 0 : i32
          %dma_wait3A_849 = tpu.memref_slice %arg10[%dma_wait3A_841, %dma_wait3A_848] : memref<6x128xi32, #tpu.memory_space<vmem>> -> memref<1x128xi32, #tpu.memory_space<vmem>>
          %dma_wait3A_850 = tpu.memref_squeeze %dma_wait3A_849 : memref<1x128xi32, #tpu.memory_space<vmem>> -> memref<128xi32, #tpu.memory_space<vmem>>
          %dma_wait3A_851 = arith.constant 0 : i32
          %dma_wait3A_852 = tpu.memref_slice %arg3[%arg1, %dma_wait3A_840, %dma_wait3A_851] : memref<16x162x128xi32, #tpu.memory_space<hbm>> -> memref<1x1x128xi32, #tpu.memory_space<hbm>>
          %dma_wait3A_853 = tpu.memref_squeeze %dma_wait3A_852 : memref<1x1x128xi32, #tpu.memory_space<hbm>> -> memref<128xi32, #tpu.memory_space<hbm>>
          tpu.wait_dma2 semaphore(%arg22 : memref<!tpu.dma_semaphore, #tpu.memory_space<semaphore_mem>>) src(%dma_wait3A_853 : memref<128xi32, #tpu.memory_space<hbm>>) dst(%dma_wait3A_850 : memref<128xi32, #tpu.memory_space<vmem>>)
          %dma_wait3A_854 = arith.constant 0 : i32
          %dma_wait3A_855 = arith.constant 0 : i32
          %dma_wait3A_856 = arith.constant 0 : i32
          %dma_wait3A_857 = tpu.memref_slice %arg11[%dma_wait3A_855, %dma_wait3A_856] : memref<6x128xi32, #tpu.memory_space<vmem>> -> memref<1x128xi32, #tpu.memory_space<vmem>>
          %dma_wait3A_858 = tpu.memref_squeeze %dma_wait3A_857 : memref<1x128xi32, #tpu.memory_space<vmem>> -> memref<128xi32, #tpu.memory_space<vmem>>
          %dma_wait3A_859 = arith.constant 0 : i32
          %dma_wait3A_860 = tpu.memref_slice %arg4[%arg1, %dma_wait3A_854, %dma_wait3A_859] : memref<16x162x128xi32, #tpu.memory_space<hbm>> -> memref<1x1x128xi32, #tpu.memory_space<hbm>>
          %dma_wait3A_861 = tpu.memref_squeeze %dma_wait3A_860 : memref<1x1x128xi32, #tpu.memory_space<hbm>> -> memref<128xi32, #tpu.memory_space<hbm>>
          %dma_wait3A_862 = arith.constant 0 : i32
          %dma_wait3A_863 = tpu.memref_slice %arg11[%dma_wait3A_855, %dma_wait3A_862] : memref<6x128xi32, #tpu.memory_space<vmem>> -> memref<1x128xi32, #tpu.memory_space<vmem>>
          %dma_wait3A_864 = tpu.memref_squeeze %dma_wait3A_863 : memref<1x128xi32, #tpu.memory_space<vmem>> -> memref<128xi32, #tpu.memory_space<vmem>>
          %dma_wait3A_865 = arith.constant 0 : i32
          %dma_wait3A_866 = tpu.memref_slice %arg4[%arg1, %dma_wait3A_854, %dma_wait3A_865] : memref<16x162x128xi32, #tpu.memory_space<hbm>> -> memref<1x1x128xi32, #tpu.memory_space<hbm>>
          %dma_wait3A_867 = tpu.memref_squeeze %dma_wait3A_866 : memref<1x1x128xi32, #tpu.memory_space<hbm>> -> memref<128xi32, #tpu.memory_space<hbm>>
          tpu.wait_dma2 semaphore(%arg22 : memref<!tpu.dma_semaphore, #tpu.memory_space<semaphore_mem>>) src(%dma_wait3A_867 : memref<128xi32, #tpu.memory_space<hbm>>) dst(%dma_wait3A_864 : memref<128xi32, #tpu.memory_space<vmem>>)
          %dma_start3A_868 = arith.constant 0 : i32
          %dma_start3A_869 = arith.constant 0 : i32
          %dma_start3A_870 = tpu.memref_slice %arg10[%dma_start3A_868, %dma_start3A_869] : memref<6x128xi32, #tpu.memory_space<vmem>> -> memref<1x128xi32, #tpu.memory_space<vmem>>
          %dma_start3A_871 = tpu.memref_squeeze %dma_start3A_870 : memref<1x128xi32, #tpu.memory_space<vmem>> -> memref<128xi32, #tpu.memory_space<vmem>>
          %dma_start3A_872 = arith.constant 0 : i32
          %dma_start3A_873 = arith.constant 0 : i32
          %dma_start3A_874 = tpu.memref_slice %arg28[%dma_start3A_872, %dma_start3A_873] : memref<10240x64xf32, #tpu.memory_space<vmem_shared>> -> memref<10240x64xf32, #tpu.memory_space<vmem_shared>>
          tpu.enqueue_indirect_dma source(%dma_start3A_874 : memref<10240x64xf32, #tpu.memory_space<vmem_shared>>) target(%arg7 : memref<128x64xf32, #tpu.memory_space<vmem>>) offsets(%dma_start3A_871 : memref<128xi32, #tpu.memory_space<vmem>>) semaphore(%arg16 : memref<!tpu.dma_semaphore, #tpu.memory_space<semaphore_mem>>)
        } else {
        }
        %scan3A_839 = arith.constant 0 : i32
        scf.yield %scan3A_839 : i32
      }
      %scan3A_414 = arith.constant 27 : i32
      %dma_wait3A_415 = arith.constant 4 : i32
      %dma_wait3A_416 = arith.constant 0 : i32
      %dma_wait3A_417 = tpu.memref_slice %arg11[%dma_wait3A_415, %dma_wait3A_416] : memref<6x128xi32, #tpu.memory_space<vmem>> -> memref<1x128xi32, #tpu.memory_space<vmem>>
      %dma_wait3A_418 = tpu.memref_squeeze %dma_wait3A_417 : memref<1x128xi32, #tpu.memory_space<vmem>> -> memref<128xi32, #tpu.memory_space<vmem>>
      %dma_wait3A_419 = arith.constant 0 : i32
      %dma_wait3A_420 = arith.constant 0 : i32
      %dma_wait3A_421 = tpu.memref_slice %arg29[%dma_wait3A_419, %dma_wait3A_420] : memref<10240x64xf32, #tpu.memory_space<vmem_shared>> -> memref<10240x64xf32, #tpu.memory_space<vmem_shared>>
      tpu.wait_indirect_dma semaphore(%arg20 : memref<!tpu.dma_semaphore, #tpu.memory_space<semaphore_mem>>) src(%arg8 : memref<128x64xf32, #tpu.memory_space<vmem>>) dst(%dma_wait3A_421 : memref<10240x64xf32, #tpu.memory_space<vmem_shared>>)
      %dma_wait3A_422 = arith.constant 5 : i32
      %dma_wait3A_423 = arith.constant 0 : i32
      %dma_wait3A_424 = tpu.memref_slice %arg11[%dma_wait3A_422, %dma_wait3A_423] : memref<6x128xi32, #tpu.memory_space<vmem>> -> memref<1x128xi32, #tpu.memory_space<vmem>>
      %dma_wait3A_425 = tpu.memref_squeeze %dma_wait3A_424 : memref<1x128xi32, #tpu.memory_space<vmem>> -> memref<128xi32, #tpu.memory_space<vmem>>
      %dma_wait3A_426 = arith.constant 0 : i32
      %dma_wait3A_427 = arith.constant 0 : i32
      %dma_wait3A_428 = tpu.memref_slice %arg29[%dma_wait3A_426, %dma_wait3A_427] : memref<10240x64xf32, #tpu.memory_space<vmem_shared>> -> memref<10240x64xf32, #tpu.memory_space<vmem_shared>>
      tpu.wait_indirect_dma semaphore(%arg21 : memref<!tpu.dma_semaphore, #tpu.memory_space<semaphore_mem>>) src(%arg9 : memref<128x64xf32, #tpu.memory_space<vmem>>) dst(%dma_wait3A_428 : memref<10240x64xf32, #tpu.memory_space<vmem_shared>>)
      %barrier3A_429 = arith.constant 0 : index
      tpu.barrier barrier_id(%barrier3A_429)
      %scan3A_430 = arith.constant 0 : i32
      %scan3A_431 = arith.constant 0 : i32
      %scan3A_432 = arith.constant 5 : i32
      %scan3A_433 = arith.addi %scan3A_431, %scan3A_432 : i32
      %scan3A_434 = arith.constant 1 : i32
      %scan3A_435 = scf.for %scan3A_438 = %scan3A_431 to %scan3A_433 step %scan3A_434 iter_args(%scan3A_439 = %scan3A_430) -> (i32)  : i32 {
        %mul3A_440 = arith.constant 640 : i32
        %mul3A_441 = arith.muli %arg1, %mul3A_440 : i32
        %mul3A_442 = arith.constant 128 : i32
        %mul3A_443 = arith.muli %scan3A_438, %mul3A_442 : i32
        %add3A = arith.addi %mul3A_441, %mul3A_443 : i32
        "tpu.region"() ({
          %run_scoped3A_451 = tpu.sem_alloc : memref<!tpu.dma_semaphore, #tpu.memory_space<semaphore_mem>>
          %dma_start3A_452 = arith.constant 0 : i32
          %dma_start3A_453 = tpu.memref_slice %arg29[%add3A, %dma_start3A_452] : memref<10240x64xf32, #tpu.memory_space<vmem_shared>> -> memref<128x64xf32, #tpu.memory_space<vmem_shared>>
          %dma_start3A_454 = arith.constant 0 : i32
          %dma_start3A_455 = tpu.memref_slice %arg29[%add3A, %dma_start3A_454] : memref<10240x64xf32, #tpu.memory_space<vmem_shared>> -> memref<128x64xf32, #tpu.memory_space<vmem_shared>>
          tpu.enqueue_dma source(%dma_start3A_455 : memref<128x64xf32, #tpu.memory_space<vmem_shared>>) target(%arg7 : memref<128x64xf32, #tpu.memory_space<vmem>>) target_semaphore(%run_scoped3A_451 : memref<!tpu.dma_semaphore, #tpu.memory_space<semaphore_mem>>)
          %dma_wait3A_456 = arith.constant 0 : i32
          %dma_wait3A_457 = tpu.memref_slice %arg29[%add3A, %dma_wait3A_456] : memref<10240x64xf32, #tpu.memory_space<vmem_shared>> -> memref<128x64xf32, #tpu.memory_space<vmem_shared>>
          %dma_wait3A_458 = arith.constant 0 : i32
          %dma_wait3A_459 = tpu.memref_slice %arg29[%add3A, %dma_wait3A_458] : memref<10240x64xf32, #tpu.memory_space<vmem_shared>> -> memref<128x64xf32, #tpu.memory_space<vmem_shared>>
          tpu.wait_dma2 semaphore(%run_scoped3A_451 : memref<!tpu.dma_semaphore, #tpu.memory_space<semaphore_mem>>) src(%dma_wait3A_459 : memref<128x64xf32, #tpu.memory_space<vmem_shared>>) dst(%arg7 : memref<128x64xf32, #tpu.memory_space<vmem>>)
          tpu.yield
        }) : () -> ()
        "tpu.region"() ({
          %run_scoped3A_451 = tpu.sem_alloc : memref<!tpu.dma_semaphore, #tpu.memory_space<semaphore_mem>>
          %dma_start3A_452 = arith.constant 0 : i32
          %dma_start3A_453 = tpu.memref_slice %arg5[%scan3A_259, %arg0, %add3A, %dma_start3A_452] : memref<8x2x10240x64xf32, #tpu.memory_space<hbm>> -> memref<1x1x128x64xf32, #tpu.memory_space<hbm>>
          %dma_start3A_454 = tpu.memref_squeeze %dma_start3A_453 : memref<1x1x128x64xf32, #tpu.memory_space<hbm>> -> memref<128x64xf32, #tpu.memory_space<hbm>>
          %dma_start3A_455 = arith.constant 0 : i32
          %dma_start3A_456 = tpu.memref_slice %arg5[%scan3A_259, %arg0, %add3A, %dma_start3A_455] : memref<8x2x10240x64xf32, #tpu.memory_space<hbm>> -> memref<1x1x128x64xf32, #tpu.memory_space<hbm>>
          %dma_start3A_457 = tpu.memref_squeeze %dma_start3A_456 : memref<1x1x128x64xf32, #tpu.memory_space<hbm>> -> memref<128x64xf32, #tpu.memory_space<hbm>>
          tpu.enqueue_dma source(%arg7 : memref<128x64xf32, #tpu.memory_space<vmem>>) target(%dma_start3A_457 : memref<128x64xf32, #tpu.memory_space<hbm>>) target_semaphore(%run_scoped3A_451 : memref<!tpu.dma_semaphore, #tpu.memory_space<semaphore_mem>>)
          %dma_wait3A_458 = arith.constant 0 : i32
          %dma_wait3A_459 = tpu.memref_slice %arg5[%scan3A_259, %arg0, %add3A, %dma_wait3A_458] : memref<8x2x10240x64xf32, #tpu.memory_space<hbm>> -> memref<1x1x128x64xf32, #tpu.memory_space<hbm>>
          %dma_wait3A_460 = tpu.memref_squeeze %dma_wait3A_459 : memref<1x1x128x64xf32, #tpu.memory_space<hbm>> -> memref<128x64xf32, #tpu.memory_space<hbm>>
          %dma_wait3A_461 = arith.constant 0 : i32
          %dma_wait3A_462 = tpu.memref_slice %arg5[%scan3A_259, %arg0, %add3A, %dma_wait3A_461] : memref<8x2x10240x64xf32, #tpu.memory_space<hbm>> -> memref<1x1x128x64xf32, #tpu.memory_space<hbm>>
          %dma_wait3A_463 = tpu.memref_squeeze %dma_wait3A_462 : memref<1x1x128x64xf32, #tpu.memory_space<hbm>> -> memref<128x64xf32, #tpu.memory_space<hbm>>
          tpu.wait_dma2 semaphore(%run_scoped3A_451 : memref<!tpu.dma_semaphore, #tpu.memory_space<semaphore_mem>>) src(%arg7 : memref<128x64xf32, #tpu.memory_space<vmem>>) dst(%dma_wait3A_463 : memref<128x64xf32, #tpu.memory_space<hbm>>)
          tpu.yield
        }) : () -> ()
        %add3A_444 = arith.constant 1 : i32
        %add3A_445 = arith.addi %scan3A_259, %add3A_444 : i32
        %lt3A = arith.constant 8 : i32
        %lt3A_446 = arith.cmpi slt, %add3A_445, %lt3A : i32
        %convert_element_type3A_447 = arith.extui %lt3A_446 : i1 to i32
        %cond3A_448 = arith.constant 0 : i32
        %cond3A_449 = arith.cmpi ne, %convert_element_type3A_447, %cond3A_448 : i32
        scf.if %cond3A_449 {
          %scan3A_451 = arith.constant 0 : i32
          %scan3A_452 = arith.constant 0 : i32
          %scan3A_453 = arith.constant 8 : i32
          %scan3A_454 = arith.addi %scan3A_452, %scan3A_453 : i32
          %scan3A_455 = arith.constant 1 : i32
          %scan3A_456 = scf.for %scan3A_458 = %scan3A_452 to %scan3A_454 step %scan3A_455 iter_args(%scan3A_459 = %scan3A_451) -> (i32)  : i32 {
            %mul3A_460 = arith.constant 128 : i32
            %mul3A_461 = arith.muli %scan3A_438, %mul3A_460 : i32
            %mul3A_462 = arith.constant 16 : i32
            %mul3A_463 = arith.muli %scan3A_458, %mul3A_462 : i32
            %add3A_464 = arith.addi %mul3A_461, %mul3A_463 : i32
            %get3A = arith.index_cast %add3A_464 : i32 to index
            %get3A_465 = tpu.vector_load %arg15[%get3A] {strides = array<i32>} : memref<640xf32, #tpu.memory_space<vmem>>, vector<16xf32>,
            %slice3A = vector.extract_strided_slice %get3A_465 {offsets = [0], sizes = [1], strides = [1]} : vector<16xf32> to vector<1xf32>
            %squeeze3A = vector.extract %slice3A[0] : f32 from vector<1xf32>
            %broadcast_in_dim3A_466 = vector.broadcast %squeeze3A : f32 to vector<16xf32>
            %mul3A_467 = arith.constant 16 : i32
            %mul3A_468 = arith.muli %scan3A_458, %mul3A_467 : i32
            %add3A_469 = arith.constant 0 : i32
            %add3A_470 = arith.addi %mul3A_468, %add3A_469 : i32
            %get3A_471 = arith.index_cast %add3A_470 : i32 to index
            %get3A_472 = arith.constant 0 : index
            %get3A_473 = tpu.vector_load %arg7[%get3A_471, %get3A_472] {strides = array<i32>} : memref<128x64xf32, #tpu.memory_space<vmem>>, vector<16xf32>,
            %mul3A_474 = arith.mulf %get3A_473, %broadcast_in_dim3A_466 : vector<16xf32>
            %swap3A = arith.index_cast %add3A_470 : i32 to index
            %swap3A_475 = arith.constant 0 : index
            %swap3A_476 = tpu.vector_load %arg7[%swap3A, %swap3A_475] {strides = array<i32>} : memref<128x64xf32, #tpu.memory_space<vmem>>, vector<16xf32>,
            tpu.vector_store %arg7[%swap3A, %swap3A_475], %mul3A_474 {strides = array<i32>} : memref<128x64xf32, #tpu.memory_space<vmem>>, vector<16xf32>,
            %get3A_477 = arith.index_cast %add3A_470 : i32 to index
            %get3A_478 = arith.constant 16 : index
            %get3A_479 = tpu.vector_load %arg7[%get3A_477, %get3A_478] {strides = array<i32>} : memref<128x64xf32, #tpu.memory_space<vmem>>, vector<16xf32>,
            %mul3A_480 = arith.mulf %get3A_479, %broadcast_in_dim3A_466 : vector<16xf32>
            %swap3A_481 = arith.index_cast %add3A_470 : i32 to index
            %swap3A_482 = arith.constant 16 : index
            %swap3A_483 = tpu.vector_load %arg7[%swap3A_481, %swap3A_482] {strides = array<i32>} : memref<128x64xf32, #tpu.memory_space<vmem>>, vector<16xf32>,
            tpu.vector_store %arg7[%swap3A_481, %swap3A_482], %mul3A_480 {strides = array<i32>} : memref<128x64xf32, #tpu.memory_space<vmem>>, vector<16xf32>,
            %get3A_484 = arith.index_cast %add3A_470 : i32 to index
            %get3A_485 = arith.constant 32 : index
            %get3A_486 = tpu.vector_load %arg7[%get3A_484, %get3A_485] {strides = array<i32>} : memref<128x64xf32, #tpu.memory_space<vmem>>, vector<16xf32>,
            %mul3A_487 = arith.mulf %get3A_486, %broadcast_in_dim3A_466 : vector<16xf32>
            %swap3A_488 = arith.index_cast %add3A_470 : i32 to index
            %swap3A_489 = arith.constant 32 : index
            %swap3A_490 = tpu.vector_load %arg7[%swap3A_488, %swap3A_489] {strides = array<i32>} : memref<128x64xf32, #tpu.memory_space<vmem>>, vector<16xf32>,
            tpu.vector_store %arg7[%swap3A_488, %swap3A_489], %mul3A_487 {strides = array<i32>} : memref<128x64xf32, #tpu.memory_space<vmem>>, vector<16xf32>,
            %get3A_491 = arith.index_cast %add3A_470 : i32 to index
            %get3A_492 = arith.constant 48 : index
            %get3A_493 = tpu.vector_load %arg7[%get3A_491, %get3A_492] {strides = array<i32>} : memref<128x64xf32, #tpu.memory_space<vmem>>, vector<16xf32>,
            %mul3A_494 = arith.mulf %get3A_493, %broadcast_in_dim3A_466 : vector<16xf32>
            %swap3A_495 = arith.index_cast %add3A_470 : i32 to index
            %swap3A_496 = arith.constant 48 : index
            %swap3A_497 = tpu.vector_load %arg7[%swap3A_495, %swap3A_496] {strides = array<i32>} : memref<128x64xf32, #tpu.memory_space<vmem>>, vector<16xf32>,
            tpu.vector_store %arg7[%swap3A_495, %swap3A_496], %mul3A_494 {strides = array<i32>} : memref<128x64xf32, #tpu.memory_space<vmem>>, vector<16xf32>,
            %slice3A_498 = vector.extract_strided_slice %get3A_465 {offsets = [1], sizes = [1], strides = [1]} : vector<16xf32> to vector<1xf32>
            %squeeze3A_499 = vector.extract %slice3A_498[0] : f32 from vector<1xf32>
            %broadcast_in_dim3A_500 = vector.broadcast %squeeze3A_499 : f32 to vector<16xf32>
            %mul3A_501 = arith.constant 16 : i32
            %mul3A_502 = arith.muli %scan3A_458, %mul3A_501 : i32
            %add3A_503 = arith.constant 1 : i32
            %add3A_504 = arith.addi %mul3A_502, %add3A_503 : i32
            %get3A_505 = arith.index_cast %add3A_504 : i32 to index
            %get3A_506 = arith.constant 0 : index
            %get3A_507 = tpu.vector_load %arg7[%get3A_505, %get3A_506] {strides = array<i32>} : memref<128x64xf32, #tpu.memory_space<vmem>>, vector<16xf32>,
            %mul3A_508 = arith.mulf %get3A_507, %broadcast_in_dim3A_500 : vector<16xf32>
            %swap3A_509 = arith.index_cast %add3A_504 : i32 to index
            %swap3A_510 = arith.constant 0 : index
            %swap3A_511 = tpu.vector_load %arg7[%swap3A_509, %swap3A_510] {strides = array<i32>} : memref<128x64xf32, #tpu.memory_space<vmem>>, vector<16xf32>,
            tpu.vector_store %arg7[%swap3A_509, %swap3A_510], %mul3A_508 {strides = array<i32>} : memref<128x64xf32, #tpu.memory_space<vmem>>, vector<16xf32>,
            %get3A_512 = arith.index_cast %add3A_504 : i32 to index
            %get3A_513 = arith.constant 16 : index
            %get3A_514 = tpu.vector_load %arg7[%get3A_512, %get3A_513] {strides = array<i32>} : memref<128x64xf32, #tpu.memory_space<vmem>>, vector<16xf32>,
            %mul3A_515 = arith.mulf %get3A_514, %broadcast_in_dim3A_500 : vector<16xf32>
            %swap3A_516 = arith.index_cast %add3A_504 : i32 to index
            %swap3A_517 = arith.constant 16 : index
            %swap3A_518 = tpu.vector_load %arg7[%swap3A_516, %swap3A_517] {strides = array<i32>} : memref<128x64xf32, #tpu.memory_space<vmem>>, vector<16xf32>,
            tpu.vector_store %arg7[%swap3A_516, %swap3A_517], %mul3A_515 {strides = array<i32>} : memref<128x64xf32, #tpu.memory_space<vmem>>, vector<16xf32>,
            %get3A_519 = arith.index_cast %add3A_504 : i32 to index
            %get3A_520 = arith.constant 32 : index
            %get3A_521 = tpu.vector_load %arg7[%get3A_519, %get3A_520] {strides = array<i32>} : memref<128x64xf32, #tpu.memory_space<vmem>>, vector<16xf32>,
            %mul3A_522 = arith.mulf %get3A_521, %broadcast_in_dim3A_500 : vector<16xf32>
            %swap3A_523 = arith.index_cast %add3A_504 : i32 to index
            %swap3A_524 = arith.constant 32 : index
            %swap3A_525 = tpu.vector_load %arg7[%swap3A_523, %swap3A_524] {strides = array<i32>} : memref<128x64xf32, #tpu.memory_space<vmem>>, vector<16xf32>,
            tpu.vector_store %arg7[%swap3A_523, %swap3A_524], %mul3A_522 {strides = array<i32>} : memref<128x64xf32, #tpu.memory_space<vmem>>, vector<16xf32>,
            %get3A_526 = arith.index_cast %add3A_504 : i32 to index
            %get3A_527 = arith.constant 48 : index
            %get3A_528 = tpu.vector_load %arg7[%get3A_526, %get3A_527] {strides = array<i32>} : memref<128x64xf32, #tpu.memory_space<vmem>>, vector<16xf32>,
            %mul3A_529 = arith.mulf %get3A_528, %broadcast_in_dim3A_500 : vector<16xf32>
            %swap3A_530 = arith.index_cast %add3A_504 : i32 to index
            %swap3A_531 = arith.constant 48 : index
            %swap3A_532 = tpu.vector_load %arg7[%swap3A_530, %swap3A_531] {strides = array<i32>} : memref<128x64xf32, #tpu.memory_space<vmem>>, vector<16xf32>,
            tpu.vector_store %arg7[%swap3A_530, %swap3A_531], %mul3A_529 {strides = array<i32>} : memref<128x64xf32, #tpu.memory_space<vmem>>, vector<16xf32>,
            %slice3A_533 = vector.extract_strided_slice %get3A_465 {offsets = [2], sizes = [1], strides = [1]} : vector<16xf32> to vector<1xf32>
            %squeeze3A_534 = vector.extract %slice3A_533[0] : f32 from vector<1xf32>
            %broadcast_in_dim3A_535 = vector.broadcast %squeeze3A_534 : f32 to vector<16xf32>
            %mul3A_536 = arith.constant 16 : i32
            %mul3A_537 = arith.muli %scan3A_458, %mul3A_536 : i32
            %add3A_538 = arith.constant 2 : i32
            %add3A_539 = arith.addi %mul3A_537, %add3A_538 : i32
            %get3A_540 = arith.index_cast %add3A_539 : i32 to index
            %get3A_541 = arith.constant 0 : index
            %get3A_542 = tpu.vector_load %arg7[%get3A_540, %get3A_541] {strides = array<i32>} : memref<128x64xf32, #tpu.memory_space<vmem>>, vector<16xf32>,
            %mul3A_543 = arith.mulf %get3A_542, %broadcast_in_dim3A_535 : vector<16xf32>
            %swap3A_544 = arith.index_cast %add3A_539 : i32 to index
            %swap3A_545 = arith.constant 0 : index
            %swap3A_546 = tpu.vector_load %arg7[%swap3A_544, %swap3A_545] {strides = array<i32>} : memref<128x64xf32, #tpu.memory_space<vmem>>, vector<16xf32>,
            tpu.vector_store %arg7[%swap3A_544, %swap3A_545], %mul3A_543 {strides = array<i32>} : memref<128x64xf32, #tpu.memory_space<vmem>>, vector<16xf32>,
            %get3A_547 = arith.index_cast %add3A_539 : i32 to index
            %get3A_548 = arith.constant 16 : index
            %get3A_549 = tpu.vector_load %arg7[%get3A_547, %get3A_548] {strides = array<i32>} : memref<128x64xf32, #tpu.memory_space<vmem>>, vector<16xf32>,
            %mul3A_550 = arith.mulf %get3A_549, %broadcast_in_dim3A_535 : vector<16xf32>
            %swap3A_551 = arith.index_cast %add3A_539 : i32 to index
            %swap3A_552 = arith.constant 16 : index
            %swap3A_553 = tpu.vector_load %arg7[%swap3A_551, %swap3A_552] {strides = array<i32>} : memref<128x64xf32, #tpu.memory_space<vmem>>, vector<16xf32>,
            tpu.vector_store %arg7[%swap3A_551, %swap3A_552], %mul3A_550 {strides = array<i32>} : memref<128x64xf32, #tpu.memory_space<vmem>>, vector<16xf32>,
            %get3A_554 = arith.index_cast %add3A_539 : i32 to index
            %get3A_555 = arith.constant 32 : index
            %get3A_556 = tpu.vector_load %arg7[%get3A_554, %get3A_555] {strides = array<i32>} : memref<128x64xf32, #tpu.memory_space<vmem>>, vector<16xf32>,
            %mul3A_557 = arith.mulf %get3A_556, %broadcast_in_dim3A_535 : vector<16xf32>
            %swap3A_558 = arith.index_cast %add3A_539 : i32 to index
            %swap3A_559 = arith.constant 32 : index
            %swap3A_560 = tpu.vector_load %arg7[%swap3A_558, %swap3A_559] {strides = array<i32>} : memref<128x64xf32, #tpu.memory_space<vmem>>, vector<16xf32>,
            tpu.vector_store %arg7[%swap3A_558, %swap3A_559], %mul3A_557 {strides = array<i32>} : memref<128x64xf32, #tpu.memory_space<vmem>>, vector<16xf32>,
            %get3A_561 = arith.index_cast %add3A_539 : i32 to index
            %get3A_562 = arith.constant 48 : index
            %get3A_563 = tpu.vector_load %arg7[%get3A_561, %get3A_562] {strides = array<i32>} : memref<128x64xf32, #tpu.memory_space<vmem>>, vector<16xf32>,
            %mul3A_564 = arith.mulf %get3A_563, %broadcast_in_dim3A_535 : vector<16xf32>
            %swap3A_565 = arith.index_cast %add3A_539 : i32 to index
            %swap3A_566 = arith.constant 48 : index
            %swap3A_567 = tpu.vector_load %arg7[%swap3A_565, %swap3A_566] {strides = array<i32>} : memref<128x64xf32, #tpu.memory_space<vmem>>, vector<16xf32>,
            tpu.vector_store %arg7[%swap3A_565, %swap3A_566], %mul3A_564 {strides = array<i32>} : memref<128x64xf32, #tpu.memory_space<vmem>>, vector<16xf32>,
            %slice3A_568 = vector.extract_strided_slice %get3A_465 {offsets = [3], sizes = [1], strides = [1]} : vector<16xf32> to vector<1xf32>
            %squeeze3A_569 = vector.extract %slice3A_568[0] : f32 from vector<1xf32>
            %broadcast_in_dim3A_570 = vector.broadcast %squeeze3A_569 : f32 to vector<16xf32>
            %mul3A_571 = arith.constant 16 : i32
            %mul3A_572 = arith.muli %scan3A_458, %mul3A_571 : i32
            %add3A_573 = arith.constant 3 : i32
            %add3A_574 = arith.addi %mul3A_572, %add3A_573 : i32
            %get3A_575 = arith.index_cast %add3A_574 : i32 to index
            %get3A_576 = arith.constant 0 : index
            %get3A_577 = tpu.vector_load %arg7[%get3A_575, %get3A_576] {strides = array<i32>} : memref<128x64xf32, #tpu.memory_space<vmem>>, vector<16xf32>,
            %mul3A_578 = arith.mulf %get3A_577, %broadcast_in_dim3A_570 : vector<16xf32>
            %swap3A_579 = arith.index_cast %add3A_574 : i32 to index
            %swap3A_580 = arith.constant 0 : index
            %swap3A_581 = tpu.vector_load %arg7[%swap3A_579, %swap3A_580] {strides = array<i32>} : memref<128x64xf32, #tpu.memory_space<vmem>>, vector<16xf32>,
            tpu.vector_store %arg7[%swap3A_579, %swap3A_580], %mul3A_578 {strides = array<i32>} : memref<128x64xf32, #tpu.memory_space<vmem>>, vector<16xf32>,
            %get3A_582 = arith.index_cast %add3A_574 : i32 to index
            %get3A_583 = arith.constant 16 : index
            %get3A_584 = tpu.vector_load %arg7[%get3A_582, %get3A_583] {strides = array<i32>} : memref<128x64xf32, #tpu.memory_space<vmem>>, vector<16xf32>,
            %mul3A_585 = arith.mulf %get3A_584, %broadcast_in_dim3A_570 : vector<16xf32>
            %swap3A_586 = arith.index_cast %add3A_574 : i32 to index
            %swap3A_587 = arith.constant 16 : index
            %swap3A_588 = tpu.vector_load %arg7[%swap3A_586, %swap3A_587] {strides = array<i32>} : memref<128x64xf32, #tpu.memory_space<vmem>>, vector<16xf32>,
            tpu.vector_store %arg7[%swap3A_586, %swap3A_587], %mul3A_585 {strides = array<i32>} : memref<128x64xf32, #tpu.memory_space<vmem>>, vector<16xf32>,
            %get3A_589 = arith.index_cast %add3A_574 : i32 to index
            %get3A_590 = arith.constant 32 : index
            %get3A_591 = tpu.vector_load %arg7[%get3A_589, %get3A_590] {strides = array<i32>} : memref<128x64xf32, #tpu.memory_space<vmem>>, vector<16xf32>,
            %mul3A_592 = arith.mulf %get3A_591, %broadcast_in_dim3A_570 : vector<16xf32>
            %swap3A_593 = arith.index_cast %add3A_574 : i32 to index
            %swap3A_594 = arith.constant 32 : index
            %swap3A_595 = tpu.vector_load %arg7[%swap3A_593, %swap3A_594] {strides = array<i32>} : memref<128x64xf32, #tpu.memory_space<vmem>>, vector<16xf32>,
            tpu.vector_store %arg7[%swap3A_593, %swap3A_594], %mul3A_592 {strides = array<i32>} : memref<128x64xf32, #tpu.memory_space<vmem>>, vector<16xf32>,
            %get3A_596 = arith.index_cast %add3A_574 : i32 to index
            %get3A_597 = arith.constant 48 : index
            %get3A_598 = tpu.vector_load %arg7[%get3A_596, %get3A_597] {strides = array<i32>} : memref<128x64xf32, #tpu.memory_space<vmem>>, vector<16xf32>,
            %mul3A_599 = arith.mulf %get3A_598, %broadcast_in_dim3A_570 : vector<16xf32>
            %swap3A_600 = arith.index_cast %add3A_574 : i32 to index
            %swap3A_601 = arith.constant 48 : index
            %swap3A_602 = tpu.vector_load %arg7[%swap3A_600, %swap3A_601] {strides = array<i32>} : memref<128x64xf32, #tpu.memory_space<vmem>>, vector<16xf32>,
            tpu.vector_store %arg7[%swap3A_600, %swap3A_601], %mul3A_599 {strides = array<i32>} : memref<128x64xf32, #tpu.memory_space<vmem>>, vector<16xf32>,
            %slice3A_603 = vector.extract_strided_slice %get3A_465 {offsets = [4], sizes = [1], strides = [1]} : vector<16xf32> to vector<1xf32>
            %squeeze3A_604 = vector.extract %slice3A_603[0] : f32 from vector<1xf32>
            %broadcast_in_dim3A_605 = vector.broadcast %squeeze3A_604 : f32 to vector<16xf32>
            %mul3A_606 = arith.constant 16 : i32
            %mul3A_607 = arith.muli %scan3A_458, %mul3A_606 : i32
            %add3A_608 = arith.constant 4 : i32
            %add3A_609 = arith.addi %mul3A_607, %add3A_608 : i32
            %get3A_610 = arith.index_cast %add3A_609 : i32 to index
            %get3A_611 = arith.constant 0 : index
            %get3A_612 = tpu.vector_load %arg7[%get3A_610, %get3A_611] {strides = array<i32>} : memref<128x64xf32, #tpu.memory_space<vmem>>, vector<16xf32>,
            %mul3A_613 = arith.mulf %get3A_612, %broadcast_in_dim3A_605 : vector<16xf32>
            %swap3A_614 = arith.index_cast %add3A_609 : i32 to index
            %swap3A_615 = arith.constant 0 : index
            %swap3A_616 = tpu.vector_load %arg7[%swap3A_614, %swap3A_615] {strides = array<i32>} : memref<128x64xf32, #tpu.memory_space<vmem>>, vector<16xf32>,
            tpu.vector_store %arg7[%swap3A_614, %swap3A_615], %mul3A_613 {strides = array<i32>} : memref<128x64xf32, #tpu.memory_space<vmem>>, vector<16xf32>,
            %get3A_617 = arith.index_cast %add3A_609 : i32 to index
            %get3A_618 = arith.constant 16 : index
            %get3A_619 = tpu.vector_load %arg7[%get3A_617, %get3A_618] {strides = array<i32>} : memref<128x64xf32, #tpu.memory_space<vmem>>, vector<16xf32>,
            %mul3A_620 = arith.mulf %get3A_619, %broadcast_in_dim3A_605 : vector<16xf32>
            %swap3A_621 = arith.index_cast %add3A_609 : i32 to index
            %swap3A_622 = arith.constant 16 : index
            %swap3A_623 = tpu.vector_load %arg7[%swap3A_621, %swap3A_622] {strides = array<i32>} : memref<128x64xf32, #tpu.memory_space<vmem>>, vector<16xf32>,
            tpu.vector_store %arg7[%swap3A_621, %swap3A_622], %mul3A_620 {strides = array<i32>} : memref<128x64xf32, #tpu.memory_space<vmem>>, vector<16xf32>,
            %get3A_624 = arith.index_cast %add3A_609 : i32 to index
            %get3A_625 = arith.constant 32 : index
            %get3A_626 = tpu.vector_load %arg7[%get3A_624, %get3A_625] {strides = array<i32>} : memref<128x64xf32, #tpu.memory_space<vmem>>, vector<16xf32>,
            %mul3A_627 = arith.mulf %get3A_626, %broadcast_in_dim3A_605 : vector<16xf32>
            %swap3A_628 = arith.index_cast %add3A_609 : i32 to index
            %swap3A_629 = arith.constant 32 : index
            %swap3A_630 = tpu.vector_load %arg7[%swap3A_628, %swap3A_629] {strides = array<i32>} : memref<128x64xf32, #tpu.memory_space<vmem>>, vector<16xf32>,
            tpu.vector_store %arg7[%swap3A_628, %swap3A_629], %mul3A_627 {strides = array<i32>} : memref<128x64xf32, #tpu.memory_space<vmem>>, vector<16xf32>,
            %get3A_631 = arith.index_cast %add3A_609 : i32 to index
            %get3A_632 = arith.constant 48 : index
            %get3A_633 = tpu.vector_load %arg7[%get3A_631, %get3A_632] {strides = array<i32>} : memref<128x64xf32, #tpu.memory_space<vmem>>, vector<16xf32>,
            %mul3A_634 = arith.mulf %get3A_633, %broadcast_in_dim3A_605 : vector<16xf32>
            %swap3A_635 = arith.index_cast %add3A_609 : i32 to index
            %swap3A_636 = arith.constant 48 : index
            %swap3A_637 = tpu.vector_load %arg7[%swap3A_635, %swap3A_636] {strides = array<i32>} : memref<128x64xf32, #tpu.memory_space<vmem>>, vector<16xf32>,
            tpu.vector_store %arg7[%swap3A_635, %swap3A_636], %mul3A_634 {strides = array<i32>} : memref<128x64xf32, #tpu.memory_space<vmem>>, vector<16xf32>,
            %slice3A_638 = vector.extract_strided_slice %get3A_465 {offsets = [5], sizes = [1], strides = [1]} : vector<16xf32> to vector<1xf32>
            %squeeze3A_639 = vector.extract %slice3A_638[0] : f32 from vector<1xf32>
            %broadcast_in_dim3A_640 = vector.broadcast %squeeze3A_639 : f32 to vector<16xf32>
            %mul3A_641 = arith.constant 16 : i32
            %mul3A_642 = arith.muli %scan3A_458, %mul3A_641 : i32
            %add3A_643 = arith.constant 5 : i32
            %add3A_644 = arith.addi %mul3A_642, %add3A_643 : i32
            %get3A_645 = arith.index_cast %add3A_644 : i32 to index
            %get3A_646 = arith.constant 0 : index
            %get3A_647 = tpu.vector_load %arg7[%get3A_645, %get3A_646] {strides = array<i32>} : memref<128x64xf32, #tpu.memory_space<vmem>>, vector<16xf32>,
            %mul3A_648 = arith.mulf %get3A_647, %broadcast_in_dim3A_640 : vector<16xf32>
            %swap3A_649 = arith.index_cast %add3A_644 : i32 to index
            %swap3A_650 = arith.constant 0 : index
            %swap3A_651 = tpu.vector_load %arg7[%swap3A_649, %swap3A_650] {strides = array<i32>} : memref<128x64xf32, #tpu.memory_space<vmem>>, vector<16xf32>,
            tpu.vector_store %arg7[%swap3A_649, %swap3A_650], %mul3A_648 {strides = array<i32>} : memref<128x64xf32, #tpu.memory_space<vmem>>, vector<16xf32>,
            %get3A_652 = arith.index_cast %add3A_644 : i32 to index
            %get3A_653 = arith.constant 16 : index
            %get3A_654 = tpu.vector_load %arg7[%get3A_652, %get3A_653] {strides = array<i32>} : memref<128x64xf32, #tpu.memory_space<vmem>>, vector<16xf32>,
            %mul3A_655 = arith.mulf %get3A_654, %broadcast_in_dim3A_640 : vector<16xf32>
            %swap3A_656 = arith.index_cast %add3A_644 : i32 to index
            %swap3A_657 = arith.constant 16 : index
            %swap3A_658 = tpu.vector_load %arg7[%swap3A_656, %swap3A_657] {strides = array<i32>} : memref<128x64xf32, #tpu.memory_space<vmem>>, vector<16xf32>,
            tpu.vector_store %arg7[%swap3A_656, %swap3A_657], %mul3A_655 {strides = array<i32>} : memref<128x64xf32, #tpu.memory_space<vmem>>, vector<16xf32>,
            %get3A_659 = arith.index_cast %add3A_644 : i32 to index
            %get3A_660 = arith.constant 32 : index
            %get3A_661 = tpu.vector_load %arg7[%get3A_659, %get3A_660] {strides = array<i32>} : memref<128x64xf32, #tpu.memory_space<vmem>>, vector<16xf32>,
            %mul3A_662 = arith.mulf %get3A_661, %broadcast_in_dim3A_640 : vector<16xf32>
            %swap3A_663 = arith.index_cast %add3A_644 : i32 to index
            %swap3A_664 = arith.constant 32 : index
            %swap3A_665 = tpu.vector_load %arg7[%swap3A_663, %swap3A_664] {strides = array<i32>} : memref<128x64xf32, #tpu.memory_space<vmem>>, vector<16xf32>,
            tpu.vector_store %arg7[%swap3A_663, %swap3A_664], %mul3A_662 {strides = array<i32>} : memref<128x64xf32, #tpu.memory_space<vmem>>, vector<16xf32>,
            %get3A_666 = arith.index_cast %add3A_644 : i32 to index
            %get3A_667 = arith.constant 48 : index
            %get3A_668 = tpu.vector_load %arg7[%get3A_666, %get3A_667] {strides = array<i32>} : memref<128x64xf32, #tpu.memory_space<vmem>>, vector<16xf32>,
            %mul3A_669 = arith.mulf %get3A_668, %broadcast_in_dim3A_640 : vector<16xf32>
            %swap3A_670 = arith.index_cast %add3A_644 : i32 to index
            %swap3A_671 = arith.constant 48 : index
            %swap3A_672 = tpu.vector_load %arg7[%swap3A_670, %swap3A_671] {strides = array<i32>} : memref<128x64xf32, #tpu.memory_space<vmem>>, vector<16xf32>,
            tpu.vector_store %arg7[%swap3A_670, %swap3A_671], %mul3A_669 {strides = array<i32>} : memref<128x64xf32, #tpu.memory_space<vmem>>, vector<16xf32>,
            %slice3A_673 = vector.extract_strided_slice %get3A_465 {offsets = [6], sizes = [1], strides = [1]} : vector<16xf32> to vector<1xf32>
            %squeeze3A_674 = vector.extract %slice3A_673[0] : f32 from vector<1xf32>
            %broadcast_in_dim3A_675 = vector.broadcast %squeeze3A_674 : f32 to vector<16xf32>
            %mul3A_676 = arith.constant 16 : i32
            %mul3A_677 = arith.muli %scan3A_458, %mul3A_676 : i32
            %add3A_678 = arith.constant 6 : i32
            %add3A_679 = arith.addi %mul3A_677, %add3A_678 : i32
            %get3A_680 = arith.index_cast %add3A_679 : i32 to index
            %get3A_681 = arith.constant 0 : index
            %get3A_682 = tpu.vector_load %arg7[%get3A_680, %get3A_681] {strides = array<i32>} : memref<128x64xf32, #tpu.memory_space<vmem>>, vector<16xf32>,
            %mul3A_683 = arith.mulf %get3A_682, %broadcast_in_dim3A_675 : vector<16xf32>
            %swap3A_684 = arith.index_cast %add3A_679 : i32 to index
            %swap3A_685 = arith.constant 0 : index
            %swap3A_686 = tpu.vector_load %arg7[%swap3A_684, %swap3A_685] {strides = array<i32>} : memref<128x64xf32, #tpu.memory_space<vmem>>, vector<16xf32>,
            tpu.vector_store %arg7[%swap3A_684, %swap3A_685], %mul3A_683 {strides = array<i32>} : memref<128x64xf32, #tpu.memory_space<vmem>>, vector<16xf32>,
            %get3A_687 = arith.index_cast %add3A_679 : i32 to index
            %get3A_688 = arith.constant 16 : index
            %get3A_689 = tpu.vector_load %arg7[%get3A_687, %get3A_688] {strides = array<i32>} : memref<128x64xf32, #tpu.memory_space<vmem>>, vector<16xf32>,
            %mul3A_690 = arith.mulf %get3A_689, %broadcast_in_dim3A_675 : vector<16xf32>
            %swap3A_691 = arith.index_cast %add3A_679 : i32 to index
            %swap3A_692 = arith.constant 16 : index
            %swap3A_693 = tpu.vector_load %arg7[%swap3A_691, %swap3A_692] {strides = array<i32>} : memref<128x64xf32, #tpu.memory_space<vmem>>, vector<16xf32>,
            tpu.vector_store %arg7[%swap3A_691, %swap3A_692], %mul3A_690 {strides = array<i32>} : memref<128x64xf32, #tpu.memory_space<vmem>>, vector<16xf32>,
            %get3A_694 = arith.index_cast %add3A_679 : i32 to index
            %get3A_695 = arith.constant 32 : index
            %get3A_696 = tpu.vector_load %arg7[%get3A_694, %get3A_695] {strides = array<i32>} : memref<128x64xf32, #tpu.memory_space<vmem>>, vector<16xf32>,
            %mul3A_697 = arith.mulf %get3A_696, %broadcast_in_dim3A_675 : vector<16xf32>
            %swap3A_698 = arith.index_cast %add3A_679 : i32 to index
            %swap3A_699 = arith.constant 32 : index
            %swap3A_700 = tpu.vector_load %arg7[%swap3A_698, %swap3A_699] {strides = array<i32>} : memref<128x64xf32, #tpu.memory_space<vmem>>, vector<16xf32>,
            tpu.vector_store %arg7[%swap3A_698, %swap3A_699], %mul3A_697 {strides = array<i32>} : memref<128x64xf32, #tpu.memory_space<vmem>>, vector<16xf32>,
            %get3A_701 = arith.index_cast %add3A_679 : i32 to index
            %get3A_702 = arith.constant 48 : index
            %get3A_703 = tpu.vector_load %arg7[%get3A_701, %get3A_702] {strides = array<i32>} : memref<128x64xf32, #tpu.memory_space<vmem>>, vector<16xf32>,
            %mul3A_704 = arith.mulf %get3A_703, %broadcast_in_dim3A_675 : vector<16xf32>
            %swap3A_705 = arith.index_cast %add3A_679 : i32 to index
            %swap3A_706 = arith.constant 48 : index
            %swap3A_707 = tpu.vector_load %arg7[%swap3A_705, %swap3A_706] {strides = array<i32>} : memref<128x64xf32, #tpu.memory_space<vmem>>, vector<16xf32>,
            tpu.vector_store %arg7[%swap3A_705, %swap3A_706], %mul3A_704 {strides = array<i32>} : memref<128x64xf32, #tpu.memory_space<vmem>>, vector<16xf32>,
            %slice3A_708 = vector.extract_strided_slice %get3A_465 {offsets = [7], sizes = [1], strides = [1]} : vector<16xf32> to vector<1xf32>
            %squeeze3A_709 = vector.extract %slice3A_708[0] : f32 from vector<1xf32>
            %broadcast_in_dim3A_710 = vector.broadcast %squeeze3A_709 : f32 to vector<16xf32>
            %mul3A_711 = arith.constant 16 : i32
            %mul3A_712 = arith.muli %scan3A_458, %mul3A_711 : i32
            %add3A_713 = arith.constant 7 : i32
            %add3A_714 = arith.addi %mul3A_712, %add3A_713 : i32
            %get3A_715 = arith.index_cast %add3A_714 : i32 to index
            %get3A_716 = arith.constant 0 : index
            %get3A_717 = tpu.vector_load %arg7[%get3A_715, %get3A_716] {strides = array<i32>} : memref<128x64xf32, #tpu.memory_space<vmem>>, vector<16xf32>,
            %mul3A_718 = arith.mulf %get3A_717, %broadcast_in_dim3A_710 : vector<16xf32>
            %swap3A_719 = arith.index_cast %add3A_714 : i32 to index
            %swap3A_720 = arith.constant 0 : index
            %swap3A_721 = tpu.vector_load %arg7[%swap3A_719, %swap3A_720] {strides = array<i32>} : memref<128x64xf32, #tpu.memory_space<vmem>>, vector<16xf32>,
            tpu.vector_store %arg7[%swap3A_719, %swap3A_720], %mul3A_718 {strides = array<i32>} : memref<128x64xf32, #tpu.memory_space<vmem>>, vector<16xf32>,
            %get3A_722 = arith.index_cast %add3A_714 : i32 to index
            %get3A_723 = arith.constant 16 : index
            %get3A_724 = tpu.vector_load %arg7[%get3A_722, %get3A_723] {strides = array<i32>} : memref<128x64xf32, #tpu.memory_space<vmem>>, vector<16xf32>,
            %mul3A_725 = arith.mulf %get3A_724, %broadcast_in_dim3A_710 : vector<16xf32>
            %swap3A_726 = arith.index_cast %add3A_714 : i32 to index
            %swap3A_727 = arith.constant 16 : index
            %swap3A_728 = tpu.vector_load %arg7[%swap3A_726, %swap3A_727] {strides = array<i32>} : memref<128x64xf32, #tpu.memory_space<vmem>>, vector<16xf32>,
            tpu.vector_store %arg7[%swap3A_726, %swap3A_727], %mul3A_725 {strides = array<i32>} : memref<128x64xf32, #tpu.memory_space<vmem>>, vector<16xf32>,
            %get3A_729 = arith.index_cast %add3A_714 : i32 to index
            %get3A_730 = arith.constant 32 : index
            %get3A_731 = tpu.vector_load %arg7[%get3A_729, %get3A_730] {strides = array<i32>} : memref<128x64xf32, #tpu.memory_space<vmem>>, vector<16xf32>,
            %mul3A_732 = arith.mulf %get3A_731, %broadcast_in_dim3A_710 : vector<16xf32>
            %swap3A_733 = arith.index_cast %add3A_714 : i32 to index
            %swap3A_734 = arith.constant 32 : index
            %swap3A_735 = tpu.vector_load %arg7[%swap3A_733, %swap3A_734] {strides = array<i32>} : memref<128x64xf32, #tpu.memory_space<vmem>>, vector<16xf32>,
            tpu.vector_store %arg7[%swap3A_733, %swap3A_734], %mul3A_732 {strides = array<i32>} : memref<128x64xf32, #tpu.memory_space<vmem>>, vector<16xf32>,
            %get3A_736 = arith.index_cast %add3A_714 : i32 to index
            %get3A_737 = arith.constant 48 : index
            %get3A_738 = tpu.vector_load %arg7[%get3A_736, %get3A_737] {strides = array<i32>} : memref<128x64xf32, #tpu.memory_space<vmem>>, vector<16xf32>,
            %mul3A_739 = arith.mulf %get3A_738, %broadcast_in_dim3A_710 : vector<16xf32>
            %swap3A_740 = arith.index_cast %add3A_714 : i32 to index
            %swap3A_741 = arith.constant 48 : index
            %swap3A_742 = tpu.vector_load %arg7[%swap3A_740, %swap3A_741] {strides = array<i32>} : memref<128x64xf32, #tpu.memory_space<vmem>>, vector<16xf32>,
            tpu.vector_store %arg7[%swap3A_740, %swap3A_741], %mul3A_739 {strides = array<i32>} : memref<128x64xf32, #tpu.memory_space<vmem>>, vector<16xf32>,
            %slice3A_743 = vector.extract_strided_slice %get3A_465 {offsets = [8], sizes = [1], strides = [1]} : vector<16xf32> to vector<1xf32>
            %squeeze3A_744 = vector.extract %slice3A_743[0] : f32 from vector<1xf32>
            %broadcast_in_dim3A_745 = vector.broadcast %squeeze3A_744 : f32 to vector<16xf32>
            %mul3A_746 = arith.constant 16 : i32
            %mul3A_747 = arith.muli %scan3A_458, %mul3A_746 : i32
            %add3A_748 = arith.constant 8 : i32
            %add3A_749 = arith.addi %mul3A_747, %add3A_748 : i32
            %get3A_750 = arith.index_cast %add3A_749 : i32 to index
            %get3A_751 = arith.constant 0 : index
            %get3A_752 = tpu.vector_load %arg7[%get3A_750, %get3A_751] {strides = array<i32>} : memref<128x64xf32, #tpu.memory_space<vmem>>, vector<16xf32>,
            %mul3A_753 = arith.mulf %get3A_752, %broadcast_in_dim3A_745 : vector<16xf32>
            %swap3A_754 = arith.index_cast %add3A_749 : i32 to index
            %swap3A_755 = arith.constant 0 : index
            %swap3A_756 = tpu.vector_load %arg7[%swap3A_754, %swap3A_755] {strides = array<i32>} : memref<128x64xf32, #tpu.memory_space<vmem>>, vector<16xf32>,
            tpu.vector_store %arg7[%swap3A_754, %swap3A_755], %mul3A_753 {strides = array<i32>} : memref<128x64xf32, #tpu.memory_space<vmem>>, vector<16xf32>,
            %get3A_757 = arith.index_cast %add3A_749 : i32 to index
            %get3A_758 = arith.constant 16 : index
            %get3A_759 = tpu.vector_load %arg7[%get3A_757, %get3A_758] {strides = array<i32>} : memref<128x64xf32, #tpu.memory_space<vmem>>, vector<16xf32>,
            %mul3A_760 = arith.mulf %get3A_759, %broadcast_in_dim3A_745 : vector<16xf32>
            %swap3A_761 = arith.index_cast %add3A_749 : i32 to index
            %swap3A_762 = arith.constant 16 : index
            %swap3A_763 = tpu.vector_load %arg7[%swap3A_761, %swap3A_762] {strides = array<i32>} : memref<128x64xf32, #tpu.memory_space<vmem>>, vector<16xf32>,
            tpu.vector_store %arg7[%swap3A_761, %swap3A_762], %mul3A_760 {strides = array<i32>} : memref<128x64xf32, #tpu.memory_space<vmem>>, vector<16xf32>,
            %get3A_764 = arith.index_cast %add3A_749 : i32 to index
            %get3A_765 = arith.constant 32 : index
            %get3A_766 = tpu.vector_load %arg7[%get3A_764, %get3A_765] {strides = array<i32>} : memref<128x64xf32, #tpu.memory_space<vmem>>, vector<16xf32>,
            %mul3A_767 = arith.mulf %get3A_766, %broadcast_in_dim3A_745 : vector<16xf32>
            %swap3A_768 = arith.index_cast %add3A_749 : i32 to index
            %swap3A_769 = arith.constant 32 : index
            %swap3A_770 = tpu.vector_load %arg7[%swap3A_768, %swap3A_769] {strides = array<i32>} : memref<128x64xf32, #tpu.memory_space<vmem>>, vector<16xf32>,
            tpu.vector_store %arg7[%swap3A_768, %swap3A_769], %mul3A_767 {strides = array<i32>} : memref<128x64xf32, #tpu.memory_space<vmem>>, vector<16xf32>,
            %get3A_771 = arith.index_cast %add3A_749 : i32 to index
            %get3A_772 = arith.constant 48 : index
            %get3A_773 = tpu.vector_load %arg7[%get3A_771, %get3A_772] {strides = array<i32>} : memref<128x64xf32, #tpu.memory_space<vmem>>, vector<16xf32>,
            %mul3A_774 = arith.mulf %get3A_773, %broadcast_in_dim3A_745 : vector<16xf32>
            %swap3A_775 = arith.index_cast %add3A_749 : i32 to index
            %swap3A_776 = arith.constant 48 : index
            %swap3A_777 = tpu.vector_load %arg7[%swap3A_775, %swap3A_776] {strides = array<i32>} : memref<128x64xf32, #tpu.memory_space<vmem>>, vector<16xf32>,
            tpu.vector_store %arg7[%swap3A_775, %swap3A_776], %mul3A_774 {strides = array<i32>} : memref<128x64xf32, #tpu.memory_space<vmem>>, vector<16xf32>,
            %slice3A_778 = vector.extract_strided_slice %get3A_465 {offsets = [9], sizes = [1], strides = [1]} : vector<16xf32> to vector<1xf32>
            %squeeze3A_779 = vector.extract %slice3A_778[0] : f32 from vector<1xf32>
            %broadcast_in_dim3A_780 = vector.broadcast %squeeze3A_779 : f32 to vector<16xf32>
            %mul3A_781 = arith.constant 16 : i32
            %mul3A_782 = arith.muli %scan3A_458, %mul3A_781 : i32
            %add3A_783 = arith.constant 9 : i32
            %add3A_784 = arith.addi %mul3A_782, %add3A_783 : i32
            %get3A_785 = arith.index_cast %add3A_784 : i32 to index
            %get3A_786 = arith.constant 0 : index
            %get3A_787 = tpu.vector_load %arg7[%get3A_785, %get3A_786] {strides = array<i32>} : memref<128x64xf32, #tpu.memory_space<vmem>>, vector<16xf32>,
            %mul3A_788 = arith.mulf %get3A_787, %broadcast_in_dim3A_780 : vector<16xf32>
            %swap3A_789 = arith.index_cast %add3A_784 : i32 to index
            %swap3A_790 = arith.constant 0 : index
            %swap3A_791 = tpu.vector_load %arg7[%swap3A_789, %swap3A_790] {strides = array<i32>} : memref<128x64xf32, #tpu.memory_space<vmem>>, vector<16xf32>,
            tpu.vector_store %arg7[%swap3A_789, %swap3A_790], %mul3A_788 {strides = array<i32>} : memref<128x64xf32, #tpu.memory_space<vmem>>, vector<16xf32>,
            %get3A_792 = arith.index_cast %add3A_784 : i32 to index
            %get3A_793 = arith.constant 16 : index
            %get3A_794 = tpu.vector_load %arg7[%get3A_792, %get3A_793] {strides = array<i32>} : memref<128x64xf32, #tpu.memory_space<vmem>>, vector<16xf32>,
            %mul3A_795 = arith.mulf %get3A_794, %broadcast_in_dim3A_780 : vector<16xf32>
            %swap3A_796 = arith.index_cast %add3A_784 : i32 to index
            %swap3A_797 = arith.constant 16 : index
            %swap3A_798 = tpu.vector_load %arg7[%swap3A_796, %swap3A_797] {strides = array<i32>} : memref<128x64xf32, #tpu.memory_space<vmem>>, vector<16xf32>,
            tpu.vector_store %arg7[%swap3A_796, %swap3A_797], %mul3A_795 {strides = array<i32>} : memref<128x64xf32, #tpu.memory_space<vmem>>, vector<16xf32>,
            %get3A_799 = arith.index_cast %add3A_784 : i32 to index
            %get3A_800 = arith.constant 32 : index
            %get3A_801 = tpu.vector_load %arg7[%get3A_799, %get3A_800] {strides = array<i32>} : memref<128x64xf32, #tpu.memory_space<vmem>>, vector<16xf32>,
            %mul3A_802 = arith.mulf %get3A_801, %broadcast_in_dim3A_780 : vector<16xf32>
            %swap3A_803 = arith.index_cast %add3A_784 : i32 to index
            %swap3A_804 = arith.constant 32 : index
            %swap3A_805 = tpu.vector_load %arg7[%swap3A_803, %swap3A_804] {strides = array<i32>} : memref<128x64xf32, #tpu.memory_space<vmem>>, vector<16xf32>,
            tpu.vector_store %arg7[%swap3A_803, %swap3A_804], %mul3A_802 {strides = array<i32>} : memref<128x64xf32, #tpu.memory_space<vmem>>, vector<16xf32>,
            %get3A_806 = arith.index_cast %add3A_784 : i32 to index
            %get3A_807 = arith.constant 48 : index
            %get3A_808 = tpu.vector_load %arg7[%get3A_806, %get3A_807] {strides = array<i32>} : memref<128x64xf32, #tpu.memory_space<vmem>>, vector<16xf32>,
            %mul3A_809 = arith.mulf %get3A_808, %broadcast_in_dim3A_780 : vector<16xf32>
            %swap3A_810 = arith.index_cast %add3A_784 : i32 to index
            %swap3A_811 = arith.constant 48 : index
            %swap3A_812 = tpu.vector_load %arg7[%swap3A_810, %swap3A_811] {strides = array<i32>} : memref<128x64xf32, #tpu.memory_space<vmem>>, vector<16xf32>,
            tpu.vector_store %arg7[%swap3A_810, %swap3A_811], %mul3A_809 {strides = array<i32>} : memref<128x64xf32, #tpu.memory_space<vmem>>, vector<16xf32>,
            %slice3A_813 = vector.extract_strided_slice %get3A_465 {offsets = [10], sizes = [1], strides = [1]} : vector<16xf32> to vector<1xf32>
            %squeeze3A_814 = vector.extract %slice3A_813[0] : f32 from vector<1xf32>
            %broadcast_in_dim3A_815 = vector.broadcast %squeeze3A_814 : f32 to vector<16xf32>
            %mul3A_816 = arith.constant 16 : i32
            %mul3A_817 = arith.muli %scan3A_458, %mul3A_816 : i32
            %add3A_818 = arith.constant 10 : i32
            %add3A_819 = arith.addi %mul3A_817, %add3A_818 : i32
            %get3A_820 = arith.index_cast %add3A_819 : i32 to index
            %get3A_821 = arith.constant 0 : index
            %get3A_822 = tpu.vector_load %arg7[%get3A_820, %get3A_821] {strides = array<i32>} : memref<128x64xf32, #tpu.memory_space<vmem>>, vector<16xf32>,
            %mul3A_823 = arith.mulf %get3A_822, %broadcast_in_dim3A_815 : vector<16xf32>
            %swap3A_824 = arith.index_cast %add3A_819 : i32 to index
            %swap3A_825 = arith.constant 0 : index
            %swap3A_826 = tpu.vector_load %arg7[%swap3A_824, %swap3A_825] {strides = array<i32>} : memref<128x64xf32, #tpu.memory_space<vmem>>, vector<16xf32>,
            tpu.vector_store %arg7[%swap3A_824, %swap3A_825], %mul3A_823 {strides = array<i32>} : memref<128x64xf32, #tpu.memory_space<vmem>>, vector<16xf32>,
            %get3A_827 = arith.index_cast %add3A_819 : i32 to index
            %get3A_828 = arith.constant 16 : index
            %get3A_829 = tpu.vector_load %arg7[%get3A_827, %get3A_828] {strides = array<i32>} : memref<128x64xf32, #tpu.memory_space<vmem>>, vector<16xf32>,
            %mul3A_830 = arith.mulf %get3A_829, %broadcast_in_dim3A_815 : vector<16xf32>
            %swap3A_831 = arith.index_cast %add3A_819 : i32 to index
            %swap3A_832 = arith.constant 16 : index
            %swap3A_833 = tpu.vector_load %arg7[%swap3A_831, %swap3A_832] {strides = array<i32>} : memref<128x64xf32, #tpu.memory_space<vmem>>, vector<16xf32>,
            tpu.vector_store %arg7[%swap3A_831, %swap3A_832], %mul3A_830 {strides = array<i32>} : memref<128x64xf32, #tpu.memory_space<vmem>>, vector<16xf32>,
            %get3A_834 = arith.index_cast %add3A_819 : i32 to index
            %get3A_835 = arith.constant 32 : index
            %get3A_836 = tpu.vector_load %arg7[%get3A_834, %get3A_835] {strides = array<i32>} : memref<128x64xf32, #tpu.memory_space<vmem>>, vector<16xf32>,
            %mul3A_837 = arith.mulf %get3A_836, %broadcast_in_dim3A_815 : vector<16xf32>
            %swap3A_838 = arith.index_cast %add3A_819 : i32 to index
            %swap3A_839 = arith.constant 32 : index
            %swap3A_840 = tpu.vector_load %arg7[%swap3A_838, %swap3A_839] {strides = array<i32>} : memref<128x64xf32, #tpu.memory_space<vmem>>, vector<16xf32>,
            tpu.vector_store %arg7[%swap3A_838, %swap3A_839], %mul3A_837 {strides = array<i32>} : memref<128x64xf32, #tpu.memory_space<vmem>>, vector<16xf32>,
            %get3A_841 = arith.index_cast %add3A_819 : i32 to index
            %get3A_842 = arith.constant 48 : index
            %get3A_843 = tpu.vector_load %arg7[%get3A_841, %get3A_842] {strides = array<i32>} : memref<128x64xf32, #tpu.memory_space<vmem>>, vector<16xf32>,
            %mul3A_844 = arith.mulf %get3A_843, %broadcast_in_dim3A_815 : vector<16xf32>
            %swap3A_845 = arith.index_cast %add3A_819 : i32 to index
            %swap3A_846 = arith.constant 48 : index
            %swap3A_847 = tpu.vector_load %arg7[%swap3A_845, %swap3A_846] {strides = array<i32>} : memref<128x64xf32, #tpu.memory_space<vmem>>, vector<16xf32>,
            tpu.vector_store %arg7[%swap3A_845, %swap3A_846], %mul3A_844 {strides = array<i32>} : memref<128x64xf32, #tpu.memory_space<vmem>>, vector<16xf32>,
            %slice3A_848 = vector.extract_strided_slice %get3A_465 {offsets = [11], sizes = [1], strides = [1]} : vector<16xf32> to vector<1xf32>
            %squeeze3A_849 = vector.extract %slice3A_848[0] : f32 from vector<1xf32>
            %broadcast_in_dim3A_850 = vector.broadcast %squeeze3A_849 : f32 to vector<16xf32>
            %mul3A_851 = arith.constant 16 : i32
            %mul3A_852 = arith.muli %scan3A_458, %mul3A_851 : i32
            %add3A_853 = arith.constant 11 : i32
            %add3A_854 = arith.addi %mul3A_852, %add3A_853 : i32
            %get3A_855 = arith.index_cast %add3A_854 : i32 to index
            %get3A_856 = arith.constant 0 : index
            %get3A_857 = tpu.vector_load %arg7[%get3A_855, %get3A_856] {strides = array<i32>} : memref<128x64xf32, #tpu.memory_space<vmem>>, vector<16xf32>,
            %mul3A_858 = arith.mulf %get3A_857, %broadcast_in_dim3A_850 : vector<16xf32>
            %swap3A_859 = arith.index_cast %add3A_854 : i32 to index
            %swap3A_860 = arith.constant 0 : index
            %swap3A_861 = tpu.vector_load %arg7[%swap3A_859, %swap3A_860] {strides = array<i32>} : memref<128x64xf32, #tpu.memory_space<vmem>>, vector<16xf32>,
            tpu.vector_store %arg7[%swap3A_859, %swap3A_860], %mul3A_858 {strides = array<i32>} : memref<128x64xf32, #tpu.memory_space<vmem>>, vector<16xf32>,
            %get3A_862 = arith.index_cast %add3A_854 : i32 to index
            %get3A_863 = arith.constant 16 : index
            %get3A_864 = tpu.vector_load %arg7[%get3A_862, %get3A_863] {strides = array<i32>} : memref<128x64xf32, #tpu.memory_space<vmem>>, vector<16xf32>,
            %mul3A_865 = arith.mulf %get3A_864, %broadcast_in_dim3A_850 : vector<16xf32>
            %swap3A_866 = arith.index_cast %add3A_854 : i32 to index
            %swap3A_867 = arith.constant 16 : index
            %swap3A_868 = tpu.vector_load %arg7[%swap3A_866, %swap3A_867] {strides = array<i32>} : memref<128x64xf32, #tpu.memory_space<vmem>>, vector<16xf32>,
            tpu.vector_store %arg7[%swap3A_866, %swap3A_867], %mul3A_865 {strides = array<i32>} : memref<128x64xf32, #tpu.memory_space<vmem>>, vector<16xf32>,
            %get3A_869 = arith.index_cast %add3A_854 : i32 to index
            %get3A_870 = arith.constant 32 : index
            %get3A_871 = tpu.vector_load %arg7[%get3A_869, %get3A_870] {strides = array<i32>} : memref<128x64xf32, #tpu.memory_space<vmem>>, vector<16xf32>,
            %mul3A_872 = arith.mulf %get3A_871, %broadcast_in_dim3A_850 : vector<16xf32>
            %swap3A_873 = arith.index_cast %add3A_854 : i32 to index
            %swap3A_874 = arith.constant 32 : index
            %swap3A_875 = tpu.vector_load %arg7[%swap3A_873, %swap3A_874] {strides = array<i32>} : memref<128x64xf32, #tpu.memory_space<vmem>>, vector<16xf32>,
            tpu.vector_store %arg7[%swap3A_873, %swap3A_874], %mul3A_872 {strides = array<i32>} : memref<128x64xf32, #tpu.memory_space<vmem>>, vector<16xf32>,
            %get3A_876 = arith.index_cast %add3A_854 : i32 to index
            %get3A_877 = arith.constant 48 : index
            %get3A_878 = tpu.vector_load %arg7[%get3A_876, %get3A_877] {strides = array<i32>} : memref<128x64xf32, #tpu.memory_space<vmem>>, vector<16xf32>,
            %mul3A_879 = arith.mulf %get3A_878, %broadcast_in_dim3A_850 : vector<16xf32>
            %swap3A_880 = arith.index_cast %add3A_854 : i32 to index
            %swap3A_881 = arith.constant 48 : index
            %swap3A_882 = tpu.vector_load %arg7[%swap3A_880, %swap3A_881] {strides = array<i32>} : memref<128x64xf32, #tpu.memory_space<vmem>>, vector<16xf32>,
            tpu.vector_store %arg7[%swap3A_880, %swap3A_881], %mul3A_879 {strides = array<i32>} : memref<128x64xf32, #tpu.memory_space<vmem>>, vector<16xf32>,
            %slice3A_883 = vector.extract_strided_slice %get3A_465 {offsets = [12], sizes = [1], strides = [1]} : vector<16xf32> to vector<1xf32>
            %squeeze3A_884 = vector.extract %slice3A_883[0] : f32 from vector<1xf32>
            %broadcast_in_dim3A_885 = vector.broadcast %squeeze3A_884 : f32 to vector<16xf32>
            %mul3A_886 = arith.constant 16 : i32
            %mul3A_887 = arith.muli %scan3A_458, %mul3A_886 : i32
            %add3A_888 = arith.constant 12 : i32
            %add3A_889 = arith.addi %mul3A_887, %add3A_888 : i32
            %get3A_890 = arith.index_cast %add3A_889 : i32 to index
            %get3A_891 = arith.constant 0 : index
            %get3A_892 = tpu.vector_load %arg7[%get3A_890, %get3A_891] {strides = array<i32>} : memref<128x64xf32, #tpu.memory_space<vmem>>, vector<16xf32>,
            %mul3A_893 = arith.mulf %get3A_892, %broadcast_in_dim3A_885 : vector<16xf32>
            %swap3A_894 = arith.index_cast %add3A_889 : i32 to index
            %swap3A_895 = arith.constant 0 : index
            %swap3A_896 = tpu.vector_load %arg7[%swap3A_894, %swap3A_895] {strides = array<i32>} : memref<128x64xf32, #tpu.memory_space<vmem>>, vector<16xf32>,
            tpu.vector_store %arg7[%swap3A_894, %swap3A_895], %mul3A_893 {strides = array<i32>} : memref<128x64xf32, #tpu.memory_space<vmem>>, vector<16xf32>,
            %get3A_897 = arith.index_cast %add3A_889 : i32 to index
            %get3A_898 = arith.constant 16 : index
            %get3A_899 = tpu.vector_load %arg7[%get3A_897, %get3A_898] {strides = array<i32>} : memref<128x64xf32, #tpu.memory_space<vmem>>, vector<16xf32>,
            %mul3A_900 = arith.mulf %get3A_899, %broadcast_in_dim3A_885 : vector<16xf32>
            %swap3A_901 = arith.index_cast %add3A_889 : i32 to index
            %swap3A_902 = arith.constant 16 : index
            %swap3A_903 = tpu.vector_load %arg7[%swap3A_901, %swap3A_902] {strides = array<i32>} : memref<128x64xf32, #tpu.memory_space<vmem>>, vector<16xf32>,
            tpu.vector_store %arg7[%swap3A_901, %swap3A_902], %mul3A_900 {strides = array<i32>} : memref<128x64xf32, #tpu.memory_space<vmem>>, vector<16xf32>,
            %get3A_904 = arith.index_cast %add3A_889 : i32 to index
            %get3A_905 = arith.constant 32 : index
            %get3A_906 = tpu.vector_load %arg7[%get3A_904, %get3A_905] {strides = array<i32>} : memref<128x64xf32, #tpu.memory_space<vmem>>, vector<16xf32>,
            %mul3A_907 = arith.mulf %get3A_906, %broadcast_in_dim3A_885 : vector<16xf32>
            %swap3A_908 = arith.index_cast %add3A_889 : i32 to index
            %swap3A_909 = arith.constant 32 : index
            %swap3A_910 = tpu.vector_load %arg7[%swap3A_908, %swap3A_909] {strides = array<i32>} : memref<128x64xf32, #tpu.memory_space<vmem>>, vector<16xf32>,
            tpu.vector_store %arg7[%swap3A_908, %swap3A_909], %mul3A_907 {strides = array<i32>} : memref<128x64xf32, #tpu.memory_space<vmem>>, vector<16xf32>,
            %get3A_911 = arith.index_cast %add3A_889 : i32 to index
            %get3A_912 = arith.constant 48 : index
            %get3A_913 = tpu.vector_load %arg7[%get3A_911, %get3A_912] {strides = array<i32>} : memref<128x64xf32, #tpu.memory_space<vmem>>, vector<16xf32>,
            %mul3A_914 = arith.mulf %get3A_913, %broadcast_in_dim3A_885 : vector<16xf32>
            %swap3A_915 = arith.index_cast %add3A_889 : i32 to index
            %swap3A_916 = arith.constant 48 : index
            %swap3A_917 = tpu.vector_load %arg7[%swap3A_915, %swap3A_916] {strides = array<i32>} : memref<128x64xf32, #tpu.memory_space<vmem>>, vector<16xf32>,
            tpu.vector_store %arg7[%swap3A_915, %swap3A_916], %mul3A_914 {strides = array<i32>} : memref<128x64xf32, #tpu.memory_space<vmem>>, vector<16xf32>,
            %slice3A_918 = vector.extract_strided_slice %get3A_465 {offsets = [13], sizes = [1], strides = [1]} : vector<16xf32> to vector<1xf32>
            %squeeze3A_919 = vector.extract %slice3A_918[0] : f32 from vector<1xf32>
            %broadcast_in_dim3A_920 = vector.broadcast %squeeze3A_919 : f32 to vector<16xf32>
            %mul3A_921 = arith.constant 16 : i32
            %mul3A_922 = arith.muli %scan3A_458, %mul3A_921 : i32
            %add3A_923 = arith.constant 13 : i32
            %add3A_924 = arith.addi %mul3A_922, %add3A_923 : i32
            %get3A_925 = arith.index_cast %add3A_924 : i32 to index
            %get3A_926 = arith.constant 0 : index
            %get3A_927 = tpu.vector_load %arg7[%get3A_925, %get3A_926] {strides = array<i32>} : memref<128x64xf32, #tpu.memory_space<vmem>>, vector<16xf32>,
            %mul3A_928 = arith.mulf %get3A_927, %broadcast_in_dim3A_920 : vector<16xf32>
            %swap3A_929 = arith.index_cast %add3A_924 : i32 to index
            %swap3A_930 = arith.constant 0 : index
            %swap3A_931 = tpu.vector_load %arg7[%swap3A_929, %swap3A_930] {strides = array<i32>} : memref<128x64xf32, #tpu.memory_space<vmem>>, vector<16xf32>,
            tpu.vector_store %arg7[%swap3A_929, %swap3A_930], %mul3A_928 {strides = array<i32>} : memref<128x64xf32, #tpu.memory_space<vmem>>, vector<16xf32>,
            %get3A_932 = arith.index_cast %add3A_924 : i32 to index
            %get3A_933 = arith.constant 16 : index
            %get3A_934 = tpu.vector_load %arg7[%get3A_932, %get3A_933] {strides = array<i32>} : memref<128x64xf32, #tpu.memory_space<vmem>>, vector<16xf32>,
            %mul3A_935 = arith.mulf %get3A_934, %broadcast_in_dim3A_920 : vector<16xf32>
            %swap3A_936 = arith.index_cast %add3A_924 : i32 to index
            %swap3A_937 = arith.constant 16 : index
            %swap3A_938 = tpu.vector_load %arg7[%swap3A_936, %swap3A_937] {strides = array<i32>} : memref<128x64xf32, #tpu.memory_space<vmem>>, vector<16xf32>,
            tpu.vector_store %arg7[%swap3A_936, %swap3A_937], %mul3A_935 {strides = array<i32>} : memref<128x64xf32, #tpu.memory_space<vmem>>, vector<16xf32>,
            %get3A_939 = arith.index_cast %add3A_924 : i32 to index
            %get3A_940 = arith.constant 32 : index
            %get3A_941 = tpu.vector_load %arg7[%get3A_939, %get3A_940] {strides = array<i32>} : memref<128x64xf32, #tpu.memory_space<vmem>>, vector<16xf32>,
            %mul3A_942 = arith.mulf %get3A_941, %broadcast_in_dim3A_920 : vector<16xf32>
            %swap3A_943 = arith.index_cast %add3A_924 : i32 to index
            %swap3A_944 = arith.constant 32 : index
            %swap3A_945 = tpu.vector_load %arg7[%swap3A_943, %swap3A_944] {strides = array<i32>} : memref<128x64xf32, #tpu.memory_space<vmem>>, vector<16xf32>,
            tpu.vector_store %arg7[%swap3A_943, %swap3A_944], %mul3A_942 {strides = array<i32>} : memref<128x64xf32, #tpu.memory_space<vmem>>, vector<16xf32>,
            %get3A_946 = arith.index_cast %add3A_924 : i32 to index
            %get3A_947 = arith.constant 48 : index
            %get3A_948 = tpu.vector_load %arg7[%get3A_946, %get3A_947] {strides = array<i32>} : memref<128x64xf32, #tpu.memory_space<vmem>>, vector<16xf32>,
            %mul3A_949 = arith.mulf %get3A_948, %broadcast_in_dim3A_920 : vector<16xf32>
            %swap3A_950 = arith.index_cast %add3A_924 : i32 to index
            %swap3A_951 = arith.constant 48 : index
            %swap3A_952 = tpu.vector_load %arg7[%swap3A_950, %swap3A_951] {strides = array<i32>} : memref<128x64xf32, #tpu.memory_space<vmem>>, vector<16xf32>,
            tpu.vector_store %arg7[%swap3A_950, %swap3A_951], %mul3A_949 {strides = array<i32>} : memref<128x64xf32, #tpu.memory_space<vmem>>, vector<16xf32>,
            %slice3A_953 = vector.extract_strided_slice %get3A_465 {offsets = [14], sizes = [1], strides = [1]} : vector<16xf32> to vector<1xf32>
            %squeeze3A_954 = vector.extract %slice3A_953[0] : f32 from vector<1xf32>
            %broadcast_in_dim3A_955 = vector.broadcast %squeeze3A_954 : f32 to vector<16xf32>
            %mul3A_956 = arith.constant 16 : i32
            %mul3A_957 = arith.muli %scan3A_458, %mul3A_956 : i32
            %add3A_958 = arith.constant 14 : i32
            %add3A_959 = arith.addi %mul3A_957, %add3A_958 : i32
            %get3A_960 = arith.index_cast %add3A_959 : i32 to index
            %get3A_961 = arith.constant 0 : index
            %get3A_962 = tpu.vector_load %arg7[%get3A_960, %get3A_961] {strides = array<i32>} : memref<128x64xf32, #tpu.memory_space<vmem>>, vector<16xf32>,
            %mul3A_963 = arith.mulf %get3A_962, %broadcast_in_dim3A_955 : vector<16xf32>
            %swap3A_964 = arith.index_cast %add3A_959 : i32 to index
            %swap3A_965 = arith.constant 0 : index
            %swap3A_966 = tpu.vector_load %arg7[%swap3A_964, %swap3A_965] {strides = array<i32>} : memref<128x64xf32, #tpu.memory_space<vmem>>, vector<16xf32>,
            tpu.vector_store %arg7[%swap3A_964, %swap3A_965], %mul3A_963 {strides = array<i32>} : memref<128x64xf32, #tpu.memory_space<vmem>>, vector<16xf32>,
            %get3A_967 = arith.index_cast %add3A_959 : i32 to index
            %get3A_968 = arith.constant 16 : index
            %get3A_969 = tpu.vector_load %arg7[%get3A_967, %get3A_968] {strides = array<i32>} : memref<128x64xf32, #tpu.memory_space<vmem>>, vector<16xf32>,
            %mul3A_970 = arith.mulf %get3A_969, %broadcast_in_dim3A_955 : vector<16xf32>
            %swap3A_971 = arith.index_cast %add3A_959 : i32 to index
            %swap3A_972 = arith.constant 16 : index
            %swap3A_973 = tpu.vector_load %arg7[%swap3A_971, %swap3A_972] {strides = array<i32>} : memref<128x64xf32, #tpu.memory_space<vmem>>, vector<16xf32>,
            tpu.vector_store %arg7[%swap3A_971, %swap3A_972], %mul3A_970 {strides = array<i32>} : memref<128x64xf32, #tpu.memory_space<vmem>>, vector<16xf32>,
            %get3A_974 = arith.index_cast %add3A_959 : i32 to index
            %get3A_975 = arith.constant 32 : index
            %get3A_976 = tpu.vector_load %arg7[%get3A_974, %get3A_975] {strides = array<i32>} : memref<128x64xf32, #tpu.memory_space<vmem>>, vector<16xf32>,
            %mul3A_977 = arith.mulf %get3A_976, %broadcast_in_dim3A_955 : vector<16xf32>
            %swap3A_978 = arith.index_cast %add3A_959 : i32 to index
            %swap3A_979 = arith.constant 32 : index
            %swap3A_980 = tpu.vector_load %arg7[%swap3A_978, %swap3A_979] {strides = array<i32>} : memref<128x64xf32, #tpu.memory_space<vmem>>, vector<16xf32>,
            tpu.vector_store %arg7[%swap3A_978, %swap3A_979], %mul3A_977 {strides = array<i32>} : memref<128x64xf32, #tpu.memory_space<vmem>>, vector<16xf32>,
            %get3A_981 = arith.index_cast %add3A_959 : i32 to index
            %get3A_982 = arith.constant 48 : index
            %get3A_983 = tpu.vector_load %arg7[%get3A_981, %get3A_982] {strides = array<i32>} : memref<128x64xf32, #tpu.memory_space<vmem>>, vector<16xf32>,
            %mul3A_984 = arith.mulf %get3A_983, %broadcast_in_dim3A_955 : vector<16xf32>
            %swap3A_985 = arith.index_cast %add3A_959 : i32 to index
            %swap3A_986 = arith.constant 48 : index
            %swap3A_987 = tpu.vector_load %arg7[%swap3A_985, %swap3A_986] {strides = array<i32>} : memref<128x64xf32, #tpu.memory_space<vmem>>, vector<16xf32>,
            tpu.vector_store %arg7[%swap3A_985, %swap3A_986], %mul3A_984 {strides = array<i32>} : memref<128x64xf32, #tpu.memory_space<vmem>>, vector<16xf32>,
            %slice3A_988 = vector.extract_strided_slice %get3A_465 {offsets = [15], sizes = [1], strides = [1]} : vector<16xf32> to vector<1xf32>
            %squeeze3A_989 = vector.extract %slice3A_988[0] : f32 from vector<1xf32>
            %broadcast_in_dim3A_990 = vector.broadcast %squeeze3A_989 : f32 to vector<16xf32>
            %mul3A_991 = arith.constant 16 : i32
            %mul3A_992 = arith.muli %scan3A_458, %mul3A_991 : i32
            %add3A_993 = arith.constant 15 : i32
            %add3A_994 = arith.addi %mul3A_992, %add3A_993 : i32
            %get3A_995 = arith.index_cast %add3A_994 : i32 to index
            %get3A_996 = arith.constant 0 : index
            %get3A_997 = tpu.vector_load %arg7[%get3A_995, %get3A_996] {strides = array<i32>} : memref<128x64xf32, #tpu.memory_space<vmem>>, vector<16xf32>,
            %mul3A_998 = arith.mulf %get3A_997, %broadcast_in_dim3A_990 : vector<16xf32>
            %swap3A_999 = arith.index_cast %add3A_994 : i32 to index
            %swap3A_1000 = arith.constant 0 : index
            %swap3A_1001 = tpu.vector_load %arg7[%swap3A_999, %swap3A_1000] {strides = array<i32>} : memref<128x64xf32, #tpu.memory_space<vmem>>, vector<16xf32>,
            tpu.vector_store %arg7[%swap3A_999, %swap3A_1000], %mul3A_998 {strides = array<i32>} : memref<128x64xf32, #tpu.memory_space<vmem>>, vector<16xf32>,
            %get3A_1002 = arith.index_cast %add3A_994 : i32 to index
            %get3A_1003 = arith.constant 16 : index
            %get3A_1004 = tpu.vector_load %arg7[%get3A_1002, %get3A_1003] {strides = array<i32>} : memref<128x64xf32, #tpu.memory_space<vmem>>, vector<16xf32>,
            %mul3A_1005 = arith.mulf %get3A_1004, %broadcast_in_dim3A_990 : vector<16xf32>
            %swap3A_1006 = arith.index_cast %add3A_994 : i32 to index
            %swap3A_1007 = arith.constant 16 : index
            %swap3A_1008 = tpu.vector_load %arg7[%swap3A_1006, %swap3A_1007] {strides = array<i32>} : memref<128x64xf32, #tpu.memory_space<vmem>>, vector<16xf32>,
            tpu.vector_store %arg7[%swap3A_1006, %swap3A_1007], %mul3A_1005 {strides = array<i32>} : memref<128x64xf32, #tpu.memory_space<vmem>>, vector<16xf32>,
            %get3A_1009 = arith.index_cast %add3A_994 : i32 to index
            %get3A_1010 = arith.constant 32 : index
            %get3A_1011 = tpu.vector_load %arg7[%get3A_1009, %get3A_1010] {strides = array<i32>} : memref<128x64xf32, #tpu.memory_space<vmem>>, vector<16xf32>,
            %mul3A_1012 = arith.mulf %get3A_1011, %broadcast_in_dim3A_990 : vector<16xf32>
            %swap3A_1013 = arith.index_cast %add3A_994 : i32 to index
            %swap3A_1014 = arith.constant 32 : index
            %swap3A_1015 = tpu.vector_load %arg7[%swap3A_1013, %swap3A_1014] {strides = array<i32>} : memref<128x64xf32, #tpu.memory_space<vmem>>, vector<16xf32>,
            tpu.vector_store %arg7[%swap3A_1013, %swap3A_1014], %mul3A_1012 {strides = array<i32>} : memref<128x64xf32, #tpu.memory_space<vmem>>, vector<16xf32>,
            %get3A_1016 = arith.index_cast %add3A_994 : i32 to index
            %get3A_1017 = arith.constant 48 : index
            %get3A_1018 = tpu.vector_load %arg7[%get3A_1016, %get3A_1017] {strides = array<i32>} : memref<128x64xf32, #tpu.memory_space<vmem>>, vector<16xf32>,
            %mul3A_1019 = arith.mulf %get3A_1018, %broadcast_in_dim3A_990 : vector<16xf32>
            %swap3A_1020 = arith.index_cast %add3A_994 : i32 to index
            %swap3A_1021 = arith.constant 48 : index
            %swap3A_1022 = tpu.vector_load %arg7[%swap3A_1020, %swap3A_1021] {strides = array<i32>} : memref<128x64xf32, #tpu.memory_space<vmem>>, vector<16xf32>,
            tpu.vector_store %arg7[%swap3A_1020, %swap3A_1021], %mul3A_1019 {strides = array<i32>} : memref<128x64xf32, #tpu.memory_space<vmem>>, vector<16xf32>,
            %scan3A_1023 = arith.constant 0 : i32
            scf.yield %scan3A_1023 : i32
          }
          %scan3A_457 = arith.constant 8 : i32
          "tpu.region"() ({
            %run_scoped3A_458 = tpu.sem_alloc : memref<!tpu.dma_semaphore, #tpu.memory_space<semaphore_mem>>
            %dma_start3A_459 = arith.constant 0 : i32
            %dma_start3A_460 = tpu.memref_slice %arg28[%add3A, %dma_start3A_459] : memref<10240x64xf32, #tpu.memory_space<vmem_shared>> -> memref<128x64xf32, #tpu.memory_space<vmem_shared>>
            %dma_start3A_461 = arith.constant 0 : i32
            %dma_start3A_462 = tpu.memref_slice %arg28[%add3A, %dma_start3A_461] : memref<10240x64xf32, #tpu.memory_space<vmem_shared>> -> memref<128x64xf32, #tpu.memory_space<vmem_shared>>
            tpu.enqueue_dma source(%arg7 : memref<128x64xf32, #tpu.memory_space<vmem>>) target(%dma_start3A_462 : memref<128x64xf32, #tpu.memory_space<vmem_shared>>) target_semaphore(%run_scoped3A_458 : memref<!tpu.dma_semaphore, #tpu.memory_space<semaphore_mem>>)
            %dma_wait3A_463 = arith.constant 0 : i32
            %dma_wait3A_464 = tpu.memref_slice %arg28[%add3A, %dma_wait3A_463] : memref<10240x64xf32, #tpu.memory_space<vmem_shared>> -> memref<128x64xf32, #tpu.memory_space<vmem_shared>>
            %dma_wait3A_465 = arith.constant 0 : i32
            %dma_wait3A_466 = tpu.memref_slice %arg28[%add3A, %dma_wait3A_465] : memref<10240x64xf32, #tpu.memory_space<vmem_shared>> -> memref<128x64xf32, #tpu.memory_space<vmem_shared>>
            tpu.wait_dma2 semaphore(%run_scoped3A_458 : memref<!tpu.dma_semaphore, #tpu.memory_space<semaphore_mem>>) src(%arg7 : memref<128x64xf32, #tpu.memory_space<vmem>>) dst(%dma_wait3A_466 : memref<128x64xf32, #tpu.memory_space<vmem_shared>>)
            tpu.yield
          }) : () -> ()
          "tpu.region"() ({
            %run_scoped3A_458 = tpu.sem_alloc : memref<!tpu.dma_semaphore, #tpu.memory_space<semaphore_mem>>
            %dma_start3A_459 = arith.constant 0 : i32
            %dma_start3A_460 = tpu.memref_slice %arg29[%add3A, %dma_start3A_459] : memref<10240x64xf32, #tpu.memory_space<vmem_shared>> -> memref<128x64xf32, #tpu.memory_space<vmem_shared>>
            %dma_start3A_461 = arith.constant 0 : i32
            %dma_start3A_462 = tpu.memref_slice %arg29[%add3A, %dma_start3A_461] : memref<10240x64xf32, #tpu.memory_space<vmem_shared>> -> memref<128x64xf32, #tpu.memory_space<vmem_shared>>
            tpu.enqueue_dma source(%arg7 : memref<128x64xf32, #tpu.memory_space<vmem>>) target(%dma_start3A_462 : memref<128x64xf32, #tpu.memory_space<vmem_shared>>) target_semaphore(%run_scoped3A_458 : memref<!tpu.dma_semaphore, #tpu.memory_space<semaphore_mem>>)
            %dma_wait3A_463 = arith.constant 0 : i32
            %dma_wait3A_464 = tpu.memref_slice %arg29[%add3A, %dma_wait3A_463] : memref<10240x64xf32, #tpu.memory_space<vmem_shared>> -> memref<128x64xf32, #tpu.memory_space<vmem_shared>>
            %dma_wait3A_465 = arith.constant 0 : i32
            %dma_wait3A_466 = tpu.memref_slice %arg29[%add3A, %dma_wait3A_465] : memref<10240x64xf32, #tpu.memory_space<vmem_shared>> -> memref<128x64xf32, #tpu.memory_space<vmem_shared>>
            tpu.wait_dma2 semaphore(%run_scoped3A_458 : memref<!tpu.dma_semaphore, #tpu.memory_space<semaphore_mem>>) src(%arg7 : memref<128x64xf32, #tpu.memory_space<vmem>>) dst(%dma_wait3A_466 : memref<128x64xf32, #tpu.memory_space<vmem_shared>>)
            tpu.yield
          }) : () -> ()
        } else {
        }
        %scan3A_450 = arith.constant 0 : i32
        scf.yield %scan3A_450 : i32
      }
      %scan3A_436 = arith.constant 5 : i32
      %scan3A_437 = arith.constant 0 : i32
      scf.yield %scan3A_437 : i32
    }
    %scan3A_258 = arith.constant 8 : i32
    return
  }
}

</mosaic_0001>

<sc_bundles>
// kernel: _sc_propagate.3.cloned.1.call-start
scs
__scs_entry_jumppad:
0x0: {  	(pc) =	sbr.rel $0x88, $3  }
0x1: {  	(tag) =	ssettag $0x0;
	lr =	simm.s32 $0x1  }
0x2: {  	[smem:$0x3F9E] =	sst lr;
	_ =	strace $0xD0000000  }
0x3: {  	_ = 	snop  }
0x4: {  	_ = 	snop  }
0x5: {  	_ = 	snop  }
0x6: {  	_ = 	snop  }
0x7: {  	_ = 	snop  }
__scs_overlays_trampoline_lowered:
0x8: {  	[smem:$0x3FAD] =	sst s0  }
0x9: {  	[smem:$0x3FAE] =	sst s1  }
0xa: {  	[smem:$0x3FAF] =	sst s2  }
0xb: {  	[smem:$0x3FB0] =	sst s3  }
0xc: {  	[smem:$0x3FB1] =	sst s4  }
0xd: {  	[smem:$0x3FB2] =	sst s5  }
0xe: {  	[smem:$0x3FB3] =	sst s6  }
0xf: {  	[smem:$0x3FB4] =	sst s7  }
0x10: {  	[smem:$0x3FB5] =	sst s8  }
0x11: {  	[smem:$0x3FB6] =	sst s9;
	s0 =	simm.s32 @!p0 $0x0  }
0x12: {  	s1 =	sld [smem:$0x3F9C];
	s0 =	simm.s32 @p0 $0x1  }
0x13: {  	[smem:$0x3FB7] =	sst s0;
	s0 =	simm.s32 @!p1 $0x0  }
0x14: {  	s2 =	sld [smem:$0x3F9B];
	s0 =	simm.s32 @p1 $0x1  }
0x15: {  	[smem:$0x3FB8] =	sst s0;
	s0 =	simm.s32 @!p2 $0x0  }
0x16: {  	s3 =	sld [smem:$0x3FDB];
	s0 =	simm.s32 @p2 $0x1  }
0x17: {  	s4 =	simm.s32 $0x1BF5;
	[smem:$0x3FBA] =	sst s0  }
0x18: {  	s0 =	sld [smem:$0x3F9D];
	_ =	swait.ge [sflag:s4], $0x0  }
0x19: {  	s7 =	sld [smem:$0x3F9E]  }
0x1a: {  	s8 =	sadd.s32 $0xFFFFE003, lr  }
0x1b: {  	s9 =	sadd.s32 $0xFFFFFEF7, lr;
	s5 =	simm.s32 $0xFFFFFFFF;
	p2 =	slt.u32 s8, $0xFFFFF086  }
0x1c: {  	p1 =	slt.u32 s9, $0xF7A;
	s5 =	simm.s32 @!p2 $0x0  }
0x1d: {  	s5 =	simm.s32 @p1 $0x1;
	p0 =	seq.s32 s7, s2  }
0x1e: {  	s7 =	smul.u32 @!p0 $0xF7A, s2;
	p2 =	seq.s32 @!p0 s5, $0x0  }
0x1f: {  	s9 =	smul.u32 $0xF7A, s1;
	s8 =	simm.s32 @!p0 $0x1BF5;
	p2 =	por !p2, p0  }
0x20: {  	[sflag:s8] =	ssyncset.s32 @!p0 $0xFFFFF086;
	s6 =	sadd.s32 @!p0 s3, s7;
	s7 =	simm.s32 @!p0 $0x108  }
0x21: {  	s3 =	sadd.s32 s3, s9;
	s6 =	sadd.s32 @!p0 $0x88, s6;
	s7 =	simm.s32 @p2 $0x1082  }
0x22: {  	[simem:s7], [sflag:s8] =	dma.local @!p0 [hbm:s6], $0xF7A  }
0x23: {  	s9 =	sor.u32 $0xD0000000, s2;
	s6 =	simm.s32 $0x108;
	_ =	swait.ge @!p0 [sflag:s8], $0x0  }
0x24: {  	s3 =	sadd.s32 $0x88, s3;
	s6 =	simm.s32 @!p1 $0x1082;
	[sflag:s4] =	ssyncset.s32 $0xFFFFF086  }
0x25: {  	[simem:s6], [sflag:s4] =	dma.local [hbm:s3], $0xF7A  }
0x26: {  	[smem:$0x3F9E] =	sst s1;
	(tag) =	ssettag s2;
	_ =	strace s9  }
0x27: {  	s1 =	sld [smem:$0x3FAE]  }
0x28: {  	s2 =	sld [smem:$0x3FAF]  }
0x29: {  	s4 =	sld [smem:$0x3FB1]  }
0x2a: {  	p0 =	seq.s32 s5, $0x0;
	s5 =	sld [smem:$0x3FB2]  }
0x2b: {  	s6 =	sld [smem:$0x3FB3]  }
0x2c: {  	s7 =	sld [smem:$0x3FB4]  }
0x2d: {  	s3 =	simm.s32 $0x108;
	s8 =	sld [smem:$0x3FB5]  }
0x2e: {  	s3 =	simm.s32 @!p0 $0x1082;
	s9 =	sld [smem:$0x3FB6]  }
0x2f: {  	lr =	sadd.s32 s0, s3;
	s0 =	sld [smem:$0x3FAD]  }
0x30: {  	s3 =	sld [smem:$0x3FB0]  }
0x31: {  	[smem:$0x3FB9] =	sst s10  }
0x32: {  	s10 =	sld [smem:$0x3FB7];
	_ =	sdelay $0x3  }
0x33: {  	p0 =	seq.s32 s10, $0x1;
	s10 =	sld [smem:$0x3FB9];
	_ =	sdelay $0x3  }
0x34: {  	[smem:$0x3FB9] =	sst s10  }
0x35: {  	s10 =	sld [smem:$0x3FB8];
	_ =	sdelay $0x3  }
0x36: {  	p1 =	seq.s32 s10, $0x1;
	s10 =	sld [smem:$0x3FB9];
	_ =	sdelay $0x3  }
0x37: {  	[smem:$0x3FB9] =	sst s10  }
0x38: {  	s10 =	sld [smem:$0x3FBA]  }
0x39: {  	_ = 	snop;
	(pc) =	sbr.ind lr, $3  }
0x3a: {  	_ = 	snop  }
0x3b: {  	_ = 	snop  }
0x3c: {  	p2 =	seq.s32 s10, $0x1;
	s10 =	sld [smem:$0x3FB9]  }
0x3d: {  	_ =	shalt  }
0x3e: {  	_ =	shalt  }
0x3f: {  	_ =	shalt  }
0x40: {  	_ =	shalt  }
0x41: {  	_ =	shalt  }
0x42: {  	_ =	shalt  }
0x43: {  	_ =	shalt  }
0x44: {  	_ =	shalt  }
0x45: {  	_ =	shalt  }
0x46: {  	_ =	shalt  }
0x47: {  	_ =	shalt  }
0x48: {  	_ =	shalt  }
0x49: {  	_ =	shalt  }
0x4a: {  	_ =	shalt  }
0x4b: {  	_ =	shalt  }
0x4c: {  	_ =	shalt  }
0x4d: {  	_ =	shalt  }
0x4e: {  	_ =	shalt  }
0x4f: {  	_ =	shalt  }
0x50: {  	_ =	shalt  }
0x51: {  	_ =	shalt  }
0x52: {  	_ =	shalt  }
0x53: {  	_ =	shalt  }
0x54: {  	_ =	shalt  }
0x55: {  	_ =	shalt  }
0x56: {  	_ =	shalt  }
0x57: {  	_ =	shalt  }
0x58: {  	_ =	shalt  }
0x59: {  	_ =	shalt  }
0x5a: {  	_ =	shalt  }
0x5b: {  	_ =	shalt  }
0x5c: {  	_ =	shalt  }
0x5d: {  	_ =	shalt  }
0x5e: {  	_ =	shalt  }
0x5f: {  	_ =	shalt  }
0x60: {  	_ =	shalt  }
0x61: {  	_ =	shalt  }
0x62: {  	_ =	shalt  }
0x63: {  	_ =	shalt  }
0x64: {  	_ =	shalt  }
0x65: {  	_ =	shalt  }
0x66: {  	_ =	shalt  }
0x67: {  	_ =	shalt  }
0x68: {  	_ =	shalt  }
0x69: {  	_ =	shalt  }
0x6a: {  	_ =	shalt  }
0x6b: {  	_ =	shalt  }
0x6c: {  	_ =	shalt  }
0x6d: {  	_ =	shalt  }
0x6e: {  	_ =	shalt  }
0x6f: {  	_ =	shalt  }
0x70: {  	_ =	shalt  }
0x71: {  	_ =	shalt  }
0x72: {  	_ =	shalt  }
0x73: {  	_ =	shalt  }
0x74: {  	_ =	shalt  }
0x75: {  	_ =	shalt  }
0x76: {  	_ =	shalt  }
0x77: {  	_ =	shalt  }
0x78: {  	_ =	shalt  }
0x79: {  	_ =	shalt  }
0x7a: {  	_ =	shalt  }
0x7b: {  	_ =	shalt  }
0x7c: {  	_ =	shalt  }
0x7d: {  	_ =	shalt  }
0x7e: {  	_ =	shalt  }
0x7f: {  	_ =	shalt  }
0x80: {  	_ =	shalt  }
0x81: {  	_ =	shalt  }
0x82: {  	_ =	shalt  }
0x83: {  	_ =	shalt  }
0x84: {  	_ =	shalt  }
0x85: {  	_ =	shalt  }
0x86: {  	_ =	shalt  }
0x87: {  	_ =	shalt  }
.Lfunc_end0:
.L_simem_size_0:
called_computation.1_lowered:
.L_overlay_start_0:
0x88: {  	s2 =	sld [smem:$0x3FD9]  }
0x89: {  	s3 =	sld [smem:$0x3FFE];
	_ =	sdelay $0x1  }
0x8a: {  	s1 =	srdreg.scid  }
0x8b: {  	s0 =	sand.u32 $0x1, s1  }
0x8c: {  	s14 =	sshll.u32 s0, $0xA;
	s2 =	sadd.s32 s3, s2  }
0x8d: {  	s2 =	sadd.s32 s2, s14  }
0x8e: {  	[smem:$0x3FC5] =	sst s2  }
0x8f: {  	_ = 	snop  }
0x90: {  	s2 =	sld [smem:$0x3FD0];
	_ =	sdelay $0x2  }
0x91: {  	s4 =	simm.s32 $0xA;
	s5 =	simm.s32 $0x10;
	s15 =	sld [smem:$0x3FC9]  }
0x92: {  	[smem:s5], [sflag:s4] =	dma.local [hbm:s2], $0x1  }
0x93: {  	_ =	swait.eq [sflag:s4], $0x1  }
0x94: {  	[sflag:s4] =	ssyncset.done $0x0  }
0x95: {  	s16 =	sld [smem:$0x10];
	[sflag:s4] =	ssyncadd.s32 $0xFFFFFFFF  }
0x96: {  	s17 =	sld [smem:$0x11];
	(tm) =	ssettm $0x1  }
0x97: {  	s18 =	sld [smem:$0x3FFB];
	_ =	sdelay $0x3  }
0x98: {  	_ =	strace s18  }
0x99: {  	s5 =	sld [smem:$0x3FFC];
	_ =	sdelay $0x3  }
0x9a: {  	_ =	strace s5  }
0x9b: {  	s5 =	sld [smem:$0x3FFD];
	_ =	sdelay $0x3  }
0x9c: {  	_ =	strace s5  }
0x9d: {  	_ =	strace $0x8FFFFFFF  }
0x9e: {  	s19 =	sld [smem:$0x3FDB];
	_ =	sdelay $0x1  }
0x9f: {  	s6 =	simm.s32 $_scs_section_size  }
0xa0: {  	s7 =	simm.s32 $_size__tile_overlayer_lowered;
	s8 =	simm.s32 $_tile_overlayer_lowered  }
0xa1: {  	s22 =	simm.s32 $0x1BFF;
	s21 =	sshll.u32 s8, $0x1;
	s5 =	sadd.s32 s6, s19  }
0xa2: {  	s9 =	simm.s32 $0x0;
	s20 =	sshll.u32 s7, $0x1;
	s7 =	sadd.s32 s21, s5  }
0xa3: {  	[timem:s9], [sflag:s22] =	dma.local [hbm:s7], s20  }
0xa4: {  	_ =	swait.ge [sflag:s22], s20  }
0xa5: {  	s6 =	ssub.s32 $0x0, s20;
	[sflag:s22] =	ssyncset.done $0x0  }
0xa6: {  	[sflag:s22] =	ssyncadd.s32 s6;
	_ =	sdelay $0x1  }
0xa7: {  	s23 =	simm.s32 $0x1B8B  }
0xa8: {  	_ =	swait.ge [sflag:s23], $0x1  }
0xa9: {  	[sflag:s23] =	ssyncset.done $0x0  }
0xaa: {  	s25 =	simm.s32 $0x1B8E;
	s24 =	sld [smem:$0x3FFE];
	[sflag:s23] =	ssyncadd.s32 $0xFFFFFFFF  }
0xab: {  	s26 =	simm.s32 $execute0_lowered;
	[smem:$0x3FD2] =	sst s25  }
0xac: {  	s7 =	sshll.u32 s26, $0x1;
	_ =	strace $0x80000046;
	[dreg:$0x1] =	wrdreg $0xFFFFFFFF  }
0xad: {  	s28 =	simm.s32 $_size_execute0_lowered;
	s5 =	sadd.s32 s5, s7;
	[dreg:$0x0] =	wrdreg $0x0  }
0xae: {  	s7 =	sshll.u32 s28, $0x1;
	[dreg:$0x2] =	wrdreg s5  }
0xaf: {  	[dreg:$0x3] =	wrdreg s7  }
0xb0: {  	[dreg:$0x4] =	wrdreg $0xC0  }
0xb1: {  	_ =	task [dreg:s9], $0x5FFFF  }
0xb2: {  	[dreg:$0x1] =	wrdreg $0xFFFFFFFF  }
0xb3: {  	[dreg:$0x0] =	wrdreg $0x60  }
0xb4: {  	[dreg:$0x2] =	wrdreg s15  }
0xb5: {  	[dreg:$0x3] =	wrdreg s24  }
0xb6: {  	[dreg:$0x4] =	wrdreg s16  }
0xb7: {  	[dreg:$0x5] =	wrdreg s17  }
0xb8: {  	[dreg:$0x6] =	wrdreg $0x1D5800  }
0xb9: {  	[dreg:$0x7] =	wrdreg $0x95800  }
0xba: {  	[dreg:$0x8] =	wrdreg $0x135800  }
0xbb: {  	[dreg:$0x9] =	wrdreg $0x9  }
0xbc: {  	_ =	task.clear_ibuf [dreg:s9], $0xAFFFF;
	_ =	strace $0x90000046  }
0xbd: {  	s29 =	simm.s32 $0x9;
	_ =	strace $0x80000048  }
0xbe: {  	_ =	swait.ge [sflag:s29], $0x1  }
0xbf: {  	[sflag:s29] =	ssyncadd.s32 $0xFFFFFFFF  }
0xc0: {  	_ =	strace $0x90000048  }
0xc1: {  	_ =	sfence  }
0xc2: {  	s30 =	sld [smem:$0x0];
	_ =	sdelay $0x2  }
0xc3: {  	s31 =	sshll.u32 s1, $0xD;
	s1 =	sshrl.u32 s1, $0x2  }
0xc4: {  	s3 =	sand.u32 $0x4000, s31;
	s1 =	sadd.s32 s1, s30  }
0xc5: {  	s0 =	sor.u32 s3, s0;
	s1 =	sshll.u32 s1, $0x11  }
0xc6: {  	s0 =	sor.u32 s1, s0  }
0xc7: {  	s0 =	sadd.s32 $0x8F2B, s0  }
0xc8: {  	[sflag:s0] =	ssyncadd.remote.s32 $0x1  }
0xc9: {  	_ =	sfence.sel $0xFFFF  }
0xca: {  	[dreg:$0x0] =	wrdreg $0xFFFFFFFF;
	(pc) =	sbr.abs _section_cstart, $3  }
0xcb: {  	[dreg:$0x1] =	wrdreg $0xFFFFFFFF  }
0xcc: {  	_ =	task.clear_ibuf [dreg:s9], $0x2FFFF;
	_ =	strace $0x9FFFFFFF  }
0xcd: {  	(tm) =	ssettm $0x7FFFFFFF  }
tec
execute0_lowered:
.L_overlay_start_1:
0x0: {  	(tag) =	ssettag $0x1  }
0x1: {  	s0 =	rddreg [dreg:$0x0]  }
0x2: {  	s1 =	rddreg [dreg:$0x1]  }
0x3: {  	s3 =	rddreg [dreg:$0x3]  }
0x4: {  	s6 =	rddreg [dreg:$0x4]  }
0x5: {  	s2 =	rddreg [dreg:$0x5]  }
0x6: {  	s4 =	rddreg [dreg:$0x6];
	s15 =	stileid.u32  }
0x7: {  	s5 =	simm.s32 $0x0;
	s7 =	srdreg.scid;
	s8 =	smul.u32 $0x5100, s15  }
0x8: {  	[smem:$0x7FF] =	sst s5;
	s7 =	sand.u32 $0x1, s7;
	s26 =	smul.u32 $0xA000, s15  }
0x9: {  	s9 =	sadd.s32 $0xE00, s1;
	s1 =	sadd.s32 $0xB000, s1;
	s17 =	smul.u32 $0x280, s15  }
0xa: {  	_ =	strace $0x80000047;
	s10 =	ssub.s32 $0x2, s7;
	s23 =	sshll.u32 s7, $0x3  }
0xb: {  	s8 =	sshrl.u32 s8, $0x3;
	[smem:$0x7F6] =	sst s17;
	s31 =	sadd.s32 s0, s23  }
0xc: {  	s21 =	sshrl.u32 s17, $0x3;
	s25 =	sadd.s32 s1, s8;
	[dreg:$0x11] =	wrdreg s31  }
0xd: {  	s11 =	sshrl.u32 s10, $0x1;
	s3 =	sadd.s32 s3, s21;
	[dreg:$0x8] =	wrdreg s25  }
0xe: {  	s16 =	sor.u32 $0x10, s8;
	s24 =	sadd.s32 s9, s8;
	[dreg:$0x10] =	wrdreg s3  }
0xf: {  	s13 =	sadd.s32 $0x20, s8;
	s12 =	sadd.s32 s1, s16;
	[dreg:$0x12] =	wrdreg s24  }
0x10: {  	s14 =	sadd.s32 $0x30, s8;
	s18 =	sadd.s32 s1, s13;
	[dreg:$0x9] =	wrdreg s12  }
0x11: {  	s10 =	ssub.s32 s10, s11;
	s19 =	sadd.s32 s1, s14;
	[dreg:$0xa] =	wrdreg s18  }
0x12: {  	s11 =	sshrl.u32 s26, $0x2;
	s26 =	sadd.s32 s9, s16;
	[dreg:$0xb] =	wrdreg s19  }
0x13: {  	s8 =	sadd.s32 s9, s14;
	[dreg:$0x13] =	wrdreg s26  }
0x14: {  	s18 =	sadd.s32 s17, s6;
	s6 =	sadd.s32 s11, s6;
	[dreg:$0x15] =	wrdreg s8  }
0x15: {  	[dreg:$0xd] =	wrdreg s6  }
0x16: {  	s20 =	sadd.s32 $0x2800, s18;
	[dreg:$0xc] =	wrdreg s18  }
0x17: {  	s25 =	smul.u32 $0xA20, s15;
	s22 =	sadd.s32 $0x5000, s18;
	[dreg:$0xe] =	wrdreg s20  }
0x18: {  	s6 =	sadd.s32 s9, s13;
	[dreg:$0xf] =	wrdreg s22  }
0x19: {  	s1 =	sadd.s32 s25, s1;
	[dreg:$0x14] =	wrdreg s6  }
0x1a: {  	s0 =	sadd.s32 s25, s9;
	[smem:$0x7F7] =	sst s1  }
0x1b: {  	s12 =	smul.u32 $0xA0000, s7;
	s11 =	sadd.s32 $0x7800, s18;
	[smem:$0x7F8] =	sst s0  }
0x1c: {  	[dreg:$0x16] =	wrdreg s11  }
0x1d: {  	s13 =	smax.u32 s10, $0x1;
	[dreg:$0x17] =	wrdreg s12  }
0x1e: {  	s14 =	sadd.s32 $0xA000, s18;
	[dreg:$0x18] =	wrdreg s13  }
0x1f: {  	s15 =	sadd.s32 $0xC800, s18;
	[dreg:$0x19] =	wrdreg s14  }
0x20: {  	s16 =	sadd.s32 $0xF000, s18;
	[dreg:$0x1a] =	wrdreg s15  }
0x21: {  	s29 =	simm.s32 $0x6480;
	s17 =	sadd.s32 $0x11800, s18;
	[dreg:$0x1b] =	wrdreg s16  }
0x22: {  	s28 =	simm.s32 $0x6500;
	s19 =	sadd.s32 $0x14000, s18;
	[dreg:$0x1c] =	wrdreg s17  }
0x23: {  	s30 =	simm.s32 $0x4000;
	s21 =	sadd.s32 $0x19000, s18;
	[dreg:$0x1d] =	wrdreg s19  }
0x24: {  	p0 =	sne.s32 s7, $0x0;
	s23 =	sadd.s32 $0x1E000, s18;
	[dreg:$0x1f] =	wrdreg s21  }
0x25: {  	s8 =	simm.s32 $0x6000;
	s24 =	sadd.s32 $0x20800, s18;
	[smem:$0x7FA] =	sst s23  }
0x26: {  	s25 =	sadd.s32 $0x23000, s18;
	s26 =	sadd.s32 $0x25800, s18;
	[smem:$0x7FB] =	sst s24  }
0x27: {  	s20 =	sadd.s32 $0x16800, s18;
	s22 =	sadd.s32 $0x1B800, s18;
	[smem:$0x7FC] =	sst s25  }
0x28: {  	[smem:$0x7FD] =	sst s26;
	s17 =	simm.s32 $0x6580;
	s13 =	simm.s32 $0x9  }
.Ltmp0:
0x29: {  	s14 =	simm.s32 $0xA;
	s15 =	simm.s32 $0xB;
	(pc) =	sbr.rel .LBB2_1-.Ltmp0, $4  }
0x2a: {  	s23 =	simm.s32 $0xC;
	s12 =	simm.s32 $0xD;
	s16 =	simm.s32 $0x80  }
0x2b: {  	s18 =	simm.s32 $0xE;
	s1 =	simm.s32 $0x0;
	s21 =	simm.s32 $0x2000  }
0x2c: {  	s25 =	simm.s32 $0x2;
	s24 =	simm.s32 $0x6280;
	[dreg:$0x1e] =	wrdreg s20  }
0x2d: {  	v0 =	vimm.f32 $0.0e+00;
	v1 =	vimm.f32 $1.000000000e+00;
	s26 =	simm.s32 $0x3;
	[smem:$0x7F9] =	sst s22;
	s22 =	simm.s32 $0x6580  }
.LBB2_54:
0x2e: {  	s1 =	sld [smem:$0x7F5];
	_ =	sdelay $0x2  }
0x2f: {  	s0 =	rddreg [dreg:$0x18];
	s1 =	sadd.s32 $0x1, s1  }
0x30: {  	p1 =	sne.s32 s1, s0  }
.Ltmp1:
0x31: {  	_ = 	snop;
	(pc) =	sbr.rel @!p1 .LBB2_55-.Ltmp1, $2  }
0x32: {  	_ =	sdelay $0x2  }
0x33: {  	s31 =	rddreg [dreg:$0x11];
	s29 =	simm.s32 $0x6480  }
.LBB2_1:
0x34: {  	[smem:$0x7F5] =	sst s1;
	s6 =	simm.s32 $0x40;
	s7 =	simm.s32 $0x0  }
.LBB2_2:
0x35: {  	p1 =	sne.s32 s6, $0x9FC0;
	[tilespmem:s7+$0x6600] =	vst v0;
	s7 =	smov.u32 s6;
	s6 =	sadd.s32 $0x40, s6  }
.Ltmp2:
0x36: {  	(pc) =	sbr.rel @p1 .LBB2_2-.Ltmp2, $2  }
0x37: {  	_ =	sdelay $0x2  }
0x38: {  	s7 =	sshra.s32 s7, $0x2  }
0x39: {  	[tilespmem:s7+$0x6600] =	vst v0;
	s6 =	simm.s32 $0x0;
	s0 =	rddreg [dreg:$0x8];
	s3 =	simm.s32 $0x6300  }
0x3a: {  	[tilespmem:s3], [sflag:$0x7] =	stream.linear.gather [hbm4b:s0+s6], $0x80, $0x38;
	[tilespmem:$0x1FD80] =	vst v63  }
0x3b: {  	s9 =	rddreg [dreg:$0x9];
	s10 =	simm.s32 $0x6380  }
0x3c: {  	[tilespmem:s10], [sflag:$0x8] =	stream.linear.gather [hbm4b:s9+s6], $0x80, $0x38;
	[tilespmem:$0x1FD80] =	vst v63  }
0x3d: {  	s11 =	rddreg [dreg:$0xa];
	s19 =	simm.s32 $0x6400  }
0x3e: {  	[tilespmem:s19], [sflag:$0x9] =	stream.linear.gather [hbm4b:s11+s6], $0x80, $0x38;
	[tilespmem:$0x1FD80] =	vst v63  }
0x3f: {  	s20 =	rddreg [dreg:$0xb];
	s0 =	simm.s32 $0x6600  }
0x40: {  	[tilespmem:s29], [sflag:$0xA] =	stream.linear.gather [hbm4b:s20+s6], $0x80, $0x38;
	[tilespmem:$0x1FD80] =	vst v63  }
.LBB2_4:
0x41: {  	s1 =	simm.s32 $0x7  }
0x42: {  	_ =	swait.ge [sflag:s1], $0x80  }
0x43: {  	[sflag:s1] =	ssyncset.done $0x0  }
0x44: {  	[sflag:s1] =	ssyncadd.s32 $0xFFFFFF80  }
0x45: {  	v2 =	vld [tilespmem:$0x6300];
	_ =	sdelay $0x7  }
0x46: {  	[tilespmem:v2+s0+$0x0] =	vst.idx.add.f32.msk $0xffff, v1  }
0x47: {  	v2 =	vld [tilespmem:$0x6310];
	_ =	sdelay $0x7  }
0x48: {  	[tilespmem:v2+s0+$0x0] =	vst.idx.add.f32.msk $0xffff, v1  }
0x49: {  	v2 =	vld [tilespmem:$0x6320];
	_ =	sdelay $0x7  }
0x4a: {  	[tilespmem:v2+s0+$0x0] =	vst.idx.add.f32.msk $0xffff, v1  }
0x4b: {  	v2 =	vld [tilespmem:$0x6330];
	_ =	sdelay $0x7  }
0x4c: {  	[tilespmem:v2+s0+$0x0] =	vst.idx.add.f32.msk $0xffff, v1  }
0x4d: {  	v2 =	vld [tilespmem:$0x6340];
	_ =	sdelay $0x7  }
0x4e: {  	[tilespmem:v2+s0+$0x0] =	vst.idx.add.f32.msk $0xffff, v1  }
0x4f: {  	v2 =	vld [tilespmem:$0x6350];
	_ =	sdelay $0x7  }
0x50: {  	[tilespmem:v2+s0+$0x0] =	vst.idx.add.f32.msk $0xffff, v1  }
0x51: {  	v2 =	vld [tilespmem:$0x6360];
	_ =	sdelay $0x7  }
0x52: {  	[tilespmem:v2+s0+$0x0] =	vst.idx.add.f32.msk $0xffff, v1  }
0x53: {  	v2 =	vld [tilespmem:$0x6370];
	_ =	sdelay $0x3  }
0x54: {  	s1 =	sld [smem:$0x7F7];
	_ =	sdelay $0x2  }
0x55: {  	s7 =	sadd.s32 s6, s1  }
0x56: {  	s3 =	simm.s32 $0x8;
	s10 =	sadd.s32 $0x40, s7;
	[tilespmem:v2+s0+$0x0] =	vst.idx.add.f32.msk $0xffff, v1  }
0x57: {  	[tilespmem:s28], [sflag:$0xB] =	stream.linear.gather [hbm4b:s10+s5], $0x80, $0x38;
	[tilespmem:$0x1FD80] =	vst v63  }
0x58: {  	_ =	swait.ge [sflag:s3], $0x80  }
0x59: {  	[sflag:s3] =	ssyncset.done $0x0  }
0x5a: {  	[sflag:s3] =	ssyncadd.s32 $0xFFFFFF80  }
0x5b: {  	v2 =	vld [tilespmem:$0x6380];
	_ =	sdelay $0x7  }
0x5c: {  	[tilespmem:v2+s0+$0x0] =	vst.idx.add.f32.msk $0xffff, v1  }
0x5d: {  	v2 =	vld [tilespmem:$0x6390];
	_ =	sdelay $0x7  }
0x5e: {  	[tilespmem:v2+s0+$0x0] =	vst.idx.add.f32.msk $0xffff, v1  }
0x5f: {  	v2 =	vld [tilespmem:$0x63A0];
	_ =	sdelay $0x7  }
0x60: {  	[tilespmem:v2+s0+$0x0] =	vst.idx.add.f32.msk $0xffff, v1  }
0x61: {  	v2 =	vld [tilespmem:$0x63B0];
	_ =	sdelay $0x7  }
0x62: {  	[tilespmem:v2+s0+$0x0] =	vst.idx.add.f32.msk $0xffff, v1  }
0x63: {  	v2 =	vld [tilespmem:$0x63C0];
	_ =	sdelay $0x7  }
0x64: {  	[tilespmem:v2+s0+$0x0] =	vst.idx.add.f32.msk $0xffff, v1  }
0x65: {  	v2 =	vld [tilespmem:$0x63D0];
	_ =	sdelay $0x7  }
0x66: {  	[tilespmem:v2+s0+$0x0] =	vst.idx.add.f32.msk $0xffff, v1  }
0x67: {  	v2 =	vld [tilespmem:$0x63E0];
	_ =	sdelay $0x7  }
0x68: {  	[tilespmem:v2+s0+$0x0] =	vst.idx.add.f32.msk $0xffff, v1  }
0x69: {  	v2 =	vld [tilespmem:$0x63F0];
	_ =	sdelay $0x7  }
0x6a: {  	s20 =	sadd.s32 $0x50, s7;
	[tilespmem:v2+s0+$0x0] =	vst.idx.add.f32.msk $0xffff, v1  }
0x6b: {  	[tilespmem:s17], [sflag:$0xC] =	stream.linear.gather [hbm4b:s20+s5], $0x80, $0x38;
	[tilespmem:$0x1FD80] =	vst v63  }
0x6c: {  	_ =	swait.ge [sflag:s13], $0x80  }
0x6d: {  	[sflag:s13] =	ssyncset.done $0x0  }
0x6e: {  	[sflag:s13] =	ssyncadd.s32 $0xFFFFFF80  }
0x6f: {  	v2 =	vld [tilespmem:$0x6400];
	_ =	sdelay $0x7  }
0x70: {  	[tilespmem:v2+s0+$0x0] =	vst.idx.add.f32.msk $0xffff, v1  }
0x71: {  	v2 =	vld [tilespmem:$0x6410];
	_ =	sdelay $0x7  }
0x72: {  	[tilespmem:v2+s0+$0x0] =	vst.idx.add.f32.msk $0xffff, v1  }
0x73: {  	v2 =	vld [tilespmem:$0x6420];
	_ =	sdelay $0x7  }
0x74: {  	[tilespmem:v2+s0+$0x0] =	vst.idx.add.f32.msk $0xffff, v1  }
0x75: {  	v2 =	vld [tilespmem:$0x6430];
	_ =	sdelay $0x7  }
0x76: {  	[tilespmem:v2+s0+$0x0] =	vst.idx.add.f32.msk $0xffff, v1  }
0x77: {  	v2 =	vld [tilespmem:$0x6440];
	_ =	sdelay $0x7  }
0x78: {  	[tilespmem:v2+s0+$0x0] =	vst.idx.add.f32.msk $0xffff, v1  }
0x79: {  	v2 =	vld [tilespmem:$0x6450];
	_ =	sdelay $0x7  }
0x7a: {  	[tilespmem:v2+s0+$0x0] =	vst.idx.add.f32.msk $0xffff, v1  }
0x7b: {  	v2 =	vld [tilespmem:$0x6460];
	_ =	sdelay $0x7  }
0x7c: {  	[tilespmem:v2+s0+$0x0] =	vst.idx.add.f32.msk $0xffff, v1  }
0x7d: {  	v2 =	vld [tilespmem:$0x6470];
	_ =	sdelay $0x5  }
0x7e: {  	p1 =	seq.s32 s6, $0x9C0  }
0x7f: {  	s10 =	sadd.s32 @!p1 s6, s1  }
0x80: {  	s19 =	simm.s32 @!p1 $0x0;
	s11 =	sadd.s32 @!p1 $0x60, s10;
	s20 =	simm.s32 @!p1 $0x6300;
	[tilespmem:v2+s0+$0x0] =	vst.idx.add.f32.msk $0xffff, v1  }
0x81: {  	[tilespmem:s20], [sflag:$0x7] =	stream.linear.gather @!p1 [hbm4b:s11+s19], $0x80, $0x38;
	[tilespmem:$0x1FD80] =	vst v63  }
0x82: {  	_ =	swait.ge [sflag:s14], $0x80  }
0x83: {  	[sflag:s14] =	ssyncset.done $0x0  }
0x84: {  	[sflag:s14] =	ssyncadd.s32 $0xFFFFFF80  }
0x85: {  	v2 =	vld [tilespmem:$0x6480];
	_ =	sdelay $0x7  }
0x86: {  	[tilespmem:v2+s0+$0x0] =	vst.idx.add.f32.msk $0xffff, v1  }
0x87: {  	v2 =	vld [tilespmem:$0x6490];
	_ =	sdelay $0x7  }
0x88: {  	[tilespmem:v2+s0+$0x0] =	vst.idx.add.f32.msk $0xffff, v1  }
0x89: {  	v2 =	vld [tilespmem:$0x64A0];
	_ =	sdelay $0x7  }
0x8a: {  	[tilespmem:v2+s0+$0x0] =	vst.idx.add.f32.msk $0xffff, v1  }
0x8b: {  	v2 =	vld [tilespmem:$0x64B0];
	_ =	sdelay $0x7  }
0x8c: {  	[tilespmem:v2+s0+$0x0] =	vst.idx.add.f32.msk $0xffff, v1  }
0x8d: {  	v2 =	vld [tilespmem:$0x64C0];
	_ =	sdelay $0x7  }
0x8e: {  	[tilespmem:v2+s0+$0x0] =	vst.idx.add.f32.msk $0xffff, v1  }
0x8f: {  	v2 =	vld [tilespmem:$0x64D0];
	_ =	sdelay $0x7  }
0x90: {  	[tilespmem:v2+s0+$0x0] =	vst.idx.add.f32.msk $0xffff, v1  }
0x91: {  	v2 =	vld [tilespmem:$0x64E0];
	_ =	sdelay $0x7  }
0x92: {  	[tilespmem:v2+s0+$0x0] =	vst.idx.add.f32.msk $0xffff, v1  }
0x93: {  	v2 =	vld [tilespmem:$0x64F0];
	_ =	sdelay $0x7  }
0x94: {  	s11 =	sadd.s32 @!p1 $0x70, s10;
	s20 =	simm.s32 @!p1 $0x6380;
	[tilespmem:v2+s0+$0x0] =	vst.idx.add.f32.msk $0xffff, v1  }
0x95: {  	[tilespmem:s20], [sflag:$0x8] =	stream.linear.gather @!p1 [hbm4b:s11+s19], $0x80, $0x38;
	[tilespmem:$0x1FD80] =	vst v63  }
0x96: {  	_ =	swait.ge [sflag:s15], $0x80  }
0x97: {  	[sflag:s15] =	ssyncset.done $0x0  }
0x98: {  	[sflag:s15] =	ssyncadd.s32 $0xFFFFFF80  }
0x99: {  	v2 =	vld [tilespmem:$0x6500];
	_ =	sdelay $0x7  }
0x9a: {  	[tilespmem:v2+s0+$0x0] =	vst.idx.add.f32.msk $0xffff, v1  }
0x9b: {  	v2 =	vld [tilespmem:$0x6510];
	_ =	sdelay $0x7  }
0x9c: {  	[tilespmem:v2+s0+$0x0] =	vst.idx.add.f32.msk $0xffff, v1  }
0x9d: {  	v2 =	vld [tilespmem:$0x6520];
	_ =	sdelay $0x7  }
0x9e: {  	[tilespmem:v2+s0+$0x0] =	vst.idx.add.f32.msk $0xffff, v1  }
0x9f: {  	v2 =	vld [tilespmem:$0x6530];
	_ =	sdelay $0x7  }
0xa0: {  	[tilespmem:v2+s0+$0x0] =	vst.idx.add.f32.msk $0xffff, v1  }
0xa1: {  	v2 =	vld [tilespmem:$0x6540];
	_ =	sdelay $0x7  }
0xa2: {  	[tilespmem:v2+s0+$0x0] =	vst.idx.add.f32.msk $0xffff, v1  }
0xa3: {  	v2 =	vld [tilespmem:$0x6550];
	_ =	sdelay $0x7  }
0xa4: {  	[tilespmem:v2+s0+$0x0] =	vst.idx.add.f32.msk $0xffff, v1  }
0xa5: {  	v2 =	vld [tilespmem:$0x6560];
	_ =	sdelay $0x7  }
0xa6: {  	[tilespmem:v2+s0+$0x0] =	vst.idx.add.f32.msk $0xffff, v1  }
0xa7: {  	v2 =	vld [tilespmem:$0x6570];
	_ =	sdelay $0x7  }
0xa8: {  	s10 =	sadd.s32 @!p1 $0x80, s10;
	s11 =	simm.s32 @!p1 $0x6400;
	[tilespmem:v2+s0+$0x0] =	vst.idx.add.f32.msk $0xffff, v1  }
0xa9: {  	[tilespmem:s11], [sflag:$0x9] =	stream.linear.gather @!p1 [hbm4b:s10+s19], $0x80, $0x38;
	[tilespmem:$0x1FD80] =	vst v63  }
0xaa: {  	_ =	swait.ge [sflag:s23], $0x80  }
0xab: {  	[sflag:s23] =	ssyncset.done $0x0  }
0xac: {  	[sflag:s23] =	ssyncadd.s32 $0xFFFFFF80  }
0xad: {  	v2 =	vld [tilespmem:$0x6580];
	_ =	sdelay $0x7  }
0xae: {  	[tilespmem:v2+s0+$0x0] =	vst.idx.add.f32.msk $0xffff, v1  }
0xaf: {  	v2 =	vld [tilespmem:$0x6590];
	_ =	sdelay $0x7  }
0xb0: {  	[tilespmem:v2+s0+$0x0] =	vst.idx.add.f32.msk $0xffff, v1  }
0xb1: {  	v2 =	vld [tilespmem:$0x65A0];
	_ =	sdelay $0x7  }
0xb2: {  	[tilespmem:v2+s0+$0x0] =	vst.idx.add.f32.msk $0xffff, v1  }
0xb3: {  	v2 =	vld [tilespmem:$0x65B0];
	_ =	sdelay $0x7  }
0xb4: {  	[tilespmem:v2+s0+$0x0] =	vst.idx.add.f32.msk $0xffff, v1  }
0xb5: {  	v2 =	vld [tilespmem:$0x65C0];
	_ =	sdelay $0x7  }
0xb6: {  	[tilespmem:v2+s0+$0x0] =	vst.idx.add.f32.msk $0xffff, v1  }
0xb7: {  	v2 =	vld [tilespmem:$0x65D0];
	_ =	sdelay $0x7  }
0xb8: {  	[tilespmem:v2+s0+$0x0] =	vst.idx.add.f32.msk $0xffff, v1  }
0xb9: {  	v2 =	vld [tilespmem:$0x65E0];
	_ =	sdelay $0x7  }
0xba: {  	[tilespmem:v2+s0+$0x0] =	vst.idx.add.f32.msk $0xffff, v1  }
0xbb: {  	v2 =	vld [tilespmem:$0x65F0];
	_ =	sdelay $0x3  }
.Ltmp3:
0xbc: {  	_ = 	snop;
	(pc) =	sbr.rel @p1 .LBB2_6-.Ltmp3, $2  }
0xbd: {  	_ =	sdelay $0x2  }
0xbe: {  	[tilespmem:v2+s0+$0x0] =	vst.idx.add.f32.msk $0xffff, v1  }
.Ltmp4:
0xbf: {  	(pc) =	sbr.rel .LBB2_4-.Ltmp4, $3  }
0xc0: {  	_ =	sdelay $0x1  }
0xc1: {  	s7 =	sadd.s32 $0x90, s7;
	s6 =	sadd.s32 $0x60, s6  }
0xc2: {  	[tilespmem:s29], [sflag:$0xA] =	stream.linear.gather [hbm4b:s7+s5], $0x80, $0x38;
	[tilespmem:$0x1FD80] =	vst v63  }
.LBB2_6:
0xc3: {  	s6 =	simm.s32 $0x6600;
	s0 =	rddreg [dreg:$0xd]  }
0xc4: {  	[spmem:s0] =	stream.linear.scatter [tilespmem:s6], [sflag:$0xD], $0x2800, $0x38;
	[tilespmem:$0x1FD80] =	vst v63  }
0xc5: {  	_ =	swait.ge [sflag:s12], $0x2800  }
0xc6: {  	[sflag:s12] =	ssyncset.done $0x0  }
0xc7: {  	[sflag:s12] =	ssyncadd.s32 $0xFFFFD800  }
0xc8: {  	[bflag:$0x0] =	sbarrier.arrive $0xFFFF  }
0xc9: {  	[tilespmem:$0x9080] =	vst v0  }
0xca: {  	[tilespmem:$0x9090] =	vst v0  }
0xcb: {  	[tilespmem:$0x90A0] =	vst v0  }
0xcc: {  	[tilespmem:$0x90B0] =	vst v0  }
0xcd: {  	[tilespmem:$0x90C0] =	vst v0  }
0xce: {  	[tilespmem:$0x90D0] =	vst v0  }
0xcf: {  	[tilespmem:$0x90E0] =	vst v0  }
0xd0: {  	[tilespmem:$0x90F0] =	vst v0  }
0xd1: {  	[tilespmem:$0x9100] =	vst v0  }
0xd2: {  	[tilespmem:$0x9110] =	vst v0  }
0xd3: {  	[tilespmem:$0x9120] =	vst v0  }
0xd4: {  	[tilespmem:$0x9130] =	vst v0  }
0xd5: {  	[tilespmem:$0x9140] =	vst v0  }
0xd6: {  	[tilespmem:$0x9150] =	vst v0  }
0xd7: {  	[tilespmem:$0x9160] =	vst v0  }
0xd8: {  	[tilespmem:$0x9170] =	vst v0  }
0xd9: {  	[tilespmem:$0x9180] =	vst v0  }
0xda: {  	[tilespmem:$0x9190] =	vst v0  }
0xdb: {  	[tilespmem:$0x91A0] =	vst v0  }
0xdc: {  	[tilespmem:$0x91B0] =	vst v0  }
0xdd: {  	[tilespmem:$0x91C0] =	vst v0  }
0xde: {  	[tilespmem:$0x91D0] =	vst v0  }
0xdf: {  	[tilespmem:$0x91E0] =	vst v0  }
0xe0: {  	[tilespmem:$0x91F0] =	vst v0  }
0xe1: {  	[tilespmem:$0x9200] =	vst v0  }
0xe2: {  	[tilespmem:$0x9210] =	vst v0  }
0xe3: {  	[tilespmem:$0x9220] =	vst v0  }
0xe4: {  	[tilespmem:$0x9230] =	vst v0  }
0xe5: {  	[tilespmem:$0x9240] =	vst v0  }
0xe6: {  	[tilespmem:$0x9250] =	vst v0  }
0xe7: {  	[tilespmem:$0x9260] =	vst v0  }
0xe8: {  	[tilespmem:$0x9270] =	vst v0  }
0xe9: {  	[tilespmem:$0x9280] =	vst v0  }
0xea: {  	[tilespmem:$0x9290] =	vst v0  }
0xeb: {  	[tilespmem:$0x92A0] =	vst v0  }
0xec: {  	[tilespmem:$0x92B0] =	vst v0  }
0xed: {  	[tilespmem:$0x92C0] =	vst v0  }
0xee: {  	[tilespmem:$0x92D0] =	vst v0  }
0xef: {  	[tilespmem:$0x92E0] =	vst v0  }
0xf0: {  	s11 =	simm.s32 $0x8E00;
	[tilespmem:$0x92F0] =	vst v0;
	s29 =	rddreg [dreg:$0xc]  }
0xf1: {  	[tilespmem:s11], [sflag:$0xD] =	stream.linear.gather [spmem:s29], $0x280, $0x38;
	[tilespmem:$0x1FD80] =	vst v63  }
0xf2: {  	_ =	swait.ge [sflag:s12], $0x280  }
0xf3: {  	[sflag:s12] =	ssyncset.done $0x0  }
0xf4: {  	s6 =	simm.s32 $0x0;
	[sflag:s12] =	ssyncadd.s32 $0xFFFFFD80  }
0xf5: {  	s7 =	simm.s32 $0x40;
	v2 =	vld [tilespmem:s6+$0x8E00]  }
.LBB2_7:
0xf6: {  	p1 =	sne.s32 s7, $0x9C0;
	v3 =	vld [tilespmem:s6+$0x9080];
	_ =	sdelay $0x2  }
.Ltmp5:
0xf7: {  	(pc) =	sbr.rel @p1 .LBB2_7-.Ltmp5, $4  }
0xf8: {  	_ = 	snop  }
0xf9: {  	v3 =	vadd.f32 v2, v3  }
0xfa: {  	s10 =	sshra.s32 s7, $0x2  }
0xfb: {  	s7 =	sadd.s32 $0x40, s7;
	v2 =	vld [tilespmem:s10+$0x8E00];
	[tilespmem:s6+$0x9080] =	vst v3;
	s6 =	smov.u32 s10  }
0xfc: {  	v3 =	vld [tilespmem:s6+$0x9080];
	_ =	sdelay $0x4  }
0xfd: {  	v2 =	vadd.f32 v2, v3;
	_ =	sdelay $0x1  }
0xfe: {  	s0 =	rddreg [dreg:$0xe];
	[tilespmem:s6+$0x9080] =	vst v2  }
0xff: {  	[tilespmem:s11], [sflag:$0xD] =	stream.linear.gather [spmem:s0], $0x280, $0x38;
	[tilespmem:$0x1FD80] =	vst v63  }
0x100: {  	_ =	swait.ge [sflag:s12], $0x280  }
0x101: {  	[sflag:s12] =	ssyncset.done $0x0  }
0x102: {  	s6 =	simm.s32 $0x0;
	[sflag:s12] =	ssyncadd.s32 $0xFFFFFD80  }
0x103: {  	s7 =	simm.s32 $0x40;
	s17 =	simm.s32 $0x40;
	v2 =	vld [tilespmem:s6+$0x8E00]  }
.LBB2_9:
0x104: {  	p1 =	sne.s32 s7, $0x9C0;
	v3 =	vld [tilespmem:s6+$0x9080];
	_ =	sdelay $0x2  }
.Ltmp6:
0x105: {  	(pc) =	sbr.rel @p1 .LBB2_9-.Ltmp6, $4  }
0x106: {  	_ = 	snop  }
0x107: {  	v3 =	vadd.f32 v2, v3  }
0x108: {  	s10 =	sshra.s32 s7, $0x2  }
0x109: {  	s7 =	sadd.s32 $0x40, s7;
	v2 =	vld [tilespmem:s10+$0x8E00];
	[tilespmem:s6+$0x9080] =	vst v3;
	s6 =	smov.u32 s10  }
0x10a: {  	v3 =	vld [tilespmem:s6+$0x9080];
	_ =	sdelay $0x4  }
0x10b: {  	v2 =	vadd.f32 v2, v3;
	_ =	sdelay $0x1  }
0x10c: {  	s0 =	rddreg [dreg:$0xf];
	[tilespmem:s6+$0x9080] =	vst v2  }
0x10d: {  	[tilespmem:s11], [sflag:$0xD] =	stream.linear.gather [spmem:s0], $0x280, $0x38;
	[tilespmem:$0x1FD80] =	vst v63  }
0x10e: {  	_ =	swait.ge [sflag:s12], $0x280  }
0x10f: {  	[sflag:s12] =	ssyncset.done $0x0  }
0x110: {  	s6 =	simm.s32 $0x0;
	[sflag:s12] =	ssyncadd.s32 $0xFFFFFD80  }
0x111: {  	s7 =	simm.s32 $0x40;
	v2 =	vld [tilespmem:s6+$0x8E00]  }
.LBB2_11:
0x112: {  	p1 =	sne.s32 s7, $0x9C0;
	v3 =	vld [tilespmem:s6+$0x9080];
	_ =	sdelay $0x2  }
.Ltmp7:
0x113: {  	(pc) =	sbr.rel @p1 .LBB2_11-.Ltmp7, $4  }
0x114: {  	_ = 	snop  }
0x115: {  	v3 =	vadd.f32 v2, v3  }
0x116: {  	s10 =	sshra.s32 s7, $0x2  }
0x117: {  	s7 =	sadd.s32 $0x40, s7;
	v2 =	vld [tilespmem:s10+$0x8E00];
	[tilespmem:s6+$0x9080] =	vst v3;
	s6 =	smov.u32 s10  }
0x118: {  	v3 =	vld [tilespmem:s6+$0x9080];
	_ =	sdelay $0x4  }
0x119: {  	v2 =	vadd.f32 v2, v3;
	_ =	sdelay $0x1  }
0x11a: {  	s0 =	rddreg [dreg:$0x16];
	[tilespmem:s6+$0x9080] =	vst v2  }
0x11b: {  	[tilespmem:s11], [sflag:$0xD] =	stream.linear.gather [spmem:s0], $0x280, $0x38;
	[tilespmem:$0x1FD80] =	vst v63  }
0x11c: {  	_ =	swait.ge [sflag:s12], $0x280  }
0x11d: {  	[sflag:s12] =	ssyncset.done $0x0  }
0x11e: {  	s6 =	simm.s32 $0x0;
	[sflag:s12] =	ssyncadd.s32 $0xFFFFFD80  }
0x11f: {  	s7 =	simm.s32 $0x40;
	v2 =	vld [tilespmem:s6+$0x8E00]  }
.LBB2_13:
0x120: {  	p1 =	sne.s32 s7, $0x9C0;
	v3 =	vld [tilespmem:s6+$0x9080];
	_ =	sdelay $0x2  }
.Ltmp8:
0x121: {  	(pc) =	sbr.rel @p1 .LBB2_13-.Ltmp8, $4  }
0x122: {  	_ = 	snop  }
0x123: {  	v3 =	vadd.f32 v2, v3  }
0x124: {  	s10 =	sshra.s32 s7, $0x2  }
0x125: {  	s7 =	sadd.s32 $0x40, s7;
	v2 =	vld [tilespmem:s10+$0x8E00];
	[tilespmem:s6+$0x9080] =	vst v3;
	s6 =	smov.u32 s10  }
0x126: {  	v3 =	vld [tilespmem:s6+$0x9080];
	_ =	sdelay $0x4  }
0x127: {  	v2 =	vadd.f32 v2, v3;
	_ =	sdelay $0x1  }
0x128: {  	s0 =	rddreg [dreg:$0x19];
	[tilespmem:s6+$0x9080] =	vst v2  }
0x129: {  	[tilespmem:s11], [sflag:$0xD] =	stream.linear.gather [spmem:s0], $0x280, $0x38;
	[tilespmem:$0x1FD80] =	vst v63  }
0x12a: {  	_ =	swait.ge [sflag:s12], $0x280  }
0x12b: {  	[sflag:s12] =	ssyncset.done $0x0  }
0x12c: {  	s6 =	simm.s32 $0x0;
	[sflag:s12] =	ssyncadd.s32 $0xFFFFFD80  }
0x12d: {  	s7 =	simm.s32 $0x40;
	v2 =	vld [tilespmem:s6+$0x8E00]  }
.LBB2_15:
0x12e: {  	p1 =	sne.s32 s7, $0x9C0;
	v3 =	vld [tilespmem:s6+$0x9080];
	_ =	sdelay $0x2  }
.Ltmp9:
0x12f: {  	(pc) =	sbr.rel @p1 .LBB2_15-.Ltmp9, $4  }
0x130: {  	_ = 	snop  }
0x131: {  	v3 =	vadd.f32 v2, v3  }
0x132: {  	s10 =	sshra.s32 s7, $0x2  }
0x133: {  	s7 =	sadd.s32 $0x40, s7;
	v2 =	vld [tilespmem:s10+$0x8E00];
	[tilespmem:s6+$0x9080] =	vst v3;
	s6 =	smov.u32 s10  }
0x134: {  	v3 =	vld [tilespmem:s6+$0x9080];
	_ =	sdelay $0x4  }
0x135: {  	v2 =	vadd.f32 v2, v3;
	_ =	sdelay $0x1  }
0x136: {  	s0 =	rddreg [dreg:$0x1a];
	[tilespmem:s6+$0x9080] =	vst v2  }
0x137: {  	[tilespmem:s11], [sflag:$0xD] =	stream.linear.gather [spmem:s0], $0x280, $0x38;
	[tilespmem:$0x1FD80] =	vst v63  }
0x138: {  	_ =	swait.ge [sflag:s12], $0x280  }
0x139: {  	[sflag:s12] =	ssyncset.done $0x0  }
0x13a: {  	s6 =	simm.s32 $0x0;
	[sflag:s12] =	ssyncadd.s32 $0xFFFFFD80  }
0x13b: {  	s7 =	simm.s32 $0x40;
	v2 =	vld [tilespmem:s6+$0x8E00]  }
.LBB2_17:
0x13c: {  	p1 =	sne.s32 s7, $0x9C0;
	v3 =	vld [tilespmem:s6+$0x9080];
	_ =	sdelay $0x2  }
.Ltmp10:
0x13d: {  	(pc) =	sbr.rel @p1 .LBB2_17-.Ltmp10, $4  }
0x13e: {  	_ = 	snop  }
0x13f: {  	v3 =	vadd.f32 v2, v3  }
0x140: {  	s10 =	sshra.s32 s7, $0x2  }
0x141: {  	s7 =	sadd.s32 $0x40, s7;
	v2 =	vld [tilespmem:s10+$0x8E00];
	[tilespmem:s6+$0x9080] =	vst v3;
	s6 =	smov.u32 s10  }
0x142: {  	v3 =	vld [tilespmem:s6+$0x9080];
	_ =	sdelay $0x4  }
0x143: {  	v2 =	vadd.f32 v2, v3;
	_ =	sdelay $0x1  }
0x144: {  	s0 =	rddreg [dreg:$0x1b];
	[tilespmem:s6+$0x9080] =	vst v2  }
0x145: {  	[tilespmem:s11], [sflag:$0xD] =	stream.linear.gather [spmem:s0], $0x280, $0x38;
	[tilespmem:$0x1FD80] =	vst v63  }
0x146: {  	_ =	swait.ge [sflag:s12], $0x280  }
0x147: {  	[sflag:s12] =	ssyncset.done $0x0  }
0x148: {  	s6 =	simm.s32 $0x0;
	[sflag:s12] =	ssyncadd.s32 $0xFFFFFD80  }
0x149: {  	s7 =	simm.s32 $0x40;
	v2 =	vld [tilespmem:s6+$0x8E00]  }
.LBB2_19:
0x14a: {  	p1 =	sne.s32 s7, $0x9C0;
	v3 =	vld [tilespmem:s6+$0x9080];
	_ =	sdelay $0x2  }
.Ltmp11:
0x14b: {  	(pc) =	sbr.rel @p1 .LBB2_19-.Ltmp11, $4  }
0x14c: {  	_ = 	snop  }
0x14d: {  	v3 =	vadd.f32 v2, v3  }
0x14e: {  	s10 =	sshra.s32 s7, $0x2  }
0x14f: {  	s7 =	sadd.s32 $0x40, s7;
	v2 =	vld [tilespmem:s10+$0x8E00];
	[tilespmem:s6+$0x9080] =	vst v3;
	s6 =	smov.u32 s10  }
0x150: {  	v3 =	vld [tilespmem:s6+$0x9080];
	_ =	sdelay $0x4  }
0x151: {  	v2 =	vadd.f32 v2, v3;
	_ =	sdelay $0x1  }
0x152: {  	s0 =	rddreg [dreg:$0x1c];
	[tilespmem:s6+$0x9080] =	vst v2  }
0x153: {  	[tilespmem:s11], [sflag:$0xD] =	stream.linear.gather [spmem:s0], $0x280, $0x38;
	[tilespmem:$0x1FD80] =	vst v63  }
0x154: {  	_ =	swait.ge [sflag:s12], $0x280  }
0x155: {  	[sflag:s12] =	ssyncset.done $0x0  }
0x156: {  	s6 =	simm.s32 $0x0;
	[sflag:s12] =	ssyncadd.s32 $0xFFFFFD80  }
0x157: {  	s7 =	simm.s32 $0x40;
	v2 =	vld [tilespmem:s6+$0x8E00]  }
.LBB2_21:
0x158: {  	p1 =	sne.s32 s7, $0x9C0;
	v3 =	vld [tilespmem:s6+$0x9080];
	_ =	sdelay $0x2  }
.Ltmp12:
0x159: {  	(pc) =	sbr.rel @p1 .LBB2_21-.Ltmp12, $4  }
0x15a: {  	_ = 	snop  }
0x15b: {  	v3 =	vadd.f32 v2, v3  }
0x15c: {  	s10 =	sshra.s32 s7, $0x2  }
0x15d: {  	s7 =	sadd.s32 $0x40, s7;
	v2 =	vld [tilespmem:s10+$0x8E00];
	[tilespmem:s6+$0x9080] =	vst v3;
	s6 =	smov.u32 s10  }
0x15e: {  	v3 =	vld [tilespmem:s6+$0x9080];
	_ =	sdelay $0x4  }
0x15f: {  	v2 =	vadd.f32 v2, v3;
	_ =	sdelay $0x1  }
0x160: {  	s0 =	rddreg [dreg:$0x1d];
	[tilespmem:s6+$0x9080] =	vst v2  }
0x161: {  	[tilespmem:s11], [sflag:$0xD] =	stream.linear.gather [spmem:s0], $0x280, $0x38;
	[tilespmem:$0x1FD80] =	vst v63  }
0x162: {  	_ =	swait.ge [sflag:s12], $0x280  }
0x163: {  	[sflag:s12] =	ssyncset.done $0x0  }
0x164: {  	s6 =	simm.s32 $0x0;
	[sflag:s12] =	ssyncadd.s32 $0xFFFFFD80  }
0x165: {  	s7 =	simm.s32 $0x40;
	v2 =	vld [tilespmem:s6+$0x8E00]  }
.LBB2_23:
0x166: {  	p1 =	sne.s32 s7, $0x9C0;
	v3 =	vld [tilespmem:s6+$0x9080];
	_ =	sdelay $0x2  }
.Ltmp13:
0x167: {  	(pc) =	sbr.rel @p1 .LBB2_23-.Ltmp13, $4  }
0x168: {  	_ = 	snop  }
0x169: {  	v3 =	vadd.f32 v2, v3  }
0x16a: {  	s10 =	sshra.s32 s7, $0x2  }
0x16b: {  	s7 =	sadd.s32 $0x40, s7;
	v2 =	vld [tilespmem:s10+$0x8E00];
	[tilespmem:s6+$0x9080] =	vst v3;
	s6 =	smov.u32 s10  }
0x16c: {  	v3 =	vld [tilespmem:s6+$0x9080];
	_ =	sdelay $0x4  }
0x16d: {  	v2 =	vadd.f32 v2, v3;
	_ =	sdelay $0x1  }
0x16e: {  	s0 =	rddreg [dreg:$0x1e];
	[tilespmem:s6+$0x9080] =	vst v2  }
0x16f: {  	[tilespmem:s11], [sflag:$0xD] =	stream.linear.gather [spmem:s0], $0x280, $0x38;
	[tilespmem:$0x1FD80] =	vst v63  }
0x170: {  	_ =	swait.ge [sflag:s12], $0x280  }
0x171: {  	[sflag:s12] =	ssyncset.done $0x0  }
0x172: {  	s6 =	simm.s32 $0x0;
	[sflag:s12] =	ssyncadd.s32 $0xFFFFFD80  }
0x173: {  	s7 =	simm.s32 $0x40;
	v2 =	vld [tilespmem:s6+$0x8E00]  }
.LBB2_25:
0x174: {  	p1 =	sne.s32 s7, $0x9C0;
	v3 =	vld [tilespmem:s6+$0x9080];
	_ =	sdelay $0x2  }
.Ltmp14:
0x175: {  	(pc) =	sbr.rel @p1 .LBB2_25-.Ltmp14, $4  }
0x176: {  	_ = 	snop  }
0x177: {  	v3 =	vadd.f32 v2, v3  }
0x178: {  	s10 =	sshra.s32 s7, $0x2  }
0x179: {  	s7 =	sadd.s32 $0x40, s7;
	v2 =	vld [tilespmem:s10+$0x8E00];
	[tilespmem:s6+$0x9080] =	vst v3;
	s6 =	smov.u32 s10  }
0x17a: {  	v3 =	vld [tilespmem:s6+$0x9080];
	_ =	sdelay $0x4  }
0x17b: {  	v2 =	vadd.f32 v2, v3;
	_ =	sdelay $0x1  }
0x17c: {  	s0 =	rddreg [dreg:$0x1f];
	[tilespmem:s6+$0x9080] =	vst v2  }
0x17d: {  	[tilespmem:s11], [sflag:$0xD] =	stream.linear.gather [spmem:s0], $0x280, $0x38;
	[tilespmem:$0x1FD80] =	vst v63  }
0x17e: {  	_ =	swait.ge [sflag:s12], $0x280  }
0x17f: {  	[sflag:s12] =	ssyncset.done $0x0  }
0x180: {  	s6 =	simm.s32 $0x0;
	[sflag:s12] =	ssyncadd.s32 $0xFFFFFD80  }
0x181: {  	s7 =	simm.s32 $0x40;
	v2 =	vld [tilespmem:s6+$0x8E00]  }
.LBB2_27:
0x182: {  	p1 =	sne.s32 s7, $0x9C0;
	v3 =	vld [tilespmem:s6+$0x9080];
	_ =	sdelay $0x2  }
.Ltmp15:
0x183: {  	(pc) =	sbr.rel @p1 .LBB2_27-.Ltmp15, $4  }
0x184: {  	_ = 	snop  }
0x185: {  	v3 =	vadd.f32 v2, v3  }
0x186: {  	s10 =	sshra.s32 s7, $0x2  }
0x187: {  	s7 =	sadd.s32 $0x40, s7;
	v2 =	vld [tilespmem:s10+$0x8E00];
	[tilespmem:s6+$0x9080] =	vst v3;
	s6 =	smov.u32 s10  }
0x188: {  	v3 =	vld [tilespmem:s6+$0x9080];
	_ =	sdelay $0x4  }
0x189: {  	s0 =	sld [smem:$0x7F9];
	v2 =	vadd.f32 v2, v3;
	_ =	sdelay $0x1  }
0x18a: {  	[tilespmem:s6+$0x9080] =	vst v2  }
0x18b: {  	[tilespmem:s11], [sflag:$0xD] =	stream.linear.gather [spmem:s0], $0x280, $0x38;
	[tilespmem:$0x1FD80] =	vst v63  }
0x18c: {  	_ =	swait.ge [sflag:s12], $0x280  }
0x18d: {  	[sflag:s12] =	ssyncset.done $0x0  }
0x18e: {  	s6 =	simm.s32 $0x0;
	[sflag:s12] =	ssyncadd.s32 $0xFFFFFD80  }
0x18f: {  	s7 =	simm.s32 $0x40;
	v2 =	vld [tilespmem:s6+$0x8E00]  }
.LBB2_29:
0x190: {  	p1 =	sne.s32 s7, $0x9C0;
	v3 =	vld [tilespmem:s6+$0x9080];
	_ =	sdelay $0x2  }
.Ltmp16:
0x191: {  	(pc) =	sbr.rel @p1 .LBB2_29-.Ltmp16, $4  }
0x192: {  	_ = 	snop  }
0x193: {  	v3 =	vadd.f32 v2, v3  }
0x194: {  	s10 =	sshra.s32 s7, $0x2  }
0x195: {  	s7 =	sadd.s32 $0x40, s7;
	v2 =	vld [tilespmem:s10+$0x8E00];
	[tilespmem:s6+$0x9080] =	vst v3;
	s6 =	smov.u32 s10  }
0x196: {  	v3 =	vld [tilespmem:s6+$0x9080];
	_ =	sdelay $0x4  }
0x197: {  	s0 =	sld [smem:$0x7FA];
	v2 =	vadd.f32 v2, v3;
	_ =	sdelay $0x1  }
0x198: {  	[tilespmem:s6+$0x9080] =	vst v2  }
0x199: {  	[tilespmem:s11], [sflag:$0xD] =	stream.linear.gather [spmem:s0], $0x280, $0x38;
	[tilespmem:$0x1FD80] =	vst v63  }
0x19a: {  	_ =	swait.ge [sflag:s12], $0x280  }
0x19b: {  	[sflag:s12] =	ssyncset.done $0x0  }
0x19c: {  	s6 =	simm.s32 $0x0;
	[sflag:s12] =	ssyncadd.s32 $0xFFFFFD80  }
0x19d: {  	s7 =	simm.s32 $0x40;
	v2 =	vld [tilespmem:s6+$0x8E00]  }
.LBB2_31:
0x19e: {  	p1 =	sne.s32 s7, $0x9C0;
	v3 =	vld [tilespmem:s6+$0x9080];
	_ =	sdelay $0x2  }
.Ltmp17:
0x19f: {  	(pc) =	sbr.rel @p1 .LBB2_31-.Ltmp17, $4  }
0x1a0: {  	_ = 	snop  }
0x1a1: {  	v3 =	vadd.f32 v2, v3  }
0x1a2: {  	s10 =	sshra.s32 s7, $0x2  }
0x1a3: {  	s7 =	sadd.s32 $0x40, s7;
	v2 =	vld [tilespmem:s10+$0x8E00];
	[tilespmem:s6+$0x9080] =	vst v3;
	s6 =	smov.u32 s10  }
0x1a4: {  	v3 =	vld [tilespmem:s6+$0x9080];
	_ =	sdelay $0x4  }
0x1a5: {  	s0 =	sld [smem:$0x7FB];
	v2 =	vadd.f32 v2, v3;
	_ =	sdelay $0x1  }
0x1a6: {  	[tilespmem:s6+$0x9080] =	vst v2  }
0x1a7: {  	[tilespmem:s11], [sflag:$0xD] =	stream.linear.gather [spmem:s0], $0x280, $0x38;
	[tilespmem:$0x1FD80] =	vst v63  }
0x1a8: {  	_ =	swait.ge [sflag:s12], $0x280  }
0x1a9: {  	[sflag:s12] =	ssyncset.done $0x0  }
0x1aa: {  	s6 =	simm.s32 $0x0;
	[sflag:s12] =	ssyncadd.s32 $0xFFFFFD80  }
0x1ab: {  	s7 =	simm.s32 $0x40;
	v2 =	vld [tilespmem:s6+$0x8E00]  }
.LBB2_33:
0x1ac: {  	p1 =	sne.s32 s7, $0x9C0;
	v3 =	vld [tilespmem:s6+$0x9080];
	_ =	sdelay $0x2  }
.Ltmp18:
0x1ad: {  	(pc) =	sbr.rel @p1 .LBB2_33-.Ltmp18, $4  }
0x1ae: {  	_ = 	snop  }
0x1af: {  	v3 =	vadd.f32 v2, v3  }
0x1b0: {  	s10 =	sshra.s32 s7, $0x2  }
0x1b1: {  	s7 =	sadd.s32 $0x40, s7;
	v2 =	vld [tilespmem:s10+$0x8E00];
	[tilespmem:s6+$0x9080] =	vst v3;
	s6 =	smov.u32 s10  }
0x1b2: {  	v3 =	vld [tilespmem:s6+$0x9080];
	_ =	sdelay $0x4  }
0x1b3: {  	s0 =	sld [smem:$0x7FC];
	v2 =	vadd.f32 v2, v3;
	_ =	sdelay $0x1  }
0x1b4: {  	[tilespmem:s6+$0x9080] =	vst v2  }
0x1b5: {  	[tilespmem:s11], [sflag:$0xD] =	stream.linear.gather [spmem:s0], $0x280, $0x38;
	[tilespmem:$0x1FD80] =	vst v63  }
0x1b6: {  	_ =	swait.ge [sflag:s12], $0x280  }
0x1b7: {  	[sflag:s12] =	ssyncset.done $0x0  }
0x1b8: {  	s6 =	simm.s32 $0x0;
	[sflag:s12] =	ssyncadd.s32 $0xFFFFFD80  }
0x1b9: {  	s7 =	simm.s32 $0x40;
	v2 =	vld [tilespmem:s6+$0x8E00]  }
.LBB2_35:
0x1ba: {  	p1 =	sne.s32 s7, $0x9C0;
	v3 =	vld [tilespmem:s6+$0x9080];
	_ =	sdelay $0x2  }
.Ltmp19:
0x1bb: {  	(pc) =	sbr.rel @p1 .LBB2_35-.Ltmp19, $4  }
0x1bc: {  	_ = 	snop  }
0x1bd: {  	v3 =	vadd.f32 v2, v3  }
0x1be: {  	s10 =	sshra.s32 s7, $0x2  }
0x1bf: {  	s7 =	sadd.s32 $0x40, s7;
	v2 =	vld [tilespmem:s10+$0x8E00];
	[tilespmem:s6+$0x9080] =	vst v3;
	s6 =	smov.u32 s10  }
0x1c0: {  	v3 =	vld [tilespmem:s6+$0x9080];
	_ =	sdelay $0x4  }
0x1c1: {  	s0 =	sld [smem:$0x7FD];
	v2 =	vadd.f32 v2, v3;
	_ =	sdelay $0x1  }
0x1c2: {  	[tilespmem:s6+$0x9080] =	vst v2  }
0x1c3: {  	[tilespmem:s11], [sflag:$0xD] =	stream.linear.gather [spmem:s0], $0x280, $0x38;
	[tilespmem:$0x1FD80] =	vst v63  }
0x1c4: {  	_ =	swait.ge [sflag:s12], $0x280  }
0x1c5: {  	[sflag:s12] =	ssyncset.done $0x0  }
0x1c6: {  	s6 =	simm.s32 $0x0;
	[sflag:s12] =	ssyncadd.s32 $0xFFFFFD80  }
0x1c7: {  	s7 =	simm.s32 $0x40;
	v2 =	vld [tilespmem:s6+$0x8E00]  }
.LBB2_37:
0x1c8: {  	p1 =	sne.s32 s7, $0x9C0;
	v3 =	vld [tilespmem:s6+$0x9080];
	_ =	sdelay $0x2  }
.Ltmp20:
0x1c9: {  	(pc) =	sbr.rel @p1 .LBB2_37-.Ltmp20, $4  }
0x1ca: {  	_ = 	snop  }
0x1cb: {  	v3 =	vadd.f32 v2, v3  }
0x1cc: {  	s10 =	sshra.s32 s7, $0x2  }
0x1cd: {  	s7 =	sadd.s32 $0x40, s7;
	v2 =	vld [tilespmem:s10+$0x8E00];
	[tilespmem:s6+$0x9080] =	vst v3;
	s6 =	smov.u32 s10  }
0x1ce: {  	v3 =	vld [tilespmem:s6+$0x9080];
	_ =	sdelay $0x4  }
0x1cf: {  	v2 =	vadd.f32 v2, v3;
	_ =	sdelay $0x1  }
0x1d0: {  	[tilespmem:s6+$0x9080] =	vst v2;
	s6 =	simm.s32 $0x0  }
0x1d1: {  	v2 =	vld [tilespmem:s6+$0x9080];
	_ =	sdelay $0x4  }
0x1d2: {  	v2 =	vadd.f32 $1.000000000e+00, v2;
	_ =	sdelay $0x1  }
0x1d3: {  	v3 =	vshra.s32 v2, $0x1;
	v2 =	vmul.f32 $5.000000000e-01, v2  }
0x1d4: {  	v3 =	vsub.s32 $0x5F3759DF, v3  }
0x1d5: {  	v4 =	vmul.f32 v3, v2;
	_ =	sdelay $0x1  }
0x1d6: {  	v4 =	vmul.f32 v3, v4;
	_ =	sdelay $0x1  }
0x1d7: {  	v4 =	vsub.f32 $1.500000000e+00, v4;
	_ =	sdelay $0x1  }
0x1d8: {  	v3 =	vmul.f32 v3, v4;
	_ =	sdelay $0x1  }
0x1d9: {  	v4 =	vmul.f32 v3, v2;
	_ =	sdelay $0x1  }
0x1da: {  	v4 =	vmul.f32 v4, v3;
	_ =	sdelay $0x1  }
0x1db: {  	v4 =	vsub.f32 $1.500000000e+00, v4;
	_ =	sdelay $0x1  }
0x1dc: {  	v3 =	vmul.f32 v4, v3;
	_ =	sdelay $0x1  }
0x1dd: {  	v2 =	vmul.f32 v3, v2;
	_ =	sdelay $0x1  }
0x1de: {  	v2 =	vmul.f32 v2, v3;
	_ =	sdelay $0x1  }
0x1df: {  	v2 =	vsub.f32 $1.500000000e+00, v2;
	_ =	sdelay $0x1  }
0x1e0: {  	s10 =	simm.s32 $0x40;
	s7 =	simm.s32 $0x80;
	v2 =	vmul.f32 v2, v3  }
.LBB2_39:
0x1e1: {  	p1 =	sne.s32 s7, $0x9C0  }
0x1e2: {  	s11 =	sshra.s32 s10, $0x2;
	s10 =	smov.u32 s7;
	[tilespmem:s6+$0x9080] =	vst v2;
	v2 =	vmul.f32 v2, v2  }
0x1e3: {  	v3 =	vld [tilespmem:s11+$0x9080]  }
0x1e4: {  	[tilespmem:s6+$0x9300] =	vst v2;
	s6 =	smov.u32 s11;
	_ =	sdelay $0x3  }
0x1e5: {  	v2 =	vadd.f32 $1.000000000e+00, v3;
	_ =	sdelay $0x1  }
0x1e6: {  	v3 =	vshra.s32 v2, $0x1;
	v2 =	vmul.f32 $5.000000000e-01, v2  }
0x1e7: {  	v3 =	vsub.s32 $0x5F3759DF, v3  }
0x1e8: {  	v4 =	vmul.f32 v3, v2;
	_ =	sdelay $0x1  }
0x1e9: {  	v4 =	vmul.f32 v3, v4;
	_ =	sdelay $0x1  }
0x1ea: {  	v4 =	vsub.f32 $1.500000000e+00, v4;
	_ =	sdelay $0x1  }
0x1eb: {  	v3 =	vmul.f32 v3, v4;
	_ =	sdelay $0x1  }
0x1ec: {  	v4 =	vmul.f32 v3, v2;
	_ =	sdelay $0x1  }
0x1ed: {  	v4 =	vmul.f32 v4, v3;
	_ =	sdelay $0x1  }
0x1ee: {  	v4 =	vsub.f32 $1.500000000e+00, v4;
	_ =	sdelay $0x1  }
0x1ef: {  	v3 =	vmul.f32 v4, v3;
	_ =	sdelay $0x1  }
0x1f0: {  	v2 =	vmul.f32 v3, v2;
	_ =	sdelay $0x1  }
.Ltmp21:
0x1f1: {  	v2 =	vmul.f32 v2, v3;
	(pc) =	sbr.rel @p1 .LBB2_39-.Ltmp21, $3  }
0x1f2: {  	_ = 	snop  }
0x1f3: {  	v2 =	vsub.f32 $1.500000000e+00, v2;
	_ =	sdelay $0x1  }
0x1f4: {  	s7 =	sadd.s32 $0x40, s7;
	v2 =	vmul.f32 v2, v3  }
0x1f5: {  	_ = 	snop  }
0x1f6: {  	s7 =	sshra.s32 s10, $0x2;
	[tilespmem:s6+$0x9080] =	vst v2  }
0x1f7: {  	v3 =	vld [tilespmem:s7+$0x9080];
	_ =	sdelay $0x4  }
0x1f8: {  	v3 =	vadd.f32 $1.000000000e+00, v3;
	_ =	sdelay $0x1  }
0x1f9: {  	v4 =	vshra.s32 v3, $0x1;
	v3 =	vmul.f32 $5.000000000e-01, v3  }
0x1fa: {  	v4 =	vsub.s32 $0x5F3759DF, v4  }
0x1fb: {  	v5 =	vmul.f32 v4, v3;
	_ =	sdelay $0x1  }
0x1fc: {  	v5 =	vmul.f32 v4, v5;
	_ =	sdelay $0x1  }
0x1fd: {  	v5 =	vsub.f32 $1.500000000e+00, v5;
	_ =	sdelay $0x1  }
0x1fe: {  	v4 =	vmul.f32 v4, v5;
	_ =	sdelay $0x1  }
0x1ff: {  	v5 =	vmul.f32 v4, v3;
	_ =	sdelay $0x1  }
0x200: {  	v5 =	vmul.f32 v5, v4;
	_ =	sdelay $0x1  }
0x201: {  	v5 =	vsub.f32 $1.500000000e+00, v5;
	_ =	sdelay $0x1  }
0x202: {  	v4 =	vmul.f32 v5, v4;
	_ =	sdelay $0x1  }
0x203: {  	v3 =	vmul.f32 v4, v3;
	_ =	sdelay $0x1  }
0x204: {  	v3 =	vmul.f32 v3, v4;
	_ =	sdelay $0x1  }
0x205: {  	v3 =	vsub.f32 $1.500000000e+00, v3;
	_ =	sdelay $0x1  }
0x206: {  	v2 =	vmul.f32 v2, v2;
	v3 =	vmul.f32 v3, v4;
	_ =	sdelay $0x1  }
0x207: {  	[tilespmem:s6+$0x9300] =	vst v2;
	v2 =	vmul.f32 v3, v3  }
0x208: {  	[tilespmem:s7+$0x9080] =	vst v3  }
0x209: {  	s0 =	rddreg [dreg:$0x10];
	s6 =	simm.s32 @!p0 $0x0;
	[tilespmem:s7+$0x9300] =	vst v2;
	s7 =	simm.s32 @!p0 $0x9080  }
0x20a: {  	[hbm4b:s0+s6] =	stream.linear.scatter @!p0 [tilespmem:s7], [sflag:$0xD], $0x280, $0x38;
	[tilespmem:$0x1FD80] =	vst v63  }
0x20b: {  	s6 =	simm.s32 @!p0 $0xD  }
0x20c: {  	_ =	swait.ge @!p0 [sflag:s6], $0x280  }
0x20d: {  	s11 =	simm.s32 $0x9080;
	[sflag:s6] =	ssyncset.done @!p0 $0x0  }
0x20e: {  	s19 =	simm.s32 $0x0;
	s7 =	simm.s32 $0x0;
	[sflag:s6] =	ssyncadd.s32 @!p0 $0xFFFFFD80  }
.LBB2_41:
0x20f: {  	s0 =	sld [smem:$0x7F6];
	_ =	sdelay $0x1  }
0x210: {  	s6 =	sshll.u32 s19, $0x7  }
0x211: {  	s6 =	sadd.s32 s0, s6  }
0x212: {  	s10 =	sshll.u32 s6, $0x4  }
0x213: {  	s10 =	sadd.s32 s10, s31  }
0x214: {  	v2 =	vmov s11;
	[tilespmem:s7], [sflag:$0xD] =	stream.strided.gather [hbm4b:s10+s17], $0x2000, s16, s17, $0x38;
	[tilespmem:$0x1FD80] =	vst v63  }
0x215: {  	_ =	swait.ge [sflag:s12], $0x2000  }
0x216: {  	[sflag:s12] =	ssyncset.done $0x0  }
0x217: {  	s20 =	simm.s32 $0x0;
	s10 =	simm.s32 $0x200;
	[sflag:s12] =	ssyncadd.s32 $0xFFFFE000  }
.LBB2_42:
0x218: {  	s29 =	sshra.s32 s20, $0x2  }
0x219: {  	v3 =	vld.idx.msk [tilespmem:v2+s29+$0x0 ss:$0x1], $0xffff;
	_ =	sdelay $0x1  }
0x21a: {  	v4 =	vld [tilespmem:s10+$0xFFFFFE00];
	_ =	sdelay $0x1  }
0x21b: {  	v43 =	vld [tilespmem:s10+$0xFFFFFE10]  }
0x21c: {  	v5 =	vbroadcast v3, $0x0  }
0x21d: {  	v44 =	vld [tilespmem:s10+$0xFFFFFE20]  }
0x21e: {  	v4 =	vmul.f32 v5, v4  }
0x21f: {  	v45 =	vld [tilespmem:s10+$0xFFFFFE30]  }
0x220: {  	[tilespmem:s10+$0xFFFFFE00] =	vst v4;
	v4 =	vmul.f32 v43, v5  }
0x221: {  	v46 =	vld [tilespmem:s10+$0xFFFFFE40]  }
0x222: {  	[tilespmem:s10+$0xFFFFFE10] =	vst v4;
	v4 =	vmul.f32 v44, v5  }
0x223: {  	v48 =	vld [tilespmem:s10+$0xFFFFFE50]  }
0x224: {  	v47 =	vbroadcast v3, $0x1;
	[tilespmem:s10+$0xFFFFFE20] =	vst v4;
	v4 =	vmul.f32 v45, v5  }
0x225: {  	v49 =	vld [tilespmem:s10+$0xFFFFFE60]  }
0x226: {  	[tilespmem:s10+$0xFFFFFE30] =	vst v4;
	v4 =	vmul.f32 v46, v47  }
0x227: {  	v50 =	vld [tilespmem:s10+$0xFFFFFE70]  }
0x228: {  	[tilespmem:s10+$0xFFFFFE40] =	vst v4;
	v4 =	vmul.f32 v48, v47  }
0x229: {  	v51 =	vld [tilespmem:s10+$0xFFFFFE80]  }
0x22a: {  	[tilespmem:s10+$0xFFFFFE50] =	vst v4;
	v4 =	vmul.f32 v49, v47  }
0x22b: {  	v53 =	vld [tilespmem:s10+$0xFFFFFE90]  }
0x22c: {  	v52 =	vbroadcast v3, $0x2;
	[tilespmem:s10+$0xFFFFFE60] =	vst v4;
	v4 =	vmul.f32 v50, v47  }
0x22d: {  	v54 =	vld [tilespmem:s10+$0xFFFFFEA0]  }
0x22e: {  	[tilespmem:s10+$0xFFFFFE70] =	vst v4;
	v4 =	vmul.f32 v51, v52  }
0x22f: {  	v55 =	vld [tilespmem:s10+$0xFFFFFEB0]  }
0x230: {  	[tilespmem:s10+$0xFFFFFE80] =	vst v4;
	v4 =	vmul.f32 v53, v52  }
0x231: {  	v56 =	vld [tilespmem:s10+$0xFFFFFEC0]  }
0x232: {  	[tilespmem:s10+$0xFFFFFE90] =	vst v4;
	v4 =	vmul.f32 v54, v52  }
0x233: {  	v58 =	vld [tilespmem:s10+$0xFFFFFED0]  }
0x234: {  	v57 =	vbroadcast v3, $0x3;
	[tilespmem:s10+$0xFFFFFEA0] =	vst v4;
	v4 =	vmul.f32 v55, v52  }
0x235: {  	v59 =	vld [tilespmem:s10+$0xFFFFFEE0]  }
0x236: {  	[tilespmem:s10+$0xFFFFFEB0] =	vst v4;
	v4 =	vmul.f32 v56, v57  }
0x237: {  	v60 =	vld [tilespmem:s10+$0xFFFFFEF0]  }
0x238: {  	[tilespmem:s10+$0xFFFFFEC0] =	vst v4;
	v4 =	vmul.f32 v58, v57  }
0x239: {  	v61 =	vld [tilespmem:s10+$0xFFFFFF00]  }
0x23a: {  	[tilespmem:s10+$0xFFFFFED0] =	vst v4;
	v4 =	vmul.f32 v59, v57  }
0x23b: {  	v63 =	vld [tilespmem:s10+$0xFFFFFF10]  }
0x23c: {  	v62 =	vbroadcast v3, $0x4;
	[tilespmem:s10+$0xFFFFFEE0] =	vst v4;
	v4 =	vmul.f32 v60, v57  }
0x23d: {  	v8 =	vld [tilespmem:s10+$0xFFFFFF20]  }
0x23e: {  	[tilespmem:s10+$0xFFFFFEF0] =	vst v4;
	v4 =	vmul.f32 v61, v62  }
0x23f: {  	v9 =	vld [tilespmem:s10+$0xFFFFFF30]  }
0x240: {  	[tilespmem:s10+$0xFFFFFF00] =	vst v4;
	v4 =	vmul.f32 v63, v62  }
0x241: {  	v10 =	vld [tilespmem:s10+$0xFFFFFF40]  }
0x242: {  	[tilespmem:s10+$0xFFFFFF10] =	vst v4;
	v4 =	vmul.f32 v8, v62  }
0x243: {  	v12 =	vld [tilespmem:s10+$0xFFFFFF50]  }
0x244: {  	v11 =	vbroadcast v3, $0x5;
	[tilespmem:s10+$0xFFFFFF20] =	vst v4;
	v4 =	vmul.f32 v9, v62  }
0x245: {  	v13 =	vld [tilespmem:s10+$0xFFFFFF60]  }
0x246: {  	[tilespmem:s10+$0xFFFFFF30] =	vst v4;
	v4 =	vmul.f32 v10, v11  }
0x247: {  	v14 =	vld [tilespmem:s10+$0xFFFFFF70]  }
0x248: {  	[tilespmem:s10+$0xFFFFFF40] =	vst v4;
	v4 =	vmul.f32 v12, v11  }
0x249: {  	v15 =	vld [tilespmem:s10+$0xFFFFFF80]  }
0x24a: {  	[tilespmem:s10+$0xFFFFFF50] =	vst v4;
	v4 =	vmul.f32 v13, v11  }
0x24b: {  	v17 =	vld [tilespmem:s10+$0xFFFFFF90]  }
0x24c: {  	v16 =	vbroadcast v3, $0x6;
	[tilespmem:s10+$0xFFFFFF60] =	vst v4;
	v4 =	vmul.f32 v14, v11  }
0x24d: {  	v18 =	vld [tilespmem:s10+$0xFFFFFFA0]  }
0x24e: {  	[tilespmem:s10+$0xFFFFFF70] =	vst v4;
	v4 =	vmul.f32 v15, v16  }
0x24f: {  	v19 =	vld [tilespmem:s10+$0xFFFFFFB0]  }
0x250: {  	[tilespmem:s10+$0xFFFFFF80] =	vst v4;
	v4 =	vmul.f32 v17, v16  }
0x251: {  	v20 =	vld [tilespmem:s10+$0xFFFFFFC0]  }
0x252: {  	[tilespmem:s10+$0xFFFFFF90] =	vst v4;
	v4 =	vmul.f32 v18, v16  }
0x253: {  	v22 =	vld [tilespmem:s10+$0xFFFFFFD0]  }
0x254: {  	v21 =	vbroadcast v3, $0x7;
	[tilespmem:s10+$0xFFFFFFA0] =	vst v4;
	v4 =	vmul.f32 v19, v16  }
0x255: {  	v23 =	vld [tilespmem:s10+$0xFFFFFFE0]  }
0x256: {  	[tilespmem:s10+$0xFFFFFFB0] =	vst v4;
	v4 =	vmul.f32 v20, v21  }
0x257: {  	v24 =	vld [tilespmem:s10+$0xFFFFFFF0]  }
0x258: {  	[tilespmem:s10+$0xFFFFFFC0] =	vst v4;
	v4 =	vmul.f32 v22, v21  }
0x259: {  	v25 =	vld [tilespmem:s10+$0x0]  }
0x25a: {  	[tilespmem:s10+$0xFFFFFFD0] =	vst v4;
	v4 =	vmul.f32 v23, v21  }
0x25b: {  	v27 =	vld [tilespmem:s10+$0x10]  }
0x25c: {  	v26 =	vbroadcast v3, $0x8;
	[tilespmem:s10+$0xFFFFFFE0] =	vst v4;
	v4 =	vmul.f32 v24, v21  }
0x25d: {  	v28 =	vld [tilespmem:s10+$0x20]  }
0x25e: {  	[tilespmem:s10+$0xFFFFFFF0] =	vst v4;
	v4 =	vmul.f32 v25, v26  }
0x25f: {  	v29 =	vld [tilespmem:s10+$0x30]  }
0x260: {  	[tilespmem:s10+$0x0] =	vst v4;
	v4 =	vmul.f32 v27, v26  }
0x261: {  	v30 =	vld [tilespmem:s10+$0x40]  }
0x262: {  	[tilespmem:s10+$0x10] =	vst v4;
	v4 =	vmul.f32 v28, v26  }
0x263: {  	v32 =	vld [tilespmem:s10+$0x50]  }
0x264: {  	v31 =	vbroadcast v3, $0x9;
	[tilespmem:s10+$0x20] =	vst v4;
	v4 =	vmul.f32 v29, v26  }
0x265: {  	v33 =	vld [tilespmem:s10+$0x60]  }
0x266: {  	[tilespmem:s10+$0x30] =	vst v4;
	v4 =	vmul.f32 v30, v31  }
0x267: {  	v34 =	vld [tilespmem:s10+$0x70]  }
0x268: {  	[tilespmem:s10+$0x40] =	vst v4;
	v4 =	vmul.f32 v32, v31  }
0x269: {  	v35 =	vld [tilespmem:s10+$0x80]  }
0x26a: {  	[tilespmem:s10+$0x50] =	vst v4;
	v4 =	vmul.f32 v33, v31  }
0x26b: {  	v37 =	vld [tilespmem:s10+$0x90]  }
0x26c: {  	v36 =	vbroadcast v3, $0xA;
	[tilespmem:s10+$0x60] =	vst v4;
	v4 =	vmul.f32 v34, v31  }
0x26d: {  	v38 =	vld [tilespmem:s10+$0xA0]  }
0x26e: {  	[tilespmem:s10+$0x70] =	vst v4;
	v4 =	vmul.f32 v35, v36  }
0x26f: {  	v39 =	vld [tilespmem:s10+$0xB0]  }
0x270: {  	[tilespmem:s10+$0x80] =	vst v4;
	v4 =	vmul.f32 v37, v36  }
0x271: {  	v40 =	vld [tilespmem:s10+$0xC0]  }
0x272: {  	[tilespmem:s10+$0x90] =	vst v4;
	v4 =	vmul.f32 v38, v36  }
0x273: {  	v42 =	vld [tilespmem:s10+$0xD0]  }
0x274: {  	v41 =	vbroadcast v3, $0xB;
	[tilespmem:s10+$0xA0] =	vst v4;
	v4 =	vmul.f32 v39, v36  }
0x275: {  	v43 =	vld [tilespmem:s10+$0xE0]  }
0x276: {  	[tilespmem:s10+$0xB0] =	vst v4;
	v4 =	vmul.f32 v40, v41  }
0x277: {  	v44 =	vld [tilespmem:s10+$0xF0]  }
0x278: {  	[tilespmem:s10+$0xC0] =	vst v4;
	v4 =	vmul.f32 v42, v41  }
0x279: {  	v45 =	vld [tilespmem:s10+$0x100]  }
0x27a: {  	[tilespmem:s10+$0xD0] =	vst v4;
	v4 =	vmul.f32 v43, v41  }
0x27b: {  	v47 =	vld [tilespmem:s10+$0x110]  }
0x27c: {  	v46 =	vbroadcast v3, $0xC;
	[tilespmem:s10+$0xE0] =	vst v4;
	v4 =	vmul.f32 v44, v41  }
0x27d: {  	v48 =	vld [tilespmem:s10+$0x120]  }
0x27e: {  	[tilespmem:s10+$0xF0] =	vst v4;
	v4 =	vmul.f32 v45, v46  }
0x27f: {  	v49 =	vld [tilespmem:s10+$0x130]  }
0x280: {  	[tilespmem:s10+$0x100] =	vst v4;
	v4 =	vmul.f32 v47, v46  }
0x281: {  	v50 =	vld [tilespmem:s10+$0x140]  }
0x282: {  	[tilespmem:s10+$0x110] =	vst v4;
	v4 =	vmul.f32 v48, v46  }
0x283: {  	v52 =	vld [tilespmem:s10+$0x150]  }
0x284: {  	v51 =	vbroadcast v3, $0xD;
	[tilespmem:s10+$0x120] =	vst v4;
	v4 =	vmul.f32 v49, v46  }
0x285: {  	v53 =	vld [tilespmem:s10+$0x160]  }
0x286: {  	[tilespmem:s10+$0x130] =	vst v4;
	v4 =	vmul.f32 v50, v51  }
0x287: {  	v54 =	vld [tilespmem:s10+$0x170]  }
0x288: {  	[tilespmem:s10+$0x140] =	vst v4;
	v4 =	vmul.f32 v52, v51  }
0x289: {  	v55 =	vld [tilespmem:s10+$0x180]  }
0x28a: {  	[tilespmem:s10+$0x150] =	vst v4;
	v4 =	vmul.f32 v53, v51  }
0x28b: {  	v57 =	vld [tilespmem:s10+$0x190]  }
0x28c: {  	v56 =	vbroadcast v3, $0xE;
	[tilespmem:s10+$0x160] =	vst v4;
	v4 =	vmul.f32 v54, v51  }
0x28d: {  	v58 =	vld [tilespmem:s10+$0x1A0]  }
0x28e: {  	[tilespmem:s10+$0x170] =	vst v4;
	v4 =	vmul.f32 v55, v56  }
0x28f: {  	v59 =	vld [tilespmem:s10+$0x1B0]  }
0x290: {  	[tilespmem:s10+$0x180] =	vst v4;
	v4 =	vmul.f32 v57, v56  }
0x291: {  	v60 =	vld [tilespmem:s10+$0x1C0]  }
0x292: {  	[tilespmem:s10+$0x190] =	vst v4;
	v4 =	vmul.f32 v58, v56  }
0x293: {  	v61 =	vld [tilespmem:s10+$0x1D0]  }
0x294: {  	v3 =	vbroadcast v3, $0xF;
	[tilespmem:s10+$0x1A0] =	vst v4;
	v4 =	vmul.f32 v59, v56  }
0x295: {  	v62 =	vld [tilespmem:s10+$0x1E0]  }
0x296: {  	v63 =	vld [tilespmem:s10+$0x1F0];
	[tilespmem:s10+$0x1B0] =	vst v4;
	v4 =	vmul.f32 v60, v3;
	_ =	sdelay $0x1  }
0x297: {  	p1 =	sne.s32 s20, $0x1C0;
	[tilespmem:s10+$0x1C0] =	vst v4;
	v4 =	vmul.f32 v61, v3  }
.Ltmp22:
0x298: {  	_ = 	snop;
	(pc) =	sbr.rel @p1 .LBB2_42-.Ltmp22, $4  }
0x299: {  	[tilespmem:s10+$0x1D0] =	vst v4;
	v4 =	vmul.f32 v62, v3  }
0x29a: {  	v3 =	vmul.f32 v63, v3  }
0x29b: {  	[tilespmem:s10+$0x1E0] =	vst v4  }
0x29c: {  	s20 =	sadd.s32 $0x40, s20;
	[tilespmem:s10+$0x1F0] =	vst v3;
	s10 =	sadd.s32 $0x400, s10  }
0x29d: {  	s6 =	sshll.u32 s6, $0x6  }
0x29e: {  	s3 =	simm.s32 $0x0;
	s10 =	sadd.s32 s6, s2  }
0x29f: {  	[spmem:s10] =	stream.linear.scatter [tilespmem:s3], [sflag:$0xD], $0x2000, $0x38;
	[tilespmem:$0x1FD80] =	vst v63  }
0x2a0: {  	s19 =	sadd.s32 $0x1, s19;
	_ =	swait.ge [sflag:s12], $0x2000  }
0x2a1: {  	p1 =	sne.s32 s19, $0x5;
	[sflag:s12] =	ssyncset.done $0x0  }
.Ltmp23:
0x2a2: {  	s6 =	sadd.s32 s6, s4;
	[sflag:s12] =	ssyncadd.s32 $0xFFFFE000;
	(pc) =	sbr.rel @p1 .LBB2_41-.Ltmp23, $4  }
0x2a3: {  	[spmem:s6] =	stream.linear.scatter [tilespmem:s3], [sflag:$0xD], $0x2000, $0x38;
	[tilespmem:$0x1FD80] =	vst v63  }
0x2a4: {  	_ =	swait.ge [sflag:s12], $0x2000  }
0x2a5: {  	[sflag:s12] =	ssyncset.done $0x0  }
0x2a6: {  	s11 =	sadd.s32 $0x80, s11;
	[sflag:s12] =	ssyncadd.s32 $0xFFFFE000  }
.Ltmp24:
0x2a7: {  	(pc) =	sbr.rel .LBB2_45-.Ltmp24, $2  }
0x2a8: {  	_ =	sdelay $0x2  }
0x2a9: {  	s1 =	simm.s32 $0x0  }
.LBB2_53:
0x2aa: {  	s1 =	sadd.s32 $0x1, s1  }
0x2ab: {  	p1 =	sne.s32 s1, $0x8  }
.Ltmp25:
0x2ac: {  	_ = 	snop;
	(pc) =	sbr.rel @!p1 .LBB2_54-.Ltmp25, $1  }
0x2ad: {  	_ =	sdelay $0x3  }
.LBB2_45:
0x2ae: {  	[smem:$0x7F4] =	sst s1  }
0x2af: {  	[bflag:$0x0] =	sbarrier.arrive $0xFFFF  }
0x2b0: {  	s7 =	simm.s32 $0x6000;
	s0 =	rddreg [dreg:$0x12]  }
0x2b1: {  	[tilespmem:s7], [sflag:$0x7] =	stream.linear.gather [hbm4b:s0+s3], $0x80, $0x38;
	[tilespmem:$0x1FD80] =	vst v63  }
0x2b2: {  	s6 =	simm.s32 $0x6300;
	s29 =	rddreg [dreg:$0x8]  }
0x2b3: {  	[tilespmem:s6], [sflag:$0x7] =	stream.linear.gather [hbm4b:s29+s3], $0x80, $0x38;
	[tilespmem:$0x1FD80] =	vst v63  }
0x2b4: {  	s1 =	simm.s32 $0x6080;
	s31 =	rddreg [dreg:$0x13]  }
0x2b5: {  	[tilespmem:s1], [sflag:$0x8] =	stream.linear.gather [hbm4b:s31+s3], $0x80, $0x38;
	[tilespmem:$0x1FD80] =	vst v63  }
0x2b6: {  	s10 =	simm.s32 $0x6380;
	s9 =	rddreg [dreg:$0x9]  }
0x2b7: {  	[tilespmem:s10], [sflag:$0x8] =	stream.linear.gather [hbm4b:s9+s3], $0x80, $0x38;
	[tilespmem:$0x1FD80] =	vst v63  }
0x2b8: {  	s12 =	simm.s32 $0x6100;
	s11 =	rddreg [dreg:$0x14]  }
0x2b9: {  	[tilespmem:s12], [sflag:$0x9] =	stream.linear.gather [hbm4b:s11+s3], $0x80, $0x38;
	[tilespmem:$0x1FD80] =	vst v63  }
0x2ba: {  	s19 =	simm.s32 $0x6400;
	s17 =	rddreg [dreg:$0xa]  }
0x2bb: {  	[tilespmem:s19], [sflag:$0x9] =	stream.linear.gather [hbm4b:s17+s3], $0x80, $0x38;
	[tilespmem:$0x1FD80] =	vst v63  }
0x2bc: {  	s28 =	simm.s32 $0x6180;
	s20 =	rddreg [dreg:$0x15]  }
0x2bd: {  	[tilespmem:s28], [sflag:$0xA] =	stream.linear.gather [hbm4b:s20+s3], $0x80, $0x38;
	[tilespmem:$0x1FD80] =	vst v63  }
0x2be: {  	s29 =	rddreg [dreg:$0xb];
	s31 =	simm.s32 $0x7;
	s12 =	simm.s32 $0x6480  }
0x2bf: {  	[tilespmem:s12], [sflag:$0xA] =	stream.linear.gather [hbm4b:s29+s3], $0x80, $0x38;
	[tilespmem:$0x1FD80] =	vst v63  }
0x2c0: {  	_ =	swait.ge [sflag:s31], $0x80  }
0x2c1: {  	[sflag:s31] =	ssyncset.done $0x0  }
0x2c2: {  	[sflag:s31] =	ssyncadd.s32 $0xFFFFFF80  }
0x2c3: {  	_ =	swait.ge [sflag:s31], $0x80  }
0x2c4: {  	[sflag:s31] =	ssyncset.done $0x0  }
0x2c5: {  	s0 =	simm.s32 $0x6300;
	s6 =	simm.s32 $0x0;
	[sflag:s31] =	ssyncadd.s32 $0xFFFFFF80  }
0x2c6: {  	[tilespmem:s3], [sflag:$0x1] =	stream.indirect.gather [spmem:s2], $0x40, s7, s16, $0xb8;
	[tilespmem:$0x1FD80] =	vst v63  }
.LBB2_46:
0x2c7: {  	s9 =	simm.s32 $0x1  }
0x2c8: {  	_ =	swait.ge [sflag:s9], $0x2000  }
0x2c9: {  	p1 =	seq.s32 s6, $0x0;
	[sflag:s9] =	ssyncset.done $0x0  }
0x2ca: {  	s10 =	simm.s32 @!p1 $0x5;
	[sflag:s9] =	ssyncadd.s32 $0xFFFFE000  }
0x2cb: {  	[spmem:s4] =	stream.indirect.scatter.add.f32 [tilespmem:s5], [sflag:$0x4], $0x40, s0, s16, $0xb8;
	[tilespmem:$0x1FD80] =	vst v63  }
0x2cc: {  	_ =	swait.ge @!p1 [sflag:s10], $0x2000  }
0x2cd: {  	s19 =	sld [smem:$0x7F8]  }
0x2ce: {  	s31 =	sld [smem:$0x7F7];
	_ =	sdelay $0x1  }
0x2cf: {  	s1 =	simm.s32 $0x6200;
	[sflag:s10] =	ssyncset.done @!p1 $0x0;
	s7 =	sadd.s32 s6, s19  }
0x2d0: {  	[sflag:s10] =	ssyncadd.s32 @!p1 $0xFFFFE000;
	s10 =	sadd.s32 s6, s31;
	s20 =	sadd.s32 $0x40, s7  }
0x2d1: {  	[tilespmem:s1], [sflag:$0xB] =	stream.linear.gather [hbm4b:s20+s5], $0x80, $0x38;
	[tilespmem:$0x1FD80] =	vst v63  }
0x2d2: {  	s17 =	simm.s32 $0x6500;
	s3 =	simm.s32 $0x8;
	s11 =	sadd.s32 $0x40, s10  }
0x2d3: {  	[tilespmem:s17], [sflag:$0xB] =	stream.linear.gather [hbm4b:s11+s5], $0x80, $0x38;
	[tilespmem:$0x1FD80] =	vst v63  }
0x2d4: {  	_ =	swait.ge [sflag:s3], $0x80  }
0x2d5: {  	[sflag:s3] =	ssyncset.done $0x0  }
0x2d6: {  	[sflag:s3] =	ssyncadd.s32 $0xFFFFFF80  }
0x2d7: {  	_ =	swait.ge [sflag:s3], $0x80  }
0x2d8: {  	[sflag:s3] =	ssyncset.done $0x0  }
0x2d9: {  	s29 =	simm.s32 $0x6080;
	[sflag:s3] =	ssyncadd.s32 $0xFFFFFF80  }
0x2da: {  	[tilespmem:s21], [sflag:$0x2] =	stream.indirect.gather [spmem:s2], $0x40, s29, s16, $0xb8;
	[tilespmem:$0x1FD80] =	vst v63  }
0x2db: {  	_ =	swait.ge [sflag:s25], $0x2000  }
0x2dc: {  	[sflag:s25] =	ssyncset.done $0x0  }
0x2dd: {  	s11 =	simm.s32 @!p1 $0x6;
	s3 =	simm.s32 $0x6380;
	[sflag:s25] =	ssyncadd.s32 $0xFFFFE000  }
0x2de: {  	[spmem:s4] =	stream.indirect.scatter.add.f32 [tilespmem:s21], [sflag:$0x5], $0x40, s3, s16, $0xb8;
	[tilespmem:$0x1FD80] =	vst v63  }
0x2df: {  	_ =	swait.ge @!p1 [sflag:s11], $0x2000  }
0x2e0: {  	[sflag:s11] =	ssyncset.done @!p1 $0x0  }
0x2e1: {  	s20 =	sadd.s32 $0x50, s7;
	[sflag:s11] =	ssyncadd.s32 @!p1 $0xFFFFE000  }
0x2e2: {  	[tilespmem:s24], [sflag:$0xC] =	stream.linear.gather [hbm4b:s20+s5], $0x80, $0x38;
	[tilespmem:$0x1FD80] =	vst v63  }
0x2e3: {  	s29 =	sadd.s32 $0x50, s10  }
0x2e4: {  	[tilespmem:s22], [sflag:$0xC] =	stream.linear.gather [hbm4b:s29+s5], $0x80, $0x38;
	[tilespmem:$0x1FD80] =	vst v63  }
0x2e5: {  	_ =	swait.ge [sflag:s13], $0x80  }
0x2e6: {  	[sflag:s13] =	ssyncset.done $0x0  }
0x2e7: {  	[sflag:s13] =	ssyncadd.s32 $0xFFFFFF80  }
0x2e8: {  	_ =	swait.ge [sflag:s13], $0x80  }
0x2e9: {  	[sflag:s13] =	ssyncset.done $0x0  }
0x2ea: {  	s3 =	simm.s32 $0x6100;
	[sflag:s13] =	ssyncadd.s32 $0xFFFFFF80  }
0x2eb: {  	[tilespmem:s30], [sflag:$0x3] =	stream.indirect.gather [spmem:s2], $0x40, s3, s16, $0xb8;
	[tilespmem:$0x1FD80] =	vst v63  }
0x2ec: {  	_ =	swait.ge [sflag:s26], $0x2000  }
0x2ed: {  	p1 =	seq.s32 s6, $0x9C0;
	[sflag:s26] =	ssyncset.done $0x0  }
0x2ee: {  	s20 =	simm.s32 $0x6400;
	s3 =	simm.s32 $0x4;
	[sflag:s26] =	ssyncadd.s32 $0xFFFFE000  }
0x2ef: {  	[spmem:s4] =	stream.indirect.scatter.add.f32 [tilespmem:s30], [sflag:$0x6], $0x40, s20, s16, $0xb8;
	[tilespmem:$0x1FD80] =	vst v63  }
0x2f0: {  	s11 =	sadd.s32 @!p1 s6, s19;
	_ =	swait.ge [sflag:s3], $0x2000  }
0x2f1: {  	s19 =	sadd.s32 @!p1 $0x60, s11;
	[sflag:s3] =	ssyncset.done $0x0  }
0x2f2: {  	s29 =	simm.s32 @!p1 $0x6000;
	s20 =	simm.s32 @!p1 $0x0;
	[sflag:s3] =	ssyncadd.s32 $0xFFFFE000  }
0x2f3: {  	[tilespmem:s29], [sflag:$0x7] =	stream.linear.gather @!p1 [hbm4b:s19+s20], $0x80, $0x38;
	[tilespmem:$0x1FD80] =	vst v63  }
0x2f4: {  	s19 =	sadd.s32 @!p1 s6, s31  }
0x2f5: {  	s31 =	simm.s32 @!p1 $0x6300;
	s29 =	sadd.s32 @!p1 $0x60, s19  }
0x2f6: {  	[tilespmem:s31], [sflag:$0x7] =	stream.linear.gather @!p1 [hbm4b:s29+s20], $0x80, $0x38;
	[tilespmem:$0x1FD80] =	vst v63  }
0x2f7: {  	_ =	swait.ge [sflag:s14], $0x80  }
0x2f8: {  	[sflag:s14] =	ssyncset.done $0x0  }
0x2f9: {  	[sflag:s14] =	ssyncadd.s32 $0xFFFFFF80  }
0x2fa: {  	_ =	swait.ge [sflag:s14], $0x80  }
0x2fb: {  	[sflag:s14] =	ssyncset.done $0x0  }
0x2fc: {  	[sflag:s14] =	ssyncadd.s32 $0xFFFFFF80  }
0x2fd: {  	[tilespmem:s5], [sflag:$0x1] =	stream.indirect.gather [spmem:s2], $0x40, s28, s16, $0xb8;
	[tilespmem:$0x1FD80] =	vst v63  }
0x2fe: {  	_ =	swait.ge [sflag:s9], $0x2000  }
0x2ff: {  	[sflag:s9] =	ssyncset.done $0x0  }
0x300: {  	s29 =	simm.s32 $0x5;
	[sflag:s9] =	ssyncadd.s32 $0xFFFFE000  }
0x301: {  	[spmem:s4] =	stream.indirect.scatter.add.f32 [tilespmem:s5], [sflag:$0x4], $0x40, s12, s16, $0xb8;
	[tilespmem:$0x1FD80] =	vst v63  }
0x302: {  	_ =	swait.ge [sflag:s29], $0x2000  }
0x303: {  	[sflag:s29] =	ssyncset.done $0x0  }
0x304: {  	s31 =	simm.s32 @!p1 $0x6080;
	[sflag:s29] =	ssyncadd.s32 $0xFFFFE000;
	s29 =	sadd.s32 @!p1 $0x70, s11  }
0x305: {  	[tilespmem:s31], [sflag:$0x8] =	stream.linear.gather @!p1 [hbm4b:s29+s20], $0x80, $0x38;
	[tilespmem:$0x1FD80] =	vst v63  }
0x306: {  	s29 =	sadd.s32 @!p1 $0x70, s19;
	s31 =	simm.s32 @!p1 $0x6380  }
0x307: {  	[tilespmem:s31], [sflag:$0x8] =	stream.linear.gather @!p1 [hbm4b:s29+s20], $0x80, $0x38;
	[tilespmem:$0x1FD80] =	vst v63  }
0x308: {  	_ =	swait.ge [sflag:s15], $0x80  }
0x309: {  	[sflag:s15] =	ssyncset.done $0x0  }
0x30a: {  	[sflag:s15] =	ssyncadd.s32 $0xFFFFFF80  }
0x30b: {  	_ =	swait.ge [sflag:s15], $0x80  }
0x30c: {  	[sflag:s15] =	ssyncset.done $0x0  }
0x30d: {  	[sflag:s15] =	ssyncadd.s32 $0xFFFFFF80  }
0x30e: {  	[tilespmem:s21], [sflag:$0x2] =	stream.indirect.gather [spmem:s2], $0x40, s1, s16, $0xb8;
	[tilespmem:$0x1FD80] =	vst v63  }
0x30f: {  	_ =	swait.ge [sflag:s25], $0x2000  }
0x310: {  	[sflag:s25] =	ssyncset.done $0x0  }
0x311: {  	s29 =	simm.s32 $0x6;
	[sflag:s25] =	ssyncadd.s32 $0xFFFFE000  }
0x312: {  	[spmem:s4] =	stream.indirect.scatter.add.f32 [tilespmem:s21], [sflag:$0x5], $0x40, s17, s16, $0xb8;
	[tilespmem:$0x1FD80] =	vst v63  }
0x313: {  	_ =	swait.ge [sflag:s29], $0x2000  }
0x314: {  	[sflag:s29] =	ssyncset.done $0x0  }
0x315: {  	s11 =	sadd.s32 @!p1 $0x80, s11;
	[sflag:s29] =	ssyncadd.s32 $0xFFFFE000;
	s29 =	simm.s32 @!p1 $0x6100  }
0x316: {  	[tilespmem:s29], [sflag:$0x9] =	stream.linear.gather @!p1 [hbm4b:s11+s20], $0x80, $0x38;
	[tilespmem:$0x1FD80] =	vst v63  }
0x317: {  	s11 =	sadd.s32 @!p1 $0x80, s19;
	s19 =	simm.s32 @!p1 $0x6400  }
0x318: {  	[tilespmem:s19], [sflag:$0x9] =	stream.linear.gather @!p1 [hbm4b:s11+s20], $0x80, $0x38;
	[tilespmem:$0x1FD80] =	vst v63  }
0x319: {  	_ =	swait.ge [sflag:s23], $0x80  }
0x31a: {  	[sflag:s23] =	ssyncset.done $0x0  }
0x31b: {  	[sflag:s23] =	ssyncadd.s32 $0xFFFFFF80  }
0x31c: {  	_ =	swait.ge [sflag:s23], $0x80  }
0x31d: {  	[sflag:s23] =	ssyncset.done $0x0  }
0x31e: {  	[sflag:s23] =	ssyncadd.s32 $0xFFFFFF80  }
0x31f: {  	[tilespmem:s30], [sflag:$0x3] =	stream.indirect.gather [spmem:s2], $0x40, s24, s16, $0xb8;
	[tilespmem:$0x1FD80] =	vst v63  }
0x320: {  	_ =	swait.ge [sflag:s26], $0x2000  }
0x321: {  	[sflag:s26] =	ssyncset.done $0x0  }
.Ltmp26:
0x322: {  	[sflag:s26] =	ssyncadd.s32 $0xFFFFE000;
	(pc) =	sbr.rel @p1 .LBB2_48-.Ltmp26, $4  }
0x323: {  	[spmem:s4] =	stream.indirect.scatter.add.f32 [tilespmem:s30], [sflag:$0x6], $0x40, s22, s16, $0xb8;
	[tilespmem:$0x1FD80] =	vst v63  }
0x324: {  	_ =	swait.ge [sflag:s3], $0x2000  }
0x325: {  	s28 =	simm.s32 $0x6500;
	[sflag:s3] =	ssyncset.done $0x0  }
0x326: {  	s31 =	simm.s32 $0x6180;
	s17 =	simm.s32 $0x6580;
	[sflag:s3] =	ssyncadd.s32 $0xFFFFE000  }
0x327: {  	s7 =	sadd.s32 $0x90, s7  }
0x328: {  	[tilespmem:s31], [sflag:$0xA] =	stream.linear.gather [hbm4b:s7+s5], $0x80, $0x38;
	[tilespmem:$0x1FD80] =	vst v63  }
0x329: {  	s1 =	simm.s32 $0x7;
	s31 =	sadd.s32 $0x90, s10  }
0x32a: {  	[tilespmem:s12], [sflag:$0xA] =	stream.linear.gather [hbm4b:s31+s5], $0x80, $0x38;
	[tilespmem:$0x1FD80] =	vst v63  }
0x32b: {  	_ =	swait.ge [sflag:s1], $0x80  }
0x32c: {  	[sflag:s1] =	ssyncset.done $0x0  }
.Ltmp27:
0x32d: {  	[sflag:s1] =	ssyncadd.s32 $0xFFFFFF80;
	(pc) =	sbr.rel .LBB2_46-.Ltmp27, $4  }
0x32e: {  	_ =	swait.ge [sflag:s1], $0x80  }
0x32f: {  	[sflag:s1] =	ssyncset.done $0x0  }
0x330: {  	s6 =	sadd.s32 $0x60, s6;
	s28 =	simm.s32 $0x6180;
	[sflag:s1] =	ssyncadd.s32 $0xFFFFFF80  }
0x331: {  	[tilespmem:s5], [sflag:$0x1] =	stream.indirect.gather [spmem:s2], $0x40, s8, s16, $0xb8;
	[tilespmem:$0x1FD80] =	vst v63  }
.LBB2_48:
0x332: {  	s0 =	simm.s32 $0x5  }
0x333: {  	_ =	swait.ge [sflag:s0], $0x2000  }
0x334: {  	[sflag:s0] =	ssyncset.done $0x0  }
0x335: {  	s20 =	simm.s32 $0x6;
	[sflag:s0] =	ssyncadd.s32 $0xFFFFE000  }
0x336: {  	_ =	swait.ge [sflag:s20], $0x2000  }
0x337: {  	s1 =	sld [smem:$0x7F4]  }
.Ltmp28:
0x338: {  	[sflag:s20] =	ssyncset.done $0x0;
	(pc) =	sbr.rel .LBB2_49-.Ltmp28, $4  }
0x339: {  	s11 =	simm.s32 $0x0;
	[sflag:s20] =	ssyncadd.s32 $0xFFFFE000  }
0x33a: {  	s19 =	simm.s32 $0x9300;
	[bflag:$0x0] =	sbarrier.arrive $0xFFFF;
	s6 =	smul.u32 $0x140000, s1  }
0x33b: {  	s7 =	simm.s32 $0x0;
	s12 =	simm.s32 $0xD;
	s29 =	rddreg [dreg:$0x17]  }
0x33c: {  	s3 =	simm.s32 $0x0;
	p1 =	seq.s32 s1, $0x7;
	s31 =	sadd.s32 s29, s6  }
.LBB2_52:
0x33d: {  	s7 =	sadd.s32 $0x1, s7  }
0x33e: {  	p2 =	sne.s32 s7, $0x5  }
.Ltmp29:
0x33f: {  	_ = 	snop;
	(pc) =	sbr.rel @!p2 .LBB2_53-.Ltmp29, $2  }
0x340: {  	_ =	sdelay $0x2  }
0x341: {  	s19 =	sadd.s32 $0x80, s19  }
.LBB2_49:
0x342: {  	s0 =	sld [smem:$0x7F6];
	_ =	sdelay $0x1  }
0x343: {  	s6 =	sshll.u32 s7, $0x7  }
0x344: {  	s6 =	sadd.s32 s0, s6  }
0x345: {  	s6 =	sshll.u32 s6, $0x6  }
0x346: {  	s20 =	sadd.s32 s6, s4  }
0x347: {  	[tilespmem:s11], [sflag:$0xE] =	stream.linear.gather [spmem:s20], $0x2000, $0x38;
	[tilespmem:$0x1FD80] =	vst v63  }
0x348: {  	_ =	swait.ge [sflag:s18], $0x2000  }
0x349: {  	[sflag:s18] =	ssyncset.done $0x0  }
0x34a: {  	s10 =	sadd.s32 s6, s31;
	[sflag:s18] =	ssyncadd.s32 $0xFFFFE000  }
0x34b: {  	s10 =	sshrl.u32 s10, $0x3;
	s9 =	rddreg [dreg:$0x2]  }
.Ltmp30:
0x34c: {  	s10 =	sadd.s32 s9, s10;
	(pc) =	sbr.rel @p1 .LBB2_52-.Ltmp30, $4  }
0x34d: {  	[hbm4b:s10+s11] =	stream.linear.scatter [tilespmem:s11], [sflag:$0xE], $0x2000, $0x38;
	[tilespmem:$0x1FD80] =	vst v63  }
0x34e: {  	_ =	swait.ge [sflag:s18], $0x2000  }
0x34f: {  	[sflag:s18] =	ssyncset.done $0x0  }
0x350: {  	s29 =	simm.s32 $0x0;
	s10 =	simm.s32 $0x200;
	[sflag:s18] =	ssyncadd.s32 $0xFFFFE000  }
.LBB2_50:
0x351: {  	s0 =	sshra.s32 s29, $0x2  }
0x352: {  	s0 =	sadd.s32 s0, s19  }
0x353: {  	v2 =	vld [tilespmem:s0+$0x0];
	_ =	sdelay $0x1  }
0x354: {  	v3 =	vld [tilespmem:s10+$0xFFFFFE00];
	_ =	sdelay $0x2  }
0x355: {  	v4 =	vbroadcast v2, $0x0;
	_ =	sdelay $0x1  }
0x356: {  	v3 =	vmul.f32 v4, v3;
	_ =	sdelay $0x1  }
0x357: {  	[tilespmem:s10+$0xFFFFFE00] =	vst v3;
	v3 =	vld [tilespmem:s10+$0xFFFFFE10];
	_ =	sdelay $0x4  }
0x358: {  	v3 =	vmul.f32 v3, v4;
	_ =	sdelay $0x1  }
0x359: {  	[tilespmem:s10+$0xFFFFFE10] =	vst v3;
	v3 =	vld [tilespmem:s10+$0xFFFFFE20];
	_ =	sdelay $0x4  }
0x35a: {  	v3 =	vmul.f32 v3, v4;
	_ =	sdelay $0x1  }
0x35b: {  	[tilespmem:s10+$0xFFFFFE20] =	vst v3;
	v3 =	vld [tilespmem:s10+$0xFFFFFE30];
	_ =	sdelay $0x4  }
0x35c: {  	v3 =	vmul.f32 v3, v4;
	_ =	sdelay $0x1  }
0x35d: {  	[tilespmem:s10+$0xFFFFFE30] =	vst v3;
	v3 =	vld [tilespmem:s10+$0xFFFFFE40];
	_ =	sdelay $0x2  }
0x35e: {  	v50 =	vbroadcast v2, $0x1;
	_ =	sdelay $0x1  }
0x35f: {  	v3 =	vmul.f32 v3, v50;
	_ =	sdelay $0x1  }
0x360: {  	[tilespmem:s10+$0xFFFFFE40] =	vst v3;
	v3 =	vld [tilespmem:s10+$0xFFFFFE50];
	_ =	sdelay $0x4  }
0x361: {  	v3 =	vmul.f32 v3, v50;
	_ =	sdelay $0x1  }
0x362: {  	[tilespmem:s10+$0xFFFFFE50] =	vst v3;
	v3 =	vld [tilespmem:s10+$0xFFFFFE60];
	_ =	sdelay $0x4  }
0x363: {  	v3 =	vmul.f32 v3, v50;
	_ =	sdelay $0x1  }
0x364: {  	[tilespmem:s10+$0xFFFFFE60] =	vst v3;
	v3 =	vld [tilespmem:s10+$0xFFFFFE70];
	_ =	sdelay $0x4  }
0x365: {  	v3 =	vmul.f32 v3, v50;
	_ =	sdelay $0x1  }
0x366: {  	[tilespmem:s10+$0xFFFFFE70] =	vst v3;
	v3 =	vld [tilespmem:s10+$0xFFFFFE80];
	_ =	sdelay $0x2  }
0x367: {  	v51 =	vbroadcast v2, $0x2;
	_ =	sdelay $0x1  }
0x368: {  	v3 =	vmul.f32 v3, v51;
	_ =	sdelay $0x1  }
0x369: {  	[tilespmem:s10+$0xFFFFFE80] =	vst v3;
	v3 =	vld [tilespmem:s10+$0xFFFFFE90];
	_ =	sdelay $0x4  }
0x36a: {  	v3 =	vmul.f32 v3, v51;
	_ =	sdelay $0x1  }
0x36b: {  	[tilespmem:s10+$0xFFFFFE90] =	vst v3;
	v3 =	vld [tilespmem:s10+$0xFFFFFEA0];
	_ =	sdelay $0x4  }
0x36c: {  	v3 =	vmul.f32 v3, v51;
	_ =	sdelay $0x1  }
0x36d: {  	[tilespmem:s10+$0xFFFFFEA0] =	vst v3;
	v3 =	vld [tilespmem:s10+$0xFFFFFEB0];
	_ =	sdelay $0x4  }
0x36e: {  	v3 =	vmul.f32 v3, v51;
	_ =	sdelay $0x1  }
0x36f: {  	[tilespmem:s10+$0xFFFFFEB0] =	vst v3;
	v3 =	vld [tilespmem:s10+$0xFFFFFEC0];
	_ =	sdelay $0x2  }
0x370: {  	v52 =	vbroadcast v2, $0x3;
	_ =	sdelay $0x1  }
0x371: {  	v3 =	vmul.f32 v3, v52;
	_ =	sdelay $0x1  }
0x372: {  	[tilespmem:s10+$0xFFFFFEC0] =	vst v3;
	v3 =	vld [tilespmem:s10+$0xFFFFFED0];
	_ =	sdelay $0x4  }
0x373: {  	v3 =	vmul.f32 v3, v52;
	_ =	sdelay $0x1  }
0x374: {  	[tilespmem:s10+$0xFFFFFED0] =	vst v3;
	v3 =	vld [tilespmem:s10+$0xFFFFFEE0];
	_ =	sdelay $0x4  }
0x375: {  	v3 =	vmul.f32 v3, v52;
	_ =	sdelay $0x1  }
0x376: {  	[tilespmem:s10+$0xFFFFFEE0] =	vst v3;
	v3 =	vld [tilespmem:s10+$0xFFFFFEF0];
	_ =	sdelay $0x4  }
0x377: {  	v3 =	vmul.f32 v3, v52;
	_ =	sdelay $0x1  }
0x378: {  	[tilespmem:s10+$0xFFFFFEF0] =	vst v3;
	v3 =	vld [tilespmem:s10+$0xFFFFFF00];
	_ =	sdelay $0x2  }
0x379: {  	v53 =	vbroadcast v2, $0x4;
	_ =	sdelay $0x1  }
0x37a: {  	v3 =	vmul.f32 v3, v53;
	_ =	sdelay $0x1  }
0x37b: {  	[tilespmem:s10+$0xFFFFFF00] =	vst v3;
	v3 =	vld [tilespmem:s10+$0xFFFFFF10];
	_ =	sdelay $0x4  }
0x37c: {  	v3 =	vmul.f32 v3, v53;
	_ =	sdelay $0x1  }
0x37d: {  	[tilespmem:s10+$0xFFFFFF10] =	vst v3;
	v3 =	vld [tilespmem:s10+$0xFFFFFF20];
	_ =	sdelay $0x4  }
0x37e: {  	v3 =	vmul.f32 v3, v53;
	_ =	sdelay $0x1  }
0x37f: {  	[tilespmem:s10+$0xFFFFFF20] =	vst v3;
	v3 =	vld [tilespmem:s10+$0xFFFFFF30];
	_ =	sdelay $0x4  }
0x380: {  	v3 =	vmul.f32 v3, v53;
	_ =	sdelay $0x1  }
0x381: {  	[tilespmem:s10+$0xFFFFFF30] =	vst v3;
	v3 =	vld [tilespmem:s10+$0xFFFFFF40];
	_ =	sdelay $0x2  }
0x382: {  	v54 =	vbroadcast v2, $0x5;
	_ =	sdelay $0x1  }
0x383: {  	v3 =	vmul.f32 v3, v54;
	_ =	sdelay $0x1  }
0x384: {  	[tilespmem:s10+$0xFFFFFF40] =	vst v3;
	v3 =	vld [tilespmem:s10+$0xFFFFFF50];
	_ =	sdelay $0x4  }
0x385: {  	v3 =	vmul.f32 v3, v54;
	_ =	sdelay $0x1  }
0x386: {  	[tilespmem:s10+$0xFFFFFF50] =	vst v3;
	v3 =	vld [tilespmem:s10+$0xFFFFFF60];
	_ =	sdelay $0x4  }
0x387: {  	v3 =	vmul.f32 v3, v54;
	_ =	sdelay $0x1  }
0x388: {  	[tilespmem:s10+$0xFFFFFF60] =	vst v3;
	v3 =	vld [tilespmem:s10+$0xFFFFFF70];
	_ =	sdelay $0x4  }
0x389: {  	v3 =	vmul.f32 v3, v54;
	_ =	sdelay $0x1  }
0x38a: {  	[tilespmem:s10+$0xFFFFFF70] =	vst v3;
	v3 =	vld [tilespmem:s10+$0xFFFFFF80];
	_ =	sdelay $0x2  }
0x38b: {  	v55 =	vbroadcast v2, $0x6;
	_ =	sdelay $0x1  }
0x38c: {  	v3 =	vmul.f32 v3, v55;
	_ =	sdelay $0x1  }
0x38d: {  	[tilespmem:s10+$0xFFFFFF80] =	vst v3;
	v3 =	vld [tilespmem:s10+$0xFFFFFF90];
	_ =	sdelay $0x4  }
0x38e: {  	v3 =	vmul.f32 v3, v55;
	_ =	sdelay $0x1  }
0x38f: {  	[tilespmem:s10+$0xFFFFFF90] =	vst v3;
	v3 =	vld [tilespmem:s10+$0xFFFFFFA0];
	_ =	sdelay $0x4  }
0x390: {  	v3 =	vmul.f32 v3, v55;
	_ =	sdelay $0x1  }
0x391: {  	[tilespmem:s10+$0xFFFFFFA0] =	vst v3;
	v3 =	vld [tilespmem:s10+$0xFFFFFFB0];
	_ =	sdelay $0x4  }
0x392: {  	v3 =	vmul.f32 v3, v55;
	_ =	sdelay $0x1  }
0x393: {  	[tilespmem:s10+$0xFFFFFFB0] =	vst v3;
	v3 =	vld [tilespmem:s10+$0xFFFFFFC0];
	_ =	sdelay $0x2  }
0x394: {  	v56 =	vbroadcast v2, $0x7;
	_ =	sdelay $0x1  }
0x395: {  	v3 =	vmul.f32 v3, v56;
	_ =	sdelay $0x1  }
0x396: {  	[tilespmem:s10+$0xFFFFFFC0] =	vst v3;
	v3 =	vld [tilespmem:s10+$0xFFFFFFD0];
	_ =	sdelay $0x4  }
0x397: {  	v3 =	vmul.f32 v3, v56;
	_ =	sdelay $0x1  }
0x398: {  	[tilespmem:s10+$0xFFFFFFD0] =	vst v3;
	v3 =	vld [tilespmem:s10+$0xFFFFFFE0];
	_ =	sdelay $0x4  }
0x399: {  	v3 =	vmul.f32 v3, v56;
	_ =	sdelay $0x1  }
0x39a: {  	[tilespmem:s10+$0xFFFFFFE0] =	vst v3;
	v3 =	vld [tilespmem:s10+$0xFFFFFFF0];
	_ =	sdelay $0x4  }
0x39b: {  	v3 =	vmul.f32 v3, v56;
	_ =	sdelay $0x1  }
0x39c: {  	[tilespmem:s10+$0xFFFFFFF0] =	vst v3;
	v3 =	vld [tilespmem:s10+$0x0];
	_ =	sdelay $0x2  }
0x39d: {  	v57 =	vbroadcast v2, $0x8;
	_ =	sdelay $0x1  }
0x39e: {  	v3 =	vmul.f32 v3, v57;
	_ =	sdelay $0x1  }
0x39f: {  	[tilespmem:s10+$0x0] =	vst v3;
	v3 =	vld [tilespmem:s10+$0x10];
	_ =	sdelay $0x4  }
0x3a0: {  	v3 =	vmul.f32 v3, v57;
	_ =	sdelay $0x1  }
0x3a1: {  	[tilespmem:s10+$0x10] =	vst v3;
	v3 =	vld [tilespmem:s10+$0x20];
	_ =	sdelay $0x4  }
0x3a2: {  	v3 =	vmul.f32 v3, v57;
	_ =	sdelay $0x1  }
0x3a3: {  	[tilespmem:s10+$0x20] =	vst v3;
	v3 =	vld [tilespmem:s10+$0x30];
	_ =	sdelay $0x4  }
0x3a4: {  	v3 =	vmul.f32 v3, v57;
	_ =	sdelay $0x1  }
0x3a5: {  	[tilespmem:s10+$0x30] =	vst v3;
	v3 =	vld [tilespmem:s10+$0x40];
	_ =	sdelay $0x2  }
0x3a6: {  	v58 =	vbroadcast v2, $0x9;
	_ =	sdelay $0x1  }
0x3a7: {  	v3 =	vmul.f32 v3, v58;
	_ =	sdelay $0x1  }
0x3a8: {  	[tilespmem:s10+$0x40] =	vst v3;
	v3 =	vld [tilespmem:s10+$0x50];
	_ =	sdelay $0x4  }
0x3a9: {  	v3 =	vmul.f32 v3, v58;
	_ =	sdelay $0x1  }
0x3aa: {  	[tilespmem:s10+$0x50] =	vst v3;
	v3 =	vld [tilespmem:s10+$0x60];
	_ =	sdelay $0x4  }
0x3ab: {  	v3 =	vmul.f32 v3, v58;
	_ =	sdelay $0x1  }
0x3ac: {  	[tilespmem:s10+$0x60] =	vst v3;
	v3 =	vld [tilespmem:s10+$0x70];
	_ =	sdelay $0x4  }
0x3ad: {  	v3 =	vmul.f32 v3, v58;
	_ =	sdelay $0x1  }
0x3ae: {  	[tilespmem:s10+$0x70] =	vst v3;
	v3 =	vld [tilespmem:s10+$0x80];
	_ =	sdelay $0x2  }
0x3af: {  	v59 =	vbroadcast v2, $0xA;
	_ =	sdelay $0x1  }
0x3b0: {  	v3 =	vmul.f32 v3, v59;
	_ =	sdelay $0x1  }
0x3b1: {  	[tilespmem:s10+$0x80] =	vst v3;
	v3 =	vld [tilespmem:s10+$0x90];
	_ =	sdelay $0x4  }
0x3b2: {  	v3 =	vmul.f32 v3, v59;
	_ =	sdelay $0x1  }
0x3b3: {  	[tilespmem:s10+$0x90] =	vst v3;
	v3 =	vld [tilespmem:s10+$0xA0];
	_ =	sdelay $0x4  }
0x3b4: {  	v3 =	vmul.f32 v3, v59;
	_ =	sdelay $0x1  }
0x3b5: {  	[tilespmem:s10+$0xA0] =	vst v3;
	v3 =	vld [tilespmem:s10+$0xB0];
	_ =	sdelay $0x4  }
0x3b6: {  	v3 =	vmul.f32 v3, v59;
	_ =	sdelay $0x1  }
0x3b7: {  	[tilespmem:s10+$0xB0] =	vst v3;
	v3 =	vld [tilespmem:s10+$0xC0];
	_ =	sdelay $0x2  }
0x3b8: {  	v60 =	vbroadcast v2, $0xB;
	_ =	sdelay $0x1  }
0x3b9: {  	v3 =	vmul.f32 v3, v60;
	_ =	sdelay $0x1  }
0x3ba: {  	[tilespmem:s10+$0xC0] =	vst v3;
	v3 =	vld [tilespmem:s10+$0xD0];
	_ =	sdelay $0x4  }
0x3bb: {  	v3 =	vmul.f32 v3, v60;
	_ =	sdelay $0x1  }
0x3bc: {  	[tilespmem:s10+$0xD0] =	vst v3;
	v3 =	vld [tilespmem:s10+$0xE0];
	_ =	sdelay $0x4  }
0x3bd: {  	v3 =	vmul.f32 v3, v60;
	_ =	sdelay $0x1  }
0x3be: {  	[tilespmem:s10+$0xE0] =	vst v3;
	v3 =	vld [tilespmem:s10+$0xF0];
	_ =	sdelay $0x4  }
0x3bf: {  	v3 =	vmul.f32 v3, v60;
	_ =	sdelay $0x1  }
0x3c0: {  	[tilespmem:s10+$0xF0] =	vst v3;
	v3 =	vld [tilespmem:s10+$0x100];
	_ =	sdelay $0x2  }
0x3c1: {  	v61 =	vbroadcast v2, $0xC;
	_ =	sdelay $0x1  }
0x3c2: {  	v3 =	vmul.f32 v3, v61;
	_ =	sdelay $0x1  }
0x3c3: {  	[tilespmem:s10+$0x100] =	vst v3;
	v3 =	vld [tilespmem:s10+$0x110];
	_ =	sdelay $0x4  }
0x3c4: {  	v3 =	vmul.f32 v3, v61;
	_ =	sdelay $0x1  }
0x3c5: {  	[tilespmem:s10+$0x110] =	vst v3;
	v3 =	vld [tilespmem:s10+$0x120];
	_ =	sdelay $0x4  }
0x3c6: {  	v3 =	vmul.f32 v3, v61;
	_ =	sdelay $0x1  }
0x3c7: {  	[tilespmem:s10+$0x120] =	vst v3;
	v3 =	vld [tilespmem:s10+$0x130];
	_ =	sdelay $0x4  }
0x3c8: {  	v3 =	vmul.f32 v3, v61;
	_ =	sdelay $0x1  }
0x3c9: {  	[tilespmem:s10+$0x130] =	vst v3;
	v3 =	vld [tilespmem:s10+$0x140];
	_ =	sdelay $0x2  }
0x3ca: {  	v62 =	vbroadcast v2, $0xD;
	_ =	sdelay $0x1  }
0x3cb: {  	v3 =	vmul.f32 v3, v62;
	_ =	sdelay $0x1  }
0x3cc: {  	[tilespmem:s10+$0x140] =	vst v3;
	v3 =	vld [tilespmem:s10+$0x150];
	_ =	sdelay $0x4  }
0x3cd: {  	v3 =	vmul.f32 v3, v62;
	_ =	sdelay $0x1  }
0x3ce: {  	[tilespmem:s10+$0x150] =	vst v3;
	v3 =	vld [tilespmem:s10+$0x160];
	_ =	sdelay $0x4  }
0x3cf: {  	v3 =	vmul.f32 v3, v62;
	_ =	sdelay $0x1  }
0x3d0: {  	[tilespmem:s10+$0x160] =	vst v3;
	v3 =	vld [tilespmem:s10+$0x170];
	_ =	sdelay $0x4  }
0x3d1: {  	v3 =	vmul.f32 v3, v62;
	_ =	sdelay $0x1  }
0x3d2: {  	[tilespmem:s10+$0x170] =	vst v3;
	v3 =	vld [tilespmem:s10+$0x180];
	_ =	sdelay $0x2  }
0x3d3: {  	v63 =	vbroadcast v2, $0xE;
	_ =	sdelay $0x1  }
0x3d4: {  	v3 =	vmul.f32 v3, v63;
	_ =	sdelay $0x1  }
0x3d5: {  	[tilespmem:s10+$0x180] =	vst v3;
	v3 =	vld [tilespmem:s10+$0x190];
	_ =	sdelay $0x4  }
0x3d6: {  	v3 =	vmul.f32 v3, v63;
	_ =	sdelay $0x1  }
0x3d7: {  	[tilespmem:s10+$0x190] =	vst v3;
	v3 =	vld [tilespmem:s10+$0x1A0];
	_ =	sdelay $0x4  }
0x3d8: {  	v3 =	vmul.f32 v3, v63;
	_ =	sdelay $0x1  }
0x3d9: {  	[tilespmem:s10+$0x1A0] =	vst v3;
	v3 =	vld [tilespmem:s10+$0x1B0];
	_ =	sdelay $0x4  }
0x3da: {  	v3 =	vmul.f32 v3, v63;
	_ =	sdelay $0x1  }
0x3db: {  	[tilespmem:s10+$0x1B0] =	vst v3;
	v3 =	vld [tilespmem:s10+$0x1C0];
	_ =	sdelay $0x2  }
0x3dc: {  	v2 =	vbroadcast v2, $0xF;
	_ =	sdelay $0x1  }
0x3dd: {  	v3 =	vmul.f32 v3, v2;
	_ =	sdelay $0x1  }
0x3de: {  	[tilespmem:s10+$0x1C0] =	vst v3;
	v3 =	vld [tilespmem:s10+$0x1D0];
	_ =	sdelay $0x4  }
0x3df: {  	v3 =	vmul.f32 v3, v2;
	_ =	sdelay $0x1  }
0x3e0: {  	[tilespmem:s10+$0x1D0] =	vst v3;
	v3 =	vld [tilespmem:s10+$0x1E0];
	_ =	sdelay $0x4  }
0x3e1: {  	v3 =	vmul.f32 v3, v2;
	_ =	sdelay $0x1  }
0x3e2: {  	[tilespmem:s10+$0x1E0] =	vst v3;
	v3 =	vld [tilespmem:s10+$0x1F0];
	_ =	sdelay $0x1  }
0x3e3: {  	p2 =	sne.s32 s29, $0x1C0  }
.Ltmp31:
0x3e4: {  	_ = 	snop;
	(pc) =	sbr.rel @p2 .LBB2_50-.Ltmp31, $3  }
0x3e5: {  	_ = 	snop  }
0x3e6: {  	v2 =	vmul.f32 v3, v2;
	_ =	sdelay $0x1  }
0x3e7: {  	s29 =	sadd.s32 $0x40, s29;
	[tilespmem:s10+$0x1F0] =	vst v2;
	s10 =	sadd.s32 $0x400, s10  }
0x3e8: {  	s0 =	sadd.s32 s6, s2  }
0x3e9: {  	[spmem:s0] =	stream.linear.scatter [tilespmem:s5], [sflag:$0xE], $0x2000, $0x38;
	[tilespmem:$0x1FD80] =	vst v63  }
0x3ea: {  	_ =	swait.ge [sflag:s18], $0x2000  }
0x3eb: {  	[sflag:s18] =	ssyncset.done $0x0  }
.Ltmp32:
0x3ec: {  	[sflag:s18] =	ssyncadd.s32 $0xFFFFE000;
	(pc) =	sbr.rel .LBB2_52-.Ltmp32, $4  }
0x3ed: {  	[spmem:s20] =	stream.linear.scatter [tilespmem:s5], [sflag:$0xD], $0x2000, $0x38;
	[tilespmem:$0x1FD80] =	vst v63  }
0x3ee: {  	_ =	swait.ge [sflag:s12], $0x2000  }
0x3ef: {  	[sflag:s12] =	ssyncset.done $0x0  }
0x3f0: {  	[sflag:s12] =	ssyncadd.s32 $0xFFFFE000  }
.LBB2_55:
0x3f1: {  	_ =	sfence.sel $0x180000  }
0x3f2: {  	[bflag:$0x0] =	sbarrier.arrive $0xFFFF  }
0x3f3: {  	_ =	strace $0x90000047  }
0x3f4: {  	s0 =	stileid.u32;
	[bflag:$0x2] =	sbarrier.arrive $0xFFFF  }
0x3f5: {  	p0 =	sne.s32 s0, $0x0;
	s0 =	rddreg [dreg:$0x7]  }
0x3f6: {  	s0 =	sadd.s32 @!p0 $0x100000, s0  }
0x3f7: {  	[sflag:s0] =	ssyncadd.tile.s32 @!p0 $0x1;
	_ =	shalt  }
.Lfunc_end2:
_tile_overlayer_lowered:
.L_overlay_start_2:
0x3f8: {  	(tag) =	ssettag $0x2  }
0x3f9: {  	s0 =	rddreg [dreg:$0x0];
	s2 =	stileid.u32  }
0x3fa: {  	s1 =	rddreg [dreg:$0x1];
	p0 =	sne.s32 s2, $0x0  }
0x3fb: {  	s3 =	rddreg [dreg:$0x2];
	[bflag:$0x3] =	sbarrier.arrive $0xFFFF;
	s2 =	simm.s32 @!p0 $0x1C0D  }
0x3fc: {  	[timem:s3], [sflag:s2] =	dma.local @!p0 [hbm:s0], s1  }
0x3fd: {  	s0 =	simm.s32 @!p0 $0xD  }
0x3fe: {  	_ =	swait.ge @!p0 [sflag:s0], s1  }
0x3ff: {  	s1 =	ssub.s32 @!p0 $0x0, s1;
	[sflag:s0] =	ssyncset.done @!p0 $0x0  }
0x400: {  	[sflag:s0] =	ssyncadd.s32 @!p0 s1  }
0x401: {  	[bflag:$0x3] =	sbarrier.arrive $0xFFFF  }
0x402: {  	_ =	shalt  }

// kernel: sparse-core-data-format-call.cloned.1.call-start
scs
called_computation_lowered:
.L_overlay_start_0:
0x0: {  	s2 =	sld [smem:$0x3FD9]  }
0x1: {  	s3 =	sld [smem:$0x3FFE];
	_ =	sdelay $0x1  }
0x2: {  	s1 =	srdreg.scid  }
0x3: {  	s0 =	sand.u32 $0x1, s1  }
0x4: {  	s15 =	sshll.u32 s0, $0xA;
	s2 =	sadd.s32 s3, s2  }
0x5: {  	s2 =	sadd.s32 s2, s15  }
0x6: {  	[smem:$0x3FC5] =	sst s2  }
0x7: {  	_ = 	snop  }
0x8: {  	s2 =	sld [smem:$0x3FD0];
	_ =	sdelay $0x2  }
0x9: {  	s16 =	simm.s32 $0xA;
	s4 =	simm.s32 $0x10  }
0xa: {  	[smem:s4], [sflag:s16] =	dma.local [hbm:s2], $0x1  }
0xb: {  	_ =	swait.eq [sflag:s16], $0x1  }
0xc: {  	[sflag:s16] =	ssyncset.done $0x0  }
0xd: {  	[sflag:s16] =	ssyncadd.s32 $0xFFFFFFFF  }
0xe: {  	s17 =	sld [smem:$0x10];
	(tm) =	ssettm $0x1  }
0xf: {  	s18 =	sld [smem:$0x3FFB];
	_ =	sdelay $0x3  }
0x10: {  	_ =	strace s18  }
0x11: {  	s3 =	sld [smem:$0x3FFC];
	_ =	sdelay $0x3  }
0x12: {  	_ =	strace s3  }
0x13: {  	s3 =	sld [smem:$0x3FFD];
	_ =	sdelay $0x3  }
0x14: {  	_ =	strace s3  }
0x15: {  	_ =	strace $0x8FFFFFFF  }
0x16: {  	s19 =	sld [smem:$0x3FDB];
	_ =	sdelay $0x1  }
0x17: {  	s20 =	simm.s32 $_scs_section_size  }
0x18: {  	s5 =	simm.s32 $_size__tile_overlayer_lowered;
	s6 =	simm.s32 $_tile_overlayer_lowered  }
0x19: {  	s23 =	simm.s32 $0x1BFF;
	s22 =	sshll.u32 s6, $0x1;
	s3 =	sadd.s32 s20, s19  }
0x1a: {  	s7 =	simm.s32 $0x0;
	s21 =	sshll.u32 s5, $0x1;
	s5 =	sadd.s32 s22, s3  }
0x1b: {  	[timem:s7], [sflag:s23] =	dma.local [hbm:s5], s21  }
0x1c: {  	_ =	swait.ge [sflag:s23], s21  }
0x1d: {  	s4 =	ssub.s32 $0x0, s21;
	[sflag:s23] =	ssyncset.done $0x0  }
0x1e: {  	[sflag:s23] =	ssyncadd.s32 s4;
	_ =	sdelay $0x1  }
0x1f: {  	s24 =	simm.s32 $0x1B8B  }
0x20: {  	_ =	swait.ge [sflag:s24], $0x1  }
0x21: {  	[sflag:s24] =	ssyncset.done $0x0  }
0x22: {  	s26 =	simm.s32 $0x1B8E;
	s25 =	sld [smem:$0x3FFE];
	[sflag:s24] =	ssyncadd.s32 $0xFFFFFFFF  }
0x23: {  	s27 =	simm.s32 $execute0_lowered;
	[smem:$0x3FD2] =	sst s26  }
0x24: {  	s5 =	sshll.u32 s27, $0x1;
	_ =	strace $0x80000049;
	[dreg:$0x1] =	wrdreg $0xFFFFFFFF  }
0x25: {  	s28 =	simm.s32 $_size_execute0_lowered;
	s3 =	sadd.s32 s3, s5;
	[dreg:$0x0] =	wrdreg $0x0  }
0x26: {  	s5 =	sshll.u32 s28, $0x1;
	[dreg:$0x2] =	wrdreg s3  }
0x27: {  	[dreg:$0x3] =	wrdreg s5  }
0x28: {  	[dreg:$0x4] =	wrdreg $0xC0  }
0x29: {  	_ =	task [dreg:s7], $0x5FFFF  }
0x2a: {  	[dreg:$0x1] =	wrdreg $0xFFFFFFFF  }
0x2b: {  	[dreg:$0x0] =	wrdreg $0x60  }
0x2c: {  	[dreg:$0x2] =	wrdreg s25  }
0x2d: {  	[dreg:$0x3] =	wrdreg s17  }
0x2e: {  	[dreg:$0x4] =	wrdreg $0x9  }
0x2f: {  	_ =	task.clear_ibuf [dreg:s7], $0x5FFFF;
	_ =	strace $0x90000049  }
0x30: {  	s29 =	simm.s32 $0x9;
	_ =	strace $0x8000004B  }
0x31: {  	_ =	swait.ge [sflag:s29], $0x1  }
0x32: {  	[sflag:s29] =	ssyncadd.s32 $0xFFFFFFFF  }
0x33: {  	_ =	strace $0x9000004B  }
0x34: {  	_ =	sfence  }
0x35: {  	s30 =	sld [smem:$0x0];
	_ =	sdelay $0x2  }
0x36: {  	s31 =	sshll.u32 s1, $0xD;
	s1 =	sshrl.u32 s1, $0x2  }
0x37: {  	s3 =	sand.u32 $0x4000, s31;
	s1 =	sadd.s32 s1, s30  }
0x38: {  	s0 =	sor.u32 s3, s0;
	s1 =	sshll.u32 s1, $0x11  }
0x39: {  	s0 =	sor.u32 s1, s0  }
0x3a: {  	s0 =	sadd.s32 $0x8F2B, s0  }
0x3b: {  	[sflag:s0] =	ssyncadd.remote.s32 $0x1  }
0x3c: {  	_ =	sfence.sel $0xFFFF  }
0x3d: {  	[dreg:$0x0] =	wrdreg $0xFFFFFFFF;
	(pc) =	sbr.abs _section_cstart, $3  }
0x3e: {  	[dreg:$0x1] =	wrdreg $0xFFFFFFFF  }
0x3f: {  	_ =	task.clear_ibuf [dreg:s7], $0x2FFFF;
	_ =	strace $0x9FFFFFFF  }
0x40: {  	(tm) =	ssettm $0x7FFFFFFF  }
0x41: {  	_ =	shalt  }
tec
execute0_lowered:
.L_overlay_start_1:
0x0: {  	(tag) =	ssettag $0x1  }
0x1: {  	s0 =	stileid.u32;
	s8 =	rddreg [dreg:$0x0]  }
0x2: {  	s1 =	srdreg.scid;
	s2 =	rddreg [dreg:$0x1];
	s5 =	simm.s32 $0x1  }
0x3: {  	s9 =	simm.s32 $0x2;
	s17 =	simm.s32 $0x0;
	s15 =	simm.s32 $0x0  }
0x4: {  	s16 =	simm.s32 $0x0;
	s3 =	sshll.u32 s0, $0x4;
	s1 =	sshll.u32 s1, $0x8  }
0x5: {  	s12 =	simm.s32 $0x0;
	s14 =	simm.s32 $0x0;
	s3 =	sor.u32 s3, s1  }
0x6: {  	s4 =	sadd.s32 $0xE00, s8;
	s8 =	sadd.s32 $0x28E00, s8;
	s3 =	sand.u32 $0x180, s3  }
0x7: {  	s1 =	rddreg [dreg:$0x2];
	_ =	strace $0x8000004A;
	s6 =	ssub.s32 $0x2800, s3  }
.Ltmp0:
0x8: {  	[sflag:s5] =	ssyncpa.u1 $0x0;
	s7 =	sand.u32 $0x180, s6;
	(pc) =	sbr.rel .LBB1_1-.Ltmp0, $4  }
0x9: {  	[sflag:s9] =	ssyncpa.u1 $0x0;
	p0 =	sne.s32 s7, $0x0;
	s7 =	simm.s32 $0x1  }
0xa: {  	s10 =	sshrl.u32 s6, $0x9;
	s6 =	sand.u32 $0x7, s0;
	s7 =	simm.s32 @!p0 $0x0  }
0xb: {  	s11 =	smov.u32 s3;
	s13 =	smov.u32 s6;
	s7 =	sadd.s32 s7, s10  }
0xc: {  	p0 =	por $0x0, $0x0;
	s10 =	simm.s32 $0x14000;
	s9 =	sadd.s32 $0x1, s7  }
.LBB1_7:
0xd: {  	s18 =	sadd.s32 $0x200, s11  }
0xe: {  	s15 =	sadd.s32 $0x2, s12;
	s19 =	smov.u32 s12;
	p2 =	sgt.s32 s18, $0x27FF  }
0xf: {  	s19 =	smov.u32 @p2 s15  }
0x10: {  	s21 =	smov.u32 s13;
	s15 =	sadd.s32 $0x8, s13;
	p3 =	sgt.s32 s19, $0x1  }
0x11: {  	s21 =	smov.u32 @p3 s15  }
0x12: {  	s18 =	smov.u32 @p2 s3;
	p2 =	sgt.s32 s21, $0x7  }
0x13: {  	p1 =	slt.u32 s14, $0x2;
	s21 =	smov.u32 @p2 s6;
	p2 =	sne.s32 s14, s9  }
.Ltmp1:
0x14: {  	s20 =	simm.s32 @!p1 $0x2;
	(pc) =	sbr.rel @!p2 .LBB1_8-.Ltmp1, $4  }
0x15: {  	s17 =	smov.u32 s11;
	s16 =	smov.u32 s13;
	_ =	swait.ge @!p1 [sflag:s20], $0x4000  }
0x16: {  	p0 =	por !p0, !p0;
	[sflag:s20] =	ssyncset.done @!p1 $0x0;
	s11 =	smov.u32 s18  }
0x17: {  	s19 =	simm.s32 @p3 $0x0;
	s15 =	smov.u32 s12;
	[sflag:s20] =	ssyncadd.s32 @!p1 $0xFFFFC000  }
0x18: {  	s12 =	smov.u32 s19;
	s14 =	sadd.s32 $0x1, s14;
	s13 =	smov.u32 s21  }
.LBB1_1:
0x19: {  	p1 =	sge.u32 s14, s7  }
0x1a: {  	s18 =	sand.u32 @!p1 $0x1FFFFFF, s11  }
0x1b: {  	s19 =	smulhi.u32 @!p1 $0xCCCCCD, s18;
	_ =	sdelay $0x1  }
0x1c: {  	s20 =	smul.u32 @!p1 $0x50000, s13;
	s19 =	sshrl.u32 @!p1 s19, $0x5  }
0x1d: {  	s19 =	smul.u32 @!p1 $0x2800, s19  }
0x1e: {  	s21 =	sxor.u32 @!p1 $0xFFFFFFFF, s14;
	s22 =	smul.u32 @!p1 $0x28000, s12  }
0x1f: {  	s23 =	simm.s32 @!p1 $0x40;
	s18 =	ssub.s32 @!p1 s18, s19;
	s19 =	sadd.s32 @!p1 s4, s20  }
0x20: {  	s21 =	sshll.u32 @!p1 s21, $0xE;
	s18 =	sshll.u32 @!p1 s18, $0x4;
	s19 =	sadd.s32 @!p1 s22, s19  }
0x21: {  	s24 =	simm.s32 @!p1 $0x80;
	s21 =	sand.u32 @!p1 $0x4000, s21;
	s19 =	sadd.s32 @!p1 s18, s19  }
0x22: {  	[tilespmem:s21], [sflag:$0x1] =	stream.strided.gather @!p1 [hbm4b:s19+s23], $0x2000, s24, s23, $0x38;
	[tilespmem:$0x10100] =	vst v63  }
0x23: {  	s19 =	sadd.s32 @!p1 s20, s8  }
0x24: {  	s19 =	sadd.s32 @!p1 s22, s19  }
0x25: {  	s31 =	sadd.s32 $0xFFFFFFFF, s14;
	s18 =	sadd.s32 @!p1 s18, s19;
	s19 =	sor.u32 @!p1 $0x2000, s21  }
0x26: {  	[tilespmem:s19], [sflag:$0x1] =	stream.strided.gather @!p1 [hbm4b:s18+s23], $0x2000, s24, s23, $0x38;
	[tilespmem:$0x10100] =	vst v63  }
0x27: {  	p1 =	sge.u32 s31, s7  }
.Ltmp2:
0x28: {  	_ = 	snop;
	(pc) =	sbr.rel @p1 .LBB1_7-.Ltmp2, $1  }
0x29: {  	_ =	sdelay $0x3  }
0x2a: {  	s18 =	simm.s32 $0x1;
	s20 =	sand.u32 $0x1, s14  }
0x2b: {  	_ =	swait.ge [sflag:s5], $0x4000;
	s18 =	simm.s32 @!p0 $0x0;
	s20 =	smul.u32 $0x10200, s20  }
0x2c: {  	p2 =	por $0x1, $0x1;
	[sflag:s5] =	ssyncset.done $0x0;
	s19 =	smul.u32 $0x10200, s18  }
0x2d: {  	s21 =	sshll.u32 s18, $0x10;
	[sflag:s5] =	ssyncadd.s32 $0xFFFFC000;
	s30 =	sshrl.u32 s20, $0x2  }
0x2e: {  	s31 =	sshrl.u32 s21, $0x2;
	s21 =	simm.s32 $0x0;
	s19 =	sshrl.u32 s19, $0x2  }
0x2f: {  	s18 =	sor.u32 $0x8000, s30;
	s20 =	sadd.s32 $0x20, s31;
	s19 =	sor.u32 $0x8000, s19  }
.LBB1_3:
0x30: {  	s22 =	sshll.u32 s21, $0xD  }
0x31: {  	s22 =	sand.u32 $0x3FFFE000, s22  }
0x32: {  	s24 =	sadd.s32 s22, s20  }
0x33: {  	s31 =	smul.u32 $0x8100, s21;
	v3 =	vld [tilespmem:s24+$0x10]  }
0x34: {  	v1 =	vld [tilespmem:s24+$0xFFFFFFF0]  }
0x35: {  	s21 =	sshra.s32 s31, $0x2;
	v0 =	vld [tilespmem:s24+$0x0]  }
0x36: {  	s21 =	sadd.s32 s21, s19;
	v2 =	vld [tilespmem:s24+$0xFFFFFFE0]  }
0x37: {  	s22 =	sadd.s32 $0x0, s21  }
0x38: {  	p1 =	por p2, p2;
	s23 =	simm.s32 $0x4;
	s24 =	sadd.s32 $0x40, s24;
	[tilespmem:s22+$0x1830 ss:$0x81] =	vst.msk $0xffff, v3  }
.LBB1_4:
0x39: {  	v3 =	vld [tilespmem:s24+$0x10];
	p2 =	sne.s32 s23, $0x1FC;
	[tilespmem:s22+$0x810 ss:$0x81] =	vst.msk $0xffff, v1;
	s25 =	smov.u32 s23;
	s23 =	sadd.s32 $0x4, s23  }
.Ltmp3:
0x3a: {  	v1 =	vld [tilespmem:s24+$0xFFFFFFF0];
	[tilespmem:s22+$0x1020 ss:$0x81] =	vst.msk $0xffff, v0;
	(pc) =	sbr.rel @p2 .LBB1_4-.Ltmp3, $4  }
0x3b: {  	v0 =	vld [tilespmem:s24+$0x0];
	[tilespmem:s22+$0x0 ss:$0x81] =	vst.msk $0xffff, v2  }
0x3c: {  	s22 =	sshra.s32 s25, $0x2;
	v2 =	vld [tilespmem:s24+$0xFFFFFFE0]  }
0x3d: {  	s22 =	sadd.s32 s22, s21  }
0x3e: {  	s24 =	sadd.s32 $0x40, s24;
	[tilespmem:s22+$0x1830 ss:$0x81] =	vst.msk $0xffff, v3  }
.Ltmp4:
0x3f: {  	(pc) =	sbr.rel @p1 .LBB1_3-.Ltmp4, $4  }
0x40: {  	_ = 	snop  }
0x41: {  	[tilespmem:s22+$0x810 ss:$0x81] =	vst.msk $0xffff, v1  }
0x42: {  	[tilespmem:s22+$0x1020 ss:$0x81] =	vst.msk $0xffff, v0  }
0x43: {  	s21 =	simm.s32 $0x1;
	p2 =	por $0x0, $0x0;
	[tilespmem:s22+$0x0 ss:$0x81] =	vst.msk $0xffff, v2  }
0x44: {  	s19 =	sshll.u32 s17, $0x3  }
0x45: {  	s30 =	sand.u32 $0x7F, s17;
	s20 =	sand.u32 $0xFFFFFC00, s19  }
0x46: {  	s19 =	smulhi.u32 $0xCCCCCCCD, s19;
	s17 =	sor.u32 s30, s20  }
0x47: {  	s20 =	smulhi.u32 $0xCCCCCCCD, s17  }
0x48: {  	s16 =	smul.u32 $0x28000, s16  }
0x49: {  	s15 =	smul.u32 $0x14000, s15;
	s19 =	sshrl.u32 s19, $0xD;
	s20 =	sshrl.u32 s20, $0xD  }
0x4a: {  	s19 =	sand.u32 $0x3F, s19;
	s20 =	smul.u32 $0x2800, s20  }
0x4b: {  	s19 =	smul.u32 $0x500, s19  }
.Ltmp5:
0x4c: {  	s16 =	sadd.s32 s2, s16;
	s17 =	ssub.s32 s17, s20;
	(pc) =	sbr.rel .LBB1_7-.Ltmp5, $4  }
0x4d: {  	s15 =	sadd.s32 s15, s16;
	s31 =	sand.u32 $0x7, s17  }
0x4e: {  	s15 =	sadd.s32 s19, s15;
	s17 =	sshrl.u32 s17, $0x3;
	s16 =	sshll.u32 s31, $0x12  }
0x4f: {  	s15 =	sadd.s32 s17, s15;
	s16 =	sor.u32 $0x400, s16  }
0x50: {  	[hbm4b:s15+s16] =	stream.strided.scatter [tilespmem:s18], [sflag:$0x2], $0x4000, s10, s16, $0x20;
	[tilespmem:$0x10100] =	vst v63  }
.LBB1_8:
0x51: {  	_ =	sfence.sel $0x180000  }
0x52: {  	s2 =	simm.s32 $0x1;
	[bflag:$0x0] =	sbarrier.arrive $0xFFFF  }
0x53: {  	s31 =	simm.s32 $0x2;
	[sflag:s2] =	ssyncpa.u1 $0x1  }
0x54: {  	[sflag:s31] =	ssyncpa.u1 $0x1  }
0x55: {  	p0 =	sne.s32 s0, $0x0;
	_ =	strace $0x9000004A  }
0x56: {  	s0 =	sadd.s32 @!p0 $0x100000, s1;
	[bflag:$0x2] =	sbarrier.arrive $0xFFFF  }
0x57: {  	[sflag:s0] =	ssyncadd.tile.s32 @!p0 $0x1;
	_ =	shalt  }
.Lfunc_end1:
_tile_overlayer_lowered:
.L_overlay_start_2:
0x58: {  	(tag) =	ssettag $0x2  }
0x59: {  	s0 =	rddreg [dreg:$0x0];
	s2 =	stileid.u32  }
0x5a: {  	s1 =	rddreg [dreg:$0x1];
	p0 =	sne.s32 s2, $0x0  }
0x5b: {  	s3 =	rddreg [dreg:$0x2];
	[bflag:$0x3] =	sbarrier.arrive $0xFFFF;
	s2 =	simm.s32 @!p0 $0x1C01  }
0x5c: {  	[timem:s3], [sflag:s2] =	dma.local @!p0 [hbm:s0], s1  }
0x5d: {  	s0 =	simm.s32 @!p0 $0x1  }
0x5e: {  	_ =	swait.ge @!p0 [sflag:s0], s1  }
0x5f: {  	s1 =	ssub.s32 @!p0 $0x0, s1;
	[sflag:s0] =	ssyncset.done @!p0 $0x0  }
0x60: {  	[sflag:s0] =	ssyncadd.s32 @!p0 s1  }
0x61: {  	[bflag:$0x3] =	sbarrier.arrive $0xFFFF  }
0x62: {  	_ =	shalt  }

</sc_bundles>
